<compile_context>
chip_gen: v7x
topology: tpu7x:2x2x1
jax: 0.10.2.dev20260603
libtpu: 0.0.44.dev20260713+nightly
codegen_flags: <defaults>
</compile_context>

<pallas_src>
import numpy as np
import functools

import jax
import jax.numpy as jnp
from jax import lax
from jax.experimental import pallas as pl
from jax.experimental.pallas import tpu as pltpu
from jax.experimental.pallas import tpu_sc as plsc

EPS = 0.01
W = 256
N = W * W
R, C = 512, 128
BS = 64

_INT_MIN = np.int32(-2147483648)


def _grid_xy_np():
    xs, ys = np.meshgrid(np.linspace(-1.0, 1.0, W), np.linspace(1.0, -1.0, W))
    xg = np.asarray(xs, np.float32).reshape(R, C)
    yg = np.asarray(ys, np.float32).reshape(R, C)
    return xg, yg


def _proj_body(xg_ref, yg_ref, d_ref, kinv_ref, rt_ref, k_ref,
               zneg_ref, skey_ref, pix_ref, mbit_ref):
    d = d_ref[0]
    x = xg_ref[...] * d
    y = yg_ref[...] * d
    zc = -d
    ones = jnp.ones_like(d)
    xys = jnp.concatenate([x, y, zc, ones], axis=0)

    t1 = jnp.dot(kinv_ref[0], xys, preferred_element_type=jnp.float32)
    t2 = jnp.dot(rt_ref[0], t1, preferred_element_type=jnp.float32)
    t3 = jnp.dot(k_ref[0], t2, preferred_element_type=jnp.float32)
    px = t3[0:1]
    py = t3[1:2]
    z = t3[2:3]
    zneg_ref[0] = -z

    maskz = jnp.abs(z) < EPS
    nz = -z
    sx = jnp.where(maskz, -10.0, px / nz)
    sy = jnp.where(maskz, -10.0, py / nz) * (-1.0)
    tx = (sx + 1.0) * 128.0
    ty = (sy + 1.0) * 128.0
    oob = (tx < 0.0) | (tx > 255.0) | (ty < 0.0) | (ty > 255.0)
    mbit_ref[0] = oob.astype(jnp.int32)
    xs_i = jnp.clip(tx.astype(jnp.int32), 0, 255)
    ys_i = jnp.clip(ty.astype(jnp.int32), 0, 255)
    pix_ref[0] = ys_i * 256 + xs_i

    ib = lax.bitcast_convert_type(nz, jnp.int32)
    skey_ref[0] = jnp.where(ib < 0, jnp.bitwise_xor(~ib, _INT_MIN), ib)


def _project(depth, K, K_inv, RT):
    xg, yg = _grid_xy_np()
    d = depth.reshape(BS, 1, N)
    zneg, skey, pix, mbit = pl.pallas_call(
        _proj_body,
        grid=(BS,),
        in_specs=[
            pl.BlockSpec((1, N), lambda b: (0, 0)),
            pl.BlockSpec((1, N), lambda b: (0, 0)),
            pl.BlockSpec((1, 1, N), lambda b: (b, 0, 0)),
            pl.BlockSpec((1, 4, 4), lambda b: (b, 0, 0)),
            pl.BlockSpec((1, 4, 4), lambda b: (b, 0, 0)),
            pl.BlockSpec((1, 4, 4), lambda b: (b, 0, 0)),
        ],
        out_specs=[pl.BlockSpec((1, 1, N), lambda b: (b, 0, 0))] * 4,
        out_shape=[
            jax.ShapeDtypeStruct((BS, 1, N), jnp.float32),
            jax.ShapeDtypeStruct((BS, 1, N), jnp.int32),
            jax.ShapeDtypeStruct((BS, 1, N), jnp.int32),
            jax.ShapeDtypeStruct((BS, 1, N), jnp.int32),
        ],
    )(jnp.asarray(xg).reshape(1, N), jnp.asarray(yg).reshape(1, N), d,
      K_inv, RT, K)
    return zneg, skey, pix, mbit


def _exch(x, d):
    if 8 <= d < R:
        x2 = x.reshape(R // (2 * d), 2, d, C)
        return jnp.concatenate([x2[:, 1:2], x2[:, 0:1]], axis=1).reshape(R, C)
    if d < R:
        up = pltpu.roll(x, R - d, 0)
        dn = pltpu.roll(x, d, 0)
        bit = (lax.broadcasted_iota(jnp.int32, (R, C), 0) & d) != 0
    else:
        dl = d // R
        up = pltpu.roll(x, C - dl, 1)
        dn = pltpu.roll(x, dl, 1)
        bit = (lax.broadcasted_iota(jnp.int32, (R, C), 1) & dl) != 0
    return jnp.where(bit, dn, up)


def _sort_body(skey_ref, pix_ref, mbit_ref, pixs_ref, w_ref):
    i0 = lax.broadcasted_iota(jnp.int32, (R, C), 0)
    i1 = lax.broadcasted_iota(jnp.int32, (R, C), 1)
    iota_i = i0 * C + i1
    iota_e = i1 * R + i0
    key = skey_ref[0]
    pay = jnp.bitwise_or(jnp.left_shift(pix_ref[0], 16), iota_i)

    for k in range(1, 17):
        asc = ((iota_e >> k) & 1) == 0
        for d in [1 << s for s in range(k - 1, -1, -1)]:
            pkey = _exch(key, d)
            ppay = _exch(pay, d)
            idx_m = pay & 0xFFFF
            idx_p = ppay & 0xFFFF
            gt = (key > pkey) | ((key == pkey) & (idx_m > idx_p))
            if d < R:
                bitd = (i0 & d) != 0
            else:
                bitd = (i1 & (d // R)) != 0
            take = jnp.logical_xor(gt, bitd == asc)
            key = jnp.where(take, pkey, key)
            pay = jnp.where(take, ppay, pay)

    pixs = jnp.bitwise_and(lax.shift_right_logical(pay, 16), 0xFFFF)
    rmod = i0 % 16
    dup_later = jnp.zeros((R, C), dtype=jnp.bool_)
    for o in range(1, 16):
        eq = pixs == pltpu.roll(pixs, R - o, 0)
        dup_later = dup_later | (eq & (rmod < 16 - o))
    valid = jnp.logical_not(dup_later).astype(jnp.int32)
    mbit_e = mbit_ref[0].T
    w = jnp.bitwise_or(
        jnp.bitwise_or(jnp.left_shift(pay & 0xFFFF, 1), mbit_e),
        jnp.left_shift(valid, 17))
    pixs_ref[0] = pixs.T
    w_ref[0] = w.T


def _sort(skey, pix, mbit):
    pixs, w = pl.pallas_call(
        _sort_body,
        grid=(BS,),
        in_specs=[
            pl.BlockSpec((1, R, C), lambda b: (b, 0, 0)),
            pl.BlockSpec((1, R, C), lambda b: (b, 0, 0)),
            pl.BlockSpec((1, C, R), lambda b: (b, 0, 0)),
        ],
        out_specs=[pl.BlockSpec((1, C, R), lambda b: (b, 0, 0))] * 2,
        out_shape=[
            jax.ShapeDtypeStruct((BS, C, R), jnp.int32),
            jax.ShapeDtypeStruct((BS, C, R), jnp.int32),
        ],
    )(skey.reshape(BS, R, C), pix.reshape(BS, R, C), mbit.reshape(BS, C, R))
    return pixs.reshape(BS, N), w.reshape(BS, N)


_NC = 2
_NS = 16
_NW = _NC * _NS
_IMGS_PER_W = BS // _NW
_CH = 2048


def _scatter_tec_body(pixs_hbm, w_hbm, out_hbm, buf_v, pix_v, w_v):
    wid = lax.axis_index("s") * _NC + lax.axis_index("c")

    for li in range(_IMGS_PER_W):
        img = wid * _IMGS_PER_W + li
        base = img * N

        def init_body(i, carry):
            buf_v[pl.ds(i * 16, 16)] = jnp.full((16,), -1, jnp.int32)
            return carry

        lax.fori_loop(0, N // 16, init_body, 0)

        def chunk_body(c, carry):
            pltpu.sync_copy(pixs_hbm.at[pl.ds(base + c * _CH, _CH)], pix_v)
            pltpu.sync_copy(w_hbm.at[pl.ds(base + c * _CH, _CH)], w_v)

            def group_body(g, carry2):
                pixg = pix_v[pl.ds(g * 16, 16)]
                wg = w_v[pl.ds(g * 16, 16)]
                ok = jnp.bitwise_and(lax.shift_right_logical(wg, 17), 1) == 1
                plsc.store_scatter(buf_v, [pixg], wg, mask=ok)
                return carry2

            lax.fori_loop(0, _CH // 16, group_body, 0)
            return carry

        lax.fori_loop(0, N // _CH, chunk_body, 0)
        pltpu.sync_copy(buf_v, out_hbm.at[pl.ds(base, N)])


def _sc_scatter(pixs, wv):
    mesh = plsc.VectorSubcoreMesh(core_axis_name="c", subcore_axis_name="s")
    f = functools.partial(
        pl.kernel,
        mesh=mesh,
        compiler_params=pltpu.CompilerParams(needs_layout_passes=False),
        out_type=jax.ShapeDtypeStruct((BS * N,), jnp.int32),
        scratch_types=[
            pltpu.VMEM((N,), jnp.int32),
            pltpu.VMEM((_CH,), jnp.int32),
            pltpu.VMEM((_CH,), jnp.int32),
        ],
    )(_scatter_tec_body)
    return f(pixs.reshape(BS * N), wv.reshape(BS * N)).reshape(BS, N)


def kernel(depth, K, K_inv, RTinv_cam1, RT_cam2):
    RT = jnp.matmul(RT_cam2, RTinv_cam1)
    zneg, skey, pix, mbit = _project(depth, K, K_inv, RT)

    pixs, wv = _sort(skey, pix, mbit)
    winner = _sc_scatter(pixs, wv)

    valid = winner >= 0
    i = lax.shift_right_logical(winner, 1) & 0xFFFF
    mb = (winner & 1).astype(jnp.float32) * 4.0
    xg, yg = _grid_xy_np()
    g0 = jnp.take(jnp.asarray(xg).reshape(N), i)
    g1 = jnp.take(jnp.asarray(yg).reshape(N), i)
    v0 = jnp.where(valid, g0 + mb, -2.0)
    v1 = jnp.where(valid, -g1 + mb, -2.0)
    bil = jnp.stack([v0, v1], axis=1).reshape(BS, 2, W, W)
    return bil, zneg.reshape(BS, 1, W, W)

# --- scband reference (transcript-rebuilt; emitter-appended) ---
"""Pipeline reference for scband-depth-manipulator-62277025792073 (READ-ONLY COPY).

The authoritative reference and input builder live on the scoring server;
editing this copy changes nothing except your own understanding.
"""

import jax, jax.numpy as jnp
import numpy as np

EPS = 0.01
W = 256
BS = 64

def _make_grid(w):
    xs, ys = np.meshgrid(np.linspace(-1.0, 1.0, w), np.linspace(1.0, -1.0, w))
    xs = xs.reshape(1, w, w)
    ys = ys.reshape(1, w, w)
    xys = np.vstack((xs, ys, -np.ones(xs.shape), np.ones(xs.shape)))
    return jnp.asarray(xys, dtype=jnp.float32)[None]

def setup_inputs(seed: int = 0):
    key = jax.random.key(seed)
    ks = jax.random.split(key, 5)
    depth = jax.random.uniform(ks[0], (BS, 1, W, W), dtype=jnp.float32)
    K = jax.random.normal(ks[1], (BS, 4, 4), dtype=jnp.float32)
    K_inv = jax.random.normal(ks[2], (BS, 4, 4), dtype=jnp.float32)
    RTinv_cam1 = jax.random.normal(ks[3], (BS, 4, 4), dtype=jnp.float32)
    RT_cam2 = jax.random.normal(ks[4], (BS, 4, 4), dtype=jnp.float32)
    return {"depth": depth, "K": K, "K_inv": K_inv, "RTinv_cam1": RTinv_cam1, "RT_cam2": RT_cam2}

def _forward(depth, K, K_inv, RTinv_cam1, RT_cam2):
    bs, _, w, h = depth.shape
    grid = _make_grid(w)
    orig_xys = jnp.broadcast_to(grid, (bs, 4, w, h))
    xys = orig_xys * depth
    xys = xys.at[:, -1, :, :].set(1.0)
    xys = xys.reshape(bs, 4, -1)
    cam1_X = jnp.matmul(K_inv, xys)
    RT = jnp.matmul(RT_cam2, RTinv_cam1)
    wrld_X = jnp.matmul(RT, cam1_X)
    xy_proj = jnp.matmul(K, wrld_X)
    z = xy_proj[:, 2:3, :]
    maskz = jnp.abs(z) < EPS
    sampler = xy_proj[:, 0:2, :] / (-z)
    sampler = jnp.where(jnp.repeat(maskz, 2, axis=1), -10.0, sampler)
    sampler = sampler * jnp.array([1.0, -1.0], dtype=sampler.dtype)[None, :, None]

    def _splat(sampler, z, orig_xys):
        tsampler = (sampler + 1.0) * 128.0
        tsampler = tsampler.reshape(bs, 2, -1)
        order = jnp.argsort(-z[:, 0, :], axis=1)
        xs_i = jnp.take_along_axis(tsampler[:, 0, :], order, axis=1).astype(jnp.int32)
        ys_i = jnp.take_along_axis(tsampler[:, 1, :], order, axis=1).astype(jnp.int32)
        m = ((tsampler < 0) | (tsampler > 255)).astype(jnp.float32).max(axis=1) * 4.0
        xs_i = jnp.clip(xs_i, 0, 255)
        ys_i = jnp.clip(ys_i, 0, 255)
        ox = orig_xys[:, :2, :, :].reshape(bs, 2, -1)
        g0 = jnp.take_along_axis(ox[:, 0, :], order, axis=1)
        g1 = jnp.take_along_axis(ox[:, 1, :], order, axis=1)
        b_idx = jnp.broadcast_to(jnp.arange(bs)[:, None], xs_i.shape)
        bil = jnp.full((bs, 2, w, h), -2.0, dtype=jnp.float32)
        bil = bil.at[b_idx, 0, ys_i, xs_i].set(g0 + m)
        bil = bil.at[b_idx, 1, ys_i, xs_i].set(-g1 + m)
        return bil

    bil = jax.lax.stop_gradient(_splat(sampler, z, orig_xys))
    return bil, -z.reshape(bs, 1, w, h)

def reference(depth, K, K_inv, RTinv_cam1, RT_cam2):
    return _forward(depth, K, K_inv, RTinv_cam1, RT_cam2)

if __name__ == "__main__":
    import jax
    _d = setup_inputs()
    print(jax.jit(kernel)(*tuple(_d.values())))

</pallas_src>

<mosaic_0001>
#map = affine_map<(d0, d1) -> (0)>
module attributes {stable_mosaic.version = 14 : i64} {
  func.func @_scatter_tec_body(%arg0: i32, %arg1: i32, %arg2: memref<4194304xi32, #tpu.memory_space<hbm>>, %arg3: memref<4194304xi32, #tpu.memory_space<hbm>>, %arg4: memref<4194304xi32, #tpu.memory_space<hbm>>, %arg5: memref<65536xi32, #tpu.memory_space<vmem>>, %arg6: memref<2048xi32, #tpu.memory_space<vmem>>, %arg7: memref<2048xi32, #tpu.memory_space<vmem>>) attributes {dimension_semantics = [#tpu.dimension_semantics<core_parallel>, #tpu.dimension_semantics<subcore_parallel>], iteration_bounds = array<i64: 2, 16>, scalar_prefetch = 0 : i64, scratch_operands = 3 : i64, tpu.core_type = #tpu.core_type<sc_vector_subcore>, window_params = [{transform_indices = #map}, {transform_indices = #map}, {transform_indices = #map}]} {
    %mul3A = arith.constant 2 : i32
    %mul3A_0 = arith.muli %arg1, %mul3A : i32
    %add3A = arith.addi %mul3A_0, %arg0 : i32
    %mul3A_1 = arith.constant 2 : i32
    %mul3A_2 = arith.muli %add3A, %mul3A_1 : i32
    %add3A_3 = arith.constant 0 : i32
    %add3A_4 = arith.addi %mul3A_2, %add3A_3 : i32
    %mul3A_5 = arith.constant 65536 : i32
    %mul3A_6 = arith.muli %add3A_4, %mul3A_5 : i32
    %scan3A = arith.constant 0 : i32
    %scan3A_7 = arith.constant 0 : i32
    %scan3A_8 = arith.constant 4096 : i32
    %scan3A_9 = arith.addi %scan3A_7, %scan3A_8 : i32
    %scan3A_10 = arith.constant 1 : i32
    scf.for %scan3A_36 = %scan3A_7 to %scan3A_9 step %scan3A_10  : i32 {
      %broadcast_in_dim3A = arith.constant -1 : i32
      %broadcast_in_dim3A_37 = vector.broadcast %broadcast_in_dim3A : i32 to vector<16xi32>
      %mul3A_38 = arith.constant 16 : i32
      %mul3A_39 = arith.muli %scan3A_36, %mul3A_38 : i32
      %swap3A = arith.index_cast %mul3A_39 : i32 to index
      %swap3A_40 = tpu.vector_load %arg5[%swap3A] {strides = array<i32>} : memref<65536xi32, #tpu.memory_space<vmem>>, vector<16xi32>,
      tpu.vector_store %arg5[%swap3A], %broadcast_in_dim3A_37 {strides = array<i32>} : memref<65536xi32, #tpu.memory_space<vmem>>, vector<16xi32>,
    }
    %scan3A_11 = arith.constant 4096 : i32
    %scan3A_12 = arith.constant 0 : i32
    %scan3A_13 = arith.constant 0 : i32
    %scan3A_14 = arith.constant 32 : i32
    %scan3A_15 = arith.addi %scan3A_13, %scan3A_14 : i32
    %scan3A_16 = arith.constant 1 : i32
    scf.for %scan3A_36 = %scan3A_13 to %scan3A_15 step %scan3A_16  : i32 {
      %mul3A_37 = arith.constant 2048 : i32
      %mul3A_38 = arith.muli %scan3A_36, %mul3A_37 : i32
      %add3A_39 = arith.addi %mul3A_6, %mul3A_38 : i32
      "tpu.region"() ({
        %run_scoped3A = tpu.sem_alloc : memref<!tpu.dma_semaphore, #tpu.memory_space<semaphore_mem>>
        %dma_start3A = tpu.memref_slice %arg2[%add3A_39] : memref<4194304xi32, #tpu.memory_space<hbm>> -> memref<2048xi32, #tpu.memory_space<hbm>>
        %dma_start3A_49 = tpu.memref_slice %arg2[%add3A_39] : memref<4194304xi32, #tpu.memory_space<hbm>> -> memref<2048xi32, #tpu.memory_space<hbm>>
        tpu.enqueue_dma source(%dma_start3A_49 : memref<2048xi32, #tpu.memory_space<hbm>>) target(%arg6 : memref<2048xi32, #tpu.memory_space<vmem>>) target_semaphore(%run_scoped3A : memref<!tpu.dma_semaphore, #tpu.memory_space<semaphore_mem>>)
        %dma_wait3A = tpu.memref_slice %arg2[%add3A_39] : memref<4194304xi32, #tpu.memory_space<hbm>> -> memref<2048xi32, #tpu.memory_space<hbm>>
        %dma_wait3A_50 = tpu.memref_slice %arg2[%add3A_39] : memref<4194304xi32, #tpu.memory_space<hbm>> -> memref<2048xi32, #tpu.memory_space<hbm>>
        tpu.wait_dma2 semaphore(%run_scoped3A : memref<!tpu.dma_semaphore, #tpu.memory_space<semaphore_mem>>) src(%dma_wait3A_50 : memref<2048xi32, #tpu.memory_space<hbm>>) dst(%arg6 : memref<2048xi32, #tpu.memory_space<vmem>>)
        tpu.yield
      }) : () -> ()
      %mul3A_40 = arith.constant 2048 : i32
      %mul3A_41 = arith.muli %scan3A_36, %mul3A_40 : i32
      %add3A_42 = arith.addi %mul3A_6, %mul3A_41 : i32
      "tpu.region"() ({
        %run_scoped3A = tpu.sem_alloc : memref<!tpu.dma_semaphore, #tpu.memory_space<semaphore_mem>>
        %dma_start3A = tpu.memref_slice %arg3[%add3A_42] : memref<4194304xi32, #tpu.memory_space<hbm>> -> memref<2048xi32, #tpu.memory_space<hbm>>
        %dma_start3A_49 = tpu.memref_slice %arg3[%add3A_42] : memref<4194304xi32, #tpu.memory_space<hbm>> -> memref<2048xi32, #tpu.memory_space<hbm>>
        tpu.enqueue_dma source(%dma_start3A_49 : memref<2048xi32, #tpu.memory_space<hbm>>) target(%arg7 : memref<2048xi32, #tpu.memory_space<vmem>>) target_semaphore(%run_scoped3A : memref<!tpu.dma_semaphore, #tpu.memory_space<semaphore_mem>>)
        %dma_wait3A = tpu.memref_slice %arg3[%add3A_42] : memref<4194304xi32, #tpu.memory_space<hbm>> -> memref<2048xi32, #tpu.memory_space<hbm>>
        %dma_wait3A_50 = tpu.memref_slice %arg3[%add3A_42] : memref<4194304xi32, #tpu.memory_space<hbm>> -> memref<2048xi32, #tpu.memory_space<hbm>>
        tpu.wait_dma2 semaphore(%run_scoped3A : memref<!tpu.dma_semaphore, #tpu.memory_space<semaphore_mem>>) src(%dma_wait3A_50 : memref<2048xi32, #tpu.memory_space<hbm>>) dst(%arg7 : memref<2048xi32, #tpu.memory_space<vmem>>)
        tpu.yield
      }) : () -> ()
      %scan3A_43 = arith.constant 0 : i32
      %scan3A_44 = arith.constant 0 : i32
      %scan3A_45 = arith.constant 128 : i32
      %scan3A_46 = arith.addi %scan3A_44, %scan3A_45 : i32
      %scan3A_47 = arith.constant 1 : i32
      scf.for %scan3A_49 = %scan3A_44 to %scan3A_46 step %scan3A_47  : i32 {
        %mul3A_50 = arith.constant 16 : i32
        %mul3A_51 = arith.muli %scan3A_49, %mul3A_50 : i32
        %get3A = arith.index_cast %mul3A_51 : i32 to index
        %get3A_52 = tpu.vector_load %arg6[%get3A] {strides = array<i32>} : memref<2048xi32, #tpu.memory_space<vmem>>, vector<16xi32>,
        %mul3A_53 = arith.constant 16 : i32
        %mul3A_54 = arith.muli %scan3A_49, %mul3A_53 : i32
        %get3A_55 = arith.index_cast %mul3A_54 : i32 to index
        %get3A_56 = tpu.vector_load %arg7[%get3A_55] {strides = array<i32>} : memref<2048xi32, #tpu.memory_space<vmem>>, vector<16xi32>,
        %shift_right_logical3A = arith.constant 17 : i32
        %shift_right_logical3A_57 = vector.broadcast %shift_right_logical3A : i32 to vector<16xi32>
        %shift_right_logical3A_58 = arith.shrui %get3A_56, %shift_right_logical3A_57 : vector<16xi32>
        %and3A = arith.constant 1 : i32
        %and3A_59 = vector.broadcast %and3A : i32 to vector<16xi32>
        %and3A_60 = arith.andi %shift_right_logical3A_58, %and3A_59 : vector<16xi32>
        %eq3A = arith.constant 1 : i32
        %eq3A_61 = vector.broadcast %eq3A : i32 to vector<16xi32>
        %eq3A_62 = arith.cmpi eq, %and3A_60, %eq3A_61 : vector<16xi32>
        tpu.vector_store_idx %arg5[%get3A_52], %get3A_56 masked %eq3A_62 : memref<65536xi32, #tpu.memory_space<vmem>>[vector<16xi32>], vector<16xi32>, vector<16xi1>
      }
      %scan3A_48 = arith.constant 128 : i32
    }
    %scan3A_17 = arith.constant 32 : i32
    "tpu.region"() ({
      %run_scoped3A = tpu.sem_alloc : memref<!tpu.dma_semaphore, #tpu.memory_space<semaphore_mem>>
      %dma_start3A = tpu.memref_slice %arg4[%mul3A_6] : memref<4194304xi32, #tpu.memory_space<hbm>> -> memref<65536xi32, #tpu.memory_space<hbm>>
      %dma_start3A_36 = tpu.memref_slice %arg4[%mul3A_6] : memref<4194304xi32, #tpu.memory_space<hbm>> -> memref<65536xi32, #tpu.memory_space<hbm>>
      tpu.enqueue_dma source(%arg5 : memref<65536xi32, #tpu.memory_space<vmem>>) target(%dma_start3A_36 : memref<65536xi32, #tpu.memory_space<hbm>>) target_semaphore(%run_scoped3A : memref<!tpu.dma_semaphore, #tpu.memory_space<semaphore_mem>>)
      %dma_wait3A = tpu.memref_slice %arg4[%mul3A_6] : memref<4194304xi32, #tpu.memory_space<hbm>> -> memref<65536xi32, #tpu.memory_space<hbm>>
      %dma_wait3A_37 = tpu.memref_slice %arg4[%mul3A_6] : memref<4194304xi32, #tpu.memory_space<hbm>> -> memref<65536xi32, #tpu.memory_space<hbm>>
      tpu.wait_dma2 semaphore(%run_scoped3A : memref<!tpu.dma_semaphore, #tpu.memory_space<semaphore_mem>>) src(%arg5 : memref<65536xi32, #tpu.memory_space<vmem>>) dst(%dma_wait3A_37 : memref<65536xi32, #tpu.memory_space<hbm>>)
      tpu.yield
    }) : () -> ()
    %mul3A_18 = arith.constant 2 : i32
    %mul3A_19 = arith.muli %add3A, %mul3A_18 : i32
    %add3A_20 = arith.constant 1 : i32
    %add3A_21 = arith.addi %mul3A_19, %add3A_20 : i32
    %mul3A_22 = arith.constant 65536 : i32
    %mul3A_23 = arith.muli %add3A_21, %mul3A_22 : i32
    %scan3A_24 = arith.constant 0 : i32
    %scan3A_25 = arith.constant 0 : i32
    %scan3A_26 = arith.constant 4096 : i32
    %scan3A_27 = arith.addi %scan3A_25, %scan3A_26 : i32
    %scan3A_28 = arith.constant 1 : i32
    scf.for %scan3A_36 = %scan3A_25 to %scan3A_27 step %scan3A_28  : i32 {
      %broadcast_in_dim3A = arith.constant -1 : i32
      %broadcast_in_dim3A_37 = vector.broadcast %broadcast_in_dim3A : i32 to vector<16xi32>
      %mul3A_38 = arith.constant 16 : i32
      %mul3A_39 = arith.muli %scan3A_36, %mul3A_38 : i32
      %swap3A = arith.index_cast %mul3A_39 : i32 to index
      %swap3A_40 = tpu.vector_load %arg5[%swap3A] {strides = array<i32>} : memref<65536xi32, #tpu.memory_space<vmem>>, vector<16xi32>,
      tpu.vector_store %arg5[%swap3A], %broadcast_in_dim3A_37 {strides = array<i32>} : memref<65536xi32, #tpu.memory_space<vmem>>, vector<16xi32>,
    }
    %scan3A_29 = arith.constant 4096 : i32
    %scan3A_30 = arith.constant 0 : i32
    %scan3A_31 = arith.constant 0 : i32
    %scan3A_32 = arith.constant 32 : i32
    %scan3A_33 = arith.addi %scan3A_31, %scan3A_32 : i32
    %scan3A_34 = arith.constant 1 : i32
    scf.for %scan3A_36 = %scan3A_31 to %scan3A_33 step %scan3A_34  : i32 {
      %mul3A_37 = arith.constant 2048 : i32
      %mul3A_38 = arith.muli %scan3A_36, %mul3A_37 : i32
      %add3A_39 = arith.addi %mul3A_23, %mul3A_38 : i32
      "tpu.region"() ({
        %run_scoped3A = tpu.sem_alloc : memref<!tpu.dma_semaphore, #tpu.memory_space<semaphore_mem>>
        %dma_start3A = tpu.memref_slice %arg2[%add3A_39] : memref<4194304xi32, #tpu.memory_space<hbm>> -> memref<2048xi32, #tpu.memory_space<hbm>>
        %dma_start3A_49 = tpu.memref_slice %arg2[%add3A_39] : memref<4194304xi32, #tpu.memory_space<hbm>> -> memref<2048xi32, #tpu.memory_space<hbm>>
        tpu.enqueue_dma source(%dma_start3A_49 : memref<2048xi32, #tpu.memory_space<hbm>>) target(%arg6 : memref<2048xi32, #tpu.memory_space<vmem>>) target_semaphore(%run_scoped3A : memref<!tpu.dma_semaphore, #tpu.memory_space<semaphore_mem>>)
        %dma_wait3A = tpu.memref_slice %arg2[%add3A_39] : memref<4194304xi32, #tpu.memory_space<hbm>> -> memref<2048xi32, #tpu.memory_space<hbm>>
        %dma_wait3A_50 = tpu.memref_slice %arg2[%add3A_39] : memref<4194304xi32, #tpu.memory_space<hbm>> -> memref<2048xi32, #tpu.memory_space<hbm>>
        tpu.wait_dma2 semaphore(%run_scoped3A : memref<!tpu.dma_semaphore, #tpu.memory_space<semaphore_mem>>) src(%dma_wait3A_50 : memref<2048xi32, #tpu.memory_space<hbm>>) dst(%arg6 : memref<2048xi32, #tpu.memory_space<vmem>>)
        tpu.yield
      }) : () -> ()
      %mul3A_40 = arith.constant 2048 : i32
      %mul3A_41 = arith.muli %scan3A_36, %mul3A_40 : i32
      %add3A_42 = arith.addi %mul3A_23, %mul3A_41 : i32
      "tpu.region"() ({
        %run_scoped3A = tpu.sem_alloc : memref<!tpu.dma_semaphore, #tpu.memory_space<semaphore_mem>>
        %dma_start3A = tpu.memref_slice %arg3[%add3A_42] : memref<4194304xi32, #tpu.memory_space<hbm>> -> memref<2048xi32, #tpu.memory_space<hbm>>
        %dma_start3A_49 = tpu.memref_slice %arg3[%add3A_42] : memref<4194304xi32, #tpu.memory_space<hbm>> -> memref<2048xi32, #tpu.memory_space<hbm>>
        tpu.enqueue_dma source(%dma_start3A_49 : memref<2048xi32, #tpu.memory_space<hbm>>) target(%arg7 : memref<2048xi32, #tpu.memory_space<vmem>>) target_semaphore(%run_scoped3A : memref<!tpu.dma_semaphore, #tpu.memory_space<semaphore_mem>>)
        %dma_wait3A = tpu.memref_slice %arg3[%add3A_42] : memref<4194304xi32, #tpu.memory_space<hbm>> -> memref<2048xi32, #tpu.memory_space<hbm>>
        %dma_wait3A_50 = tpu.memref_slice %arg3[%add3A_42] : memref<4194304xi32, #tpu.memory_space<hbm>> -> memref<2048xi32, #tpu.memory_space<hbm>>
        tpu.wait_dma2 semaphore(%run_scoped3A : memref<!tpu.dma_semaphore, #tpu.memory_space<semaphore_mem>>) src(%dma_wait3A_50 : memref<2048xi32, #tpu.memory_space<hbm>>) dst(%arg7 : memref<2048xi32, #tpu.memory_space<vmem>>)
        tpu.yield
      }) : () -> ()
      %scan3A_43 = arith.constant 0 : i32
      %scan3A_44 = arith.constant 0 : i32
      %scan3A_45 = arith.constant 128 : i32
      %scan3A_46 = arith.addi %scan3A_44, %scan3A_45 : i32
      %scan3A_47 = arith.constant 1 : i32
      scf.for %scan3A_49 = %scan3A_44 to %scan3A_46 step %scan3A_47  : i32 {
        %mul3A_50 = arith.constant 16 : i32
        %mul3A_51 = arith.muli %scan3A_49, %mul3A_50 : i32
        %get3A = arith.index_cast %mul3A_51 : i32 to index
        %get3A_52 = tpu.vector_load %arg6[%get3A] {strides = array<i32>} : memref<2048xi32, #tpu.memory_space<vmem>>, vector<16xi32>,
        %mul3A_53 = arith.constant 16 : i32
        %mul3A_54 = arith.muli %scan3A_49, %mul3A_53 : i32
        %get3A_55 = arith.index_cast %mul3A_54 : i32 to index
        %get3A_56 = tpu.vector_load %arg7[%get3A_55] {strides = array<i32>} : memref<2048xi32, #tpu.memory_space<vmem>>, vector<16xi32>,
        %shift_right_logical3A = arith.constant 17 : i32
        %shift_right_logical3A_57 = vector.broadcast %shift_right_logical3A : i32 to vector<16xi32>
        %shift_right_logical3A_58 = arith.shrui %get3A_56, %shift_right_logical3A_57 : vector<16xi32>
        %and3A = arith.constant 1 : i32
        %and3A_59 = vector.broadcast %and3A : i32 to vector<16xi32>
        %and3A_60 = arith.andi %shift_right_logical3A_58, %and3A_59 : vector<16xi32>
        %eq3A = arith.constant 1 : i32
        %eq3A_61 = vector.broadcast %eq3A : i32 to vector<16xi32>
        %eq3A_62 = arith.cmpi eq, %and3A_60, %eq3A_61 : vector<16xi32>
        tpu.vector_store_idx %arg5[%get3A_52], %get3A_56 masked %eq3A_62 : memref<65536xi32, #tpu.memory_space<vmem>>[vector<16xi32>], vector<16xi32>, vector<16xi1>
      }
      %scan3A_48 = arith.constant 128 : i32
    }
    %scan3A_35 = arith.constant 32 : i32
    "tpu.region"() ({
      %run_scoped3A = tpu.sem_alloc : memref<!tpu.dma_semaphore, #tpu.memory_space<semaphore_mem>>
      %dma_start3A = tpu.memref_slice %arg4[%mul3A_23] : memref<4194304xi32, #tpu.memory_space<hbm>> -> memref<65536xi32, #tpu.memory_space<hbm>>
      %dma_start3A_36 = tpu.memref_slice %arg4[%mul3A_23] : memref<4194304xi32, #tpu.memory_space<hbm>> -> memref<65536xi32, #tpu.memory_space<hbm>>
      tpu.enqueue_dma source(%arg5 : memref<65536xi32, #tpu.memory_space<vmem>>) target(%dma_start3A_36 : memref<65536xi32, #tpu.memory_space<hbm>>) target_semaphore(%run_scoped3A : memref<!tpu.dma_semaphore, #tpu.memory_space<semaphore_mem>>)
      %dma_wait3A = tpu.memref_slice %arg4[%mul3A_23] : memref<4194304xi32, #tpu.memory_space<hbm>> -> memref<65536xi32, #tpu.memory_space<hbm>>
      %dma_wait3A_37 = tpu.memref_slice %arg4[%mul3A_23] : memref<4194304xi32, #tpu.memory_space<hbm>> -> memref<65536xi32, #tpu.memory_space<hbm>>
      tpu.wait_dma2 semaphore(%run_scoped3A : memref<!tpu.dma_semaphore, #tpu.memory_space<semaphore_mem>>) src(%arg5 : memref<65536xi32, #tpu.memory_space<vmem>>) dst(%dma_wait3A_37 : memref<65536xi32, #tpu.memory_space<hbm>>)
      tpu.yield
    }) : () -> ()
    return
  }
}

module attributes {stable_mosaic.version = 14 : i64} {
  func.func @_proj_body(%arg0: i32, %arg1: memref<1x65536xf32, #tpu.memory_space<vmem>>, %arg2: memref<1x65536xf32, #tpu.memory_space<vmem>>, %arg3: memref<1x1x65536xf32, #tpu.memory_space<vmem>>, %arg4: memref<1x4x4xf32, #tpu.memory_space<vmem>>, %arg5: memref<1x4x4xf32, #tpu.memory_space<vmem>>, %arg6: memref<1x4x4xf32, #tpu.memory_space<vmem>>, %arg7: memref<1x1x65536xf32, #tpu.memory_space<vmem>>, %arg8: memref<1x1x65536xi32, #tpu.memory_space<vmem>>, %arg9: memref<1x1x65536xi32, #tpu.memory_space<vmem>>, %arg10: memref<1x1x65536xi32, #tpu.memory_space<vmem>>) attributes {dimension_semantics = [#tpu.dimension_semantics<arbitrary>], iteration_bounds = array<i64: 64>, scalar_prefetch = 0 : i64, scratch_operands = 0 : i64, tpu.core_type = #tpu.core_type<tc>, window_params = [{pipeline_mode = #tpu.pipeline_mode<synchronous>, transform_indices = @transform_0, window_bounds = array<i64: 1, 65536>}, {pipeline_mode = #tpu.pipeline_mode<synchronous>, transform_indices = @transform_1, window_bounds = array<i64: 1, 65536>}, {transform_indices = @transform_2, window_bounds = array<i64: 1, 1, 65536>}, {transform_indices = @transform_3, window_bounds = array<i64: 1, 4, 4>}, {transform_indices = @transform_4, window_bounds = array<i64: 1, 4, 4>}, {transform_indices = @transform_5, window_bounds = array<i64: 1, 4, 4>}, {transform_indices = @transform_6, window_bounds = array<i64: 1, 1, 65536>}, {transform_indices = @transform_7, window_bounds = array<i64: 1, 1, 65536>}, {transform_indices = @transform_8, window_bounds = array<i64: 1, 1, 65536>}, {transform_indices = @transform_9, window_bounds = array<i64: 1, 1, 65536>}]} {
    %get3A = arith.constant 0 : index
    %get3A_0 = arith.constant 0 : index
    %get3A_1 = arith.constant 0 : index
    %get3A_2 = vector.load %arg3[%get3A, %get3A_0, %get3A_1] : memref<1x1x65536xf32, #tpu.memory_space<vmem>>, vector<1x1x65536xf32>
    %get3A_3 = vector.shape_cast %get3A_2 : vector<1x1x65536xf32> to vector<1x65536xf32>
    %get3A_4 = arith.constant 0 : index
    %get3A_5 = arith.constant 0 : index
    %get3A_6 = vector.load %arg1[%get3A_4, %get3A_5] : memref<1x65536xf32, #tpu.memory_space<vmem>>, vector<1x65536xf32>
    %mul3A = arith.mulf %get3A_6, %get3A_3 : vector<1x65536xf32>
    %get3A_7 = arith.constant 0 : index
    %get3A_8 = arith.constant 0 : index
    %get3A_9 = vector.load %arg2[%get3A_7, %get3A_8] : memref<1x65536xf32, #tpu.memory_space<vmem>>, vector<1x65536xf32>
    %mul3A_10 = arith.mulf %get3A_9, %get3A_3 : vector<1x65536xf32>
    %neg3A = arith.constant 0.000000e+00 : f32
    %neg3A_11 = vector.broadcast %neg3A : f32 to vector<1x65536xf32>
    %neg3A_12 = arith.subf %neg3A_11, %get3A_3 : vector<1x65536xf32>
    %broadcast_in_dim3A = arith.constant 1.000000e+00 : f32
    %broadcast_in_dim3A_13 = vector.broadcast %broadcast_in_dim3A : f32 to vector<1x65536xf32>
    %concatenate3A = tpu.concatenate %mul3A, %mul3A_10, %neg3A_12, %broadcast_in_dim3A_13 in 0 : vector<1x65536xf32>, vector<1x65536xf32>, vector<1x65536xf32>, vector<1x65536xf32> -> vector<4x65536xf32>
    %get3A_14 = arith.constant 0 : index
    %get3A_15 = arith.constant 0 : index
    %get3A_16 = arith.constant 0 : index
    %get3A_17 = vector.load %arg4[%get3A_14, %get3A_15, %get3A_16] : memref<1x4x4xf32, #tpu.memory_space<vmem>>, vector<1x4x4xf32>
    %get3A_18 = vector.shape_cast %get3A_17 : vector<1x4x4xf32> to vector<4x4xf32>
    %dot_general3A = arith.constant dense<0.000000e+00> : vector<4x65536xf32>
    %dot_general3A_19 = tpu.matmul %get3A_18, %concatenate3A, %dot_general3A {dimension_numbers = #tpu.dot_dimension_numbers<[1], [0], [0], [1], [0, 0, 1, 1], [], []>, transpose_lhs_hint = false} : vector<4x4xf32>, vector<4x65536xf32>, vector<4x65536xf32> -> vector<4x65536xf32>
    %get3A_20 = arith.constant 0 : index
    %get3A_21 = arith.constant 0 : index
    %get3A_22 = arith.constant 0 : index
    %get3A_23 = vector.load %arg5[%get3A_20, %get3A_21, %get3A_22] : memref<1x4x4xf32, #tpu.memory_space<vmem>>, vector<1x4x4xf32>
    %get3A_24 = vector.shape_cast %get3A_23 : vector<1x4x4xf32> to vector<4x4xf32>
    %dot_general3A_25 = arith.constant dense<0.000000e+00> : vector<4x65536xf32>
    %dot_general3A_26 = tpu.matmul %get3A_24, %dot_general3A_19, %dot_general3A_25 {dimension_numbers = #tpu.dot_dimension_numbers<[1], [0], [0], [1], [0, 0, 1, 1], [], []>, transpose_lhs_hint = false} : vector<4x4xf32>, vector<4x65536xf32>, vector<4x65536xf32> -> vector<4x65536xf32>
    %get3A_27 = arith.constant 0 : index
    %get3A_28 = arith.constant 0 : index
    %get3A_29 = arith.constant 0 : index
    %get3A_30 = vector.load %arg6[%get3A_27, %get3A_28, %get3A_29] : memref<1x4x4xf32, #tpu.memory_space<vmem>>, vector<1x4x4xf32>
    %get3A_31 = vector.shape_cast %get3A_30 : vector<1x4x4xf32> to vector<4x4xf32>
    %dot_general3A_32 = arith.constant dense<0.000000e+00> : vector<4x65536xf32>
    %dot_general3A_33 = tpu.matmul %get3A_31, %dot_general3A_26, %dot_general3A_32 {dimension_numbers = #tpu.dot_dimension_numbers<[1], [0], [0], [1], [0, 0, 1, 1], [], []>, transpose_lhs_hint = false} : vector<4x4xf32>, vector<4x65536xf32>, vector<4x65536xf32> -> vector<4x65536xf32>
    %slice3A = vector.extract_strided_slice %dot_general3A_33 {offsets = [0, 0], sizes = [1, 65536], strides = [1, 1]} : vector<4x65536xf32> to vector<1x65536xf32>
    %slice3A_34 = vector.extract_strided_slice %dot_general3A_33 {offsets = [1, 0], sizes = [1, 65536], strides = [1, 1]} : vector<4x65536xf32> to vector<1x65536xf32>
    %slice3A_35 = vector.extract_strided_slice %dot_general3A_33 {offsets = [2, 0], sizes = [1, 65536], strides = [1, 1]} : vector<4x65536xf32> to vector<1x65536xf32>
    %neg3A_36 = arith.constant 0.000000e+00 : f32
    %neg3A_37 = vector.broadcast %neg3A_36 : f32 to vector<1x65536xf32>
    %neg3A_38 = arith.subf %neg3A_37, %slice3A_35 : vector<1x65536xf32>
    %swap3A = arith.constant 0 : index
    %swap3A_39 = arith.constant 0 : index
    %swap3A_40 = arith.constant 0 : index
    %swap3A_41 = vector.load %arg7[%swap3A, %swap3A_39, %swap3A_40] : memref<1x1x65536xf32, #tpu.memory_space<vmem>>, vector<1x1x65536xf32>
    %swap3A_42 = vector.shape_cast %swap3A_41 : vector<1x1x65536xf32> to vector<1x65536xf32>
    %swap3A_43 = vector.shape_cast %neg3A_38 : vector<1x65536xf32> to vector<1x1x65536xf32>
    tpu.vector_store %arg7[%swap3A, %swap3A_39, %swap3A_40], %swap3A_43 {strides = array<i32>} : memref<1x1x65536xf32, #tpu.memory_space<vmem>>, vector<1x1x65536xf32>,
    %abs3A = math.absf %slice3A_35 : vector<1x65536xf32>
    %lt3A = arith.constant 0.00999999977 : f32
    %lt3A_44 = vector.broadcast %lt3A : f32 to vector<1x65536xf32>
    %lt3A_45 = arith.cmpf olt, %abs3A, %lt3A_44 : vector<1x65536xf32>
    %neg3A_46 = arith.constant 0.000000e+00 : f32
    %neg3A_47 = vector.broadcast %neg3A_46 : f32 to vector<1x65536xf32>
    %neg3A_48 = arith.subf %neg3A_47, %slice3A_35 : vector<1x65536xf32>
    %div3A = arith.divf %slice3A, %neg3A_48 : vector<1x65536xf32>
    %jit3A = arith.constant -1.000000e+01 : f32
    %broadcast_in_dim3A_49 = vector.broadcast %jit3A : f32 to vector<1x65536xf32>
    %select_n3A = arith.select %lt3A_45, %broadcast_in_dim3A_49, %div3A : vector<1x65536xi1>, vector<1x65536xf32>
    %div3A_50 = arith.divf %slice3A_34, %neg3A_48 : vector<1x65536xf32>
    %jit3A_51 = arith.constant -1.000000e+01 : f32
    %broadcast_in_dim3A_52 = vector.broadcast %jit3A_51 : f32 to vector<1x65536xf32>
    %select_n3A_53 = arith.select %lt3A_45, %broadcast_in_dim3A_52, %div3A_50 : vector<1x65536xi1>, vector<1x65536xf32>
    %mul3A_54 = arith.constant -1.000000e+00 : f32
    %mul3A_55 = vector.broadcast %mul3A_54 : f32 to vector<1x65536xf32>
    %mul3A_56 = arith.mulf %select_n3A_53, %mul3A_55 : vector<1x65536xf32>
    %add3A = arith.constant 1.000000e+00 : f32
    %add3A_57 = vector.broadcast %add3A : f32 to vector<1x65536xf32>
    %add3A_58 = arith.addf %select_n3A, %add3A_57 : vector<1x65536xf32>
    %mul3A_59 = arith.constant 1.280000e+02 : f32
    %mul3A_60 = vector.broadcast %mul3A_59 : f32 to vector<1x65536xf32>
    %mul3A_61 = arith.mulf %add3A_58, %mul3A_60 : vector<1x65536xf32>
    %add3A_62 = arith.constant 1.000000e+00 : f32
    %add3A_63 = vector.broadcast %add3A_62 : f32 to vector<1x65536xf32>
    %add3A_64 = arith.addf %mul3A_56, %add3A_63 : vector<1x65536xf32>
    %mul3A_65 = arith.constant 1.280000e+02 : f32
    %mul3A_66 = vector.broadcast %mul3A_65 : f32 to vector<1x65536xf32>
    %mul3A_67 = arith.mulf %add3A_64, %mul3A_66 : vector<1x65536xf32>
    %lt3A_68 = arith.constant 0.000000e+00 : f32
    %lt3A_69 = vector.broadcast %lt3A_68 : f32 to vector<1x65536xf32>
    %lt3A_70 = arith.cmpf olt, %mul3A_61, %lt3A_69 : vector<1x65536xf32>
    %gt3A = arith.constant 2.550000e+02 : f32
    %gt3A_71 = vector.broadcast %gt3A : f32 to vector<1x65536xf32>
    %gt3A_72 = arith.cmpf ogt, %mul3A_61, %gt3A_71 : vector<1x65536xf32>
    %or3A = arith.ori %lt3A_70, %gt3A_72 : vector<1x65536xi1>
    %lt3A_73 = arith.constant 0.000000e+00 : f32
    %lt3A_74 = vector.broadcast %lt3A_73 : f32 to vector<1x65536xf32>
    %lt3A_75 = arith.cmpf olt, %mul3A_67, %lt3A_74 : vector<1x65536xf32>
    %or3A_76 = arith.ori %or3A, %lt3A_75 : vector<1x65536xi1>
    %gt3A_77 = arith.constant 2.550000e+02 : f32
    %gt3A_78 = vector.broadcast %gt3A_77 : f32 to vector<1x65536xf32>
    %gt3A_79 = arith.cmpf ogt, %mul3A_67, %gt3A_78 : vector<1x65536xf32>
    %or3A_80 = arith.ori %or3A_76, %gt3A_79 : vector<1x65536xi1>
    %convert_element_type3A = arith.extui %or3A_80 : vector<1x65536xi1> to vector<1x65536xi32>
    %swap3A_81 = arith.constant 0 : index
    %swap3A_82 = arith.constant 0 : index
    %swap3A_83 = arith.constant 0 : index
    %swap3A_84 = vector.load %arg10[%swap3A_81, %swap3A_82, %swap3A_83] : memref<1x1x65536xi32, #tpu.memory_space<vmem>>, vector<1x1x65536xi32>
    %swap3A_85 = vector.shape_cast %swap3A_84 : vector<1x1x65536xi32> to vector<1x65536xi32>
    %swap3A_86 = vector.shape_cast %convert_element_type3A : vector<1x65536xi32> to vector<1x1x65536xi32>
    tpu.vector_store %arg10[%swap3A_81, %swap3A_82, %swap3A_83], %swap3A_86 {strides = array<i32>} : memref<1x1x65536xi32, #tpu.memory_space<vmem>>, vector<1x1x65536xi32>,
    %convert_element_type3A_87 = arith.fptosi %mul3A_61 : vector<1x65536xf32> to vector<1x65536xi32>
    %jit3A_88 = arith.constant 0 : i32
    %jit3A_89 = arith.constant 255 : i32
    %max3A = vector.broadcast %jit3A_88 : i32 to vector<1x65536xi32>
    %max3A_90 = arith.maxsi %max3A, %convert_element_type3A_87 : vector<1x65536xi32>
    %min3A = vector.broadcast %jit3A_89 : i32 to vector<1x65536xi32>
    %min3A_91 = arith.minsi %min3A, %max3A_90 : vector<1x65536xi32>
    %convert_element_type3A_92 = arith.fptosi %mul3A_67 : vector<1x65536xf32> to vector<1x65536xi32>
    %jit3A_93 = arith.constant 0 : i32
    %jit3A_94 = arith.constant 255 : i32
    %max3A_95 = vector.broadcast %jit3A_93 : i32 to vector<1x65536xi32>
    %max3A_96 = arith.maxsi %max3A_95, %convert_element_type3A_92 : vector<1x65536xi32>
    %min3A_97 = vector.broadcast %jit3A_94 : i32 to vector<1x65536xi32>
    %min3A_98 = arith.minsi %min3A_97, %max3A_96 : vector<1x65536xi32>
    %mul3A_99 = arith.constant 256 : i32
    %mul3A_100 = vector.broadcast %mul3A_99 : i32 to vector<1x65536xi32>
    %mul3A_101 = arith.muli %min3A_98, %mul3A_100 : vector<1x65536xi32>
    %add3A_102 = arith.addi %mul3A_101, %min3A_91 : vector<1x65536xi32>
    %swap3A_103 = arith.constant 0 : index
    %swap3A_104 = arith.constant 0 : index
    %swap3A_105 = arith.constant 0 : index
    %swap3A_106 = vector.load %arg9[%swap3A_103, %swap3A_104, %swap3A_105] : memref<1x1x65536xi32, #tpu.memory_space<vmem>>, vector<1x1x65536xi32>
    %swap3A_107 = vector.shape_cast %swap3A_106 : vector<1x1x65536xi32> to vector<1x65536xi32>
    %swap3A_108 = vector.shape_cast %add3A_102 : vector<1x65536xi32> to vector<1x1x65536xi32>
    tpu.vector_store %arg9[%swap3A_103, %swap3A_104, %swap3A_105], %swap3A_108 {strides = array<i32>} : memref<1x1x65536xi32, #tpu.memory_space<vmem>>, vector<1x1x65536xi32>,
    %bitcast_convert_type3A = tpu.bitcast %neg3A_48 : vector<1x65536xf32> -> vector<1x65536xi32>
    %lt3A_109 = arith.constant 0 : i32
    %lt3A_110 = vector.broadcast %lt3A_109 : i32 to vector<1x65536xi32>
    %lt3A_111 = arith.cmpi slt, %bitcast_convert_type3A, %lt3A_110 : vector<1x65536xi32>
    %not3A = arith.constant dense<-1> : vector<1x65536xi32>
    %not3A_112 = arith.xori %bitcast_convert_type3A, %not3A : vector<1x65536xi32>
    %xor3A = arith.constant -2147483648 : i32
    %xor3A_113 = vector.broadcast %xor3A : i32 to vector<1x65536xi32>
    %xor3A_114 = arith.xori %not3A_112, %xor3A_113 : vector<1x65536xi32>
    %select_n3A_115 = arith.select %lt3A_111, %xor3A_114, %bitcast_convert_type3A : vector<1x65536xi1>, vector<1x65536xi32>
    %swap3A_116 = arith.constant 0 : index
    %swap3A_117 = arith.constant 0 : index
    %swap3A_118 = arith.constant 0 : index
    %swap3A_119 = vector.load %arg8[%swap3A_116, %swap3A_117, %swap3A_118] : memref<1x1x65536xi32, #tpu.memory_space<vmem>>, vector<1x1x65536xi32>
    %swap3A_120 = vector.shape_cast %swap3A_119 : vector<1x1x65536xi32> to vector<1x65536xi32>
    %swap3A_121 = vector.shape_cast %select_n3A_115 : vector<1x65536xi32> to vector<1x1x65536xi32>
    tpu.vector_store %arg8[%swap3A_116, %swap3A_117, %swap3A_118], %swap3A_121 {strides = array<i32>} : memref<1x1x65536xi32, #tpu.memory_space<vmem>>, vector<1x1x65536xi32>,
    return
  }
  func.func @transform_0(%arg0: i32) -> (i32, i32) {
    %c0_i32 = arith.constant 0 : i32
    %c0_i32_0 = arith.constant 0 : i32
    %c0_i32_1 = arith.constant 0 : i32
    return %c0_i32, %c0_i32_0 : i32, i32
  }
  func.func @transform_1(%arg0: i32) -> (i32, i32) {
    %c0_i32 = arith.constant 0 : i32
    %c0_i32_0 = arith.constant 0 : i32
    %c0_i32_1 = arith.constant 0 : i32
    return %c0_i32, %c0_i32_0 : i32, i32
  }
  func.func @transform_2(%arg0: i32) -> (i32, i32, i32) {
    %c0_i32 = arith.constant 0 : i32
    %c0_i32_0 = arith.constant 0 : i32
    %c0_i32_1 = arith.constant 0 : i32
    return %arg0, %c0_i32, %c0_i32_0 : i32, i32, i32
  }
  func.func @transform_3(%arg0: i32) -> (i32, i32, i32) {
    %c0_i32 = arith.constant 0 : i32
    %c0_i32_0 = arith.constant 0 : i32
    %c0_i32_1 = arith.constant 0 : i32
    return %arg0, %c0_i32, %c0_i32_0 : i32, i32, i32
  }
  func.func @transform_4(%arg0: i32) -> (i32, i32, i32) {
    %c0_i32 = arith.constant 0 : i32
    %c0_i32_0 = arith.constant 0 : i32
    %c0_i32_1 = arith.constant 0 : i32
    return %arg0, %c0_i32, %c0_i32_0 : i32, i32, i32
  }
  func.func @transform_5(%arg0: i32) -> (i32, i32, i32) {
    %c0_i32 = arith.constant 0 : i32
    %c0_i32_0 = arith.constant 0 : i32
    %c0_i32_1 = arith.constant 0 : i32
    return %arg0, %c0_i32, %c0_i32_0 : i32, i32, i32
  }
  func.func @transform_6(%arg0: i32) -> (i32, i32, i32) {
    %c0_i32 = arith.constant 0 : i32
    %c0_i32_0 = arith.constant 0 : i32
    %c0_i32_1 = arith.constant 0 : i32
    return %arg0, %c0_i32, %c0_i32_0 : i32, i32, i32
  }
  func.func @transform_7(%arg0: i32) -> (i32, i32, i32) {
    %c0_i32 = arith.constant 0 : i32
    %c0_i32_0 = arith.constant 0 : i32
    %c0_i32_1 = arith.constant 0 : i32
    return %arg0, %c0_i32, %c0_i32_0 : i32, i32, i32
  }
  func.func @transform_8(%arg0: i32) -> (i32, i32, i32) {
    %c0_i32 = arith.constant 0 : i32
    %c0_i32_0 = arith.constant 0 : i32
    %c0_i32_1 = arith.constant 0 : i32
    return %arg0, %c0_i32, %c0_i32_0 : i32, i32, i32
  }
  func.func @transform_9(%arg0: i32) -> (i32, i32, i32) {
    %c0_i32 = arith.constant 0 : i32
    %c0_i32_0 = arith.constant 0 : i32
    %c0_i32_1 = arith.constant 0 : i32
    return %arg0, %c0_i32, %c0_i32_0 : i32, i32, i32
  }
}

module attributes {stable_mosaic.version = 14 : i64} {
  func.func @_sort_body(%arg0: i32, %arg1: memref<1x512x128xi32, #tpu.memory_space<vmem>>, %arg2: memref<1x512x128xi32, #tpu.memory_space<vmem>>, %arg3: memref<1x128x512xi32, #tpu.memory_space<vmem>>, %arg4: memref<1x128x512xi32, #tpu.memory_space<vmem>>, %arg5: memref<1x128x512xi32, #tpu.memory_space<vmem>>) attributes {dimension_semantics = [#tpu.dimension_semantics<arbitrary>], iteration_bounds = array<i64: 64>, scalar_prefetch = 0 : i64, scratch_operands = 0 : i64, tpu.core_type = #tpu.core_type<tc>, window_params = [{transform_indices = @transform_0, window_bounds = array<i64: 1, 512, 128>}, {transform_indices = @transform_1, window_bounds = array<i64: 1, 512, 128>}, {transform_indices = @transform_2, window_bounds = array<i64: 1, 128, 512>}, {transform_indices = @transform_3, window_bounds = array<i64: 1, 128, 512>}, {transform_indices = @transform_4, window_bounds = array<i64: 1, 128, 512>}]} {
    %iota3A = tpu.iota {dimensions = array<i32: 0>} : vector<512x128xi32>
    %iota3A_0 = tpu.iota {dimensions = array<i32: 1>} : vector<512x128xi32>
    %mul3A = arith.constant 128 : i32
    %mul3A_1 = vector.broadcast %mul3A : i32 to vector<512x128xi32>
    %mul3A_2 = arith.muli %iota3A, %mul3A_1 : vector<512x128xi32>
    %add3A = arith.addi %mul3A_2, %iota3A_0 : vector<512x128xi32>
    %mul3A_3 = arith.constant 512 : i32
    %mul3A_4 = vector.broadcast %mul3A_3 : i32 to vector<512x128xi32>
    %mul3A_5 = arith.muli %iota3A_0, %mul3A_4 : vector<512x128xi32>
    %add3A_6 = arith.addi %mul3A_5, %iota3A : vector<512x128xi32>
    %get3A = arith.constant 0 : index
    %get3A_7 = arith.constant 0 : index
    %get3A_8 = arith.constant 0 : index
    %get3A_9 = vector.load %arg1[%get3A, %get3A_7, %get3A_8] : memref<1x512x128xi32, #tpu.memory_space<vmem>>, vector<1x512x128xi32>
    %get3A_10 = vector.shape_cast %get3A_9 : vector<1x512x128xi32> to vector<512x128xi32>
    %get3A_11 = arith.constant 0 : index
    %get3A_12 = arith.constant 0 : index
    %get3A_13 = arith.constant 0 : index
    %get3A_14 = vector.load %arg2[%get3A_11, %get3A_12, %get3A_13] : memref<1x512x128xi32, #tpu.memory_space<vmem>>, vector<1x512x128xi32>
    %get3A_15 = vector.shape_cast %get3A_14 : vector<1x512x128xi32> to vector<512x128xi32>
    %shift_left3A = arith.constant 16 : i32
    %shift_left3A_16 = vector.broadcast %shift_left3A : i32 to vector<512x128xi32>
    %shift_left3A_17 = arith.shli %get3A_15, %shift_left3A_16 : vector<512x128xi32>
    %or3A = arith.ori %shift_left3A_17, %add3A : vector<512x128xi32>
    %shift_right_arithmetic3A = arith.constant 1 : i32
    %shift_right_arithmetic3A_18 = vector.broadcast %shift_right_arithmetic3A : i32 to vector<512x128xi32>
    %shift_right_arithmetic3A_19 = arith.shrsi %add3A_6, %shift_right_arithmetic3A_18 : vector<512x128xi32>
    %and3A = arith.constant 1 : i32
    %and3A_20 = vector.broadcast %and3A : i32 to vector<512x128xi32>
    %and3A_21 = arith.andi %shift_right_arithmetic3A_19, %and3A_20 : vector<512x128xi32>
    %eq3A = arith.constant 0 : i32
    %eq3A_22 = vector.broadcast %eq3A : i32 to vector<512x128xi32>
    %eq3A_23 = arith.cmpi eq, %and3A_21, %eq3A_22 : vector<512x128xi32>
    %roll3A = arith.constant 511 : i32
    %roll3A_24 = tpu.dynamic_rotate %get3A_10 by %roll3A dim 0 : vector<512x128xi32>, i32 -> vector<512x128xi32>
    %roll3A_25 = arith.constant 1 : i32
    %roll3A_26 = tpu.dynamic_rotate %get3A_10 by %roll3A_25 dim 0 : vector<512x128xi32>, i32 -> vector<512x128xi32>
    %iota3A_27 = tpu.iota {dimensions = array<i32: 0>} : vector<512x128xi32>
    %and3A_28 = arith.constant 1 : i32
    %and3A_29 = vector.broadcast %and3A_28 : i32 to vector<512x128xi32>
    %and3A_30 = arith.andi %iota3A_27, %and3A_29 : vector<512x128xi32>
    %ne3A = arith.constant 0 : i32
    %ne3A_31 = vector.broadcast %ne3A : i32 to vector<512x128xi32>
    %ne3A_32 = arith.cmpi ne, %and3A_30, %ne3A_31 : vector<512x128xi32>
    %select_n3A = arith.select %ne3A_32, %roll3A_26, %roll3A_24 : vector<512x128xi1>, vector<512x128xi32>
    %roll3A_33 = arith.constant 511 : i32
    %roll3A_34 = tpu.dynamic_rotate %or3A by %roll3A_33 dim 0 : vector<512x128xi32>, i32 -> vector<512x128xi32>
    %roll3A_35 = arith.constant 1 : i32
    %roll3A_36 = tpu.dynamic_rotate %or3A by %roll3A_35 dim 0 : vector<512x128xi32>, i32 -> vector<512x128xi32>
    %iota3A_37 = tpu.iota {dimensions = array<i32: 0>} : vector<512x128xi32>
    %and3A_38 = arith.constant 1 : i32
    %and3A_39 = vector.broadcast %and3A_38 : i32 to vector<512x128xi32>
    %and3A_40 = arith.andi %iota3A_37, %and3A_39 : vector<512x128xi32>
    %ne3A_41 = arith.constant 0 : i32
    %ne3A_42 = vector.broadcast %ne3A_41 : i32 to vector<512x128xi32>
    %ne3A_43 = arith.cmpi ne, %and3A_40, %ne3A_42 : vector<512x128xi32>
    %select_n3A_44 = arith.select %ne3A_43, %roll3A_36, %roll3A_34 : vector<512x128xi1>, vector<512x128xi32>
    %and3A_45 = arith.constant 65535 : i32
    %and3A_46 = vector.broadcast %and3A_45 : i32 to vector<512x128xi32>
    %and3A_47 = arith.andi %or3A, %and3A_46 : vector<512x128xi32>
    %and3A_48 = arith.constant 65535 : i32
    %and3A_49 = vector.broadcast %and3A_48 : i32 to vector<512x128xi32>
    %and3A_50 = arith.andi %select_n3A_44, %and3A_49 : vector<512x128xi32>
    %gt3A = arith.cmpi sgt, %get3A_10, %select_n3A : vector<512x128xi32>
    %eq3A_51 = arith.cmpi eq, %get3A_10, %select_n3A : vector<512x128xi32>
    %gt3A_52 = arith.cmpi sgt, %and3A_47, %and3A_50 : vector<512x128xi32>
    %and3A_53 = arith.andi %eq3A_51, %gt3A_52 : vector<512x128xi1>
    %or3A_54 = arith.ori %gt3A, %and3A_53 : vector<512x128xi1>
    %and3A_55 = arith.constant 1 : i32
    %and3A_56 = vector.broadcast %and3A_55 : i32 to vector<512x128xi32>
    %and3A_57 = arith.andi %iota3A, %and3A_56 : vector<512x128xi32>
    %ne3A_58 = arith.constant 0 : i32
    %ne3A_59 = vector.broadcast %ne3A_58 : i32 to vector<512x128xi32>
    %ne3A_60 = arith.cmpi ne, %and3A_57, %ne3A_59 : vector<512x128xi32>
    %eq3A_61 = arith.xori %ne3A_60, %eq3A_23 : vector<512x128xi1>
    %eq3A_62 = arith.constant dense<true> : vector<512x128xi1>
    %eq3A_63 = arith.xori %eq3A_61, %eq3A_62 : vector<512x128xi1>
    %xor3A = arith.xori %or3A_54, %eq3A_63 : vector<512x128xi1>
    %select_n3A_64 = arith.select %xor3A, %select_n3A, %get3A_10 : vector<512x128xi1>, vector<512x128xi32>
    %select_n3A_65 = arith.select %xor3A, %select_n3A_44, %or3A : vector<512x128xi1>, vector<512x128xi32>
    %shift_right_arithmetic3A_66 = arith.constant 2 : i32
    %shift_right_arithmetic3A_67 = vector.broadcast %shift_right_arithmetic3A_66 : i32 to vector<512x128xi32>
    %shift_right_arithmetic3A_68 = arith.shrsi %add3A_6, %shift_right_arithmetic3A_67 : vector<512x128xi32>
    %and3A_69 = arith.constant 1 : i32
    %and3A_70 = vector.broadcast %and3A_69 : i32 to vector<512x128xi32>
    %and3A_71 = arith.andi %shift_right_arithmetic3A_68, %and3A_70 : vector<512x128xi32>
    %eq3A_72 = arith.constant 0 : i32
    %eq3A_73 = vector.broadcast %eq3A_72 : i32 to vector<512x128xi32>
    %eq3A_74 = arith.cmpi eq, %and3A_71, %eq3A_73 : vector<512x128xi32>
    %roll3A_75 = arith.constant 510 : i32
    %roll3A_76 = tpu.dynamic_rotate %select_n3A_64 by %roll3A_75 dim 0 : vector<512x128xi32>, i32 -> vector<512x128xi32>
    %roll3A_77 = arith.constant 2 : i32
    %roll3A_78 = tpu.dynamic_rotate %select_n3A_64 by %roll3A_77 dim 0 : vector<512x128xi32>, i32 -> vector<512x128xi32>
    %iota3A_79 = tpu.iota {dimensions = array<i32: 0>} : vector<512x128xi32>
    %and3A_80 = arith.constant 2 : i32
    %and3A_81 = vector.broadcast %and3A_80 : i32 to vector<512x128xi32>
    %and3A_82 = arith.andi %iota3A_79, %and3A_81 : vector<512x128xi32>
    %ne3A_83 = arith.constant 0 : i32
    %ne3A_84 = vector.broadcast %ne3A_83 : i32 to vector<512x128xi32>
    %ne3A_85 = arith.cmpi ne, %and3A_82, %ne3A_84 : vector<512x128xi32>
    %select_n3A_86 = arith.select %ne3A_85, %roll3A_78, %roll3A_76 : vector<512x128xi1>, vector<512x128xi32>
    %roll3A_87 = arith.constant 510 : i32
    %roll3A_88 = tpu.dynamic_rotate %select_n3A_65 by %roll3A_87 dim 0 : vector<512x128xi32>, i32 -> vector<512x128xi32>
    %roll3A_89 = arith.constant 2 : i32
    %roll3A_90 = tpu.dynamic_rotate %select_n3A_65 by %roll3A_89 dim 0 : vector<512x128xi32>, i32 -> vector<512x128xi32>
    %iota3A_91 = tpu.iota {dimensions = array<i32: 0>} : vector<512x128xi32>
    %and3A_92 = arith.constant 2 : i32
    %and3A_93 = vector.broadcast %and3A_92 : i32 to vector<512x128xi32>
    %and3A_94 = arith.andi %iota3A_91, %and3A_93 : vector<512x128xi32>
    %ne3A_95 = arith.constant 0 : i32
    %ne3A_96 = vector.broadcast %ne3A_95 : i32 to vector<512x128xi32>
    %ne3A_97 = arith.cmpi ne, %and3A_94, %ne3A_96 : vector<512x128xi32>
    %select_n3A_98 = arith.select %ne3A_97, %roll3A_90, %roll3A_88 : vector<512x128xi1>, vector<512x128xi32>
    %and3A_99 = arith.constant 65535 : i32
    %and3A_100 = vector.broadcast %and3A_99 : i32 to vector<512x128xi32>
    %and3A_101 = arith.andi %select_n3A_65, %and3A_100 : vector<512x128xi32>
    %and3A_102 = arith.constant 65535 : i32
    %and3A_103 = vector.broadcast %and3A_102 : i32 to vector<512x128xi32>
    %and3A_104 = arith.andi %select_n3A_98, %and3A_103 : vector<512x128xi32>
    %gt3A_105 = arith.cmpi sgt, %select_n3A_64, %select_n3A_86 : vector<512x128xi32>
    %eq3A_106 = arith.cmpi eq, %select_n3A_64, %select_n3A_86 : vector<512x128xi32>
    %gt3A_107 = arith.cmpi sgt, %and3A_101, %and3A_104 : vector<512x128xi32>
    %and3A_108 = arith.andi %eq3A_106, %gt3A_107 : vector<512x128xi1>
    %or3A_109 = arith.ori %gt3A_105, %and3A_108 : vector<512x128xi1>
    %and3A_110 = arith.constant 2 : i32
    %and3A_111 = vector.broadcast %and3A_110 : i32 to vector<512x128xi32>
    %and3A_112 = arith.andi %iota3A, %and3A_111 : vector<512x128xi32>
    %ne3A_113 = arith.constant 0 : i32
    %ne3A_114 = vector.broadcast %ne3A_113 : i32 to vector<512x128xi32>
    %ne3A_115 = arith.cmpi ne, %and3A_112, %ne3A_114 : vector<512x128xi32>
    %eq3A_116 = arith.xori %ne3A_115, %eq3A_74 : vector<512x128xi1>
    %eq3A_117 = arith.constant dense<true> : vector<512x128xi1>
    %eq3A_118 = arith.xori %eq3A_116, %eq3A_117 : vector<512x128xi1>
    %xor3A_119 = arith.xori %or3A_109, %eq3A_118 : vector<512x128xi1>
    %select_n3A_120 = arith.select %xor3A_119, %select_n3A_86, %select_n3A_64 : vector<512x128xi1>, vector<512x128xi32>
    %select_n3A_121 = arith.select %xor3A_119, %select_n3A_98, %select_n3A_65 : vector<512x128xi1>, vector<512x128xi32>
    %roll3A_122 = arith.constant 511 : i32
    %roll3A_123 = tpu.dynamic_rotate %select_n3A_120 by %roll3A_122 dim 0 : vector<512x128xi32>, i32 -> vector<512x128xi32>
    %roll3A_124 = arith.constant 1 : i32
    %roll3A_125 = tpu.dynamic_rotate %select_n3A_120 by %roll3A_124 dim 0 : vector<512x128xi32>, i32 -> vector<512x128xi32>
    %iota3A_126 = tpu.iota {dimensions = array<i32: 0>} : vector<512x128xi32>
    %and3A_127 = arith.constant 1 : i32
    %and3A_128 = vector.broadcast %and3A_127 : i32 to vector<512x128xi32>
    %and3A_129 = arith.andi %iota3A_126, %and3A_128 : vector<512x128xi32>
    %ne3A_130 = arith.constant 0 : i32
    %ne3A_131 = vector.broadcast %ne3A_130 : i32 to vector<512x128xi32>
    %ne3A_132 = arith.cmpi ne, %and3A_129, %ne3A_131 : vector<512x128xi32>
    %select_n3A_133 = arith.select %ne3A_132, %roll3A_125, %roll3A_123 : vector<512x128xi1>, vector<512x128xi32>
    %roll3A_134 = arith.constant 511 : i32
    %roll3A_135 = tpu.dynamic_rotate %select_n3A_121 by %roll3A_134 dim 0 : vector<512x128xi32>, i32 -> vector<512x128xi32>
    %roll3A_136 = arith.constant 1 : i32
    %roll3A_137 = tpu.dynamic_rotate %select_n3A_121 by %roll3A_136 dim 0 : vector<512x128xi32>, i32 -> vector<512x128xi32>
    %iota3A_138 = tpu.iota {dimensions = array<i32: 0>} : vector<512x128xi32>
    %and3A_139 = arith.constant 1 : i32
    %and3A_140 = vector.broadcast %and3A_139 : i32 to vector<512x128xi32>
    %and3A_141 = arith.andi %iota3A_138, %and3A_140 : vector<512x128xi32>
    %ne3A_142 = arith.constant 0 : i32
    %ne3A_143 = vector.broadcast %ne3A_142 : i32 to vector<512x128xi32>
    %ne3A_144 = arith.cmpi ne, %and3A_141, %ne3A_143 : vector<512x128xi32>
    %select_n3A_145 = arith.select %ne3A_144, %roll3A_137, %roll3A_135 : vector<512x128xi1>, vector<512x128xi32>
    %and3A_146 = arith.constant 65535 : i32
    %and3A_147 = vector.broadcast %and3A_146 : i32 to vector<512x128xi32>
    %and3A_148 = arith.andi %select_n3A_121, %and3A_147 : vector<512x128xi32>
    %and3A_149 = arith.constant 65535 : i32
    %and3A_150 = vector.broadcast %and3A_149 : i32 to vector<512x128xi32>
    %and3A_151 = arith.andi %select_n3A_145, %and3A_150 : vector<512x128xi32>
    %gt3A_152 = arith.cmpi sgt, %select_n3A_120, %select_n3A_133 : vector<512x128xi32>
    %eq3A_153 = arith.cmpi eq, %select_n3A_120, %select_n3A_133 : vector<512x128xi32>
    %gt3A_154 = arith.cmpi sgt, %and3A_148, %and3A_151 : vector<512x128xi32>
    %and3A_155 = arith.andi %eq3A_153, %gt3A_154 : vector<512x128xi1>
    %or3A_156 = arith.ori %gt3A_152, %and3A_155 : vector<512x128xi1>
    %and3A_157 = arith.constant 1 : i32
    %and3A_158 = vector.broadcast %and3A_157 : i32 to vector<512x128xi32>
    %and3A_159 = arith.andi %iota3A, %and3A_158 : vector<512x128xi32>
    %ne3A_160 = arith.constant 0 : i32
    %ne3A_161 = vector.broadcast %ne3A_160 : i32 to vector<512x128xi32>
    %ne3A_162 = arith.cmpi ne, %and3A_159, %ne3A_161 : vector<512x128xi32>
    %eq3A_163 = arith.xori %ne3A_162, %eq3A_74 : vector<512x128xi1>
    %eq3A_164 = arith.constant dense<true> : vector<512x128xi1>
    %eq3A_165 = arith.xori %eq3A_163, %eq3A_164 : vector<512x128xi1>
    %xor3A_166 = arith.xori %or3A_156, %eq3A_165 : vector<512x128xi1>
    %select_n3A_167 = arith.select %xor3A_166, %select_n3A_133, %select_n3A_120 : vector<512x128xi1>, vector<512x128xi32>
    %select_n3A_168 = arith.select %xor3A_166, %select_n3A_145, %select_n3A_121 : vector<512x128xi1>, vector<512x128xi32>
    %shift_right_arithmetic3A_169 = arith.constant 3 : i32
    %shift_right_arithmetic3A_170 = vector.broadcast %shift_right_arithmetic3A_169 : i32 to vector<512x128xi32>
    %shift_right_arithmetic3A_171 = arith.shrsi %add3A_6, %shift_right_arithmetic3A_170 : vector<512x128xi32>
    %and3A_172 = arith.constant 1 : i32
    %and3A_173 = vector.broadcast %and3A_172 : i32 to vector<512x128xi32>
    %and3A_174 = arith.andi %shift_right_arithmetic3A_171, %and3A_173 : vector<512x128xi32>
    %eq3A_175 = arith.constant 0 : i32
    %eq3A_176 = vector.broadcast %eq3A_175 : i32 to vector<512x128xi32>
    %eq3A_177 = arith.cmpi eq, %and3A_174, %eq3A_176 : vector<512x128xi32>
    %roll3A_178 = arith.constant 508 : i32
    %roll3A_179 = tpu.dynamic_rotate %select_n3A_167 by %roll3A_178 dim 0 : vector<512x128xi32>, i32 -> vector<512x128xi32>
    %roll3A_180 = arith.constant 4 : i32
    %roll3A_181 = tpu.dynamic_rotate %select_n3A_167 by %roll3A_180 dim 0 : vector<512x128xi32>, i32 -> vector<512x128xi32>
    %iota3A_182 = tpu.iota {dimensions = array<i32: 0>} : vector<512x128xi32>
    %and3A_183 = arith.constant 4 : i32
    %and3A_184 = vector.broadcast %and3A_183 : i32 to vector<512x128xi32>
    %and3A_185 = arith.andi %iota3A_182, %and3A_184 : vector<512x128xi32>
    %ne3A_186 = arith.constant 0 : i32
    %ne3A_187 = vector.broadcast %ne3A_186 : i32 to vector<512x128xi32>
    %ne3A_188 = arith.cmpi ne, %and3A_185, %ne3A_187 : vector<512x128xi32>
    %select_n3A_189 = arith.select %ne3A_188, %roll3A_181, %roll3A_179 : vector<512x128xi1>, vector<512x128xi32>
    %roll3A_190 = arith.constant 508 : i32
    %roll3A_191 = tpu.dynamic_rotate %select_n3A_168 by %roll3A_190 dim 0 : vector<512x128xi32>, i32 -> vector<512x128xi32>
    %roll3A_192 = arith.constant 4 : i32
    %roll3A_193 = tpu.dynamic_rotate %select_n3A_168 by %roll3A_192 dim 0 : vector<512x128xi32>, i32 -> vector<512x128xi32>
    %iota3A_194 = tpu.iota {dimensions = array<i32: 0>} : vector<512x128xi32>
    %and3A_195 = arith.constant 4 : i32
    %and3A_196 = vector.broadcast %and3A_195 : i32 to vector<512x128xi32>
    %and3A_197 = arith.andi %iota3A_194, %and3A_196 : vector<512x128xi32>
    %ne3A_198 = arith.constant 0 : i32
    %ne3A_199 = vector.broadcast %ne3A_198 : i32 to vector<512x128xi32>
    %ne3A_200 = arith.cmpi ne, %and3A_197, %ne3A_199 : vector<512x128xi32>
    %select_n3A_201 = arith.select %ne3A_200, %roll3A_193, %roll3A_191 : vector<512x128xi1>, vector<512x128xi32>
    %and3A_202 = arith.constant 65535 : i32
    %and3A_203 = vector.broadcast %and3A_202 : i32 to vector<512x128xi32>
    %and3A_204 = arith.andi %select_n3A_168, %and3A_203 : vector<512x128xi32>
    %and3A_205 = arith.constant 65535 : i32
    %and3A_206 = vector.broadcast %and3A_205 : i32 to vector<512x128xi32>
    %and3A_207 = arith.andi %select_n3A_201, %and3A_206 : vector<512x128xi32>
    %gt3A_208 = arith.cmpi sgt, %select_n3A_167, %select_n3A_189 : vector<512x128xi32>
    %eq3A_209 = arith.cmpi eq, %select_n3A_167, %select_n3A_189 : vector<512x128xi32>
    %gt3A_210 = arith.cmpi sgt, %and3A_204, %and3A_207 : vector<512x128xi32>
    %and3A_211 = arith.andi %eq3A_209, %gt3A_210 : vector<512x128xi1>
    %or3A_212 = arith.ori %gt3A_208, %and3A_211 : vector<512x128xi1>
    %and3A_213 = arith.constant 4 : i32
    %and3A_214 = vector.broadcast %and3A_213 : i32 to vector<512x128xi32>
    %and3A_215 = arith.andi %iota3A, %and3A_214 : vector<512x128xi32>
    %ne3A_216 = arith.constant 0 : i32
    %ne3A_217 = vector.broadcast %ne3A_216 : i32 to vector<512x128xi32>
    %ne3A_218 = arith.cmpi ne, %and3A_215, %ne3A_217 : vector<512x128xi32>
    %eq3A_219 = arith.xori %ne3A_218, %eq3A_177 : vector<512x128xi1>
    %eq3A_220 = arith.constant dense<true> : vector<512x128xi1>
    %eq3A_221 = arith.xori %eq3A_219, %eq3A_220 : vector<512x128xi1>
    %xor3A_222 = arith.xori %or3A_212, %eq3A_221 : vector<512x128xi1>
    %select_n3A_223 = arith.select %xor3A_222, %select_n3A_189, %select_n3A_167 : vector<512x128xi1>, vector<512x128xi32>
    %select_n3A_224 = arith.select %xor3A_222, %select_n3A_201, %select_n3A_168 : vector<512x128xi1>, vector<512x128xi32>
    %roll3A_225 = arith.constant 510 : i32
    %roll3A_226 = tpu.dynamic_rotate %select_n3A_223 by %roll3A_225 dim 0 : vector<512x128xi32>, i32 -> vector<512x128xi32>
    %roll3A_227 = arith.constant 2 : i32
    %roll3A_228 = tpu.dynamic_rotate %select_n3A_223 by %roll3A_227 dim 0 : vector<512x128xi32>, i32 -> vector<512x128xi32>
    %iota3A_229 = tpu.iota {dimensions = array<i32: 0>} : vector<512x128xi32>
    %and3A_230 = arith.constant 2 : i32
    %and3A_231 = vector.broadcast %and3A_230 : i32 to vector<512x128xi32>
    %and3A_232 = arith.andi %iota3A_229, %and3A_231 : vector<512x128xi32>
    %ne3A_233 = arith.constant 0 : i32
    %ne3A_234 = vector.broadcast %ne3A_233 : i32 to vector<512x128xi32>
    %ne3A_235 = arith.cmpi ne, %and3A_232, %ne3A_234 : vector<512x128xi32>
    %select_n3A_236 = arith.select %ne3A_235, %roll3A_228, %roll3A_226 : vector<512x128xi1>, vector<512x128xi32>
    %roll3A_237 = arith.constant 510 : i32
    %roll3A_238 = tpu.dynamic_rotate %select_n3A_224 by %roll3A_237 dim 0 : vector<512x128xi32>, i32 -> vector<512x128xi32>
    %roll3A_239 = arith.constant 2 : i32
    %roll3A_240 = tpu.dynamic_rotate %select_n3A_224 by %roll3A_239 dim 0 : vector<512x128xi32>, i32 -> vector<512x128xi32>
    %iota3A_241 = tpu.iota {dimensions = array<i32: 0>} : vector<512x128xi32>
    %and3A_242 = arith.constant 2 : i32
    %and3A_243 = vector.broadcast %and3A_242 : i32 to vector<512x128xi32>
    %and3A_244 = arith.andi %iota3A_241, %and3A_243 : vector<512x128xi32>
    %ne3A_245 = arith.constant 0 : i32
    %ne3A_246 = vector.broadcast %ne3A_245 : i32 to vector<512x128xi32>
    %ne3A_247 = arith.cmpi ne, %and3A_244, %ne3A_246 : vector<512x128xi32>
    %select_n3A_248 = arith.select %ne3A_247, %roll3A_240, %roll3A_238 : vector<512x128xi1>, vector<512x128xi32>
    %and3A_249 = arith.constant 65535 : i32
    %and3A_250 = vector.broadcast %and3A_249 : i32 to vector<512x128xi32>
    %and3A_251 = arith.andi %select_n3A_224, %and3A_250 : vector<512x128xi32>
    %and3A_252 = arith.constant 65535 : i32
    %and3A_253 = vector.broadcast %and3A_252 : i32 to vector<512x128xi32>
    %and3A_254 = arith.andi %select_n3A_248, %and3A_253 : vector<512x128xi32>
    %gt3A_255 = arith.cmpi sgt, %select_n3A_223, %select_n3A_236 : vector<512x128xi32>
    %eq3A_256 = arith.cmpi eq, %select_n3A_223, %select_n3A_236 : vector<512x128xi32>
    %gt3A_257 = arith.cmpi sgt, %and3A_251, %and3A_254 : vector<512x128xi32>
    %and3A_258 = arith.andi %eq3A_256, %gt3A_257 : vector<512x128xi1>
    %or3A_259 = arith.ori %gt3A_255, %and3A_258 : vector<512x128xi1>
    %and3A_260 = arith.constant 2 : i32
    %and3A_261 = vector.broadcast %and3A_260 : i32 to vector<512x128xi32>
    %and3A_262 = arith.andi %iota3A, %and3A_261 : vector<512x128xi32>
    %ne3A_263 = arith.constant 0 : i32
    %ne3A_264 = vector.broadcast %ne3A_263 : i32 to vector<512x128xi32>
    %ne3A_265 = arith.cmpi ne, %and3A_262, %ne3A_264 : vector<512x128xi32>
    %eq3A_266 = arith.xori %ne3A_265, %eq3A_177 : vector<512x128xi1>
    %eq3A_267 = arith.constant dense<true> : vector<512x128xi1>
    %eq3A_268 = arith.xori %eq3A_266, %eq3A_267 : vector<512x128xi1>
    %xor3A_269 = arith.xori %or3A_259, %eq3A_268 : vector<512x128xi1>
    %select_n3A_270 = arith.select %xor3A_269, %select_n3A_236, %select_n3A_223 : vector<512x128xi1>, vector<512x128xi32>
    %select_n3A_271 = arith.select %xor3A_269, %select_n3A_248, %select_n3A_224 : vector<512x128xi1>, vector<512x128xi32>
    %roll3A_272 = arith.constant 511 : i32
    %roll3A_273 = tpu.dynamic_rotate %select_n3A_270 by %roll3A_272 dim 0 : vector<512x128xi32>, i32 -> vector<512x128xi32>
    %roll3A_274 = arith.constant 1 : i32
    %roll3A_275 = tpu.dynamic_rotate %select_n3A_270 by %roll3A_274 dim 0 : vector<512x128xi32>, i32 -> vector<512x128xi32>
    %iota3A_276 = tpu.iota {dimensions = array<i32: 0>} : vector<512x128xi32>
    %and3A_277 = arith.constant 1 : i32
    %and3A_278 = vector.broadcast %and3A_277 : i32 to vector<512x128xi32>
    %and3A_279 = arith.andi %iota3A_276, %and3A_278 : vector<512x128xi32>
    %ne3A_280 = arith.constant 0 : i32
    %ne3A_281 = vector.broadcast %ne3A_280 : i32 to vector<512x128xi32>
    %ne3A_282 = arith.cmpi ne, %and3A_279, %ne3A_281 : vector<512x128xi32>
    %select_n3A_283 = arith.select %ne3A_282, %roll3A_275, %roll3A_273 : vector<512x128xi1>, vector<512x128xi32>
    %roll3A_284 = arith.constant 511 : i32
    %roll3A_285 = tpu.dynamic_rotate %select_n3A_271 by %roll3A_284 dim 0 : vector<512x128xi32>, i32 -> vector<512x128xi32>
    %roll3A_286 = arith.constant 1 : i32
    %roll3A_287 = tpu.dynamic_rotate %select_n3A_271 by %roll3A_286 dim 0 : vector<512x128xi32>, i32 -> vector<512x128xi32>
    %iota3A_288 = tpu.iota {dimensions = array<i32: 0>} : vector<512x128xi32>
    %and3A_289 = arith.constant 1 : i32
    %and3A_290 = vector.broadcast %and3A_289 : i32 to vector<512x128xi32>
    %and3A_291 = arith.andi %iota3A_288, %and3A_290 : vector<512x128xi32>
    %ne3A_292 = arith.constant 0 : i32
    %ne3A_293 = vector.broadcast %ne3A_292 : i32 to vector<512x128xi32>
    %ne3A_294 = arith.cmpi ne, %and3A_291, %ne3A_293 : vector<512x128xi32>
    %select_n3A_295 = arith.select %ne3A_294, %roll3A_287, %roll3A_285 : vector<512x128xi1>, vector<512x128xi32>
    %and3A_296 = arith.constant 65535 : i32
    %and3A_297 = vector.broadcast %and3A_296 : i32 to vector<512x128xi32>
    %and3A_298 = arith.andi %select_n3A_271, %and3A_297 : vector<512x128xi32>
    %and3A_299 = arith.constant 65535 : i32
    %and3A_300 = vector.broadcast %and3A_299 : i32 to vector<512x128xi32>
    %and3A_301 = arith.andi %select_n3A_295, %and3A_300 : vector<512x128xi32>
    %gt3A_302 = arith.cmpi sgt, %select_n3A_270, %select_n3A_283 : vector<512x128xi32>
    %eq3A_303 = arith.cmpi eq, %select_n3A_270, %select_n3A_283 : vector<512x128xi32>
    %gt3A_304 = arith.cmpi sgt, %and3A_298, %and3A_301 : vector<512x128xi32>
    %and3A_305 = arith.andi %eq3A_303, %gt3A_304 : vector<512x128xi1>
    %or3A_306 = arith.ori %gt3A_302, %and3A_305 : vector<512x128xi1>
    %and3A_307 = arith.constant 1 : i32
    %and3A_308 = vector.broadcast %and3A_307 : i32 to vector<512x128xi32>
    %and3A_309 = arith.andi %iota3A, %and3A_308 : vector<512x128xi32>
    %ne3A_310 = arith.constant 0 : i32
    %ne3A_311 = vector.broadcast %ne3A_310 : i32 to vector<512x128xi32>
    %ne3A_312 = arith.cmpi ne, %and3A_309, %ne3A_311 : vector<512x128xi32>
    %eq3A_313 = arith.xori %ne3A_312, %eq3A_177 : vector<512x128xi1>
    %eq3A_314 = arith.constant dense<true> : vector<512x128xi1>
    %eq3A_315 = arith.xori %eq3A_313, %eq3A_314 : vector<512x128xi1>
    %xor3A_316 = arith.xori %or3A_306, %eq3A_315 : vector<512x128xi1>
    %select_n3A_317 = arith.select %xor3A_316, %select_n3A_283, %select_n3A_270 : vector<512x128xi1>, vector<512x128xi32>
    %select_n3A_318 = arith.select %xor3A_316, %select_n3A_295, %select_n3A_271 : vector<512x128xi1>, vector<512x128xi32>
    %shift_right_arithmetic3A_319 = arith.constant 4 : i32
    %shift_right_arithmetic3A_320 = vector.broadcast %shift_right_arithmetic3A_319 : i32 to vector<512x128xi32>
    %shift_right_arithmetic3A_321 = arith.shrsi %add3A_6, %shift_right_arithmetic3A_320 : vector<512x128xi32>
    %and3A_322 = arith.constant 1 : i32
    %and3A_323 = vector.broadcast %and3A_322 : i32 to vector<512x128xi32>
    %and3A_324 = arith.andi %shift_right_arithmetic3A_321, %and3A_323 : vector<512x128xi32>
    %eq3A_325 = arith.constant 0 : i32
    %eq3A_326 = vector.broadcast %eq3A_325 : i32 to vector<512x128xi32>
    %eq3A_327 = arith.cmpi eq, %and3A_324, %eq3A_326 : vector<512x128xi32>
    %reshape3A = vector.shape_cast %select_n3A_317 : vector<512x128xi32> to vector<32x2x8x128xi32>
    %slice3A = vector.extract_strided_slice %reshape3A {offsets = [0, 1, 0, 0], sizes = [32, 1, 8, 128], strides = [1, 1, 1, 1]} : vector<32x2x8x128xi32> to vector<32x1x8x128xi32>
    %slice3A_328 = vector.extract_strided_slice %reshape3A {offsets = [0, 0, 0, 0], sizes = [32, 1, 8, 128], strides = [1, 1, 1, 1]} : vector<32x2x8x128xi32> to vector<32x1x8x128xi32>
    %concatenate3A = tpu.concatenate %slice3A, %slice3A_328 in 1 : vector<32x1x8x128xi32>, vector<32x1x8x128xi32> -> vector<32x2x8x128xi32>
    %reshape3A_329 = vector.shape_cast %concatenate3A : vector<32x2x8x128xi32> to vector<512x128xi32>
    %reshape3A_330 = vector.shape_cast %select_n3A_318 : vector<512x128xi32> to vector<32x2x8x128xi32>
    %slice3A_331 = vector.extract_strided_slice %reshape3A_330 {offsets = [0, 1, 0, 0], sizes = [32, 1, 8, 128], strides = [1, 1, 1, 1]} : vector<32x2x8x128xi32> to vector<32x1x8x128xi32>
    %slice3A_332 = vector.extract_strided_slice %reshape3A_330 {offsets = [0, 0, 0, 0], sizes = [32, 1, 8, 128], strides = [1, 1, 1, 1]} : vector<32x2x8x128xi32> to vector<32x1x8x128xi32>
    %concatenate3A_333 = tpu.concatenate %slice3A_331, %slice3A_332 in 1 : vector<32x1x8x128xi32>, vector<32x1x8x128xi32> -> vector<32x2x8x128xi32>
    %reshape3A_334 = vector.shape_cast %concatenate3A_333 : vector<32x2x8x128xi32> to vector<512x128xi32>
    %and3A_335 = arith.constant 65535 : i32
    %and3A_336 = vector.broadcast %and3A_335 : i32 to vector<512x128xi32>
    %and3A_337 = arith.andi %select_n3A_318, %and3A_336 : vector<512x128xi32>
    %and3A_338 = arith.constant 65535 : i32
    %and3A_339 = vector.broadcast %and3A_338 : i32 to vector<512x128xi32>
    %and3A_340 = arith.andi %reshape3A_334, %and3A_339 : vector<512x128xi32>
    %gt3A_341 = arith.cmpi sgt, %select_n3A_317, %reshape3A_329 : vector<512x128xi32>
    %eq3A_342 = arith.cmpi eq, %select_n3A_317, %reshape3A_329 : vector<512x128xi32>
    %gt3A_343 = arith.cmpi sgt, %and3A_337, %and3A_340 : vector<512x128xi32>
    %and3A_344 = arith.andi %eq3A_342, %gt3A_343 : vector<512x128xi1>
    %or3A_345 = arith.ori %gt3A_341, %and3A_344 : vector<512x128xi1>
    %and3A_346 = arith.constant 8 : i32
    %and3A_347 = vector.broadcast %and3A_346 : i32 to vector<512x128xi32>
    %and3A_348 = arith.andi %iota3A, %and3A_347 : vector<512x128xi32>
    %ne3A_349 = arith.constant 0 : i32
    %ne3A_350 = vector.broadcast %ne3A_349 : i32 to vector<512x128xi32>
    %ne3A_351 = arith.cmpi ne, %and3A_348, %ne3A_350 : vector<512x128xi32>
    %eq3A_352 = arith.xori %ne3A_351, %eq3A_327 : vector<512x128xi1>
    %eq3A_353 = arith.constant dense<true> : vector<512x128xi1>
    %eq3A_354 = arith.xori %eq3A_352, %eq3A_353 : vector<512x128xi1>
    %xor3A_355 = arith.xori %or3A_345, %eq3A_354 : vector<512x128xi1>
    %select_n3A_356 = arith.select %xor3A_355, %reshape3A_329, %select_n3A_317 : vector<512x128xi1>, vector<512x128xi32>
    %select_n3A_357 = arith.select %xor3A_355, %reshape3A_334, %select_n3A_318 : vector<512x128xi1>, vector<512x128xi32>
    %roll3A_358 = arith.constant 508 : i32
    %roll3A_359 = tpu.dynamic_rotate %select_n3A_356 by %roll3A_358 dim 0 : vector<512x128xi32>, i32 -> vector<512x128xi32>
    %roll3A_360 = arith.constant 4 : i32
    %roll3A_361 = tpu.dynamic_rotate %select_n3A_356 by %roll3A_360 dim 0 : vector<512x128xi32>, i32 -> vector<512x128xi32>
    %iota3A_362 = tpu.iota {dimensions = array<i32: 0>} : vector<512x128xi32>
    %and3A_363 = arith.constant 4 : i32
    %and3A_364 = vector.broadcast %and3A_363 : i32 to vector<512x128xi32>
    %and3A_365 = arith.andi %iota3A_362, %and3A_364 : vector<512x128xi32>
    %ne3A_366 = arith.constant 0 : i32
    %ne3A_367 = vector.broadcast %ne3A_366 : i32 to vector<512x128xi32>
    %ne3A_368 = arith.cmpi ne, %and3A_365, %ne3A_367 : vector<512x128xi32>
    %select_n3A_369 = arith.select %ne3A_368, %roll3A_361, %roll3A_359 : vector<512x128xi1>, vector<512x128xi32>
    %roll3A_370 = arith.constant 508 : i32
    %roll3A_371 = tpu.dynamic_rotate %select_n3A_357 by %roll3A_370 dim 0 : vector<512x128xi32>, i32 -> vector<512x128xi32>
    %roll3A_372 = arith.constant 4 : i32
    %roll3A_373 = tpu.dynamic_rotate %select_n3A_357 by %roll3A_372 dim 0 : vector<512x128xi32>, i32 -> vector<512x128xi32>
    %iota3A_374 = tpu.iota {dimensions = array<i32: 0>} : vector<512x128xi32>
    %and3A_375 = arith.constant 4 : i32
    %and3A_376 = vector.broadcast %and3A_375 : i32 to vector<512x128xi32>
    %and3A_377 = arith.andi %iota3A_374, %and3A_376 : vector<512x128xi32>
    %ne3A_378 = arith.constant 0 : i32
    %ne3A_379 = vector.broadcast %ne3A_378 : i32 to vector<512x128xi32>
    %ne3A_380 = arith.cmpi ne, %and3A_377, %ne3A_379 : vector<512x128xi32>
    %select_n3A_381 = arith.select %ne3A_380, %roll3A_373, %roll3A_371 : vector<512x128xi1>, vector<512x128xi32>
    %and3A_382 = arith.constant 65535 : i32
    %and3A_383 = vector.broadcast %and3A_382 : i32 to vector<512x128xi32>
    %and3A_384 = arith.andi %select_n3A_357, %and3A_383 : vector<512x128xi32>
    %and3A_385 = arith.constant 65535 : i32
    %and3A_386 = vector.broadcast %and3A_385 : i32 to vector<512x128xi32>
    %and3A_387 = arith.andi %select_n3A_381, %and3A_386 : vector<512x128xi32>
    %gt3A_388 = arith.cmpi sgt, %select_n3A_356, %select_n3A_369 : vector<512x128xi32>
    %eq3A_389 = arith.cmpi eq, %select_n3A_356, %select_n3A_369 : vector<512x128xi32>
    %gt3A_390 = arith.cmpi sgt, %and3A_384, %and3A_387 : vector<512x128xi32>
    %and3A_391 = arith.andi %eq3A_389, %gt3A_390 : vector<512x128xi1>
    %or3A_392 = arith.ori %gt3A_388, %and3A_391 : vector<512x128xi1>
    %and3A_393 = arith.constant 4 : i32
    %and3A_394 = vector.broadcast %and3A_393 : i32 to vector<512x128xi32>
    %and3A_395 = arith.andi %iota3A, %and3A_394 : vector<512x128xi32>
    %ne3A_396 = arith.constant 0 : i32
    %ne3A_397 = vector.broadcast %ne3A_396 : i32 to vector<512x128xi32>
    %ne3A_398 = arith.cmpi ne, %and3A_395, %ne3A_397 : vector<512x128xi32>
    %eq3A_399 = arith.xori %ne3A_398, %eq3A_327 : vector<512x128xi1>
    %eq3A_400 = arith.constant dense<true> : vector<512x128xi1>
    %eq3A_401 = arith.xori %eq3A_399, %eq3A_400 : vector<512x128xi1>
    %xor3A_402 = arith.xori %or3A_392, %eq3A_401 : vector<512x128xi1>
    %select_n3A_403 = arith.select %xor3A_402, %select_n3A_369, %select_n3A_356 : vector<512x128xi1>, vector<512x128xi32>
    %select_n3A_404 = arith.select %xor3A_402, %select_n3A_381, %select_n3A_357 : vector<512x128xi1>, vector<512x128xi32>
    %roll3A_405 = arith.constant 510 : i32
    %roll3A_406 = tpu.dynamic_rotate %select_n3A_403 by %roll3A_405 dim 0 : vector<512x128xi32>, i32 -> vector<512x128xi32>
    %roll3A_407 = arith.constant 2 : i32
    %roll3A_408 = tpu.dynamic_rotate %select_n3A_403 by %roll3A_407 dim 0 : vector<512x128xi32>, i32 -> vector<512x128xi32>
    %iota3A_409 = tpu.iota {dimensions = array<i32: 0>} : vector<512x128xi32>
    %and3A_410 = arith.constant 2 : i32
    %and3A_411 = vector.broadcast %and3A_410 : i32 to vector<512x128xi32>
    %and3A_412 = arith.andi %iota3A_409, %and3A_411 : vector<512x128xi32>
    %ne3A_413 = arith.constant 0 : i32
    %ne3A_414 = vector.broadcast %ne3A_413 : i32 to vector<512x128xi32>
    %ne3A_415 = arith.cmpi ne, %and3A_412, %ne3A_414 : vector<512x128xi32>
    %select_n3A_416 = arith.select %ne3A_415, %roll3A_408, %roll3A_406 : vector<512x128xi1>, vector<512x128xi32>
    %roll3A_417 = arith.constant 510 : i32
    %roll3A_418 = tpu.dynamic_rotate %select_n3A_404 by %roll3A_417 dim 0 : vector<512x128xi32>, i32 -> vector<512x128xi32>
    %roll3A_419 = arith.constant 2 : i32
    %roll3A_420 = tpu.dynamic_rotate %select_n3A_404 by %roll3A_419 dim 0 : vector<512x128xi32>, i32 -> vector<512x128xi32>
    %iota3A_421 = tpu.iota {dimensions = array<i32: 0>} : vector<512x128xi32>
    %and3A_422 = arith.constant 2 : i32
    %and3A_423 = vector.broadcast %and3A_422 : i32 to vector<512x128xi32>
    %and3A_424 = arith.andi %iota3A_421, %and3A_423 : vector<512x128xi32>
    %ne3A_425 = arith.constant 0 : i32
    %ne3A_426 = vector.broadcast %ne3A_425 : i32 to vector<512x128xi32>
    %ne3A_427 = arith.cmpi ne, %and3A_424, %ne3A_426 : vector<512x128xi32>
    %select_n3A_428 = arith.select %ne3A_427, %roll3A_420, %roll3A_418 : vector<512x128xi1>, vector<512x128xi32>
    %and3A_429 = arith.constant 65535 : i32
    %and3A_430 = vector.broadcast %and3A_429 : i32 to vector<512x128xi32>
    %and3A_431 = arith.andi %select_n3A_404, %and3A_430 : vector<512x128xi32>
    %and3A_432 = arith.constant 65535 : i32
    %and3A_433 = vector.broadcast %and3A_432 : i32 to vector<512x128xi32>
    %and3A_434 = arith.andi %select_n3A_428, %and3A_433 : vector<512x128xi32>
    %gt3A_435 = arith.cmpi sgt, %select_n3A_403, %select_n3A_416 : vector<512x128xi32>
    %eq3A_436 = arith.cmpi eq, %select_n3A_403, %select_n3A_416 : vector<512x128xi32>
    %gt3A_437 = arith.cmpi sgt, %and3A_431, %and3A_434 : vector<512x128xi32>
    %and3A_438 = arith.andi %eq3A_436, %gt3A_437 : vector<512x128xi1>
    %or3A_439 = arith.ori %gt3A_435, %and3A_438 : vector<512x128xi1>
    %and3A_440 = arith.constant 2 : i32
    %and3A_441 = vector.broadcast %and3A_440 : i32 to vector<512x128xi32>
    %and3A_442 = arith.andi %iota3A, %and3A_441 : vector<512x128xi32>
    %ne3A_443 = arith.constant 0 : i32
    %ne3A_444 = vector.broadcast %ne3A_443 : i32 to vector<512x128xi32>
    %ne3A_445 = arith.cmpi ne, %and3A_442, %ne3A_444 : vector<512x128xi32>
    %eq3A_446 = arith.xori %ne3A_445, %eq3A_327 : vector<512x128xi1>
    %eq3A_447 = arith.constant dense<true> : vector<512x128xi1>
    %eq3A_448 = arith.xori %eq3A_446, %eq3A_447 : vector<512x128xi1>
    %xor3A_449 = arith.xori %or3A_439, %eq3A_448 : vector<512x128xi1>
    %select_n3A_450 = arith.select %xor3A_449, %select_n3A_416, %select_n3A_403 : vector<512x128xi1>, vector<512x128xi32>
    %select_n3A_451 = arith.select %xor3A_449, %select_n3A_428, %select_n3A_404 : vector<512x128xi1>, vector<512x128xi32>
    %roll3A_452 = arith.constant 511 : i32
    %roll3A_453 = tpu.dynamic_rotate %select_n3A_450 by %roll3A_452 dim 0 : vector<512x128xi32>, i32 -> vector<512x128xi32>
    %roll3A_454 = arith.constant 1 : i32
    %roll3A_455 = tpu.dynamic_rotate %select_n3A_450 by %roll3A_454 dim 0 : vector<512x128xi32>, i32 -> vector<512x128xi32>
    %iota3A_456 = tpu.iota {dimensions = array<i32: 0>} : vector<512x128xi32>
    %and3A_457 = arith.constant 1 : i32
    %and3A_458 = vector.broadcast %and3A_457 : i32 to vector<512x128xi32>
    %and3A_459 = arith.andi %iota3A_456, %and3A_458 : vector<512x128xi32>
    %ne3A_460 = arith.constant 0 : i32
    %ne3A_461 = vector.broadcast %ne3A_460 : i32 to vector<512x128xi32>
    %ne3A_462 = arith.cmpi ne, %and3A_459, %ne3A_461 : vector<512x128xi32>
    %select_n3A_463 = arith.select %ne3A_462, %roll3A_455, %roll3A_453 : vector<512x128xi1>, vector<512x128xi32>
    %roll3A_464 = arith.constant 511 : i32
    %roll3A_465 = tpu.dynamic_rotate %select_n3A_451 by %roll3A_464 dim 0 : vector<512x128xi32>, i32 -> vector<512x128xi32>
    %roll3A_466 = arith.constant 1 : i32
    %roll3A_467 = tpu.dynamic_rotate %select_n3A_451 by %roll3A_466 dim 0 : vector<512x128xi32>, i32 -> vector<512x128xi32>
    %iota3A_468 = tpu.iota {dimensions = array<i32: 0>} : vector<512x128xi32>
    %and3A_469 = arith.constant 1 : i32
    %and3A_470 = vector.broadcast %and3A_469 : i32 to vector<512x128xi32>
    %and3A_471 = arith.andi %iota3A_468, %and3A_470 : vector<512x128xi32>
    %ne3A_472 = arith.constant 0 : i32
    %ne3A_473 = vector.broadcast %ne3A_472 : i32 to vector<512x128xi32>
    %ne3A_474 = arith.cmpi ne, %and3A_471, %ne3A_473 : vector<512x128xi32>
    %select_n3A_475 = arith.select %ne3A_474, %roll3A_467, %roll3A_465 : vector<512x128xi1>, vector<512x128xi32>
    %and3A_476 = arith.constant 65535 : i32
    %and3A_477 = vector.broadcast %and3A_476 : i32 to vector<512x128xi32>
    %and3A_478 = arith.andi %select_n3A_451, %and3A_477 : vector<512x128xi32>
    %and3A_479 = arith.constant 65535 : i32
    %and3A_480 = vector.broadcast %and3A_479 : i32 to vector<512x128xi32>
    %and3A_481 = arith.andi %select_n3A_475, %and3A_480 : vector<512x128xi32>
    %gt3A_482 = arith.cmpi sgt, %select_n3A_450, %select_n3A_463 : vector<512x128xi32>
    %eq3A_483 = arith.cmpi eq, %select_n3A_450, %select_n3A_463 : vector<512x128xi32>
    %gt3A_484 = arith.cmpi sgt, %and3A_478, %and3A_481 : vector<512x128xi32>
    %and3A_485 = arith.andi %eq3A_483, %gt3A_484 : vector<512x128xi1>
    %or3A_486 = arith.ori %gt3A_482, %and3A_485 : vector<512x128xi1>
    %and3A_487 = arith.constant 1 : i32
    %and3A_488 = vector.broadcast %and3A_487 : i32 to vector<512x128xi32>
    %and3A_489 = arith.andi %iota3A, %and3A_488 : vector<512x128xi32>
    %ne3A_490 = arith.constant 0 : i32
    %ne3A_491 = vector.broadcast %ne3A_490 : i32 to vector<512x128xi32>
    %ne3A_492 = arith.cmpi ne, %and3A_489, %ne3A_491 : vector<512x128xi32>
    %eq3A_493 = arith.xori %ne3A_492, %eq3A_327 : vector<512x128xi1>
    %eq3A_494 = arith.constant dense<true> : vector<512x128xi1>
    %eq3A_495 = arith.xori %eq3A_493, %eq3A_494 : vector<512x128xi1>
    %xor3A_496 = arith.xori %or3A_486, %eq3A_495 : vector<512x128xi1>
    %select_n3A_497 = arith.select %xor3A_496, %select_n3A_463, %select_n3A_450 : vector<512x128xi1>, vector<512x128xi32>
    %select_n3A_498 = arith.select %xor3A_496, %select_n3A_475, %select_n3A_451 : vector<512x128xi1>, vector<512x128xi32>
    %shift_right_arithmetic3A_499 = arith.constant 5 : i32
    %shift_right_arithmetic3A_500 = vector.broadcast %shift_right_arithmetic3A_499 : i32 to vector<512x128xi32>
    %shift_right_arithmetic3A_501 = arith.shrsi %add3A_6, %shift_right_arithmetic3A_500 : vector<512x128xi32>
    %and3A_502 = arith.constant 1 : i32
    %and3A_503 = vector.broadcast %and3A_502 : i32 to vector<512x128xi32>
    %and3A_504 = arith.andi %shift_right_arithmetic3A_501, %and3A_503 : vector<512x128xi32>
    %eq3A_505 = arith.constant 0 : i32
    %eq3A_506 = vector.broadcast %eq3A_505 : i32 to vector<512x128xi32>
    %eq3A_507 = arith.cmpi eq, %and3A_504, %eq3A_506 : vector<512x128xi32>
    %reshape3A_508 = vector.shape_cast %select_n3A_497 : vector<512x128xi32> to vector<16x2x16x128xi32>
    %slice3A_509 = vector.extract_strided_slice %reshape3A_508 {offsets = [0, 1, 0, 0], sizes = [16, 1, 16, 128], strides = [1, 1, 1, 1]} : vector<16x2x16x128xi32> to vector<16x1x16x128xi32>
    %slice3A_510 = vector.extract_strided_slice %reshape3A_508 {offsets = [0, 0, 0, 0], sizes = [16, 1, 16, 128], strides = [1, 1, 1, 1]} : vector<16x2x16x128xi32> to vector<16x1x16x128xi32>
    %concatenate3A_511 = tpu.concatenate %slice3A_509, %slice3A_510 in 1 : vector<16x1x16x128xi32>, vector<16x1x16x128xi32> -> vector<16x2x16x128xi32>
    %reshape3A_512 = vector.shape_cast %concatenate3A_511 : vector<16x2x16x128xi32> to vector<512x128xi32>
    %reshape3A_513 = vector.shape_cast %select_n3A_498 : vector<512x128xi32> to vector<16x2x16x128xi32>
    %slice3A_514 = vector.extract_strided_slice %reshape3A_513 {offsets = [0, 1, 0, 0], sizes = [16, 1, 16, 128], strides = [1, 1, 1, 1]} : vector<16x2x16x128xi32> to vector<16x1x16x128xi32>
    %slice3A_515 = vector.extract_strided_slice %reshape3A_513 {offsets = [0, 0, 0, 0], sizes = [16, 1, 16, 128], strides = [1, 1, 1, 1]} : vector<16x2x16x128xi32> to vector<16x1x16x128xi32>
    %concatenate3A_516 = tpu.concatenate %slice3A_514, %slice3A_515 in 1 : vector<16x1x16x128xi32>, vector<16x1x16x128xi32> -> vector<16x2x16x128xi32>
    %reshape3A_517 = vector.shape_cast %concatenate3A_516 : vector<16x2x16x128xi32> to vector<512x128xi32>
    %and3A_518 = arith.constant 65535 : i32
    %and3A_519 = vector.broadcast %and3A_518 : i32 to vector<512x128xi32>
    %and3A_520 = arith.andi %select_n3A_498, %and3A_519 : vector<512x128xi32>
    %and3A_521 = arith.constant 65535 : i32
    %and3A_522 = vector.broadcast %and3A_521 : i32 to vector<512x128xi32>
    %and3A_523 = arith.andi %reshape3A_517, %and3A_522 : vector<512x128xi32>
    %gt3A_524 = arith.cmpi sgt, %select_n3A_497, %reshape3A_512 : vector<512x128xi32>
    %eq3A_525 = arith.cmpi eq, %select_n3A_497, %reshape3A_512 : vector<512x128xi32>
    %gt3A_526 = arith.cmpi sgt, %and3A_520, %and3A_523 : vector<512x128xi32>
    %and3A_527 = arith.andi %eq3A_525, %gt3A_526 : vector<512x128xi1>
    %or3A_528 = arith.ori %gt3A_524, %and3A_527 : vector<512x128xi1>
    %and3A_529 = arith.constant 16 : i32
    %and3A_530 = vector.broadcast %and3A_529 : i32 to vector<512x128xi32>
    %and3A_531 = arith.andi %iota3A, %and3A_530 : vector<512x128xi32>
    %ne3A_532 = arith.constant 0 : i32
    %ne3A_533 = vector.broadcast %ne3A_532 : i32 to vector<512x128xi32>
    %ne3A_534 = arith.cmpi ne, %and3A_531, %ne3A_533 : vector<512x128xi32>
    %eq3A_535 = arith.xori %ne3A_534, %eq3A_507 : vector<512x128xi1>
    %eq3A_536 = arith.constant dense<true> : vector<512x128xi1>
    %eq3A_537 = arith.xori %eq3A_535, %eq3A_536 : vector<512x128xi1>
    %xor3A_538 = arith.xori %or3A_528, %eq3A_537 : vector<512x128xi1>
    %select_n3A_539 = arith.select %xor3A_538, %reshape3A_512, %select_n3A_497 : vector<512x128xi1>, vector<512x128xi32>
    %select_n3A_540 = arith.select %xor3A_538, %reshape3A_517, %select_n3A_498 : vector<512x128xi1>, vector<512x128xi32>
    %reshape3A_541 = vector.shape_cast %select_n3A_539 : vector<512x128xi32> to vector<32x2x8x128xi32>
    %slice3A_542 = vector.extract_strided_slice %reshape3A_541 {offsets = [0, 1, 0, 0], sizes = [32, 1, 8, 128], strides = [1, 1, 1, 1]} : vector<32x2x8x128xi32> to vector<32x1x8x128xi32>
    %slice3A_543 = vector.extract_strided_slice %reshape3A_541 {offsets = [0, 0, 0, 0], sizes = [32, 1, 8, 128], strides = [1, 1, 1, 1]} : vector<32x2x8x128xi32> to vector<32x1x8x128xi32>
    %concatenate3A_544 = tpu.concatenate %slice3A_542, %slice3A_543 in 1 : vector<32x1x8x128xi32>, vector<32x1x8x128xi32> -> vector<32x2x8x128xi32>
    %reshape3A_545 = vector.shape_cast %concatenate3A_544 : vector<32x2x8x128xi32> to vector<512x128xi32>
    %reshape3A_546 = vector.shape_cast %select_n3A_540 : vector<512x128xi32> to vector<32x2x8x128xi32>
    %slice3A_547 = vector.extract_strided_slice %reshape3A_546 {offsets = [0, 1, 0, 0], sizes = [32, 1, 8, 128], strides = [1, 1, 1, 1]} : vector<32x2x8x128xi32> to vector<32x1x8x128xi32>
    %slice3A_548 = vector.extract_strided_slice %reshape3A_546 {offsets = [0, 0, 0, 0], sizes = [32, 1, 8, 128], strides = [1, 1, 1, 1]} : vector<32x2x8x128xi32> to vector<32x1x8x128xi32>
    %concatenate3A_549 = tpu.concatenate %slice3A_547, %slice3A_548 in 1 : vector<32x1x8x128xi32>, vector<32x1x8x128xi32> -> vector<32x2x8x128xi32>
    %reshape3A_550 = vector.shape_cast %concatenate3A_549 : vector<32x2x8x128xi32> to vector<512x128xi32>
    %and3A_551 = arith.constant 65535 : i32
    %and3A_552 = vector.broadcast %and3A_551 : i32 to vector<512x128xi32>
    %and3A_553 = arith.andi %select_n3A_540, %and3A_552 : vector<512x128xi32>
    %and3A_554 = arith.constant 65535 : i32
    %and3A_555 = vector.broadcast %and3A_554 : i32 to vector<512x128xi32>
    %and3A_556 = arith.andi %reshape3A_550, %and3A_555 : vector<512x128xi32>
    %gt3A_557 = arith.cmpi sgt, %select_n3A_539, %reshape3A_545 : vector<512x128xi32>
    %eq3A_558 = arith.cmpi eq, %select_n3A_539, %reshape3A_545 : vector<512x128xi32>
    %gt3A_559 = arith.cmpi sgt, %and3A_553, %and3A_556 : vector<512x128xi32>
    %and3A_560 = arith.andi %eq3A_558, %gt3A_559 : vector<512x128xi1>
    %or3A_561 = arith.ori %gt3A_557, %and3A_560 : vector<512x128xi1>
    %and3A_562 = arith.constant 8 : i32
    %and3A_563 = vector.broadcast %and3A_562 : i32 to vector<512x128xi32>
    %and3A_564 = arith.andi %iota3A, %and3A_563 : vector<512x128xi32>
    %ne3A_565 = arith.constant 0 : i32
    %ne3A_566 = vector.broadcast %ne3A_565 : i32 to vector<512x128xi32>
    %ne3A_567 = arith.cmpi ne, %and3A_564, %ne3A_566 : vector<512x128xi32>
    %eq3A_568 = arith.xori %ne3A_567, %eq3A_507 : vector<512x128xi1>
    %eq3A_569 = arith.constant dense<true> : vector<512x128xi1>
    %eq3A_570 = arith.xori %eq3A_568, %eq3A_569 : vector<512x128xi1>
    %xor3A_571 = arith.xori %or3A_561, %eq3A_570 : vector<512x128xi1>
    %select_n3A_572 = arith.select %xor3A_571, %reshape3A_545, %select_n3A_539 : vector<512x128xi1>, vector<512x128xi32>
    %select_n3A_573 = arith.select %xor3A_571, %reshape3A_550, %select_n3A_540 : vector<512x128xi1>, vector<512x128xi32>
    %roll3A_574 = arith.constant 508 : i32
    %roll3A_575 = tpu.dynamic_rotate %select_n3A_572 by %roll3A_574 dim 0 : vector<512x128xi32>, i32 -> vector<512x128xi32>
    %roll3A_576 = arith.constant 4 : i32
    %roll3A_577 = tpu.dynamic_rotate %select_n3A_572 by %roll3A_576 dim 0 : vector<512x128xi32>, i32 -> vector<512x128xi32>
    %iota3A_578 = tpu.iota {dimensions = array<i32: 0>} : vector<512x128xi32>
    %and3A_579 = arith.constant 4 : i32
    %and3A_580 = vector.broadcast %and3A_579 : i32 to vector<512x128xi32>
    %and3A_581 = arith.andi %iota3A_578, %and3A_580 : vector<512x128xi32>
    %ne3A_582 = arith.constant 0 : i32
    %ne3A_583 = vector.broadcast %ne3A_582 : i32 to vector<512x128xi32>
    %ne3A_584 = arith.cmpi ne, %and3A_581, %ne3A_583 : vector<512x128xi32>
    %select_n3A_585 = arith.select %ne3A_584, %roll3A_577, %roll3A_575 : vector<512x128xi1>, vector<512x128xi32>
    %roll3A_586 = arith.constant 508 : i32
    %roll3A_587 = tpu.dynamic_rotate %select_n3A_573 by %roll3A_586 dim 0 : vector<512x128xi32>, i32 -> vector<512x128xi32>
    %roll3A_588 = arith.constant 4 : i32
    %roll3A_589 = tpu.dynamic_rotate %select_n3A_573 by %roll3A_588 dim 0 : vector<512x128xi32>, i32 -> vector<512x128xi32>
    %iota3A_590 = tpu.iota {dimensions = array<i32: 0>} : vector<512x128xi32>
    %and3A_591 = arith.constant 4 : i32
    %and3A_592 = vector.broadcast %and3A_591 : i32 to vector<512x128xi32>
    %and3A_593 = arith.andi %iota3A_590, %and3A_592 : vector<512x128xi32>
    %ne3A_594 = arith.constant 0 : i32
    %ne3A_595 = vector.broadcast %ne3A_594 : i32 to vector<512x128xi32>
    %ne3A_596 = arith.cmpi ne, %and3A_593, %ne3A_595 : vector<512x128xi32>
    %select_n3A_597 = arith.select %ne3A_596, %roll3A_589, %roll3A_587 : vector<512x128xi1>, vector<512x128xi32>
    %and3A_598 = arith.constant 65535 : i32
    %and3A_599 = vector.broadcast %and3A_598 : i32 to vector<512x128xi32>
    %and3A_600 = arith.andi %select_n3A_573, %and3A_599 : vector<512x128xi32>
    %and3A_601 = arith.constant 65535 : i32
    %and3A_602 = vector.broadcast %and3A_601 : i32 to vector<512x128xi32>
    %and3A_603 = arith.andi %select_n3A_597, %and3A_602 : vector<512x128xi32>
    %gt3A_604 = arith.cmpi sgt, %select_n3A_572, %select_n3A_585 : vector<512x128xi32>
    %eq3A_605 = arith.cmpi eq, %select_n3A_572, %select_n3A_585 : vector<512x128xi32>
    %gt3A_606 = arith.cmpi sgt, %and3A_600, %and3A_603 : vector<512x128xi32>
    %and3A_607 = arith.andi %eq3A_605, %gt3A_606 : vector<512x128xi1>
    %or3A_608 = arith.ori %gt3A_604, %and3A_607 : vector<512x128xi1>
    %and3A_609 = arith.constant 4 : i32
    %and3A_610 = vector.broadcast %and3A_609 : i32 to vector<512x128xi32>
    %and3A_611 = arith.andi %iota3A, %and3A_610 : vector<512x128xi32>
    %ne3A_612 = arith.constant 0 : i32
    %ne3A_613 = vector.broadcast %ne3A_612 : i32 to vector<512x128xi32>
    %ne3A_614 = arith.cmpi ne, %and3A_611, %ne3A_613 : vector<512x128xi32>
    %eq3A_615 = arith.xori %ne3A_614, %eq3A_507 : vector<512x128xi1>
    %eq3A_616 = arith.constant dense<true> : vector<512x128xi1>
    %eq3A_617 = arith.xori %eq3A_615, %eq3A_616 : vector<512x128xi1>
    %xor3A_618 = arith.xori %or3A_608, %eq3A_617 : vector<512x128xi1>
    %select_n3A_619 = arith.select %xor3A_618, %select_n3A_585, %select_n3A_572 : vector<512x128xi1>, vector<512x128xi32>
    %select_n3A_620 = arith.select %xor3A_618, %select_n3A_597, %select_n3A_573 : vector<512x128xi1>, vector<512x128xi32>
    %roll3A_621 = arith.constant 510 : i32
    %roll3A_622 = tpu.dynamic_rotate %select_n3A_619 by %roll3A_621 dim 0 : vector<512x128xi32>, i32 -> vector<512x128xi32>
    %roll3A_623 = arith.constant 2 : i32
    %roll3A_624 = tpu.dynamic_rotate %select_n3A_619 by %roll3A_623 dim 0 : vector<512x128xi32>, i32 -> vector<512x128xi32>
    %iota3A_625 = tpu.iota {dimensions = array<i32: 0>} : vector<512x128xi32>
    %and3A_626 = arith.constant 2 : i32
    %and3A_627 = vector.broadcast %and3A_626 : i32 to vector<512x128xi32>
    %and3A_628 = arith.andi %iota3A_625, %and3A_627 : vector<512x128xi32>
    %ne3A_629 = arith.constant 0 : i32
    %ne3A_630 = vector.broadcast %ne3A_629 : i32 to vector<512x128xi32>
    %ne3A_631 = arith.cmpi ne, %and3A_628, %ne3A_630 : vector<512x128xi32>
    %select_n3A_632 = arith.select %ne3A_631, %roll3A_624, %roll3A_622 : vector<512x128xi1>, vector<512x128xi32>
    %roll3A_633 = arith.constant 510 : i32
    %roll3A_634 = tpu.dynamic_rotate %select_n3A_620 by %roll3A_633 dim 0 : vector<512x128xi32>, i32 -> vector<512x128xi32>
    %roll3A_635 = arith.constant 2 : i32
    %roll3A_636 = tpu.dynamic_rotate %select_n3A_620 by %roll3A_635 dim 0 : vector<512x128xi32>, i32 -> vector<512x128xi32>
    %iota3A_637 = tpu.iota {dimensions = array<i32: 0>} : vector<512x128xi32>
    %and3A_638 = arith.constant 2 : i32
    %and3A_639 = vector.broadcast %and3A_638 : i32 to vector<512x128xi32>
    %and3A_640 = arith.andi %iota3A_637, %and3A_639 : vector<512x128xi32>
    %ne3A_641 = arith.constant 0 : i32
    %ne3A_642 = vector.broadcast %ne3A_641 : i32 to vector<512x128xi32>
    %ne3A_643 = arith.cmpi ne, %and3A_640, %ne3A_642 : vector<512x128xi32>
    %select_n3A_644 = arith.select %ne3A_643, %roll3A_636, %roll3A_634 : vector<512x128xi1>, vector<512x128xi32>
    %and3A_645 = arith.constant 65535 : i32
    %and3A_646 = vector.broadcast %and3A_645 : i32 to vector<512x128xi32>
    %and3A_647 = arith.andi %select_n3A_620, %and3A_646 : vector<512x128xi32>
    %and3A_648 = arith.constant 65535 : i32
    %and3A_649 = vector.broadcast %and3A_648 : i32 to vector<512x128xi32>
    %and3A_650 = arith.andi %select_n3A_644, %and3A_649 : vector<512x128xi32>
    %gt3A_651 = arith.cmpi sgt, %select_n3A_619, %select_n3A_632 : vector<512x128xi32>
    %eq3A_652 = arith.cmpi eq, %select_n3A_619, %select_n3A_632 : vector<512x128xi32>
    %gt3A_653 = arith.cmpi sgt, %and3A_647, %and3A_650 : vector<512x128xi32>
    %and3A_654 = arith.andi %eq3A_652, %gt3A_653 : vector<512x128xi1>
    %or3A_655 = arith.ori %gt3A_651, %and3A_654 : vector<512x128xi1>
    %and3A_656 = arith.constant 2 : i32
    %and3A_657 = vector.broadcast %and3A_656 : i32 to vector<512x128xi32>
    %and3A_658 = arith.andi %iota3A, %and3A_657 : vector<512x128xi32>
    %ne3A_659 = arith.constant 0 : i32
    %ne3A_660 = vector.broadcast %ne3A_659 : i32 to vector<512x128xi32>
    %ne3A_661 = arith.cmpi ne, %and3A_658, %ne3A_660 : vector<512x128xi32>
    %eq3A_662 = arith.xori %ne3A_661, %eq3A_507 : vector<512x128xi1>
    %eq3A_663 = arith.constant dense<true> : vector<512x128xi1>
    %eq3A_664 = arith.xori %eq3A_662, %eq3A_663 : vector<512x128xi1>
    %xor3A_665 = arith.xori %or3A_655, %eq3A_664 : vector<512x128xi1>
    %select_n3A_666 = arith.select %xor3A_665, %select_n3A_632, %select_n3A_619 : vector<512x128xi1>, vector<512x128xi32>
    %select_n3A_667 = arith.select %xor3A_665, %select_n3A_644, %select_n3A_620 : vector<512x128xi1>, vector<512x128xi32>
    %roll3A_668 = arith.constant 511 : i32
    %roll3A_669 = tpu.dynamic_rotate %select_n3A_666 by %roll3A_668 dim 0 : vector<512x128xi32>, i32 -> vector<512x128xi32>
    %roll3A_670 = arith.constant 1 : i32
    %roll3A_671 = tpu.dynamic_rotate %select_n3A_666 by %roll3A_670 dim 0 : vector<512x128xi32>, i32 -> vector<512x128xi32>
    %iota3A_672 = tpu.iota {dimensions = array<i32: 0>} : vector<512x128xi32>
    %and3A_673 = arith.constant 1 : i32
    %and3A_674 = vector.broadcast %and3A_673 : i32 to vector<512x128xi32>
    %and3A_675 = arith.andi %iota3A_672, %and3A_674 : vector<512x128xi32>
    %ne3A_676 = arith.constant 0 : i32
    %ne3A_677 = vector.broadcast %ne3A_676 : i32 to vector<512x128xi32>
    %ne3A_678 = arith.cmpi ne, %and3A_675, %ne3A_677 : vector<512x128xi32>
    %select_n3A_679 = arith.select %ne3A_678, %roll3A_671, %roll3A_669 : vector<512x128xi1>, vector<512x128xi32>
    %roll3A_680 = arith.constant 511 : i32
    %roll3A_681 = tpu.dynamic_rotate %select_n3A_667 by %roll3A_680 dim 0 : vector<512x128xi32>, i32 -> vector<512x128xi32>
    %roll3A_682 = arith.constant 1 : i32
    %roll3A_683 = tpu.dynamic_rotate %select_n3A_667 by %roll3A_682 dim 0 : vector<512x128xi32>, i32 -> vector<512x128xi32>
    %iota3A_684 = tpu.iota {dimensions = array<i32: 0>} : vector<512x128xi32>
    %and3A_685 = arith.constant 1 : i32
    %and3A_686 = vector.broadcast %and3A_685 : i32 to vector<512x128xi32>
    %and3A_687 = arith.andi %iota3A_684, %and3A_686 : vector<512x128xi32>
    %ne3A_688 = arith.constant 0 : i32
    %ne3A_689 = vector.broadcast %ne3A_688 : i32 to vector<512x128xi32>
    %ne3A_690 = arith.cmpi ne, %and3A_687, %ne3A_689 : vector<512x128xi32>
    %select_n3A_691 = arith.select %ne3A_690, %roll3A_683, %roll3A_681 : vector<512x128xi1>, vector<512x128xi32>
    %and3A_692 = arith.constant 65535 : i32
    %and3A_693 = vector.broadcast %and3A_692 : i32 to vector<512x128xi32>
    %and3A_694 = arith.andi %select_n3A_667, %and3A_693 : vector<512x128xi32>
    %and3A_695 = arith.constant 65535 : i32
    %and3A_696 = vector.broadcast %and3A_695 : i32 to vector<512x128xi32>
    %and3A_697 = arith.andi %select_n3A_691, %and3A_696 : vector<512x128xi32>
    %gt3A_698 = arith.cmpi sgt, %select_n3A_666, %select_n3A_679 : vector<512x128xi32>
    %eq3A_699 = arith.cmpi eq, %select_n3A_666, %select_n3A_679 : vector<512x128xi32>
    %gt3A_700 = arith.cmpi sgt, %and3A_694, %and3A_697 : vector<512x128xi32>
    %and3A_701 = arith.andi %eq3A_699, %gt3A_700 : vector<512x128xi1>
    %or3A_702 = arith.ori %gt3A_698, %and3A_701 : vector<512x128xi1>
    %and3A_703 = arith.constant 1 : i32
    %and3A_704 = vector.broadcast %and3A_703 : i32 to vector<512x128xi32>
    %and3A_705 = arith.andi %iota3A, %and3A_704 : vector<512x128xi32>
    %ne3A_706 = arith.constant 0 : i32
    %ne3A_707 = vector.broadcast %ne3A_706 : i32 to vector<512x128xi32>
    %ne3A_708 = arith.cmpi ne, %and3A_705, %ne3A_707 : vector<512x128xi32>
    %eq3A_709 = arith.xori %ne3A_708, %eq3A_507 : vector<512x128xi1>
    %eq3A_710 = arith.constant dense<true> : vector<512x128xi1>
    %eq3A_711 = arith.xori %eq3A_709, %eq3A_710 : vector<512x128xi1>
    %xor3A_712 = arith.xori %or3A_702, %eq3A_711 : vector<512x128xi1>
    %select_n3A_713 = arith.select %xor3A_712, %select_n3A_679, %select_n3A_666 : vector<512x128xi1>, vector<512x128xi32>
    %select_n3A_714 = arith.select %xor3A_712, %select_n3A_691, %select_n3A_667 : vector<512x128xi1>, vector<512x128xi32>
    %shift_right_arithmetic3A_715 = arith.constant 6 : i32
    %shift_right_arithmetic3A_716 = vector.broadcast %shift_right_arithmetic3A_715 : i32 to vector<512x128xi32>
    %shift_right_arithmetic3A_717 = arith.shrsi %add3A_6, %shift_right_arithmetic3A_716 : vector<512x128xi32>
    %and3A_718 = arith.constant 1 : i32
    %and3A_719 = vector.broadcast %and3A_718 : i32 to vector<512x128xi32>
    %and3A_720 = arith.andi %shift_right_arithmetic3A_717, %and3A_719 : vector<512x128xi32>
    %eq3A_721 = arith.constant 0 : i32
    %eq3A_722 = vector.broadcast %eq3A_721 : i32 to vector<512x128xi32>
    %eq3A_723 = arith.cmpi eq, %and3A_720, %eq3A_722 : vector<512x128xi32>
    %reshape3A_724 = vector.shape_cast %select_n3A_713 : vector<512x128xi32> to vector<8x2x32x128xi32>
    %slice3A_725 = vector.extract_strided_slice %reshape3A_724 {offsets = [0, 1, 0, 0], sizes = [8, 1, 32, 128], strides = [1, 1, 1, 1]} : vector<8x2x32x128xi32> to vector<8x1x32x128xi32>
    %slice3A_726 = vector.extract_strided_slice %reshape3A_724 {offsets = [0, 0, 0, 0], sizes = [8, 1, 32, 128], strides = [1, 1, 1, 1]} : vector<8x2x32x128xi32> to vector<8x1x32x128xi32>
    %concatenate3A_727 = tpu.concatenate %slice3A_725, %slice3A_726 in 1 : vector<8x1x32x128xi32>, vector<8x1x32x128xi32> -> vector<8x2x32x128xi32>
    %reshape3A_728 = vector.shape_cast %concatenate3A_727 : vector<8x2x32x128xi32> to vector<512x128xi32>
    %reshape3A_729 = vector.shape_cast %select_n3A_714 : vector<512x128xi32> to vector<8x2x32x128xi32>
    %slice3A_730 = vector.extract_strided_slice %reshape3A_729 {offsets = [0, 1, 0, 0], sizes = [8, 1, 32, 128], strides = [1, 1, 1, 1]} : vector<8x2x32x128xi32> to vector<8x1x32x128xi32>
    %slice3A_731 = vector.extract_strided_slice %reshape3A_729 {offsets = [0, 0, 0, 0], sizes = [8, 1, 32, 128], strides = [1, 1, 1, 1]} : vector<8x2x32x128xi32> to vector<8x1x32x128xi32>
    %concatenate3A_732 = tpu.concatenate %slice3A_730, %slice3A_731 in 1 : vector<8x1x32x128xi32>, vector<8x1x32x128xi32> -> vector<8x2x32x128xi32>
    %reshape3A_733 = vector.shape_cast %concatenate3A_732 : vector<8x2x32x128xi32> to vector<512x128xi32>
    %and3A_734 = arith.constant 65535 : i32
    %and3A_735 = vector.broadcast %and3A_734 : i32 to vector<512x128xi32>
    %and3A_736 = arith.andi %select_n3A_714, %and3A_735 : vector<512x128xi32>
    %and3A_737 = arith.constant 65535 : i32
    %and3A_738 = vector.broadcast %and3A_737 : i32 to vector<512x128xi32>
    %and3A_739 = arith.andi %reshape3A_733, %and3A_738 : vector<512x128xi32>
    %gt3A_740 = arith.cmpi sgt, %select_n3A_713, %reshape3A_728 : vector<512x128xi32>
    %eq3A_741 = arith.cmpi eq, %select_n3A_713, %reshape3A_728 : vector<512x128xi32>
    %gt3A_742 = arith.cmpi sgt, %and3A_736, %and3A_739 : vector<512x128xi32>
    %and3A_743 = arith.andi %eq3A_741, %gt3A_742 : vector<512x128xi1>
    %or3A_744 = arith.ori %gt3A_740, %and3A_743 : vector<512x128xi1>
    %and3A_745 = arith.constant 32 : i32
    %and3A_746 = vector.broadcast %and3A_745 : i32 to vector<512x128xi32>
    %and3A_747 = arith.andi %iota3A, %and3A_746 : vector<512x128xi32>
    %ne3A_748 = arith.constant 0 : i32
    %ne3A_749 = vector.broadcast %ne3A_748 : i32 to vector<512x128xi32>
    %ne3A_750 = arith.cmpi ne, %and3A_747, %ne3A_749 : vector<512x128xi32>
    %eq3A_751 = arith.xori %ne3A_750, %eq3A_723 : vector<512x128xi1>
    %eq3A_752 = arith.constant dense<true> : vector<512x128xi1>
    %eq3A_753 = arith.xori %eq3A_751, %eq3A_752 : vector<512x128xi1>
    %xor3A_754 = arith.xori %or3A_744, %eq3A_753 : vector<512x128xi1>
    %select_n3A_755 = arith.select %xor3A_754, %reshape3A_728, %select_n3A_713 : vector<512x128xi1>, vector<512x128xi32>
    %select_n3A_756 = arith.select %xor3A_754, %reshape3A_733, %select_n3A_714 : vector<512x128xi1>, vector<512x128xi32>
    %reshape3A_757 = vector.shape_cast %select_n3A_755 : vector<512x128xi32> to vector<16x2x16x128xi32>
    %slice3A_758 = vector.extract_strided_slice %reshape3A_757 {offsets = [0, 1, 0, 0], sizes = [16, 1, 16, 128], strides = [1, 1, 1, 1]} : vector<16x2x16x128xi32> to vector<16x1x16x128xi32>
    %slice3A_759 = vector.extract_strided_slice %reshape3A_757 {offsets = [0, 0, 0, 0], sizes = [16, 1, 16, 128], strides = [1, 1, 1, 1]} : vector<16x2x16x128xi32> to vector<16x1x16x128xi32>
    %concatenate3A_760 = tpu.concatenate %slice3A_758, %slice3A_759 in 1 : vector<16x1x16x128xi32>, vector<16x1x16x128xi32> -> vector<16x2x16x128xi32>
    %reshape3A_761 = vector.shape_cast %concatenate3A_760 : vector<16x2x16x128xi32> to vector<512x128xi32>
    %reshape3A_762 = vector.shape_cast %select_n3A_756 : vector<512x128xi32> to vector<16x2x16x128xi32>
    %slice3A_763 = vector.extract_strided_slice %reshape3A_762 {offsets = [0, 1, 0, 0], sizes = [16, 1, 16, 128], strides = [1, 1, 1, 1]} : vector<16x2x16x128xi32> to vector<16x1x16x128xi32>
    %slice3A_764 = vector.extract_strided_slice %reshape3A_762 {offsets = [0, 0, 0, 0], sizes = [16, 1, 16, 128], strides = [1, 1, 1, 1]} : vector<16x2x16x128xi32> to vector<16x1x16x128xi32>
    %concatenate3A_765 = tpu.concatenate %slice3A_763, %slice3A_764 in 1 : vector<16x1x16x128xi32>, vector<16x1x16x128xi32> -> vector<16x2x16x128xi32>
    %reshape3A_766 = vector.shape_cast %concatenate3A_765 : vector<16x2x16x128xi32> to vector<512x128xi32>
    %and3A_767 = arith.constant 65535 : i32
    %and3A_768 = vector.broadcast %and3A_767 : i32 to vector<512x128xi32>
    %and3A_769 = arith.andi %select_n3A_756, %and3A_768 : vector<512x128xi32>
    %and3A_770 = arith.constant 65535 : i32
    %and3A_771 = vector.broadcast %and3A_770 : i32 to vector<512x128xi32>
    %and3A_772 = arith.andi %reshape3A_766, %and3A_771 : vector<512x128xi32>
    %gt3A_773 = arith.cmpi sgt, %select_n3A_755, %reshape3A_761 : vector<512x128xi32>
    %eq3A_774 = arith.cmpi eq, %select_n3A_755, %reshape3A_761 : vector<512x128xi32>
    %gt3A_775 = arith.cmpi sgt, %and3A_769, %and3A_772 : vector<512x128xi32>
    %and3A_776 = arith.andi %eq3A_774, %gt3A_775 : vector<512x128xi1>
    %or3A_777 = arith.ori %gt3A_773, %and3A_776 : vector<512x128xi1>
    %and3A_778 = arith.constant 16 : i32
    %and3A_779 = vector.broadcast %and3A_778 : i32 to vector<512x128xi32>
    %and3A_780 = arith.andi %iota3A, %and3A_779 : vector<512x128xi32>
    %ne3A_781 = arith.constant 0 : i32
    %ne3A_782 = vector.broadcast %ne3A_781 : i32 to vector<512x128xi32>
    %ne3A_783 = arith.cmpi ne, %and3A_780, %ne3A_782 : vector<512x128xi32>
    %eq3A_784 = arith.xori %ne3A_783, %eq3A_723 : vector<512x128xi1>
    %eq3A_785 = arith.constant dense<true> : vector<512x128xi1>
    %eq3A_786 = arith.xori %eq3A_784, %eq3A_785 : vector<512x128xi1>
    %xor3A_787 = arith.xori %or3A_777, %eq3A_786 : vector<512x128xi1>
    %select_n3A_788 = arith.select %xor3A_787, %reshape3A_761, %select_n3A_755 : vector<512x128xi1>, vector<512x128xi32>
    %select_n3A_789 = arith.select %xor3A_787, %reshape3A_766, %select_n3A_756 : vector<512x128xi1>, vector<512x128xi32>
    %reshape3A_790 = vector.shape_cast %select_n3A_788 : vector<512x128xi32> to vector<32x2x8x128xi32>
    %slice3A_791 = vector.extract_strided_slice %reshape3A_790 {offsets = [0, 1, 0, 0], sizes = [32, 1, 8, 128], strides = [1, 1, 1, 1]} : vector<32x2x8x128xi32> to vector<32x1x8x128xi32>
    %slice3A_792 = vector.extract_strided_slice %reshape3A_790 {offsets = [0, 0, 0, 0], sizes = [32, 1, 8, 128], strides = [1, 1, 1, 1]} : vector<32x2x8x128xi32> to vector<32x1x8x128xi32>
    %concatenate3A_793 = tpu.concatenate %slice3A_791, %slice3A_792 in 1 : vector<32x1x8x128xi32>, vector<32x1x8x128xi32> -> vector<32x2x8x128xi32>
    %reshape3A_794 = vector.shape_cast %concatenate3A_793 : vector<32x2x8x128xi32> to vector<512x128xi32>
    %reshape3A_795 = vector.shape_cast %select_n3A_789 : vector<512x128xi32> to vector<32x2x8x128xi32>
    %slice3A_796 = vector.extract_strided_slice %reshape3A_795 {offsets = [0, 1, 0, 0], sizes = [32, 1, 8, 128], strides = [1, 1, 1, 1]} : vector<32x2x8x128xi32> to vector<32x1x8x128xi32>
    %slice3A_797 = vector.extract_strided_slice %reshape3A_795 {offsets = [0, 0, 0, 0], sizes = [32, 1, 8, 128], strides = [1, 1, 1, 1]} : vector<32x2x8x128xi32> to vector<32x1x8x128xi32>
    %concatenate3A_798 = tpu.concatenate %slice3A_796, %slice3A_797 in 1 : vector<32x1x8x128xi32>, vector<32x1x8x128xi32> -> vector<32x2x8x128xi32>
    %reshape3A_799 = vector.shape_cast %concatenate3A_798 : vector<32x2x8x128xi32> to vector<512x128xi32>
    %and3A_800 = arith.constant 65535 : i32
    %and3A_801 = vector.broadcast %and3A_800 : i32 to vector<512x128xi32>
    %and3A_802 = arith.andi %select_n3A_789, %and3A_801 : vector<512x128xi32>
    %and3A_803 = arith.constant 65535 : i32
    %and3A_804 = vector.broadcast %and3A_803 : i32 to vector<512x128xi32>
    %and3A_805 = arith.andi %reshape3A_799, %and3A_804 : vector<512x128xi32>
    %gt3A_806 = arith.cmpi sgt, %select_n3A_788, %reshape3A_794 : vector<512x128xi32>
    %eq3A_807 = arith.cmpi eq, %select_n3A_788, %reshape3A_794 : vector<512x128xi32>
    %gt3A_808 = arith.cmpi sgt, %and3A_802, %and3A_805 : vector<512x128xi32>
    %and3A_809 = arith.andi %eq3A_807, %gt3A_808 : vector<512x128xi1>
    %or3A_810 = arith.ori %gt3A_806, %and3A_809 : vector<512x128xi1>
    %and3A_811 = arith.constant 8 : i32
    %and3A_812 = vector.broadcast %and3A_811 : i32 to vector<512x128xi32>
    %and3A_813 = arith.andi %iota3A, %and3A_812 : vector<512x128xi32>
    %ne3A_814 = arith.constant 0 : i32
    %ne3A_815 = vector.broadcast %ne3A_814 : i32 to vector<512x128xi32>
    %ne3A_816 = arith.cmpi ne, %and3A_813, %ne3A_815 : vector<512x128xi32>
    %eq3A_817 = arith.xori %ne3A_816, %eq3A_723 : vector<512x128xi1>
    %eq3A_818 = arith.constant dense<true> : vector<512x128xi1>
    %eq3A_819 = arith.xori %eq3A_817, %eq3A_818 : vector<512x128xi1>
    %xor3A_820 = arith.xori %or3A_810, %eq3A_819 : vector<512x128xi1>
    %select_n3A_821 = arith.select %xor3A_820, %reshape3A_794, %select_n3A_788 : vector<512x128xi1>, vector<512x128xi32>
    %select_n3A_822 = arith.select %xor3A_820, %reshape3A_799, %select_n3A_789 : vector<512x128xi1>, vector<512x128xi32>
    %roll3A_823 = arith.constant 508 : i32
    %roll3A_824 = tpu.dynamic_rotate %select_n3A_821 by %roll3A_823 dim 0 : vector<512x128xi32>, i32 -> vector<512x128xi32>
    %roll3A_825 = arith.constant 4 : i32
    %roll3A_826 = tpu.dynamic_rotate %select_n3A_821 by %roll3A_825 dim 0 : vector<512x128xi32>, i32 -> vector<512x128xi32>
    %iota3A_827 = tpu.iota {dimensions = array<i32: 0>} : vector<512x128xi32>
    %and3A_828 = arith.constant 4 : i32
    %and3A_829 = vector.broadcast %and3A_828 : i32 to vector<512x128xi32>
    %and3A_830 = arith.andi %iota3A_827, %and3A_829 : vector<512x128xi32>
    %ne3A_831 = arith.constant 0 : i32
    %ne3A_832 = vector.broadcast %ne3A_831 : i32 to vector<512x128xi32>
    %ne3A_833 = arith.cmpi ne, %and3A_830, %ne3A_832 : vector<512x128xi32>
    %select_n3A_834 = arith.select %ne3A_833, %roll3A_826, %roll3A_824 : vector<512x128xi1>, vector<512x128xi32>
    %roll3A_835 = arith.constant 508 : i32
    %roll3A_836 = tpu.dynamic_rotate %select_n3A_822 by %roll3A_835 dim 0 : vector<512x128xi32>, i32 -> vector<512x128xi32>
    %roll3A_837 = arith.constant 4 : i32
    %roll3A_838 = tpu.dynamic_rotate %select_n3A_822 by %roll3A_837 dim 0 : vector<512x128xi32>, i32 -> vector<512x128xi32>
    %iota3A_839 = tpu.iota {dimensions = array<i32: 0>} : vector<512x128xi32>
    %and3A_840 = arith.constant 4 : i32
    %and3A_841 = vector.broadcast %and3A_840 : i32 to vector<512x128xi32>
    %and3A_842 = arith.andi %iota3A_839, %and3A_841 : vector<512x128xi32>
    %ne3A_843 = arith.constant 0 : i32
    %ne3A_844 = vector.broadcast %ne3A_843 : i32 to vector<512x128xi32>
    %ne3A_845 = arith.cmpi ne, %and3A_842, %ne3A_844 : vector<512x128xi32>
    %select_n3A_846 = arith.select %ne3A_845, %roll3A_838, %roll3A_836 : vector<512x128xi1>, vector<512x128xi32>
    %and3A_847 = arith.constant 65535 : i32
    %and3A_848 = vector.broadcast %and3A_847 : i32 to vector<512x128xi32>
    %and3A_849 = arith.andi %select_n3A_822, %and3A_848 : vector<512x128xi32>
    %and3A_850 = arith.constant 65535 : i32
    %and3A_851 = vector.broadcast %and3A_850 : i32 to vector<512x128xi32>
    %and3A_852 = arith.andi %select_n3A_846, %and3A_851 : vector<512x128xi32>
    %gt3A_853 = arith.cmpi sgt, %select_n3A_821, %select_n3A_834 : vector<512x128xi32>
    %eq3A_854 = arith.cmpi eq, %select_n3A_821, %select_n3A_834 : vector<512x128xi32>
    %gt3A_855 = arith.cmpi sgt, %and3A_849, %and3A_852 : vector<512x128xi32>
    %and3A_856 = arith.andi %eq3A_854, %gt3A_855 : vector<512x128xi1>
    %or3A_857 = arith.ori %gt3A_853, %and3A_856 : vector<512x128xi1>
    %and3A_858 = arith.constant 4 : i32
    %and3A_859 = vector.broadcast %and3A_858 : i32 to vector<512x128xi32>
    %and3A_860 = arith.andi %iota3A, %and3A_859 : vector<512x128xi32>
    %ne3A_861 = arith.constant 0 : i32
    %ne3A_862 = vector.broadcast %ne3A_861 : i32 to vector<512x128xi32>
    %ne3A_863 = arith.cmpi ne, %and3A_860, %ne3A_862 : vector<512x128xi32>
    %eq3A_864 = arith.xori %ne3A_863, %eq3A_723 : vector<512x128xi1>
    %eq3A_865 = arith.constant dense<true> : vector<512x128xi1>
    %eq3A_866 = arith.xori %eq3A_864, %eq3A_865 : vector<512x128xi1>
    %xor3A_867 = arith.xori %or3A_857, %eq3A_866 : vector<512x128xi1>
    %select_n3A_868 = arith.select %xor3A_867, %select_n3A_834, %select_n3A_821 : vector<512x128xi1>, vector<512x128xi32>
    %select_n3A_869 = arith.select %xor3A_867, %select_n3A_846, %select_n3A_822 : vector<512x128xi1>, vector<512x128xi32>
    %roll3A_870 = arith.constant 510 : i32
    %roll3A_871 = tpu.dynamic_rotate %select_n3A_868 by %roll3A_870 dim 0 : vector<512x128xi32>, i32 -> vector<512x128xi32>
    %roll3A_872 = arith.constant 2 : i32
    %roll3A_873 = tpu.dynamic_rotate %select_n3A_868 by %roll3A_872 dim 0 : vector<512x128xi32>, i32 -> vector<512x128xi32>
    %iota3A_874 = tpu.iota {dimensions = array<i32: 0>} : vector<512x128xi32>
    %and3A_875 = arith.constant 2 : i32
    %and3A_876 = vector.broadcast %and3A_875 : i32 to vector<512x128xi32>
    %and3A_877 = arith.andi %iota3A_874, %and3A_876 : vector<512x128xi32>
    %ne3A_878 = arith.constant 0 : i32
    %ne3A_879 = vector.broadcast %ne3A_878 : i32 to vector<512x128xi32>
    %ne3A_880 = arith.cmpi ne, %and3A_877, %ne3A_879 : vector<512x128xi32>
    %select_n3A_881 = arith.select %ne3A_880, %roll3A_873, %roll3A_871 : vector<512x128xi1>, vector<512x128xi32>
    %roll3A_882 = arith.constant 510 : i32
    %roll3A_883 = tpu.dynamic_rotate %select_n3A_869 by %roll3A_882 dim 0 : vector<512x128xi32>, i32 -> vector<512x128xi32>
    %roll3A_884 = arith.constant 2 : i32
    %roll3A_885 = tpu.dynamic_rotate %select_n3A_869 by %roll3A_884 dim 0 : vector<512x128xi32>, i32 -> vector<512x128xi32>
    %iota3A_886 = tpu.iota {dimensions = array<i32: 0>} : vector<512x128xi32>
    %and3A_887 = arith.constant 2 : i32
    %and3A_888 = vector.broadcast %and3A_887 : i32 to vector<512x128xi32>
    %and3A_889 = arith.andi %iota3A_886, %and3A_888 : vector<512x128xi32>
    %ne3A_890 = arith.constant 0 : i32
    %ne3A_891 = vector.broadcast %ne3A_890 : i32 to vector<512x128xi32>
    %ne3A_892 = arith.cmpi ne, %and3A_889, %ne3A_891 : vector<512x128xi32>
    %select_n3A_893 = arith.select %ne3A_892, %roll3A_885, %roll3A_883 : vector<512x128xi1>, vector<512x128xi32>
    %and3A_894 = arith.constant 65535 : i32
    %and3A_895 = vector.broadcast %and3A_894 : i32 to vector<512x128xi32>
    %and3A_896 = arith.andi %select_n3A_869, %and3A_895 : vector<512x128xi32>
    %and3A_897 = arith.constant 65535 : i32
    %and3A_898 = vector.broadcast %and3A_897 : i32 to vector<512x128xi32>
    %and3A_899 = arith.andi %select_n3A_893, %and3A_898 : vector<512x128xi32>
    %gt3A_900 = arith.cmpi sgt, %select_n3A_868, %select_n3A_881 : vector<512x128xi32>
    %eq3A_901 = arith.cmpi eq, %select_n3A_868, %select_n3A_881 : vector<512x128xi32>
    %gt3A_902 = arith.cmpi sgt, %and3A_896, %and3A_899 : vector<512x128xi32>
    %and3A_903 = arith.andi %eq3A_901, %gt3A_902 : vector<512x128xi1>
    %or3A_904 = arith.ori %gt3A_900, %and3A_903 : vector<512x128xi1>
    %and3A_905 = arith.constant 2 : i32
    %and3A_906 = vector.broadcast %and3A_905 : i32 to vector<512x128xi32>
    %and3A_907 = arith.andi %iota3A, %and3A_906 : vector<512x128xi32>
    %ne3A_908 = arith.constant 0 : i32
    %ne3A_909 = vector.broadcast %ne3A_908 : i32 to vector<512x128xi32>
    %ne3A_910 = arith.cmpi ne, %and3A_907, %ne3A_909 : vector<512x128xi32>
    %eq3A_911 = arith.xori %ne3A_910, %eq3A_723 : vector<512x128xi1>
    %eq3A_912 = arith.constant dense<true> : vector<512x128xi1>
    %eq3A_913 = arith.xori %eq3A_911, %eq3A_912 : vector<512x128xi1>
    %xor3A_914 = arith.xori %or3A_904, %eq3A_913 : vector<512x128xi1>
    %select_n3A_915 = arith.select %xor3A_914, %select_n3A_881, %select_n3A_868 : vector<512x128xi1>, vector<512x128xi32>
    %select_n3A_916 = arith.select %xor3A_914, %select_n3A_893, %select_n3A_869 : vector<512x128xi1>, vector<512x128xi32>
    %roll3A_917 = arith.constant 511 : i32
    %roll3A_918 = tpu.dynamic_rotate %select_n3A_915 by %roll3A_917 dim 0 : vector<512x128xi32>, i32 -> vector<512x128xi32>
    %roll3A_919 = arith.constant 1 : i32
    %roll3A_920 = tpu.dynamic_rotate %select_n3A_915 by %roll3A_919 dim 0 : vector<512x128xi32>, i32 -> vector<512x128xi32>
    %iota3A_921 = tpu.iota {dimensions = array<i32: 0>} : vector<512x128xi32>
    %and3A_922 = arith.constant 1 : i32
    %and3A_923 = vector.broadcast %and3A_922 : i32 to vector<512x128xi32>
    %and3A_924 = arith.andi %iota3A_921, %and3A_923 : vector<512x128xi32>
    %ne3A_925 = arith.constant 0 : i32
    %ne3A_926 = vector.broadcast %ne3A_925 : i32 to vector<512x128xi32>
    %ne3A_927 = arith.cmpi ne, %and3A_924, %ne3A_926 : vector<512x128xi32>
    %select_n3A_928 = arith.select %ne3A_927, %roll3A_920, %roll3A_918 : vector<512x128xi1>, vector<512x128xi32>
    %roll3A_929 = arith.constant 511 : i32
    %roll3A_930 = tpu.dynamic_rotate %select_n3A_916 by %roll3A_929 dim 0 : vector<512x128xi32>, i32 -> vector<512x128xi32>
    %roll3A_931 = arith.constant 1 : i32
    %roll3A_932 = tpu.dynamic_rotate %select_n3A_916 by %roll3A_931 dim 0 : vector<512x128xi32>, i32 -> vector<512x128xi32>
    %iota3A_933 = tpu.iota {dimensions = array<i32: 0>} : vector<512x128xi32>
    %and3A_934 = arith.constant 1 : i32
    %and3A_935 = vector.broadcast %and3A_934 : i32 to vector<512x128xi32>
    %and3A_936 = arith.andi %iota3A_933, %and3A_935 : vector<512x128xi32>
    %ne3A_937 = arith.constant 0 : i32
    %ne3A_938 = vector.broadcast %ne3A_937 : i32 to vector<512x128xi32>
    %ne3A_939 = arith.cmpi ne, %and3A_936, %ne3A_938 : vector<512x128xi32>
    %select_n3A_940 = arith.select %ne3A_939, %roll3A_932, %roll3A_930 : vector<512x128xi1>, vector<512x128xi32>
    %and3A_941 = arith.constant 65535 : i32
    %and3A_942 = vector.broadcast %and3A_941 : i32 to vector<512x128xi32>
    %and3A_943 = arith.andi %select_n3A_916, %and3A_942 : vector<512x128xi32>
    %and3A_944 = arith.constant 65535 : i32
    %and3A_945 = vector.broadcast %and3A_944 : i32 to vector<512x128xi32>
    %and3A_946 = arith.andi %select_n3A_940, %and3A_945 : vector<512x128xi32>
    %gt3A_947 = arith.cmpi sgt, %select_n3A_915, %select_n3A_928 : vector<512x128xi32>
    %eq3A_948 = arith.cmpi eq, %select_n3A_915, %select_n3A_928 : vector<512x128xi32>
    %gt3A_949 = arith.cmpi sgt, %and3A_943, %and3A_946 : vector<512x128xi32>
    %and3A_950 = arith.andi %eq3A_948, %gt3A_949 : vector<512x128xi1>
    %or3A_951 = arith.ori %gt3A_947, %and3A_950 : vector<512x128xi1>
    %and3A_952 = arith.constant 1 : i32
    %and3A_953 = vector.broadcast %and3A_952 : i32 to vector<512x128xi32>
    %and3A_954 = arith.andi %iota3A, %and3A_953 : vector<512x128xi32>
    %ne3A_955 = arith.constant 0 : i32
    %ne3A_956 = vector.broadcast %ne3A_955 : i32 to vector<512x128xi32>
    %ne3A_957 = arith.cmpi ne, %and3A_954, %ne3A_956 : vector<512x128xi32>
    %eq3A_958 = arith.xori %ne3A_957, %eq3A_723 : vector<512x128xi1>
    %eq3A_959 = arith.constant dense<true> : vector<512x128xi1>
    %eq3A_960 = arith.xori %eq3A_958, %eq3A_959 : vector<512x128xi1>
    %xor3A_961 = arith.xori %or3A_951, %eq3A_960 : vector<512x128xi1>
    %select_n3A_962 = arith.select %xor3A_961, %select_n3A_928, %select_n3A_915 : vector<512x128xi1>, vector<512x128xi32>
    %select_n3A_963 = arith.select %xor3A_961, %select_n3A_940, %select_n3A_916 : vector<512x128xi1>, vector<512x128xi32>
    %shift_right_arithmetic3A_964 = arith.constant 7 : i32
    %shift_right_arithmetic3A_965 = vector.broadcast %shift_right_arithmetic3A_964 : i32 to vector<512x128xi32>
    %shift_right_arithmetic3A_966 = arith.shrsi %add3A_6, %shift_right_arithmetic3A_965 : vector<512x128xi32>
    %and3A_967 = arith.constant 1 : i32
    %and3A_968 = vector.broadcast %and3A_967 : i32 to vector<512x128xi32>
    %and3A_969 = arith.andi %shift_right_arithmetic3A_966, %and3A_968 : vector<512x128xi32>
    %eq3A_970 = arith.constant 0 : i32
    %eq3A_971 = vector.broadcast %eq3A_970 : i32 to vector<512x128xi32>
    %eq3A_972 = arith.cmpi eq, %and3A_969, %eq3A_971 : vector<512x128xi32>
    %reshape3A_973 = vector.shape_cast %select_n3A_962 : vector<512x128xi32> to vector<4x2x64x128xi32>
    %slice3A_974 = vector.extract_strided_slice %reshape3A_973 {offsets = [0, 1, 0, 0], sizes = [4, 1, 64, 128], strides = [1, 1, 1, 1]} : vector<4x2x64x128xi32> to vector<4x1x64x128xi32>
    %slice3A_975 = vector.extract_strided_slice %reshape3A_973 {offsets = [0, 0, 0, 0], sizes = [4, 1, 64, 128], strides = [1, 1, 1, 1]} : vector<4x2x64x128xi32> to vector<4x1x64x128xi32>
    %concatenate3A_976 = tpu.concatenate %slice3A_974, %slice3A_975 in 1 : vector<4x1x64x128xi32>, vector<4x1x64x128xi32> -> vector<4x2x64x128xi32>
    %reshape3A_977 = vector.shape_cast %concatenate3A_976 : vector<4x2x64x128xi32> to vector<512x128xi32>
    %reshape3A_978 = vector.shape_cast %select_n3A_963 : vector<512x128xi32> to vector<4x2x64x128xi32>
    %slice3A_979 = vector.extract_strided_slice %reshape3A_978 {offsets = [0, 1, 0, 0], sizes = [4, 1, 64, 128], strides = [1, 1, 1, 1]} : vector<4x2x64x128xi32> to vector<4x1x64x128xi32>
    %slice3A_980 = vector.extract_strided_slice %reshape3A_978 {offsets = [0, 0, 0, 0], sizes = [4, 1, 64, 128], strides = [1, 1, 1, 1]} : vector<4x2x64x128xi32> to vector<4x1x64x128xi32>
    %concatenate3A_981 = tpu.concatenate %slice3A_979, %slice3A_980 in 1 : vector<4x1x64x128xi32>, vector<4x1x64x128xi32> -> vector<4x2x64x128xi32>
    %reshape3A_982 = vector.shape_cast %concatenate3A_981 : vector<4x2x64x128xi32> to vector<512x128xi32>
    %and3A_983 = arith.constant 65535 : i32
    %and3A_984 = vector.broadcast %and3A_983 : i32 to vector<512x128xi32>
    %and3A_985 = arith.andi %select_n3A_963, %and3A_984 : vector<512x128xi32>
    %and3A_986 = arith.constant 65535 : i32
    %and3A_987 = vector.broadcast %and3A_986 : i32 to vector<512x128xi32>
    %and3A_988 = arith.andi %reshape3A_982, %and3A_987 : vector<512x128xi32>
    %gt3A_989 = arith.cmpi sgt, %select_n3A_962, %reshape3A_977 : vector<512x128xi32>
    %eq3A_990 = arith.cmpi eq, %select_n3A_962, %reshape3A_977 : vector<512x128xi32>
    %gt3A_991 = arith.cmpi sgt, %and3A_985, %and3A_988 : vector<512x128xi32>
    %and3A_992 = arith.andi %eq3A_990, %gt3A_991 : vector<512x128xi1>
    %or3A_993 = arith.ori %gt3A_989, %and3A_992 : vector<512x128xi1>
    %and3A_994 = arith.constant 64 : i32
    %and3A_995 = vector.broadcast %and3A_994 : i32 to vector<512x128xi32>
    %and3A_996 = arith.andi %iota3A, %and3A_995 : vector<512x128xi32>
    %ne3A_997 = arith.constant 0 : i32
    %ne3A_998 = vector.broadcast %ne3A_997 : i32 to vector<512x128xi32>
    %ne3A_999 = arith.cmpi ne, %and3A_996, %ne3A_998 : vector<512x128xi32>
    %eq3A_1000 = arith.xori %ne3A_999, %eq3A_972 : vector<512x128xi1>
    %eq3A_1001 = arith.constant dense<true> : vector<512x128xi1>
    %eq3A_1002 = arith.xori %eq3A_1000, %eq3A_1001 : vector<512x128xi1>
    %xor3A_1003 = arith.xori %or3A_993, %eq3A_1002 : vector<512x128xi1>
    %select_n3A_1004 = arith.select %xor3A_1003, %reshape3A_977, %select_n3A_962 : vector<512x128xi1>, vector<512x128xi32>
    %select_n3A_1005 = arith.select %xor3A_1003, %reshape3A_982, %select_n3A_963 : vector<512x128xi1>, vector<512x128xi32>
    %reshape3A_1006 = vector.shape_cast %select_n3A_1004 : vector<512x128xi32> to vector<8x2x32x128xi32>
    %slice3A_1007 = vector.extract_strided_slice %reshape3A_1006 {offsets = [0, 1, 0, 0], sizes = [8, 1, 32, 128], strides = [1, 1, 1, 1]} : vector<8x2x32x128xi32> to vector<8x1x32x128xi32>
    %slice3A_1008 = vector.extract_strided_slice %reshape3A_1006 {offsets = [0, 0, 0, 0], sizes = [8, 1, 32, 128], strides = [1, 1, 1, 1]} : vector<8x2x32x128xi32> to vector<8x1x32x128xi32>
    %concatenate3A_1009 = tpu.concatenate %slice3A_1007, %slice3A_1008 in 1 : vector<8x1x32x128xi32>, vector<8x1x32x128xi32> -> vector<8x2x32x128xi32>
    %reshape3A_1010 = vector.shape_cast %concatenate3A_1009 : vector<8x2x32x128xi32> to vector<512x128xi32>
    %reshape3A_1011 = vector.shape_cast %select_n3A_1005 : vector<512x128xi32> to vector<8x2x32x128xi32>
    %slice3A_1012 = vector.extract_strided_slice %reshape3A_1011 {offsets = [0, 1, 0, 0], sizes = [8, 1, 32, 128], strides = [1, 1, 1, 1]} : vector<8x2x32x128xi32> to vector<8x1x32x128xi32>
    %slice3A_1013 = vector.extract_strided_slice %reshape3A_1011 {offsets = [0, 0, 0, 0], sizes = [8, 1, 32, 128], strides = [1, 1, 1, 1]} : vector<8x2x32x128xi32> to vector<8x1x32x128xi32>
    %concatenate3A_1014 = tpu.concatenate %slice3A_1012, %slice3A_1013 in 1 : vector<8x1x32x128xi32>, vector<8x1x32x128xi32> -> vector<8x2x32x128xi32>
    %reshape3A_1015 = vector.shape_cast %concatenate3A_1014 : vector<8x2x32x128xi32> to vector<512x128xi32>
    %and3A_1016 = arith.constant 65535 : i32
    %and3A_1017 = vector.broadcast %and3A_1016 : i32 to vector<512x128xi32>
    %and3A_1018 = arith.andi %select_n3A_1005, %and3A_1017 : vector<512x128xi32>
    %and3A_1019 = arith.constant 65535 : i32
    %and3A_1020 = vector.broadcast %and3A_1019 : i32 to vector<512x128xi32>
    %and3A_1021 = arith.andi %reshape3A_1015, %and3A_1020 : vector<512x128xi32>
    %gt3A_1022 = arith.cmpi sgt, %select_n3A_1004, %reshape3A_1010 : vector<512x128xi32>
    %eq3A_1023 = arith.cmpi eq, %select_n3A_1004, %reshape3A_1010 : vector<512x128xi32>
    %gt3A_1024 = arith.cmpi sgt, %and3A_1018, %and3A_1021 : vector<512x128xi32>
    %and3A_1025 = arith.andi %eq3A_1023, %gt3A_1024 : vector<512x128xi1>
    %or3A_1026 = arith.ori %gt3A_1022, %and3A_1025 : vector<512x128xi1>
    %and3A_1027 = arith.constant 32 : i32
    %and3A_1028 = vector.broadcast %and3A_1027 : i32 to vector<512x128xi32>
    %and3A_1029 = arith.andi %iota3A, %and3A_1028 : vector<512x128xi32>
    %ne3A_1030 = arith.constant 0 : i32
    %ne3A_1031 = vector.broadcast %ne3A_1030 : i32 to vector<512x128xi32>
    %ne3A_1032 = arith.cmpi ne, %and3A_1029, %ne3A_1031 : vector<512x128xi32>
    %eq3A_1033 = arith.xori %ne3A_1032, %eq3A_972 : vector<512x128xi1>
    %eq3A_1034 = arith.constant dense<true> : vector<512x128xi1>
    %eq3A_1035 = arith.xori %eq3A_1033, %eq3A_1034 : vector<512x128xi1>
    %xor3A_1036 = arith.xori %or3A_1026, %eq3A_1035 : vector<512x128xi1>
    %select_n3A_1037 = arith.select %xor3A_1036, %reshape3A_1010, %select_n3A_1004 : vector<512x128xi1>, vector<512x128xi32>
    %select_n3A_1038 = arith.select %xor3A_1036, %reshape3A_1015, %select_n3A_1005 : vector<512x128xi1>, vector<512x128xi32>
    %reshape3A_1039 = vector.shape_cast %select_n3A_1037 : vector<512x128xi32> to vector<16x2x16x128xi32>
    %slice3A_1040 = vector.extract_strided_slice %reshape3A_1039 {offsets = [0, 1, 0, 0], sizes = [16, 1, 16, 128], strides = [1, 1, 1, 1]} : vector<16x2x16x128xi32> to vector<16x1x16x128xi32>
    %slice3A_1041 = vector.extract_strided_slice %reshape3A_1039 {offsets = [0, 0, 0, 0], sizes = [16, 1, 16, 128], strides = [1, 1, 1, 1]} : vector<16x2x16x128xi32> to vector<16x1x16x128xi32>
    %concatenate3A_1042 = tpu.concatenate %slice3A_1040, %slice3A_1041 in 1 : vector<16x1x16x128xi32>, vector<16x1x16x128xi32> -> vector<16x2x16x128xi32>
    %reshape3A_1043 = vector.shape_cast %concatenate3A_1042 : vector<16x2x16x128xi32> to vector<512x128xi32>
    %reshape3A_1044 = vector.shape_cast %select_n3A_1038 : vector<512x128xi32> to vector<16x2x16x128xi32>
    %slice3A_1045 = vector.extract_strided_slice %reshape3A_1044 {offsets = [0, 1, 0, 0], sizes = [16, 1, 16, 128], strides = [1, 1, 1, 1]} : vector<16x2x16x128xi32> to vector<16x1x16x128xi32>
    %slice3A_1046 = vector.extract_strided_slice %reshape3A_1044 {offsets = [0, 0, 0, 0], sizes = [16, 1, 16, 128], strides = [1, 1, 1, 1]} : vector<16x2x16x128xi32> to vector<16x1x16x128xi32>
    %concatenate3A_1047 = tpu.concatenate %slice3A_1045, %slice3A_1046 in 1 : vector<16x1x16x128xi32>, vector<16x1x16x128xi32> -> vector<16x2x16x128xi32>
    %reshape3A_1048 = vector.shape_cast %concatenate3A_1047 : vector<16x2x16x128xi32> to vector<512x128xi32>
    %and3A_1049 = arith.constant 65535 : i32
    %and3A_1050 = vector.broadcast %and3A_1049 : i32 to vector<512x128xi32>
    %and3A_1051 = arith.andi %select_n3A_1038, %and3A_1050 : vector<512x128xi32>
    %and3A_1052 = arith.constant 65535 : i32
    %and3A_1053 = vector.broadcast %and3A_1052 : i32 to vector<512x128xi32>
    %and3A_1054 = arith.andi %reshape3A_1048, %and3A_1053 : vector<512x128xi32>
    %gt3A_1055 = arith.cmpi sgt, %select_n3A_1037, %reshape3A_1043 : vector<512x128xi32>
    %eq3A_1056 = arith.cmpi eq, %select_n3A_1037, %reshape3A_1043 : vector<512x128xi32>
    %gt3A_1057 = arith.cmpi sgt, %and3A_1051, %and3A_1054 : vector<512x128xi32>
    %and3A_1058 = arith.andi %eq3A_1056, %gt3A_1057 : vector<512x128xi1>
    %or3A_1059 = arith.ori %gt3A_1055, %and3A_1058 : vector<512x128xi1>
    %and3A_1060 = arith.constant 16 : i32
    %and3A_1061 = vector.broadcast %and3A_1060 : i32 to vector<512x128xi32>
    %and3A_1062 = arith.andi %iota3A, %and3A_1061 : vector<512x128xi32>
    %ne3A_1063 = arith.constant 0 : i32
    %ne3A_1064 = vector.broadcast %ne3A_1063 : i32 to vector<512x128xi32>
    %ne3A_1065 = arith.cmpi ne, %and3A_1062, %ne3A_1064 : vector<512x128xi32>
    %eq3A_1066 = arith.xori %ne3A_1065, %eq3A_972 : vector<512x128xi1>
    %eq3A_1067 = arith.constant dense<true> : vector<512x128xi1>
    %eq3A_1068 = arith.xori %eq3A_1066, %eq3A_1067 : vector<512x128xi1>
    %xor3A_1069 = arith.xori %or3A_1059, %eq3A_1068 : vector<512x128xi1>
    %select_n3A_1070 = arith.select %xor3A_1069, %reshape3A_1043, %select_n3A_1037 : vector<512x128xi1>, vector<512x128xi32>
    %select_n3A_1071 = arith.select %xor3A_1069, %reshape3A_1048, %select_n3A_1038 : vector<512x128xi1>, vector<512x128xi32>
    %reshape3A_1072 = vector.shape_cast %select_n3A_1070 : vector<512x128xi32> to vector<32x2x8x128xi32>
    %slice3A_1073 = vector.extract_strided_slice %reshape3A_1072 {offsets = [0, 1, 0, 0], sizes = [32, 1, 8, 128], strides = [1, 1, 1, 1]} : vector<32x2x8x128xi32> to vector<32x1x8x128xi32>
    %slice3A_1074 = vector.extract_strided_slice %reshape3A_1072 {offsets = [0, 0, 0, 0], sizes = [32, 1, 8, 128], strides = [1, 1, 1, 1]} : vector<32x2x8x128xi32> to vector<32x1x8x128xi32>
    %concatenate3A_1075 = tpu.concatenate %slice3A_1073, %slice3A_1074 in 1 : vector<32x1x8x128xi32>, vector<32x1x8x128xi32> -> vector<32x2x8x128xi32>
    %reshape3A_1076 = vector.shape_cast %concatenate3A_1075 : vector<32x2x8x128xi32> to vector<512x128xi32>
    %reshape3A_1077 = vector.shape_cast %select_n3A_1071 : vector<512x128xi32> to vector<32x2x8x128xi32>
    %slice3A_1078 = vector.extract_strided_slice %reshape3A_1077 {offsets = [0, 1, 0, 0], sizes = [32, 1, 8, 128], strides = [1, 1, 1, 1]} : vector<32x2x8x128xi32> to vector<32x1x8x128xi32>
    %slice3A_1079 = vector.extract_strided_slice %reshape3A_1077 {offsets = [0, 0, 0, 0], sizes = [32, 1, 8, 128], strides = [1, 1, 1, 1]} : vector<32x2x8x128xi32> to vector<32x1x8x128xi32>
    %concatenate3A_1080 = tpu.concatenate %slice3A_1078, %slice3A_1079 in 1 : vector<32x1x8x128xi32>, vector<32x1x8x128xi32> -> vector<32x2x8x128xi32>
    %reshape3A_1081 = vector.shape_cast %concatenate3A_1080 : vector<32x2x8x128xi32> to vector<512x128xi32>
    %and3A_1082 = arith.constant 65535 : i32
    %and3A_1083 = vector.broadcast %and3A_1082 : i32 to vector<512x128xi32>
    %and3A_1084 = arith.andi %select_n3A_1071, %and3A_1083 : vector<512x128xi32>
    %and3A_1085 = arith.constant 65535 : i32
    %and3A_1086 = vector.broadcast %and3A_1085 : i32 to vector<512x128xi32>
    %and3A_1087 = arith.andi %reshape3A_1081, %and3A_1086 : vector<512x128xi32>
    %gt3A_1088 = arith.cmpi sgt, %select_n3A_1070, %reshape3A_1076 : vector<512x128xi32>
    %eq3A_1089 = arith.cmpi eq, %select_n3A_1070, %reshape3A_1076 : vector<512x128xi32>
    %gt3A_1090 = arith.cmpi sgt, %and3A_1084, %and3A_1087 : vector<512x128xi32>
    %and3A_1091 = arith.andi %eq3A_1089, %gt3A_1090 : vector<512x128xi1>
    %or3A_1092 = arith.ori %gt3A_1088, %and3A_1091 : vector<512x128xi1>
    %and3A_1093 = arith.constant 8 : i32
    %and3A_1094 = vector.broadcast %and3A_1093 : i32 to vector<512x128xi32>
    %and3A_1095 = arith.andi %iota3A, %and3A_1094 : vector<512x128xi32>
    %ne3A_1096 = arith.constant 0 : i32
    %ne3A_1097 = vector.broadcast %ne3A_1096 : i32 to vector<512x128xi32>
    %ne3A_1098 = arith.cmpi ne, %and3A_1095, %ne3A_1097 : vector<512x128xi32>
    %eq3A_1099 = arith.xori %ne3A_1098, %eq3A_972 : vector<512x128xi1>
    %eq3A_1100 = arith.constant dense<true> : vector<512x128xi1>
    %eq3A_1101 = arith.xori %eq3A_1099, %eq3A_1100 : vector<512x128xi1>
    %xor3A_1102 = arith.xori %or3A_1092, %eq3A_1101 : vector<512x128xi1>
    %select_n3A_1103 = arith.select %xor3A_1102, %reshape3A_1076, %select_n3A_1070 : vector<512x128xi1>, vector<512x128xi32>
    %select_n3A_1104 = arith.select %xor3A_1102, %reshape3A_1081, %select_n3A_1071 : vector<512x128xi1>, vector<512x128xi32>
    %roll3A_1105 = arith.constant 508 : i32
    %roll3A_1106 = tpu.dynamic_rotate %select_n3A_1103 by %roll3A_1105 dim 0 : vector<512x128xi32>, i32 -> vector<512x128xi32>
    %roll3A_1107 = arith.constant 4 : i32
    %roll3A_1108 = tpu.dynamic_rotate %select_n3A_1103 by %roll3A_1107 dim 0 : vector<512x128xi32>, i32 -> vector<512x128xi32>
    %iota3A_1109 = tpu.iota {dimensions = array<i32: 0>} : vector<512x128xi32>
    %and3A_1110 = arith.constant 4 : i32
    %and3A_1111 = vector.broadcast %and3A_1110 : i32 to vector<512x128xi32>
    %and3A_1112 = arith.andi %iota3A_1109, %and3A_1111 : vector<512x128xi32>
    %ne3A_1113 = arith.constant 0 : i32
    %ne3A_1114 = vector.broadcast %ne3A_1113 : i32 to vector<512x128xi32>
    %ne3A_1115 = arith.cmpi ne, %and3A_1112, %ne3A_1114 : vector<512x128xi32>
    %select_n3A_1116 = arith.select %ne3A_1115, %roll3A_1108, %roll3A_1106 : vector<512x128xi1>, vector<512x128xi32>
    %roll3A_1117 = arith.constant 508 : i32
    %roll3A_1118 = tpu.dynamic_rotate %select_n3A_1104 by %roll3A_1117 dim 0 : vector<512x128xi32>, i32 -> vector<512x128xi32>
    %roll3A_1119 = arith.constant 4 : i32
    %roll3A_1120 = tpu.dynamic_rotate %select_n3A_1104 by %roll3A_1119 dim 0 : vector<512x128xi32>, i32 -> vector<512x128xi32>
    %iota3A_1121 = tpu.iota {dimensions = array<i32: 0>} : vector<512x128xi32>
    %and3A_1122 = arith.constant 4 : i32
    %and3A_1123 = vector.broadcast %and3A_1122 : i32 to vector<512x128xi32>
    %and3A_1124 = arith.andi %iota3A_1121, %and3A_1123 : vector<512x128xi32>
    %ne3A_1125 = arith.constant 0 : i32
    %ne3A_1126 = vector.broadcast %ne3A_1125 : i32 to vector<512x128xi32>
    %ne3A_1127 = arith.cmpi ne, %and3A_1124, %ne3A_1126 : vector<512x128xi32>
    %select_n3A_1128 = arith.select %ne3A_1127, %roll3A_1120, %roll3A_1118 : vector<512x128xi1>, vector<512x128xi32>
    %and3A_1129 = arith.constant 65535 : i32
    %and3A_1130 = vector.broadcast %and3A_1129 : i32 to vector<512x128xi32>
    %and3A_1131 = arith.andi %select_n3A_1104, %and3A_1130 : vector<512x128xi32>
    %and3A_1132 = arith.constant 65535 : i32
    %and3A_1133 = vector.broadcast %and3A_1132 : i32 to vector<512x128xi32>
    %and3A_1134 = arith.andi %select_n3A_1128, %and3A_1133 : vector<512x128xi32>
    %gt3A_1135 = arith.cmpi sgt, %select_n3A_1103, %select_n3A_1116 : vector<512x128xi32>
    %eq3A_1136 = arith.cmpi eq, %select_n3A_1103, %select_n3A_1116 : vector<512x128xi32>
    %gt3A_1137 = arith.cmpi sgt, %and3A_1131, %and3A_1134 : vector<512x128xi32>
    %and3A_1138 = arith.andi %eq3A_1136, %gt3A_1137 : vector<512x128xi1>
    %or3A_1139 = arith.ori %gt3A_1135, %and3A_1138 : vector<512x128xi1>
    %and3A_1140 = arith.constant 4 : i32
    %and3A_1141 = vector.broadcast %and3A_1140 : i32 to vector<512x128xi32>
    %and3A_1142 = arith.andi %iota3A, %and3A_1141 : vector<512x128xi32>
    %ne3A_1143 = arith.constant 0 : i32
    %ne3A_1144 = vector.broadcast %ne3A_1143 : i32 to vector<512x128xi32>
    %ne3A_1145 = arith.cmpi ne, %and3A_1142, %ne3A_1144 : vector<512x128xi32>
    %eq3A_1146 = arith.xori %ne3A_1145, %eq3A_972 : vector<512x128xi1>
    %eq3A_1147 = arith.constant dense<true> : vector<512x128xi1>
    %eq3A_1148 = arith.xori %eq3A_1146, %eq3A_1147 : vector<512x128xi1>
    %xor3A_1149 = arith.xori %or3A_1139, %eq3A_1148 : vector<512x128xi1>
    %select_n3A_1150 = arith.select %xor3A_1149, %select_n3A_1116, %select_n3A_1103 : vector<512x128xi1>, vector<512x128xi32>
    %select_n3A_1151 = arith.select %xor3A_1149, %select_n3A_1128, %select_n3A_1104 : vector<512x128xi1>, vector<512x128xi32>
    %roll3A_1152 = arith.constant 510 : i32
    %roll3A_1153 = tpu.dynamic_rotate %select_n3A_1150 by %roll3A_1152 dim 0 : vector<512x128xi32>, i32 -> vector<512x128xi32>
    %roll3A_1154 = arith.constant 2 : i32
    %roll3A_1155 = tpu.dynamic_rotate %select_n3A_1150 by %roll3A_1154 dim 0 : vector<512x128xi32>, i32 -> vector<512x128xi32>
    %iota3A_1156 = tpu.iota {dimensions = array<i32: 0>} : vector<512x128xi32>
    %and3A_1157 = arith.constant 2 : i32
    %and3A_1158 = vector.broadcast %and3A_1157 : i32 to vector<512x128xi32>
    %and3A_1159 = arith.andi %iota3A_1156, %and3A_1158 : vector<512x128xi32>
    %ne3A_1160 = arith.constant 0 : i32
    %ne3A_1161 = vector.broadcast %ne3A_1160 : i32 to vector<512x128xi32>
    %ne3A_1162 = arith.cmpi ne, %and3A_1159, %ne3A_1161 : vector<512x128xi32>
    %select_n3A_1163 = arith.select %ne3A_1162, %roll3A_1155, %roll3A_1153 : vector<512x128xi1>, vector<512x128xi32>
    %roll3A_1164 = arith.constant 510 : i32
    %roll3A_1165 = tpu.dynamic_rotate %select_n3A_1151 by %roll3A_1164 dim 0 : vector<512x128xi32>, i32 -> vector<512x128xi32>
    %roll3A_1166 = arith.constant 2 : i32
    %roll3A_1167 = tpu.dynamic_rotate %select_n3A_1151 by %roll3A_1166 dim 0 : vector<512x128xi32>, i32 -> vector<512x128xi32>
    %iota3A_1168 = tpu.iota {dimensions = array<i32: 0>} : vector<512x128xi32>
    %and3A_1169 = arith.constant 2 : i32
    %and3A_1170 = vector.broadcast %and3A_1169 : i32 to vector<512x128xi32>
    %and3A_1171 = arith.andi %iota3A_1168, %and3A_1170 : vector<512x128xi32>
    %ne3A_1172 = arith.constant 0 : i32
    %ne3A_1173 = vector.broadcast %ne3A_1172 : i32 to vector<512x128xi32>
    %ne3A_1174 = arith.cmpi ne, %and3A_1171, %ne3A_1173 : vector<512x128xi32>
    %select_n3A_1175 = arith.select %ne3A_1174, %roll3A_1167, %roll3A_1165 : vector<512x128xi1>, vector<512x128xi32>
    %and3A_1176 = arith.constant 65535 : i32
    %and3A_1177 = vector.broadcast %and3A_1176 : i32 to vector<512x128xi32>
    %and3A_1178 = arith.andi %select_n3A_1151, %and3A_1177 : vector<512x128xi32>
    %and3A_1179 = arith.constant 65535 : i32
    %and3A_1180 = vector.broadcast %and3A_1179 : i32 to vector<512x128xi32>
    %and3A_1181 = arith.andi %select_n3A_1175, %and3A_1180 : vector<512x128xi32>
    %gt3A_1182 = arith.cmpi sgt, %select_n3A_1150, %select_n3A_1163 : vector<512x128xi32>
    %eq3A_1183 = arith.cmpi eq, %select_n3A_1150, %select_n3A_1163 : vector<512x128xi32>
    %gt3A_1184 = arith.cmpi sgt, %and3A_1178, %and3A_1181 : vector<512x128xi32>
    %and3A_1185 = arith.andi %eq3A_1183, %gt3A_1184 : vector<512x128xi1>
    %or3A_1186 = arith.ori %gt3A_1182, %and3A_1185 : vector<512x128xi1>
    %and3A_1187 = arith.constant 2 : i32
    %and3A_1188 = vector.broadcast %and3A_1187 : i32 to vector<512x128xi32>
    %and3A_1189 = arith.andi %iota3A, %and3A_1188 : vector<512x128xi32>
    %ne3A_1190 = arith.constant 0 : i32
    %ne3A_1191 = vector.broadcast %ne3A_1190 : i32 to vector<512x128xi32>
    %ne3A_1192 = arith.cmpi ne, %and3A_1189, %ne3A_1191 : vector<512x128xi32>
    %eq3A_1193 = arith.xori %ne3A_1192, %eq3A_972 : vector<512x128xi1>
    %eq3A_1194 = arith.constant dense<true> : vector<512x128xi1>
    %eq3A_1195 = arith.xori %eq3A_1193, %eq3A_1194 : vector<512x128xi1>
    %xor3A_1196 = arith.xori %or3A_1186, %eq3A_1195 : vector<512x128xi1>
    %select_n3A_1197 = arith.select %xor3A_1196, %select_n3A_1163, %select_n3A_1150 : vector<512x128xi1>, vector<512x128xi32>
    %select_n3A_1198 = arith.select %xor3A_1196, %select_n3A_1175, %select_n3A_1151 : vector<512x128xi1>, vector<512x128xi32>
    %roll3A_1199 = arith.constant 511 : i32
    %roll3A_1200 = tpu.dynamic_rotate %select_n3A_1197 by %roll3A_1199 dim 0 : vector<512x128xi32>, i32 -> vector<512x128xi32>
    %roll3A_1201 = arith.constant 1 : i32
    %roll3A_1202 = tpu.dynamic_rotate %select_n3A_1197 by %roll3A_1201 dim 0 : vector<512x128xi32>, i32 -> vector<512x128xi32>
    %iota3A_1203 = tpu.iota {dimensions = array<i32: 0>} : vector<512x128xi32>
    %and3A_1204 = arith.constant 1 : i32
    %and3A_1205 = vector.broadcast %and3A_1204 : i32 to vector<512x128xi32>
    %and3A_1206 = arith.andi %iota3A_1203, %and3A_1205 : vector<512x128xi32>
    %ne3A_1207 = arith.constant 0 : i32
    %ne3A_1208 = vector.broadcast %ne3A_1207 : i32 to vector<512x128xi32>
    %ne3A_1209 = arith.cmpi ne, %and3A_1206, %ne3A_1208 : vector<512x128xi32>
    %select_n3A_1210 = arith.select %ne3A_1209, %roll3A_1202, %roll3A_1200 : vector<512x128xi1>, vector<512x128xi32>
    %roll3A_1211 = arith.constant 511 : i32
    %roll3A_1212 = tpu.dynamic_rotate %select_n3A_1198 by %roll3A_1211 dim 0 : vector<512x128xi32>, i32 -> vector<512x128xi32>
    %roll3A_1213 = arith.constant 1 : i32
    %roll3A_1214 = tpu.dynamic_rotate %select_n3A_1198 by %roll3A_1213 dim 0 : vector<512x128xi32>, i32 -> vector<512x128xi32>
    %iota3A_1215 = tpu.iota {dimensions = array<i32: 0>} : vector<512x128xi32>
    %and3A_1216 = arith.constant 1 : i32
    %and3A_1217 = vector.broadcast %and3A_1216 : i32 to vector<512x128xi32>
    %and3A_1218 = arith.andi %iota3A_1215, %and3A_1217 : vector<512x128xi32>
    %ne3A_1219 = arith.constant 0 : i32
    %ne3A_1220 = vector.broadcast %ne3A_1219 : i32 to vector<512x128xi32>
    %ne3A_1221 = arith.cmpi ne, %and3A_1218, %ne3A_1220 : vector<512x128xi32>
    %select_n3A_1222 = arith.select %ne3A_1221, %roll3A_1214, %roll3A_1212 : vector<512x128xi1>, vector<512x128xi32>
    %and3A_1223 = arith.constant 65535 : i32
    %and3A_1224 = vector.broadcast %and3A_1223 : i32 to vector<512x128xi32>
    %and3A_1225 = arith.andi %select_n3A_1198, %and3A_1224 : vector<512x128xi32>
    %and3A_1226 = arith.constant 65535 : i32
    %and3A_1227 = vector.broadcast %and3A_1226 : i32 to vector<512x128xi32>
    %and3A_1228 = arith.andi %select_n3A_1222, %and3A_1227 : vector<512x128xi32>
    %gt3A_1229 = arith.cmpi sgt, %select_n3A_1197, %select_n3A_1210 : vector<512x128xi32>
    %eq3A_1230 = arith.cmpi eq, %select_n3A_1197, %select_n3A_1210 : vector<512x128xi32>
    %gt3A_1231 = arith.cmpi sgt, %and3A_1225, %and3A_1228 : vector<512x128xi32>
    %and3A_1232 = arith.andi %eq3A_1230, %gt3A_1231 : vector<512x128xi1>
    %or3A_1233 = arith.ori %gt3A_1229, %and3A_1232 : vector<512x128xi1>
    %and3A_1234 = arith.constant 1 : i32
    %and3A_1235 = vector.broadcast %and3A_1234 : i32 to vector<512x128xi32>
    %and3A_1236 = arith.andi %iota3A, %and3A_1235 : vector<512x128xi32>
    %ne3A_1237 = arith.constant 0 : i32
    %ne3A_1238 = vector.broadcast %ne3A_1237 : i32 to vector<512x128xi32>
    %ne3A_1239 = arith.cmpi ne, %and3A_1236, %ne3A_1238 : vector<512x128xi32>
    %eq3A_1240 = arith.xori %ne3A_1239, %eq3A_972 : vector<512x128xi1>
    %eq3A_1241 = arith.constant dense<true> : vector<512x128xi1>
    %eq3A_1242 = arith.xori %eq3A_1240, %eq3A_1241 : vector<512x128xi1>
    %xor3A_1243 = arith.xori %or3A_1233, %eq3A_1242 : vector<512x128xi1>
    %select_n3A_1244 = arith.select %xor3A_1243, %select_n3A_1210, %select_n3A_1197 : vector<512x128xi1>, vector<512x128xi32>
    %select_n3A_1245 = arith.select %xor3A_1243, %select_n3A_1222, %select_n3A_1198 : vector<512x128xi1>, vector<512x128xi32>
    %shift_right_arithmetic3A_1246 = arith.constant 8 : i32
    %shift_right_arithmetic3A_1247 = vector.broadcast %shift_right_arithmetic3A_1246 : i32 to vector<512x128xi32>
    %shift_right_arithmetic3A_1248 = arith.shrsi %add3A_6, %shift_right_arithmetic3A_1247 : vector<512x128xi32>
    %and3A_1249 = arith.constant 1 : i32
    %and3A_1250 = vector.broadcast %and3A_1249 : i32 to vector<512x128xi32>
    %and3A_1251 = arith.andi %shift_right_arithmetic3A_1248, %and3A_1250 : vector<512x128xi32>
    %eq3A_1252 = arith.constant 0 : i32
    %eq3A_1253 = vector.broadcast %eq3A_1252 : i32 to vector<512x128xi32>
    %eq3A_1254 = arith.cmpi eq, %and3A_1251, %eq3A_1253 : vector<512x128xi32>
    %reshape3A_1255 = vector.shape_cast %select_n3A_1244 : vector<512x128xi32> to vector<2x2x128x128xi32>
    %slice3A_1256 = vector.extract_strided_slice %reshape3A_1255 {offsets = [0, 1, 0, 0], sizes = [2, 1, 128, 128], strides = [1, 1, 1, 1]} : vector<2x2x128x128xi32> to vector<2x1x128x128xi32>
    %slice3A_1257 = vector.extract_strided_slice %reshape3A_1255 {offsets = [0, 0, 0, 0], sizes = [2, 1, 128, 128], strides = [1, 1, 1, 1]} : vector<2x2x128x128xi32> to vector<2x1x128x128xi32>
    %concatenate3A_1258 = tpu.concatenate %slice3A_1256, %slice3A_1257 in 1 : vector<2x1x128x128xi32>, vector<2x1x128x128xi32> -> vector<2x2x128x128xi32>
    %reshape3A_1259 = vector.shape_cast %concatenate3A_1258 : vector<2x2x128x128xi32> to vector<512x128xi32>
    %reshape3A_1260 = vector.shape_cast %select_n3A_1245 : vector<512x128xi32> to vector<2x2x128x128xi32>
    %slice3A_1261 = vector.extract_strided_slice %reshape3A_1260 {offsets = [0, 1, 0, 0], sizes = [2, 1, 128, 128], strides = [1, 1, 1, 1]} : vector<2x2x128x128xi32> to vector<2x1x128x128xi32>
    %slice3A_1262 = vector.extract_strided_slice %reshape3A_1260 {offsets = [0, 0, 0, 0], sizes = [2, 1, 128, 128], strides = [1, 1, 1, 1]} : vector<2x2x128x128xi32> to vector<2x1x128x128xi32>
    %concatenate3A_1263 = tpu.concatenate %slice3A_1261, %slice3A_1262 in 1 : vector<2x1x128x128xi32>, vector<2x1x128x128xi32> -> vector<2x2x128x128xi32>
    %reshape3A_1264 = vector.shape_cast %concatenate3A_1263 : vector<2x2x128x128xi32> to vector<512x128xi32>
    %and3A_1265 = arith.constant 65535 : i32
    %and3A_1266 = vector.broadcast %and3A_1265 : i32 to vector<512x128xi32>
    %and3A_1267 = arith.andi %select_n3A_1245, %and3A_1266 : vector<512x128xi32>
    %and3A_1268 = arith.constant 65535 : i32
    %and3A_1269 = vector.broadcast %and3A_1268 : i32 to vector<512x128xi32>
    %and3A_1270 = arith.andi %reshape3A_1264, %and3A_1269 : vector<512x128xi32>
    %gt3A_1271 = arith.cmpi sgt, %select_n3A_1244, %reshape3A_1259 : vector<512x128xi32>
    %eq3A_1272 = arith.cmpi eq, %select_n3A_1244, %reshape3A_1259 : vector<512x128xi32>
    %gt3A_1273 = arith.cmpi sgt, %and3A_1267, %and3A_1270 : vector<512x128xi32>
    %and3A_1274 = arith.andi %eq3A_1272, %gt3A_1273 : vector<512x128xi1>
    %or3A_1275 = arith.ori %gt3A_1271, %and3A_1274 : vector<512x128xi1>
    %and3A_1276 = arith.constant 128 : i32
    %and3A_1277 = vector.broadcast %and3A_1276 : i32 to vector<512x128xi32>
    %and3A_1278 = arith.andi %iota3A, %and3A_1277 : vector<512x128xi32>
    %ne3A_1279 = arith.constant 0 : i32
    %ne3A_1280 = vector.broadcast %ne3A_1279 : i32 to vector<512x128xi32>
    %ne3A_1281 = arith.cmpi ne, %and3A_1278, %ne3A_1280 : vector<512x128xi32>
    %eq3A_1282 = arith.xori %ne3A_1281, %eq3A_1254 : vector<512x128xi1>
    %eq3A_1283 = arith.constant dense<true> : vector<512x128xi1>
    %eq3A_1284 = arith.xori %eq3A_1282, %eq3A_1283 : vector<512x128xi1>
    %xor3A_1285 = arith.xori %or3A_1275, %eq3A_1284 : vector<512x128xi1>
    %select_n3A_1286 = arith.select %xor3A_1285, %reshape3A_1259, %select_n3A_1244 : vector<512x128xi1>, vector<512x128xi32>
    %select_n3A_1287 = arith.select %xor3A_1285, %reshape3A_1264, %select_n3A_1245 : vector<512x128xi1>, vector<512x128xi32>
    %reshape3A_1288 = vector.shape_cast %select_n3A_1286 : vector<512x128xi32> to vector<4x2x64x128xi32>
    %slice3A_1289 = vector.extract_strided_slice %reshape3A_1288 {offsets = [0, 1, 0, 0], sizes = [4, 1, 64, 128], strides = [1, 1, 1, 1]} : vector<4x2x64x128xi32> to vector<4x1x64x128xi32>
    %slice3A_1290 = vector.extract_strided_slice %reshape3A_1288 {offsets = [0, 0, 0, 0], sizes = [4, 1, 64, 128], strides = [1, 1, 1, 1]} : vector<4x2x64x128xi32> to vector<4x1x64x128xi32>
    %concatenate3A_1291 = tpu.concatenate %slice3A_1289, %slice3A_1290 in 1 : vector<4x1x64x128xi32>, vector<4x1x64x128xi32> -> vector<4x2x64x128xi32>
    %reshape3A_1292 = vector.shape_cast %concatenate3A_1291 : vector<4x2x64x128xi32> to vector<512x128xi32>
    %reshape3A_1293 = vector.shape_cast %select_n3A_1287 : vector<512x128xi32> to vector<4x2x64x128xi32>
    %slice3A_1294 = vector.extract_strided_slice %reshape3A_1293 {offsets = [0, 1, 0, 0], sizes = [4, 1, 64, 128], strides = [1, 1, 1, 1]} : vector<4x2x64x128xi32> to vector<4x1x64x128xi32>
    %slice3A_1295 = vector.extract_strided_slice %reshape3A_1293 {offsets = [0, 0, 0, 0], sizes = [4, 1, 64, 128], strides = [1, 1, 1, 1]} : vector<4x2x64x128xi32> to vector<4x1x64x128xi32>
    %concatenate3A_1296 = tpu.concatenate %slice3A_1294, %slice3A_1295 in 1 : vector<4x1x64x128xi32>, vector<4x1x64x128xi32> -> vector<4x2x64x128xi32>
    %reshape3A_1297 = vector.shape_cast %concatenate3A_1296 : vector<4x2x64x128xi32> to vector<512x128xi32>
    %and3A_1298 = arith.constant 65535 : i32
    %and3A_1299 = vector.broadcast %and3A_1298 : i32 to vector<512x128xi32>
    %and3A_1300 = arith.andi %select_n3A_1287, %and3A_1299 : vector<512x128xi32>
    %and3A_1301 = arith.constant 65535 : i32
    %and3A_1302 = vector.broadcast %and3A_1301 : i32 to vector<512x128xi32>
    %and3A_1303 = arith.andi %reshape3A_1297, %and3A_1302 : vector<512x128xi32>
    %gt3A_1304 = arith.cmpi sgt, %select_n3A_1286, %reshape3A_1292 : vector<512x128xi32>
    %eq3A_1305 = arith.cmpi eq, %select_n3A_1286, %reshape3A_1292 : vector<512x128xi32>
    %gt3A_1306 = arith.cmpi sgt, %and3A_1300, %and3A_1303 : vector<512x128xi32>
    %and3A_1307 = arith.andi %eq3A_1305, %gt3A_1306 : vector<512x128xi1>
    %or3A_1308 = arith.ori %gt3A_1304, %and3A_1307 : vector<512x128xi1>
    %and3A_1309 = arith.constant 64 : i32
    %and3A_1310 = vector.broadcast %and3A_1309 : i32 to vector<512x128xi32>
    %and3A_1311 = arith.andi %iota3A, %and3A_1310 : vector<512x128xi32>
    %ne3A_1312 = arith.constant 0 : i32
    %ne3A_1313 = vector.broadcast %ne3A_1312 : i32 to vector<512x128xi32>
    %ne3A_1314 = arith.cmpi ne, %and3A_1311, %ne3A_1313 : vector<512x128xi32>
    %eq3A_1315 = arith.xori %ne3A_1314, %eq3A_1254 : vector<512x128xi1>
    %eq3A_1316 = arith.constant dense<true> : vector<512x128xi1>
    %eq3A_1317 = arith.xori %eq3A_1315, %eq3A_1316 : vector<512x128xi1>
    %xor3A_1318 = arith.xori %or3A_1308, %eq3A_1317 : vector<512x128xi1>
    %select_n3A_1319 = arith.select %xor3A_1318, %reshape3A_1292, %select_n3A_1286 : vector<512x128xi1>, vector<512x128xi32>
    %select_n3A_1320 = arith.select %xor3A_1318, %reshape3A_1297, %select_n3A_1287 : vector<512x128xi1>, vector<512x128xi32>
    %reshape3A_1321 = vector.shape_cast %select_n3A_1319 : vector<512x128xi32> to vector<8x2x32x128xi32>
    %slice3A_1322 = vector.extract_strided_slice %reshape3A_1321 {offsets = [0, 1, 0, 0], sizes = [8, 1, 32, 128], strides = [1, 1, 1, 1]} : vector<8x2x32x128xi32> to vector<8x1x32x128xi32>
    %slice3A_1323 = vector.extract_strided_slice %reshape3A_1321 {offsets = [0, 0, 0, 0], sizes = [8, 1, 32, 128], strides = [1, 1, 1, 1]} : vector<8x2x32x128xi32> to vector<8x1x32x128xi32>
    %concatenate3A_1324 = tpu.concatenate %slice3A_1322, %slice3A_1323 in 1 : vector<8x1x32x128xi32>, vector<8x1x32x128xi32> -> vector<8x2x32x128xi32>
    %reshape3A_1325 = vector.shape_cast %concatenate3A_1324 : vector<8x2x32x128xi32> to vector<512x128xi32>
    %reshape3A_1326 = vector.shape_cast %select_n3A_1320 : vector<512x128xi32> to vector<8x2x32x128xi32>
    %slice3A_1327 = vector.extract_strided_slice %reshape3A_1326 {offsets = [0, 1, 0, 0], sizes = [8, 1, 32, 128], strides = [1, 1, 1, 1]} : vector<8x2x32x128xi32> to vector<8x1x32x128xi32>
    %slice3A_1328 = vector.extract_strided_slice %reshape3A_1326 {offsets = [0, 0, 0, 0], sizes = [8, 1, 32, 128], strides = [1, 1, 1, 1]} : vector<8x2x32x128xi32> to vector<8x1x32x128xi32>
    %concatenate3A_1329 = tpu.concatenate %slice3A_1327, %slice3A_1328 in 1 : vector<8x1x32x128xi32>, vector<8x1x32x128xi32> -> vector<8x2x32x128xi32>
    %reshape3A_1330 = vector.shape_cast %concatenate3A_1329 : vector<8x2x32x128xi32> to vector<512x128xi32>
    %and3A_1331 = arith.constant 65535 : i32
    %and3A_1332 = vector.broadcast %and3A_1331 : i32 to vector<512x128xi32>
    %and3A_1333 = arith.andi %select_n3A_1320, %and3A_1332 : vector<512x128xi32>
    %and3A_1334 = arith.constant 65535 : i32
    %and3A_1335 = vector.broadcast %and3A_1334 : i32 to vector<512x128xi32>
    %and3A_1336 = arith.andi %reshape3A_1330, %and3A_1335 : vector<512x128xi32>
    %gt3A_1337 = arith.cmpi sgt, %select_n3A_1319, %reshape3A_1325 : vector<512x128xi32>
    %eq3A_1338 = arith.cmpi eq, %select_n3A_1319, %reshape3A_1325 : vector<512x128xi32>
    %gt3A_1339 = arith.cmpi sgt, %and3A_1333, %and3A_1336 : vector<512x128xi32>
    %and3A_1340 = arith.andi %eq3A_1338, %gt3A_1339 : vector<512x128xi1>
    %or3A_1341 = arith.ori %gt3A_1337, %and3A_1340 : vector<512x128xi1>
    %and3A_1342 = arith.constant 32 : i32
    %and3A_1343 = vector.broadcast %and3A_1342 : i32 to vector<512x128xi32>
    %and3A_1344 = arith.andi %iota3A, %and3A_1343 : vector<512x128xi32>
    %ne3A_1345 = arith.constant 0 : i32
    %ne3A_1346 = vector.broadcast %ne3A_1345 : i32 to vector<512x128xi32>
    %ne3A_1347 = arith.cmpi ne, %and3A_1344, %ne3A_1346 : vector<512x128xi32>
    %eq3A_1348 = arith.xori %ne3A_1347, %eq3A_1254 : vector<512x128xi1>
    %eq3A_1349 = arith.constant dense<true> : vector<512x128xi1>
    %eq3A_1350 = arith.xori %eq3A_1348, %eq3A_1349 : vector<512x128xi1>
    %xor3A_1351 = arith.xori %or3A_1341, %eq3A_1350 : vector<512x128xi1>
    %select_n3A_1352 = arith.select %xor3A_1351, %reshape3A_1325, %select_n3A_1319 : vector<512x128xi1>, vector<512x128xi32>
    %select_n3A_1353 = arith.select %xor3A_1351, %reshape3A_1330, %select_n3A_1320 : vector<512x128xi1>, vector<512x128xi32>
    %reshape3A_1354 = vector.shape_cast %select_n3A_1352 : vector<512x128xi32> to vector<16x2x16x128xi32>
    %slice3A_1355 = vector.extract_strided_slice %reshape3A_1354 {offsets = [0, 1, 0, 0], sizes = [16, 1, 16, 128], strides = [1, 1, 1, 1]} : vector<16x2x16x128xi32> to vector<16x1x16x128xi32>
    %slice3A_1356 = vector.extract_strided_slice %reshape3A_1354 {offsets = [0, 0, 0, 0], sizes = [16, 1, 16, 128], strides = [1, 1, 1, 1]} : vector<16x2x16x128xi32> to vector<16x1x16x128xi32>
    %concatenate3A_1357 = tpu.concatenate %slice3A_1355, %slice3A_1356 in 1 : vector<16x1x16x128xi32>, vector<16x1x16x128xi32> -> vector<16x2x16x128xi32>
    %reshape3A_1358 = vector.shape_cast %concatenate3A_1357 : vector<16x2x16x128xi32> to vector<512x128xi32>
    %reshape3A_1359 = vector.shape_cast %select_n3A_1353 : vector<512x128xi32> to vector<16x2x16x128xi32>
    %slice3A_1360 = vector.extract_strided_slice %reshape3A_1359 {offsets = [0, 1, 0, 0], sizes = [16, 1, 16, 128], strides = [1, 1, 1, 1]} : vector<16x2x16x128xi32> to vector<16x1x16x128xi32>
    %slice3A_1361 = vector.extract_strided_slice %reshape3A_1359 {offsets = [0, 0, 0, 0], sizes = [16, 1, 16, 128], strides = [1, 1, 1, 1]} : vector<16x2x16x128xi32> to vector<16x1x16x128xi32>
    %concatenate3A_1362 = tpu.concatenate %slice3A_1360, %slice3A_1361 in 1 : vector<16x1x16x128xi32>, vector<16x1x16x128xi32> -> vector<16x2x16x128xi32>
    %reshape3A_1363 = vector.shape_cast %concatenate3A_1362 : vector<16x2x16x128xi32> to vector<512x128xi32>
    %and3A_1364 = arith.constant 65535 : i32
    %and3A_1365 = vector.broadcast %and3A_1364 : i32 to vector<512x128xi32>
    %and3A_1366 = arith.andi %select_n3A_1353, %and3A_1365 : vector<512x128xi32>
    %and3A_1367 = arith.constant 65535 : i32
    %and3A_1368 = vector.broadcast %and3A_1367 : i32 to vector<512x128xi32>
    %and3A_1369 = arith.andi %reshape3A_1363, %and3A_1368 : vector<512x128xi32>
    %gt3A_1370 = arith.cmpi sgt, %select_n3A_1352, %reshape3A_1358 : vector<512x128xi32>
    %eq3A_1371 = arith.cmpi eq, %select_n3A_1352, %reshape3A_1358 : vector<512x128xi32>
    %gt3A_1372 = arith.cmpi sgt, %and3A_1366, %and3A_1369 : vector<512x128xi32>
    %and3A_1373 = arith.andi %eq3A_1371, %gt3A_1372 : vector<512x128xi1>
    %or3A_1374 = arith.ori %gt3A_1370, %and3A_1373 : vector<512x128xi1>
    %and3A_1375 = arith.constant 16 : i32
    %and3A_1376 = vector.broadcast %and3A_1375 : i32 to vector<512x128xi32>
    %and3A_1377 = arith.andi %iota3A, %and3A_1376 : vector<512x128xi32>
    %ne3A_1378 = arith.constant 0 : i32
    %ne3A_1379 = vector.broadcast %ne3A_1378 : i32 to vector<512x128xi32>
    %ne3A_1380 = arith.cmpi ne, %and3A_1377, %ne3A_1379 : vector<512x128xi32>
    %eq3A_1381 = arith.xori %ne3A_1380, %eq3A_1254 : vector<512x128xi1>
    %eq3A_1382 = arith.constant dense<true> : vector<512x128xi1>
    %eq3A_1383 = arith.xori %eq3A_1381, %eq3A_1382 : vector<512x128xi1>
    %xor3A_1384 = arith.xori %or3A_1374, %eq3A_1383 : vector<512x128xi1>
    %select_n3A_1385 = arith.select %xor3A_1384, %reshape3A_1358, %select_n3A_1352 : vector<512x128xi1>, vector<512x128xi32>
    %select_n3A_1386 = arith.select %xor3A_1384, %reshape3A_1363, %select_n3A_1353 : vector<512x128xi1>, vector<512x128xi32>
    %reshape3A_1387 = vector.shape_cast %select_n3A_1385 : vector<512x128xi32> to vector<32x2x8x128xi32>
    %slice3A_1388 = vector.extract_strided_slice %reshape3A_1387 {offsets = [0, 1, 0, 0], sizes = [32, 1, 8, 128], strides = [1, 1, 1, 1]} : vector<32x2x8x128xi32> to vector<32x1x8x128xi32>
    %slice3A_1389 = vector.extract_strided_slice %reshape3A_1387 {offsets = [0, 0, 0, 0], sizes = [32, 1, 8, 128], strides = [1, 1, 1, 1]} : vector<32x2x8x128xi32> to vector<32x1x8x128xi32>
    %concatenate3A_1390 = tpu.concatenate %slice3A_1388, %slice3A_1389 in 1 : vector<32x1x8x128xi32>, vector<32x1x8x128xi32> -> vector<32x2x8x128xi32>
    %reshape3A_1391 = vector.shape_cast %concatenate3A_1390 : vector<32x2x8x128xi32> to vector<512x128xi32>
    %reshape3A_1392 = vector.shape_cast %select_n3A_1386 : vector<512x128xi32> to vector<32x2x8x128xi32>
    %slice3A_1393 = vector.extract_strided_slice %reshape3A_1392 {offsets = [0, 1, 0, 0], sizes = [32, 1, 8, 128], strides = [1, 1, 1, 1]} : vector<32x2x8x128xi32> to vector<32x1x8x128xi32>
    %slice3A_1394 = vector.extract_strided_slice %reshape3A_1392 {offsets = [0, 0, 0, 0], sizes = [32, 1, 8, 128], strides = [1, 1, 1, 1]} : vector<32x2x8x128xi32> to vector<32x1x8x128xi32>
    %concatenate3A_1395 = tpu.concatenate %slice3A_1393, %slice3A_1394 in 1 : vector<32x1x8x128xi32>, vector<32x1x8x128xi32> -> vector<32x2x8x128xi32>
    %reshape3A_1396 = vector.shape_cast %concatenate3A_1395 : vector<32x2x8x128xi32> to vector<512x128xi32>
    %and3A_1397 = arith.constant 65535 : i32
    %and3A_1398 = vector.broadcast %and3A_1397 : i32 to vector<512x128xi32>
    %and3A_1399 = arith.andi %select_n3A_1386, %and3A_1398 : vector<512x128xi32>
    %and3A_1400 = arith.constant 65535 : i32
    %and3A_1401 = vector.broadcast %and3A_1400 : i32 to vector<512x128xi32>
    %and3A_1402 = arith.andi %reshape3A_1396, %and3A_1401 : vector<512x128xi32>
    %gt3A_1403 = arith.cmpi sgt, %select_n3A_1385, %reshape3A_1391 : vector<512x128xi32>
    %eq3A_1404 = arith.cmpi eq, %select_n3A_1385, %reshape3A_1391 : vector<512x128xi32>
    %gt3A_1405 = arith.cmpi sgt, %and3A_1399, %and3A_1402 : vector<512x128xi32>
    %and3A_1406 = arith.andi %eq3A_1404, %gt3A_1405 : vector<512x128xi1>
    %or3A_1407 = arith.ori %gt3A_1403, %and3A_1406 : vector<512x128xi1>
    %and3A_1408 = arith.constant 8 : i32
    %and3A_1409 = vector.broadcast %and3A_1408 : i32 to vector<512x128xi32>
    %and3A_1410 = arith.andi %iota3A, %and3A_1409 : vector<512x128xi32>
    %ne3A_1411 = arith.constant 0 : i32
    %ne3A_1412 = vector.broadcast %ne3A_1411 : i32 to vector<512x128xi32>
    %ne3A_1413 = arith.cmpi ne, %and3A_1410, %ne3A_1412 : vector<512x128xi32>
    %eq3A_1414 = arith.xori %ne3A_1413, %eq3A_1254 : vector<512x128xi1>
    %eq3A_1415 = arith.constant dense<true> : vector<512x128xi1>
    %eq3A_1416 = arith.xori %eq3A_1414, %eq3A_1415 : vector<512x128xi1>
    %xor3A_1417 = arith.xori %or3A_1407, %eq3A_1416 : vector<512x128xi1>
    %select_n3A_1418 = arith.select %xor3A_1417, %reshape3A_1391, %select_n3A_1385 : vector<512x128xi1>, vector<512x128xi32>
    %select_n3A_1419 = arith.select %xor3A_1417, %reshape3A_1396, %select_n3A_1386 : vector<512x128xi1>, vector<512x128xi32>
    %roll3A_1420 = arith.constant 508 : i32
    %roll3A_1421 = tpu.dynamic_rotate %select_n3A_1418 by %roll3A_1420 dim 0 : vector<512x128xi32>, i32 -> vector<512x128xi32>
    %roll3A_1422 = arith.constant 4 : i32
    %roll3A_1423 = tpu.dynamic_rotate %select_n3A_1418 by %roll3A_1422 dim 0 : vector<512x128xi32>, i32 -> vector<512x128xi32>
    %iota3A_1424 = tpu.iota {dimensions = array<i32: 0>} : vector<512x128xi32>
    %and3A_1425 = arith.constant 4 : i32
    %and3A_1426 = vector.broadcast %and3A_1425 : i32 to vector<512x128xi32>
    %and3A_1427 = arith.andi %iota3A_1424, %and3A_1426 : vector<512x128xi32>
    %ne3A_1428 = arith.constant 0 : i32
    %ne3A_1429 = vector.broadcast %ne3A_1428 : i32 to vector<512x128xi32>
    %ne3A_1430 = arith.cmpi ne, %and3A_1427, %ne3A_1429 : vector<512x128xi32>
    %select_n3A_1431 = arith.select %ne3A_1430, %roll3A_1423, %roll3A_1421 : vector<512x128xi1>, vector<512x128xi32>
    %roll3A_1432 = arith.constant 508 : i32
    %roll3A_1433 = tpu.dynamic_rotate %select_n3A_1419 by %roll3A_1432 dim 0 : vector<512x128xi32>, i32 -> vector<512x128xi32>
    %roll3A_1434 = arith.constant 4 : i32
    %roll3A_1435 = tpu.dynamic_rotate %select_n3A_1419 by %roll3A_1434 dim 0 : vector<512x128xi32>, i32 -> vector<512x128xi32>
    %iota3A_1436 = tpu.iota {dimensions = array<i32: 0>} : vector<512x128xi32>
    %and3A_1437 = arith.constant 4 : i32
    %and3A_1438 = vector.broadcast %and3A_1437 : i32 to vector<512x128xi32>
    %and3A_1439 = arith.andi %iota3A_1436, %and3A_1438 : vector<512x128xi32>
    %ne3A_1440 = arith.constant 0 : i32
    %ne3A_1441 = vector.broadcast %ne3A_1440 : i32 to vector<512x128xi32>
    %ne3A_1442 = arith.cmpi ne, %and3A_1439, %ne3A_1441 : vector<512x128xi32>
    %select_n3A_1443 = arith.select %ne3A_1442, %roll3A_1435, %roll3A_1433 : vector<512x128xi1>, vector<512x128xi32>
    %and3A_1444 = arith.constant 65535 : i32
    %and3A_1445 = vector.broadcast %and3A_1444 : i32 to vector<512x128xi32>
    %and3A_1446 = arith.andi %select_n3A_1419, %and3A_1445 : vector<512x128xi32>
    %and3A_1447 = arith.constant 65535 : i32
    %and3A_1448 = vector.broadcast %and3A_1447 : i32 to vector<512x128xi32>
    %and3A_1449 = arith.andi %select_n3A_1443, %and3A_1448 : vector<512x128xi32>
    %gt3A_1450 = arith.cmpi sgt, %select_n3A_1418, %select_n3A_1431 : vector<512x128xi32>
    %eq3A_1451 = arith.cmpi eq, %select_n3A_1418, %select_n3A_1431 : vector<512x128xi32>
    %gt3A_1452 = arith.cmpi sgt, %and3A_1446, %and3A_1449 : vector<512x128xi32>
    %and3A_1453 = arith.andi %eq3A_1451, %gt3A_1452 : vector<512x128xi1>
    %or3A_1454 = arith.ori %gt3A_1450, %and3A_1453 : vector<512x128xi1>
    %and3A_1455 = arith.constant 4 : i32
    %and3A_1456 = vector.broadcast %and3A_1455 : i32 to vector<512x128xi32>
    %and3A_1457 = arith.andi %iota3A, %and3A_1456 : vector<512x128xi32>
    %ne3A_1458 = arith.constant 0 : i32
    %ne3A_1459 = vector.broadcast %ne3A_1458 : i32 to vector<512x128xi32>
    %ne3A_1460 = arith.cmpi ne, %and3A_1457, %ne3A_1459 : vector<512x128xi32>
    %eq3A_1461 = arith.xori %ne3A_1460, %eq3A_1254 : vector<512x128xi1>
    %eq3A_1462 = arith.constant dense<true> : vector<512x128xi1>
    %eq3A_1463 = arith.xori %eq3A_1461, %eq3A_1462 : vector<512x128xi1>
    %xor3A_1464 = arith.xori %or3A_1454, %eq3A_1463 : vector<512x128xi1>
    %select_n3A_1465 = arith.select %xor3A_1464, %select_n3A_1431, %select_n3A_1418 : vector<512x128xi1>, vector<512x128xi32>
    %select_n3A_1466 = arith.select %xor3A_1464, %select_n3A_1443, %select_n3A_1419 : vector<512x128xi1>, vector<512x128xi32>
    %roll3A_1467 = arith.constant 510 : i32
    %roll3A_1468 = tpu.dynamic_rotate %select_n3A_1465 by %roll3A_1467 dim 0 : vector<512x128xi32>, i32 -> vector<512x128xi32>
    %roll3A_1469 = arith.constant 2 : i32
    %roll3A_1470 = tpu.dynamic_rotate %select_n3A_1465 by %roll3A_1469 dim 0 : vector<512x128xi32>, i32 -> vector<512x128xi32>
    %iota3A_1471 = tpu.iota {dimensions = array<i32: 0>} : vector<512x128xi32>
    %and3A_1472 = arith.constant 2 : i32
    %and3A_1473 = vector.broadcast %and3A_1472 : i32 to vector<512x128xi32>
    %and3A_1474 = arith.andi %iota3A_1471, %and3A_1473 : vector<512x128xi32>
    %ne3A_1475 = arith.constant 0 : i32
    %ne3A_1476 = vector.broadcast %ne3A_1475 : i32 to vector<512x128xi32>
    %ne3A_1477 = arith.cmpi ne, %and3A_1474, %ne3A_1476 : vector<512x128xi32>
    %select_n3A_1478 = arith.select %ne3A_1477, %roll3A_1470, %roll3A_1468 : vector<512x128xi1>, vector<512x128xi32>
    %roll3A_1479 = arith.constant 510 : i32
    %roll3A_1480 = tpu.dynamic_rotate %select_n3A_1466 by %roll3A_1479 dim 0 : vector<512x128xi32>, i32 -> vector<512x128xi32>
    %roll3A_1481 = arith.constant 2 : i32
    %roll3A_1482 = tpu.dynamic_rotate %select_n3A_1466 by %roll3A_1481 dim 0 : vector<512x128xi32>, i32 -> vector<512x128xi32>
    %iota3A_1483 = tpu.iota {dimensions = array<i32: 0>} : vector<512x128xi32>
    %and3A_1484 = arith.constant 2 : i32
    %and3A_1485 = vector.broadcast %and3A_1484 : i32 to vector<512x128xi32>
    %and3A_1486 = arith.andi %iota3A_1483, %and3A_1485 : vector<512x128xi32>
    %ne3A_1487 = arith.constant 0 : i32
    %ne3A_1488 = vector.broadcast %ne3A_1487 : i32 to vector<512x128xi32>
    %ne3A_1489 = arith.cmpi ne, %and3A_1486, %ne3A_1488 : vector<512x128xi32>
    %select_n3A_1490 = arith.select %ne3A_1489, %roll3A_1482, %roll3A_1480 : vector<512x128xi1>, vector<512x128xi32>
    %and3A_1491 = arith.constant 65535 : i32
    %and3A_1492 = vector.broadcast %and3A_1491 : i32 to vector<512x128xi32>
    %and3A_1493 = arith.andi %select_n3A_1466, %and3A_1492 : vector<512x128xi32>
    %and3A_1494 = arith.constant 65535 : i32
    %and3A_1495 = vector.broadcast %and3A_1494 : i32 to vector<512x128xi32>
    %and3A_1496 = arith.andi %select_n3A_1490, %and3A_1495 : vector<512x128xi32>
    %gt3A_1497 = arith.cmpi sgt, %select_n3A_1465, %select_n3A_1478 : vector<512x128xi32>
    %eq3A_1498 = arith.cmpi eq, %select_n3A_1465, %select_n3A_1478 : vector<512x128xi32>
    %gt3A_1499 = arith.cmpi sgt, %and3A_1493, %and3A_1496 : vector<512x128xi32>
    %and3A_1500 = arith.andi %eq3A_1498, %gt3A_1499 : vector<512x128xi1>
    %or3A_1501 = arith.ori %gt3A_1497, %and3A_1500 : vector<512x128xi1>
    %and3A_1502 = arith.constant 2 : i32
    %and3A_1503 = vector.broadcast %and3A_1502 : i32 to vector<512x128xi32>
    %and3A_1504 = arith.andi %iota3A, %and3A_1503 : vector<512x128xi32>
    %ne3A_1505 = arith.constant 0 : i32
    %ne3A_1506 = vector.broadcast %ne3A_1505 : i32 to vector<512x128xi32>
    %ne3A_1507 = arith.cmpi ne, %and3A_1504, %ne3A_1506 : vector<512x128xi32>
    %eq3A_1508 = arith.xori %ne3A_1507, %eq3A_1254 : vector<512x128xi1>
    %eq3A_1509 = arith.constant dense<true> : vector<512x128xi1>
    %eq3A_1510 = arith.xori %eq3A_1508, %eq3A_1509 : vector<512x128xi1>
    %xor3A_1511 = arith.xori %or3A_1501, %eq3A_1510 : vector<512x128xi1>
    %select_n3A_1512 = arith.select %xor3A_1511, %select_n3A_1478, %select_n3A_1465 : vector<512x128xi1>, vector<512x128xi32>
    %select_n3A_1513 = arith.select %xor3A_1511, %select_n3A_1490, %select_n3A_1466 : vector<512x128xi1>, vector<512x128xi32>
    %roll3A_1514 = arith.constant 511 : i32
    %roll3A_1515 = tpu.dynamic_rotate %select_n3A_1512 by %roll3A_1514 dim 0 : vector<512x128xi32>, i32 -> vector<512x128xi32>
    %roll3A_1516 = arith.constant 1 : i32
    %roll3A_1517 = tpu.dynamic_rotate %select_n3A_1512 by %roll3A_1516 dim 0 : vector<512x128xi32>, i32 -> vector<512x128xi32>
    %iota3A_1518 = tpu.iota {dimensions = array<i32: 0>} : vector<512x128xi32>
    %and3A_1519 = arith.constant 1 : i32
    %and3A_1520 = vector.broadcast %and3A_1519 : i32 to vector<512x128xi32>
    %and3A_1521 = arith.andi %iota3A_1518, %and3A_1520 : vector<512x128xi32>
    %ne3A_1522 = arith.constant 0 : i32
    %ne3A_1523 = vector.broadcast %ne3A_1522 : i32 to vector<512x128xi32>
    %ne3A_1524 = arith.cmpi ne, %and3A_1521, %ne3A_1523 : vector<512x128xi32>
    %select_n3A_1525 = arith.select %ne3A_1524, %roll3A_1517, %roll3A_1515 : vector<512x128xi1>, vector<512x128xi32>
    %roll3A_1526 = arith.constant 511 : i32
    %roll3A_1527 = tpu.dynamic_rotate %select_n3A_1513 by %roll3A_1526 dim 0 : vector<512x128xi32>, i32 -> vector<512x128xi32>
    %roll3A_1528 = arith.constant 1 : i32
    %roll3A_1529 = tpu.dynamic_rotate %select_n3A_1513 by %roll3A_1528 dim 0 : vector<512x128xi32>, i32 -> vector<512x128xi32>
    %iota3A_1530 = tpu.iota {dimensions = array<i32: 0>} : vector<512x128xi32>
    %and3A_1531 = arith.constant 1 : i32
    %and3A_1532 = vector.broadcast %and3A_1531 : i32 to vector<512x128xi32>
    %and3A_1533 = arith.andi %iota3A_1530, %and3A_1532 : vector<512x128xi32>
    %ne3A_1534 = arith.constant 0 : i32
    %ne3A_1535 = vector.broadcast %ne3A_1534 : i32 to vector<512x128xi32>
    %ne3A_1536 = arith.cmpi ne, %and3A_1533, %ne3A_1535 : vector<512x128xi32>
    %select_n3A_1537 = arith.select %ne3A_1536, %roll3A_1529, %roll3A_1527 : vector<512x128xi1>, vector<512x128xi32>
    %and3A_1538 = arith.constant 65535 : i32
    %and3A_1539 = vector.broadcast %and3A_1538 : i32 to vector<512x128xi32>
    %and3A_1540 = arith.andi %select_n3A_1513, %and3A_1539 : vector<512x128xi32>
    %and3A_1541 = arith.constant 65535 : i32
    %and3A_1542 = vector.broadcast %and3A_1541 : i32 to vector<512x128xi32>
    %and3A_1543 = arith.andi %select_n3A_1537, %and3A_1542 : vector<512x128xi32>
    %gt3A_1544 = arith.cmpi sgt, %select_n3A_1512, %select_n3A_1525 : vector<512x128xi32>
    %eq3A_1545 = arith.cmpi eq, %select_n3A_1512, %select_n3A_1525 : vector<512x128xi32>
    %gt3A_1546 = arith.cmpi sgt, %and3A_1540, %and3A_1543 : vector<512x128xi32>
    %and3A_1547 = arith.andi %eq3A_1545, %gt3A_1546 : vector<512x128xi1>
    %or3A_1548 = arith.ori %gt3A_1544, %and3A_1547 : vector<512x128xi1>
    %and3A_1549 = arith.constant 1 : i32
    %and3A_1550 = vector.broadcast %and3A_1549 : i32 to vector<512x128xi32>
    %and3A_1551 = arith.andi %iota3A, %and3A_1550 : vector<512x128xi32>
    %ne3A_1552 = arith.constant 0 : i32
    %ne3A_1553 = vector.broadcast %ne3A_1552 : i32 to vector<512x128xi32>
    %ne3A_1554 = arith.cmpi ne, %and3A_1551, %ne3A_1553 : vector<512x128xi32>
    %eq3A_1555 = arith.xori %ne3A_1554, %eq3A_1254 : vector<512x128xi1>
    %eq3A_1556 = arith.constant dense<true> : vector<512x128xi1>
    %eq3A_1557 = arith.xori %eq3A_1555, %eq3A_1556 : vector<512x128xi1>
    %xor3A_1558 = arith.xori %or3A_1548, %eq3A_1557 : vector<512x128xi1>
    %select_n3A_1559 = arith.select %xor3A_1558, %select_n3A_1525, %select_n3A_1512 : vector<512x128xi1>, vector<512x128xi32>
    %select_n3A_1560 = arith.select %xor3A_1558, %select_n3A_1537, %select_n3A_1513 : vector<512x128xi1>, vector<512x128xi32>
    %shift_right_arithmetic3A_1561 = arith.constant 9 : i32
    %shift_right_arithmetic3A_1562 = vector.broadcast %shift_right_arithmetic3A_1561 : i32 to vector<512x128xi32>
    %shift_right_arithmetic3A_1563 = arith.shrsi %add3A_6, %shift_right_arithmetic3A_1562 : vector<512x128xi32>
    %and3A_1564 = arith.constant 1 : i32
    %and3A_1565 = vector.broadcast %and3A_1564 : i32 to vector<512x128xi32>
    %and3A_1566 = arith.andi %shift_right_arithmetic3A_1563, %and3A_1565 : vector<512x128xi32>
    %eq3A_1567 = arith.constant 0 : i32
    %eq3A_1568 = vector.broadcast %eq3A_1567 : i32 to vector<512x128xi32>
    %eq3A_1569 = arith.cmpi eq, %and3A_1566, %eq3A_1568 : vector<512x128xi32>
    %reshape3A_1570 = vector.shape_cast %select_n3A_1559 : vector<512x128xi32> to vector<1x2x256x128xi32>
    %slice3A_1571 = vector.extract_strided_slice %reshape3A_1570 {offsets = [0, 1, 0, 0], sizes = [1, 1, 256, 128], strides = [1, 1, 1, 1]} : vector<1x2x256x128xi32> to vector<1x1x256x128xi32>
    %slice3A_1572 = vector.extract_strided_slice %reshape3A_1570 {offsets = [0, 0, 0, 0], sizes = [1, 1, 256, 128], strides = [1, 1, 1, 1]} : vector<1x2x256x128xi32> to vector<1x1x256x128xi32>
    %concatenate3A_1573 = tpu.concatenate %slice3A_1571, %slice3A_1572 in 1 : vector<1x1x256x128xi32>, vector<1x1x256x128xi32> -> vector<1x2x256x128xi32>
    %reshape3A_1574 = vector.shape_cast %concatenate3A_1573 : vector<1x2x256x128xi32> to vector<512x128xi32>
    %reshape3A_1575 = vector.shape_cast %select_n3A_1560 : vector<512x128xi32> to vector<1x2x256x128xi32>
    %slice3A_1576 = vector.extract_strided_slice %reshape3A_1575 {offsets = [0, 1, 0, 0], sizes = [1, 1, 256, 128], strides = [1, 1, 1, 1]} : vector<1x2x256x128xi32> to vector<1x1x256x128xi32>
    %slice3A_1577 = vector.extract_strided_slice %reshape3A_1575 {offsets = [0, 0, 0, 0], sizes = [1, 1, 256, 128], strides = [1, 1, 1, 1]} : vector<1x2x256x128xi32> to vector<1x1x256x128xi32>
    %concatenate3A_1578 = tpu.concatenate %slice3A_1576, %slice3A_1577 in 1 : vector<1x1x256x128xi32>, vector<1x1x256x128xi32> -> vector<1x2x256x128xi32>
    %reshape3A_1579 = vector.shape_cast %concatenate3A_1578 : vector<1x2x256x128xi32> to vector<512x128xi32>
    %and3A_1580 = arith.constant 65535 : i32
    %and3A_1581 = vector.broadcast %and3A_1580 : i32 to vector<512x128xi32>
    %and3A_1582 = arith.andi %select_n3A_1560, %and3A_1581 : vector<512x128xi32>
    %and3A_1583 = arith.constant 65535 : i32
    %and3A_1584 = vector.broadcast %and3A_1583 : i32 to vector<512x128xi32>
    %and3A_1585 = arith.andi %reshape3A_1579, %and3A_1584 : vector<512x128xi32>
    %gt3A_1586 = arith.cmpi sgt, %select_n3A_1559, %reshape3A_1574 : vector<512x128xi32>
    %eq3A_1587 = arith.cmpi eq, %select_n3A_1559, %reshape3A_1574 : vector<512x128xi32>
    %gt3A_1588 = arith.cmpi sgt, %and3A_1582, %and3A_1585 : vector<512x128xi32>
    %and3A_1589 = arith.andi %eq3A_1587, %gt3A_1588 : vector<512x128xi1>
    %or3A_1590 = arith.ori %gt3A_1586, %and3A_1589 : vector<512x128xi1>
    %and3A_1591 = arith.constant 256 : i32
    %and3A_1592 = vector.broadcast %and3A_1591 : i32 to vector<512x128xi32>
    %and3A_1593 = arith.andi %iota3A, %and3A_1592 : vector<512x128xi32>
    %ne3A_1594 = arith.constant 0 : i32
    %ne3A_1595 = vector.broadcast %ne3A_1594 : i32 to vector<512x128xi32>
    %ne3A_1596 = arith.cmpi ne, %and3A_1593, %ne3A_1595 : vector<512x128xi32>
    %eq3A_1597 = arith.xori %ne3A_1596, %eq3A_1569 : vector<512x128xi1>
    %eq3A_1598 = arith.constant dense<true> : vector<512x128xi1>
    %eq3A_1599 = arith.xori %eq3A_1597, %eq3A_1598 : vector<512x128xi1>
    %xor3A_1600 = arith.xori %or3A_1590, %eq3A_1599 : vector<512x128xi1>
    %select_n3A_1601 = arith.select %xor3A_1600, %reshape3A_1574, %select_n3A_1559 : vector<512x128xi1>, vector<512x128xi32>
    %select_n3A_1602 = arith.select %xor3A_1600, %reshape3A_1579, %select_n3A_1560 : vector<512x128xi1>, vector<512x128xi32>
    %reshape3A_1603 = vector.shape_cast %select_n3A_1601 : vector<512x128xi32> to vector<2x2x128x128xi32>
    %slice3A_1604 = vector.extract_strided_slice %reshape3A_1603 {offsets = [0, 1, 0, 0], sizes = [2, 1, 128, 128], strides = [1, 1, 1, 1]} : vector<2x2x128x128xi32> to vector<2x1x128x128xi32>
    %slice3A_1605 = vector.extract_strided_slice %reshape3A_1603 {offsets = [0, 0, 0, 0], sizes = [2, 1, 128, 128], strides = [1, 1, 1, 1]} : vector<2x2x128x128xi32> to vector<2x1x128x128xi32>
    %concatenate3A_1606 = tpu.concatenate %slice3A_1604, %slice3A_1605 in 1 : vector<2x1x128x128xi32>, vector<2x1x128x128xi32> -> vector<2x2x128x128xi32>
    %reshape3A_1607 = vector.shape_cast %concatenate3A_1606 : vector<2x2x128x128xi32> to vector<512x128xi32>
    %reshape3A_1608 = vector.shape_cast %select_n3A_1602 : vector<512x128xi32> to vector<2x2x128x128xi32>
    %slice3A_1609 = vector.extract_strided_slice %reshape3A_1608 {offsets = [0, 1, 0, 0], sizes = [2, 1, 128, 128], strides = [1, 1, 1, 1]} : vector<2x2x128x128xi32> to vector<2x1x128x128xi32>
    %slice3A_1610 = vector.extract_strided_slice %reshape3A_1608 {offsets = [0, 0, 0, 0], sizes = [2, 1, 128, 128], strides = [1, 1, 1, 1]} : vector<2x2x128x128xi32> to vector<2x1x128x128xi32>
    %concatenate3A_1611 = tpu.concatenate %slice3A_1609, %slice3A_1610 in 1 : vector<2x1x128x128xi32>, vector<2x1x128x128xi32> -> vector<2x2x128x128xi32>
    %reshape3A_1612 = vector.shape_cast %concatenate3A_1611 : vector<2x2x128x128xi32> to vector<512x128xi32>
    %and3A_1613 = arith.constant 65535 : i32
    %and3A_1614 = vector.broadcast %and3A_1613 : i32 to vector<512x128xi32>
    %and3A_1615 = arith.andi %select_n3A_1602, %and3A_1614 : vector<512x128xi32>
    %and3A_1616 = arith.constant 65535 : i32
    %and3A_1617 = vector.broadcast %and3A_1616 : i32 to vector<512x128xi32>
    %and3A_1618 = arith.andi %reshape3A_1612, %and3A_1617 : vector<512x128xi32>
    %gt3A_1619 = arith.cmpi sgt, %select_n3A_1601, %reshape3A_1607 : vector<512x128xi32>
    %eq3A_1620 = arith.cmpi eq, %select_n3A_1601, %reshape3A_1607 : vector<512x128xi32>
    %gt3A_1621 = arith.cmpi sgt, %and3A_1615, %and3A_1618 : vector<512x128xi32>
    %and3A_1622 = arith.andi %eq3A_1620, %gt3A_1621 : vector<512x128xi1>
    %or3A_1623 = arith.ori %gt3A_1619, %and3A_1622 : vector<512x128xi1>
    %and3A_1624 = arith.constant 128 : i32
    %and3A_1625 = vector.broadcast %and3A_1624 : i32 to vector<512x128xi32>
    %and3A_1626 = arith.andi %iota3A, %and3A_1625 : vector<512x128xi32>
    %ne3A_1627 = arith.constant 0 : i32
    %ne3A_1628 = vector.broadcast %ne3A_1627 : i32 to vector<512x128xi32>
    %ne3A_1629 = arith.cmpi ne, %and3A_1626, %ne3A_1628 : vector<512x128xi32>
    %eq3A_1630 = arith.xori %ne3A_1629, %eq3A_1569 : vector<512x128xi1>
    %eq3A_1631 = arith.constant dense<true> : vector<512x128xi1>
    %eq3A_1632 = arith.xori %eq3A_1630, %eq3A_1631 : vector<512x128xi1>
    %xor3A_1633 = arith.xori %or3A_1623, %eq3A_1632 : vector<512x128xi1>
    %select_n3A_1634 = arith.select %xor3A_1633, %reshape3A_1607, %select_n3A_1601 : vector<512x128xi1>, vector<512x128xi32>
    %select_n3A_1635 = arith.select %xor3A_1633, %reshape3A_1612, %select_n3A_1602 : vector<512x128xi1>, vector<512x128xi32>
    %reshape3A_1636 = vector.shape_cast %select_n3A_1634 : vector<512x128xi32> to vector<4x2x64x128xi32>
    %slice3A_1637 = vector.extract_strided_slice %reshape3A_1636 {offsets = [0, 1, 0, 0], sizes = [4, 1, 64, 128], strides = [1, 1, 1, 1]} : vector<4x2x64x128xi32> to vector<4x1x64x128xi32>
    %slice3A_1638 = vector.extract_strided_slice %reshape3A_1636 {offsets = [0, 0, 0, 0], sizes = [4, 1, 64, 128], strides = [1, 1, 1, 1]} : vector<4x2x64x128xi32> to vector<4x1x64x128xi32>
    %concatenate3A_1639 = tpu.concatenate %slice3A_1637, %slice3A_1638 in 1 : vector<4x1x64x128xi32>, vector<4x1x64x128xi32> -> vector<4x2x64x128xi32>
    %reshape3A_1640 = vector.shape_cast %concatenate3A_1639 : vector<4x2x64x128xi32> to vector<512x128xi32>
    %reshape3A_1641 = vector.shape_cast %select_n3A_1635 : vector<512x128xi32> to vector<4x2x64x128xi32>
    %slice3A_1642 = vector.extract_strided_slice %reshape3A_1641 {offsets = [0, 1, 0, 0], sizes = [4, 1, 64, 128], strides = [1, 1, 1, 1]} : vector<4x2x64x128xi32> to vector<4x1x64x128xi32>
    %slice3A_1643 = vector.extract_strided_slice %reshape3A_1641 {offsets = [0, 0, 0, 0], sizes = [4, 1, 64, 128], strides = [1, 1, 1, 1]} : vector<4x2x64x128xi32> to vector<4x1x64x128xi32>
    %concatenate3A_1644 = tpu.concatenate %slice3A_1642, %slice3A_1643 in 1 : vector<4x1x64x128xi32>, vector<4x1x64x128xi32> -> vector<4x2x64x128xi32>
    %reshape3A_1645 = vector.shape_cast %concatenate3A_1644 : vector<4x2x64x128xi32> to vector<512x128xi32>
    %and3A_1646 = arith.constant 65535 : i32
    %and3A_1647 = vector.broadcast %and3A_1646 : i32 to vector<512x128xi32>
    %and3A_1648 = arith.andi %select_n3A_1635, %and3A_1647 : vector<512x128xi32>
    %and3A_1649 = arith.constant 65535 : i32
    %and3A_1650 = vector.broadcast %and3A_1649 : i32 to vector<512x128xi32>
    %and3A_1651 = arith.andi %reshape3A_1645, %and3A_1650 : vector<512x128xi32>
    %gt3A_1652 = arith.cmpi sgt, %select_n3A_1634, %reshape3A_1640 : vector<512x128xi32>
    %eq3A_1653 = arith.cmpi eq, %select_n3A_1634, %reshape3A_1640 : vector<512x128xi32>
    %gt3A_1654 = arith.cmpi sgt, %and3A_1648, %and3A_1651 : vector<512x128xi32>
    %and3A_1655 = arith.andi %eq3A_1653, %gt3A_1654 : vector<512x128xi1>
    %or3A_1656 = arith.ori %gt3A_1652, %and3A_1655 : vector<512x128xi1>
    %and3A_1657 = arith.constant 64 : i32
    %and3A_1658 = vector.broadcast %and3A_1657 : i32 to vector<512x128xi32>
    %and3A_1659 = arith.andi %iota3A, %and3A_1658 : vector<512x128xi32>
    %ne3A_1660 = arith.constant 0 : i32
    %ne3A_1661 = vector.broadcast %ne3A_1660 : i32 to vector<512x128xi32>
    %ne3A_1662 = arith.cmpi ne, %and3A_1659, %ne3A_1661 : vector<512x128xi32>
    %eq3A_1663 = arith.xori %ne3A_1662, %eq3A_1569 : vector<512x128xi1>
    %eq3A_1664 = arith.constant dense<true> : vector<512x128xi1>
    %eq3A_1665 = arith.xori %eq3A_1663, %eq3A_1664 : vector<512x128xi1>
    %xor3A_1666 = arith.xori %or3A_1656, %eq3A_1665 : vector<512x128xi1>
    %select_n3A_1667 = arith.select %xor3A_1666, %reshape3A_1640, %select_n3A_1634 : vector<512x128xi1>, vector<512x128xi32>
    %select_n3A_1668 = arith.select %xor3A_1666, %reshape3A_1645, %select_n3A_1635 : vector<512x128xi1>, vector<512x128xi32>
    %reshape3A_1669 = vector.shape_cast %select_n3A_1667 : vector<512x128xi32> to vector<8x2x32x128xi32>
    %slice3A_1670 = vector.extract_strided_slice %reshape3A_1669 {offsets = [0, 1, 0, 0], sizes = [8, 1, 32, 128], strides = [1, 1, 1, 1]} : vector<8x2x32x128xi32> to vector<8x1x32x128xi32>
    %slice3A_1671 = vector.extract_strided_slice %reshape3A_1669 {offsets = [0, 0, 0, 0], sizes = [8, 1, 32, 128], strides = [1, 1, 1, 1]} : vector<8x2x32x128xi32> to vector<8x1x32x128xi32>
    %concatenate3A_1672 = tpu.concatenate %slice3A_1670, %slice3A_1671 in 1 : vector<8x1x32x128xi32>, vector<8x1x32x128xi32> -> vector<8x2x32x128xi32>
    %reshape3A_1673 = vector.shape_cast %concatenate3A_1672 : vector<8x2x32x128xi32> to vector<512x128xi32>
    %reshape3A_1674 = vector.shape_cast %select_n3A_1668 : vector<512x128xi32> to vector<8x2x32x128xi32>
    %slice3A_1675 = vector.extract_strided_slice %reshape3A_1674 {offsets = [0, 1, 0, 0], sizes = [8, 1, 32, 128], strides = [1, 1, 1, 1]} : vector<8x2x32x128xi32> to vector<8x1x32x128xi32>
    %slice3A_1676 = vector.extract_strided_slice %reshape3A_1674 {offsets = [0, 0, 0, 0], sizes = [8, 1, 32, 128], strides = [1, 1, 1, 1]} : vector<8x2x32x128xi32> to vector<8x1x32x128xi32>
    %concatenate3A_1677 = tpu.concatenate %slice3A_1675, %slice3A_1676 in 1 : vector<8x1x32x128xi32>, vector<8x1x32x128xi32> -> vector<8x2x32x128xi32>
    %reshape3A_1678 = vector.shape_cast %concatenate3A_1677 : vector<8x2x32x128xi32> to vector<512x128xi32>
    %and3A_1679 = arith.constant 65535 : i32
    %and3A_1680 = vector.broadcast %and3A_1679 : i32 to vector<512x128xi32>
    %and3A_1681 = arith.andi %select_n3A_1668, %and3A_1680 : vector<512x128xi32>
    %and3A_1682 = arith.constant 65535 : i32
    %and3A_1683 = vector.broadcast %and3A_1682 : i32 to vector<512x128xi32>
    %and3A_1684 = arith.andi %reshape3A_1678, %and3A_1683 : vector<512x128xi32>
    %gt3A_1685 = arith.cmpi sgt, %select_n3A_1667, %reshape3A_1673 : vector<512x128xi32>
    %eq3A_1686 = arith.cmpi eq, %select_n3A_1667, %reshape3A_1673 : vector<512x128xi32>
    %gt3A_1687 = arith.cmpi sgt, %and3A_1681, %and3A_1684 : vector<512x128xi32>
    %and3A_1688 = arith.andi %eq3A_1686, %gt3A_1687 : vector<512x128xi1>
    %or3A_1689 = arith.ori %gt3A_1685, %and3A_1688 : vector<512x128xi1>
    %and3A_1690 = arith.constant 32 : i32
    %and3A_1691 = vector.broadcast %and3A_1690 : i32 to vector<512x128xi32>
    %and3A_1692 = arith.andi %iota3A, %and3A_1691 : vector<512x128xi32>
    %ne3A_1693 = arith.constant 0 : i32
    %ne3A_1694 = vector.broadcast %ne3A_1693 : i32 to vector<512x128xi32>
    %ne3A_1695 = arith.cmpi ne, %and3A_1692, %ne3A_1694 : vector<512x128xi32>
    %eq3A_1696 = arith.xori %ne3A_1695, %eq3A_1569 : vector<512x128xi1>
    %eq3A_1697 = arith.constant dense<true> : vector<512x128xi1>
    %eq3A_1698 = arith.xori %eq3A_1696, %eq3A_1697 : vector<512x128xi1>
    %xor3A_1699 = arith.xori %or3A_1689, %eq3A_1698 : vector<512x128xi1>
    %select_n3A_1700 = arith.select %xor3A_1699, %reshape3A_1673, %select_n3A_1667 : vector<512x128xi1>, vector<512x128xi32>
    %select_n3A_1701 = arith.select %xor3A_1699, %reshape3A_1678, %select_n3A_1668 : vector<512x128xi1>, vector<512x128xi32>
    %reshape3A_1702 = vector.shape_cast %select_n3A_1700 : vector<512x128xi32> to vector<16x2x16x128xi32>
    %slice3A_1703 = vector.extract_strided_slice %reshape3A_1702 {offsets = [0, 1, 0, 0], sizes = [16, 1, 16, 128], strides = [1, 1, 1, 1]} : vector<16x2x16x128xi32> to vector<16x1x16x128xi32>
    %slice3A_1704 = vector.extract_strided_slice %reshape3A_1702 {offsets = [0, 0, 0, 0], sizes = [16, 1, 16, 128], strides = [1, 1, 1, 1]} : vector<16x2x16x128xi32> to vector<16x1x16x128xi32>
    %concatenate3A_1705 = tpu.concatenate %slice3A_1703, %slice3A_1704 in 1 : vector<16x1x16x128xi32>, vector<16x1x16x128xi32> -> vector<16x2x16x128xi32>
    %reshape3A_1706 = vector.shape_cast %concatenate3A_1705 : vector<16x2x16x128xi32> to vector<512x128xi32>
    %reshape3A_1707 = vector.shape_cast %select_n3A_1701 : vector<512x128xi32> to vector<16x2x16x128xi32>
    %slice3A_1708 = vector.extract_strided_slice %reshape3A_1707 {offsets = [0, 1, 0, 0], sizes = [16, 1, 16, 128], strides = [1, 1, 1, 1]} : vector<16x2x16x128xi32> to vector<16x1x16x128xi32>
    %slice3A_1709 = vector.extract_strided_slice %reshape3A_1707 {offsets = [0, 0, 0, 0], sizes = [16, 1, 16, 128], strides = [1, 1, 1, 1]} : vector<16x2x16x128xi32> to vector<16x1x16x128xi32>
    %concatenate3A_1710 = tpu.concatenate %slice3A_1708, %slice3A_1709 in 1 : vector<16x1x16x128xi32>, vector<16x1x16x128xi32> -> vector<16x2x16x128xi32>
    %reshape3A_1711 = vector.shape_cast %concatenate3A_1710 : vector<16x2x16x128xi32> to vector<512x128xi32>
    %and3A_1712 = arith.constant 65535 : i32
    %and3A_1713 = vector.broadcast %and3A_1712 : i32 to vector<512x128xi32>
    %and3A_1714 = arith.andi %select_n3A_1701, %and3A_1713 : vector<512x128xi32>
    %and3A_1715 = arith.constant 65535 : i32
    %and3A_1716 = vector.broadcast %and3A_1715 : i32 to vector<512x128xi32>
    %and3A_1717 = arith.andi %reshape3A_1711, %and3A_1716 : vector<512x128xi32>
    %gt3A_1718 = arith.cmpi sgt, %select_n3A_1700, %reshape3A_1706 : vector<512x128xi32>
    %eq3A_1719 = arith.cmpi eq, %select_n3A_1700, %reshape3A_1706 : vector<512x128xi32>
    %gt3A_1720 = arith.cmpi sgt, %and3A_1714, %and3A_1717 : vector<512x128xi32>
    %and3A_1721 = arith.andi %eq3A_1719, %gt3A_1720 : vector<512x128xi1>
    %or3A_1722 = arith.ori %gt3A_1718, %and3A_1721 : vector<512x128xi1>
    %and3A_1723 = arith.constant 16 : i32
    %and3A_1724 = vector.broadcast %and3A_1723 : i32 to vector<512x128xi32>
    %and3A_1725 = arith.andi %iota3A, %and3A_1724 : vector<512x128xi32>
    %ne3A_1726 = arith.constant 0 : i32
    %ne3A_1727 = vector.broadcast %ne3A_1726 : i32 to vector<512x128xi32>
    %ne3A_1728 = arith.cmpi ne, %and3A_1725, %ne3A_1727 : vector<512x128xi32>
    %eq3A_1729 = arith.xori %ne3A_1728, %eq3A_1569 : vector<512x128xi1>
    %eq3A_1730 = arith.constant dense<true> : vector<512x128xi1>
    %eq3A_1731 = arith.xori %eq3A_1729, %eq3A_1730 : vector<512x128xi1>
    %xor3A_1732 = arith.xori %or3A_1722, %eq3A_1731 : vector<512x128xi1>
    %select_n3A_1733 = arith.select %xor3A_1732, %reshape3A_1706, %select_n3A_1700 : vector<512x128xi1>, vector<512x128xi32>
    %select_n3A_1734 = arith.select %xor3A_1732, %reshape3A_1711, %select_n3A_1701 : vector<512x128xi1>, vector<512x128xi32>
    %reshape3A_1735 = vector.shape_cast %select_n3A_1733 : vector<512x128xi32> to vector<32x2x8x128xi32>
    %slice3A_1736 = vector.extract_strided_slice %reshape3A_1735 {offsets = [0, 1, 0, 0], sizes = [32, 1, 8, 128], strides = [1, 1, 1, 1]} : vector<32x2x8x128xi32> to vector<32x1x8x128xi32>
    %slice3A_1737 = vector.extract_strided_slice %reshape3A_1735 {offsets = [0, 0, 0, 0], sizes = [32, 1, 8, 128], strides = [1, 1, 1, 1]} : vector<32x2x8x128xi32> to vector<32x1x8x128xi32>
    %concatenate3A_1738 = tpu.concatenate %slice3A_1736, %slice3A_1737 in 1 : vector<32x1x8x128xi32>, vector<32x1x8x128xi32> -> vector<32x2x8x128xi32>
    %reshape3A_1739 = vector.shape_cast %concatenate3A_1738 : vector<32x2x8x128xi32> to vector<512x128xi32>
    %reshape3A_1740 = vector.shape_cast %select_n3A_1734 : vector<512x128xi32> to vector<32x2x8x128xi32>
    %slice3A_1741 = vector.extract_strided_slice %reshape3A_1740 {offsets = [0, 1, 0, 0], sizes = [32, 1, 8, 128], strides = [1, 1, 1, 1]} : vector<32x2x8x128xi32> to vector<32x1x8x128xi32>
    %slice3A_1742 = vector.extract_strided_slice %reshape3A_1740 {offsets = [0, 0, 0, 0], sizes = [32, 1, 8, 128], strides = [1, 1, 1, 1]} : vector<32x2x8x128xi32> to vector<32x1x8x128xi32>
    %concatenate3A_1743 = tpu.concatenate %slice3A_1741, %slice3A_1742 in 1 : vector<32x1x8x128xi32>, vector<32x1x8x128xi32> -> vector<32x2x8x128xi32>
    %reshape3A_1744 = vector.shape_cast %concatenate3A_1743 : vector<32x2x8x128xi32> to vector<512x128xi32>
    %and3A_1745 = arith.constant 65535 : i32
    %and3A_1746 = vector.broadcast %and3A_1745 : i32 to vector<512x128xi32>
    %and3A_1747 = arith.andi %select_n3A_1734, %and3A_1746 : vector<512x128xi32>
    %and3A_1748 = arith.constant 65535 : i32
    %and3A_1749 = vector.broadcast %and3A_1748 : i32 to vector<512x128xi32>
    %and3A_1750 = arith.andi %reshape3A_1744, %and3A_1749 : vector<512x128xi32>
    %gt3A_1751 = arith.cmpi sgt, %select_n3A_1733, %reshape3A_1739 : vector<512x128xi32>
    %eq3A_1752 = arith.cmpi eq, %select_n3A_1733, %reshape3A_1739 : vector<512x128xi32>
    %gt3A_1753 = arith.cmpi sgt, %and3A_1747, %and3A_1750 : vector<512x128xi32>
    %and3A_1754 = arith.andi %eq3A_1752, %gt3A_1753 : vector<512x128xi1>
    %or3A_1755 = arith.ori %gt3A_1751, %and3A_1754 : vector<512x128xi1>
    %and3A_1756 = arith.constant 8 : i32
    %and3A_1757 = vector.broadcast %and3A_1756 : i32 to vector<512x128xi32>
    %and3A_1758 = arith.andi %iota3A, %and3A_1757 : vector<512x128xi32>
    %ne3A_1759 = arith.constant 0 : i32
    %ne3A_1760 = vector.broadcast %ne3A_1759 : i32 to vector<512x128xi32>
    %ne3A_1761 = arith.cmpi ne, %and3A_1758, %ne3A_1760 : vector<512x128xi32>
    %eq3A_1762 = arith.xori %ne3A_1761, %eq3A_1569 : vector<512x128xi1>
    %eq3A_1763 = arith.constant dense<true> : vector<512x128xi1>
    %eq3A_1764 = arith.xori %eq3A_1762, %eq3A_1763 : vector<512x128xi1>
    %xor3A_1765 = arith.xori %or3A_1755, %eq3A_1764 : vector<512x128xi1>
    %select_n3A_1766 = arith.select %xor3A_1765, %reshape3A_1739, %select_n3A_1733 : vector<512x128xi1>, vector<512x128xi32>
    %select_n3A_1767 = arith.select %xor3A_1765, %reshape3A_1744, %select_n3A_1734 : vector<512x128xi1>, vector<512x128xi32>
    %roll3A_1768 = arith.constant 508 : i32
    %roll3A_1769 = tpu.dynamic_rotate %select_n3A_1766 by %roll3A_1768 dim 0 : vector<512x128xi32>, i32 -> vector<512x128xi32>
    %roll3A_1770 = arith.constant 4 : i32
    %roll3A_1771 = tpu.dynamic_rotate %select_n3A_1766 by %roll3A_1770 dim 0 : vector<512x128xi32>, i32 -> vector<512x128xi32>
    %iota3A_1772 = tpu.iota {dimensions = array<i32: 0>} : vector<512x128xi32>
    %and3A_1773 = arith.constant 4 : i32
    %and3A_1774 = vector.broadcast %and3A_1773 : i32 to vector<512x128xi32>
    %and3A_1775 = arith.andi %iota3A_1772, %and3A_1774 : vector<512x128xi32>
    %ne3A_1776 = arith.constant 0 : i32
    %ne3A_1777 = vector.broadcast %ne3A_1776 : i32 to vector<512x128xi32>
    %ne3A_1778 = arith.cmpi ne, %and3A_1775, %ne3A_1777 : vector<512x128xi32>
    %select_n3A_1779 = arith.select %ne3A_1778, %roll3A_1771, %roll3A_1769 : vector<512x128xi1>, vector<512x128xi32>
    %roll3A_1780 = arith.constant 508 : i32
    %roll3A_1781 = tpu.dynamic_rotate %select_n3A_1767 by %roll3A_1780 dim 0 : vector<512x128xi32>, i32 -> vector<512x128xi32>
    %roll3A_1782 = arith.constant 4 : i32
    %roll3A_1783 = tpu.dynamic_rotate %select_n3A_1767 by %roll3A_1782 dim 0 : vector<512x128xi32>, i32 -> vector<512x128xi32>
    %iota3A_1784 = tpu.iota {dimensions = array<i32: 0>} : vector<512x128xi32>
    %and3A_1785 = arith.constant 4 : i32
    %and3A_1786 = vector.broadcast %and3A_1785 : i32 to vector<512x128xi32>
    %and3A_1787 = arith.andi %iota3A_1784, %and3A_1786 : vector<512x128xi32>
    %ne3A_1788 = arith.constant 0 : i32
    %ne3A_1789 = vector.broadcast %ne3A_1788 : i32 to vector<512x128xi32>
    %ne3A_1790 = arith.cmpi ne, %and3A_1787, %ne3A_1789 : vector<512x128xi32>
    %select_n3A_1791 = arith.select %ne3A_1790, %roll3A_1783, %roll3A_1781 : vector<512x128xi1>, vector<512x128xi32>
    %and3A_1792 = arith.constant 65535 : i32
    %and3A_1793 = vector.broadcast %and3A_1792 : i32 to vector<512x128xi32>
    %and3A_1794 = arith.andi %select_n3A_1767, %and3A_1793 : vector<512x128xi32>
    %and3A_1795 = arith.constant 65535 : i32
    %and3A_1796 = vector.broadcast %and3A_1795 : i32 to vector<512x128xi32>
    %and3A_1797 = arith.andi %select_n3A_1791, %and3A_1796 : vector<512x128xi32>
    %gt3A_1798 = arith.cmpi sgt, %select_n3A_1766, %select_n3A_1779 : vector<512x128xi32>
    %eq3A_1799 = arith.cmpi eq, %select_n3A_1766, %select_n3A_1779 : vector<512x128xi32>
    %gt3A_1800 = arith.cmpi sgt, %and3A_1794, %and3A_1797 : vector<512x128xi32>
    %and3A_1801 = arith.andi %eq3A_1799, %gt3A_1800 : vector<512x128xi1>
    %or3A_1802 = arith.ori %gt3A_1798, %and3A_1801 : vector<512x128xi1>
    %and3A_1803 = arith.constant 4 : i32
    %and3A_1804 = vector.broadcast %and3A_1803 : i32 to vector<512x128xi32>
    %and3A_1805 = arith.andi %iota3A, %and3A_1804 : vector<512x128xi32>
    %ne3A_1806 = arith.constant 0 : i32
    %ne3A_1807 = vector.broadcast %ne3A_1806 : i32 to vector<512x128xi32>
    %ne3A_1808 = arith.cmpi ne, %and3A_1805, %ne3A_1807 : vector<512x128xi32>
    %eq3A_1809 = arith.xori %ne3A_1808, %eq3A_1569 : vector<512x128xi1>
    %eq3A_1810 = arith.constant dense<true> : vector<512x128xi1>
    %eq3A_1811 = arith.xori %eq3A_1809, %eq3A_1810 : vector<512x128xi1>
    %xor3A_1812 = arith.xori %or3A_1802, %eq3A_1811 : vector<512x128xi1>
    %select_n3A_1813 = arith.select %xor3A_1812, %select_n3A_1779, %select_n3A_1766 : vector<512x128xi1>, vector<512x128xi32>
    %select_n3A_1814 = arith.select %xor3A_1812, %select_n3A_1791, %select_n3A_1767 : vector<512x128xi1>, vector<512x128xi32>
    %roll3A_1815 = arith.constant 510 : i32
    %roll3A_1816 = tpu.dynamic_rotate %select_n3A_1813 by %roll3A_1815 dim 0 : vector<512x128xi32>, i32 -> vector<512x128xi32>
    %roll3A_1817 = arith.constant 2 : i32
    %roll3A_1818 = tpu.dynamic_rotate %select_n3A_1813 by %roll3A_1817 dim 0 : vector<512x128xi32>, i32 -> vector<512x128xi32>
    %iota3A_1819 = tpu.iota {dimensions = array<i32: 0>} : vector<512x128xi32>
    %and3A_1820 = arith.constant 2 : i32
    %and3A_1821 = vector.broadcast %and3A_1820 : i32 to vector<512x128xi32>
    %and3A_1822 = arith.andi %iota3A_1819, %and3A_1821 : vector<512x128xi32>
    %ne3A_1823 = arith.constant 0 : i32
    %ne3A_1824 = vector.broadcast %ne3A_1823 : i32 to vector<512x128xi32>
    %ne3A_1825 = arith.cmpi ne, %and3A_1822, %ne3A_1824 : vector<512x128xi32>
    %select_n3A_1826 = arith.select %ne3A_1825, %roll3A_1818, %roll3A_1816 : vector<512x128xi1>, vector<512x128xi32>
    %roll3A_1827 = arith.constant 510 : i32
    %roll3A_1828 = tpu.dynamic_rotate %select_n3A_1814 by %roll3A_1827 dim 0 : vector<512x128xi32>, i32 -> vector<512x128xi32>
    %roll3A_1829 = arith.constant 2 : i32
    %roll3A_1830 = tpu.dynamic_rotate %select_n3A_1814 by %roll3A_1829 dim 0 : vector<512x128xi32>, i32 -> vector<512x128xi32>
    %iota3A_1831 = tpu.iota {dimensions = array<i32: 0>} : vector<512x128xi32>
    %and3A_1832 = arith.constant 2 : i32
    %and3A_1833 = vector.broadcast %and3A_1832 : i32 to vector<512x128xi32>
    %and3A_1834 = arith.andi %iota3A_1831, %and3A_1833 : vector<512x128xi32>
    %ne3A_1835 = arith.constant 0 : i32
    %ne3A_1836 = vector.broadcast %ne3A_1835 : i32 to vector<512x128xi32>
    %ne3A_1837 = arith.cmpi ne, %and3A_1834, %ne3A_1836 : vector<512x128xi32>
    %select_n3A_1838 = arith.select %ne3A_1837, %roll3A_1830, %roll3A_1828 : vector<512x128xi1>, vector<512x128xi32>
    %and3A_1839 = arith.constant 65535 : i32
    %and3A_1840 = vector.broadcast %and3A_1839 : i32 to vector<512x128xi32>
    %and3A_1841 = arith.andi %select_n3A_1814, %and3A_1840 : vector<512x128xi32>
    %and3A_1842 = arith.constant 65535 : i32
    %and3A_1843 = vector.broadcast %and3A_1842 : i32 to vector<512x128xi32>
    %and3A_1844 = arith.andi %select_n3A_1838, %and3A_1843 : vector<512x128xi32>
    %gt3A_1845 = arith.cmpi sgt, %select_n3A_1813, %select_n3A_1826 : vector<512x128xi32>
    %eq3A_1846 = arith.cmpi eq, %select_n3A_1813, %select_n3A_1826 : vector<512x128xi32>
    %gt3A_1847 = arith.cmpi sgt, %and3A_1841, %and3A_1844 : vector<512x128xi32>
    %and3A_1848 = arith.andi %eq3A_1846, %gt3A_1847 : vector<512x128xi1>
    %or3A_1849 = arith.ori %gt3A_1845, %and3A_1848 : vector<512x128xi1>
    %and3A_1850 = arith.constant 2 : i32
    %and3A_1851 = vector.broadcast %and3A_1850 : i32 to vector<512x128xi32>
    %and3A_1852 = arith.andi %iota3A, %and3A_1851 : vector<512x128xi32>
    %ne3A_1853 = arith.constant 0 : i32
    %ne3A_1854 = vector.broadcast %ne3A_1853 : i32 to vector<512x128xi32>
    %ne3A_1855 = arith.cmpi ne, %and3A_1852, %ne3A_1854 : vector<512x128xi32>
    %eq3A_1856 = arith.xori %ne3A_1855, %eq3A_1569 : vector<512x128xi1>
    %eq3A_1857 = arith.constant dense<true> : vector<512x128xi1>
    %eq3A_1858 = arith.xori %eq3A_1856, %eq3A_1857 : vector<512x128xi1>
    %xor3A_1859 = arith.xori %or3A_1849, %eq3A_1858 : vector<512x128xi1>
    %select_n3A_1860 = arith.select %xor3A_1859, %select_n3A_1826, %select_n3A_1813 : vector<512x128xi1>, vector<512x128xi32>
    %select_n3A_1861 = arith.select %xor3A_1859, %select_n3A_1838, %select_n3A_1814 : vector<512x128xi1>, vector<512x128xi32>
    %roll3A_1862 = arith.constant 511 : i32
    %roll3A_1863 = tpu.dynamic_rotate %select_n3A_1860 by %roll3A_1862 dim 0 : vector<512x128xi32>, i32 -> vector<512x128xi32>
    %roll3A_1864 = arith.constant 1 : i32
    %roll3A_1865 = tpu.dynamic_rotate %select_n3A_1860 by %roll3A_1864 dim 0 : vector<512x128xi32>, i32 -> vector<512x128xi32>
    %iota3A_1866 = tpu.iota {dimensions = array<i32: 0>} : vector<512x128xi32>
    %and3A_1867 = arith.constant 1 : i32
    %and3A_1868 = vector.broadcast %and3A_1867 : i32 to vector<512x128xi32>
    %and3A_1869 = arith.andi %iota3A_1866, %and3A_1868 : vector<512x128xi32>
    %ne3A_1870 = arith.constant 0 : i32
    %ne3A_1871 = vector.broadcast %ne3A_1870 : i32 to vector<512x128xi32>
    %ne3A_1872 = arith.cmpi ne, %and3A_1869, %ne3A_1871 : vector<512x128xi32>
    %select_n3A_1873 = arith.select %ne3A_1872, %roll3A_1865, %roll3A_1863 : vector<512x128xi1>, vector<512x128xi32>
    %roll3A_1874 = arith.constant 511 : i32
    %roll3A_1875 = tpu.dynamic_rotate %select_n3A_1861 by %roll3A_1874 dim 0 : vector<512x128xi32>, i32 -> vector<512x128xi32>
    %roll3A_1876 = arith.constant 1 : i32
    %roll3A_1877 = tpu.dynamic_rotate %select_n3A_1861 by %roll3A_1876 dim 0 : vector<512x128xi32>, i32 -> vector<512x128xi32>
    %iota3A_1878 = tpu.iota {dimensions = array<i32: 0>} : vector<512x128xi32>
    %and3A_1879 = arith.constant 1 : i32
    %and3A_1880 = vector.broadcast %and3A_1879 : i32 to vector<512x128xi32>
    %and3A_1881 = arith.andi %iota3A_1878, %and3A_1880 : vector<512x128xi32>
    %ne3A_1882 = arith.constant 0 : i32
    %ne3A_1883 = vector.broadcast %ne3A_1882 : i32 to vector<512x128xi32>
    %ne3A_1884 = arith.cmpi ne, %and3A_1881, %ne3A_1883 : vector<512x128xi32>
    %select_n3A_1885 = arith.select %ne3A_1884, %roll3A_1877, %roll3A_1875 : vector<512x128xi1>, vector<512x128xi32>
    %and3A_1886 = arith.constant 65535 : i32
    %and3A_1887 = vector.broadcast %and3A_1886 : i32 to vector<512x128xi32>
    %and3A_1888 = arith.andi %select_n3A_1861, %and3A_1887 : vector<512x128xi32>
    %and3A_1889 = arith.constant 65535 : i32
    %and3A_1890 = vector.broadcast %and3A_1889 : i32 to vector<512x128xi32>
    %and3A_1891 = arith.andi %select_n3A_1885, %and3A_1890 : vector<512x128xi32>
    %gt3A_1892 = arith.cmpi sgt, %select_n3A_1860, %select_n3A_1873 : vector<512x128xi32>
    %eq3A_1893 = arith.cmpi eq, %select_n3A_1860, %select_n3A_1873 : vector<512x128xi32>
    %gt3A_1894 = arith.cmpi sgt, %and3A_1888, %and3A_1891 : vector<512x128xi32>
    %and3A_1895 = arith.andi %eq3A_1893, %gt3A_1894 : vector<512x128xi1>
    %or3A_1896 = arith.ori %gt3A_1892, %and3A_1895 : vector<512x128xi1>
    %and3A_1897 = arith.constant 1 : i32
    %and3A_1898 = vector.broadcast %and3A_1897 : i32 to vector<512x128xi32>
    %and3A_1899 = arith.andi %iota3A, %and3A_1898 : vector<512x128xi32>
    %ne3A_1900 = arith.constant 0 : i32
    %ne3A_1901 = vector.broadcast %ne3A_1900 : i32 to vector<512x128xi32>
    %ne3A_1902 = arith.cmpi ne, %and3A_1899, %ne3A_1901 : vector<512x128xi32>
    %eq3A_1903 = arith.xori %ne3A_1902, %eq3A_1569 : vector<512x128xi1>
    %eq3A_1904 = arith.constant dense<true> : vector<512x128xi1>
    %eq3A_1905 = arith.xori %eq3A_1903, %eq3A_1904 : vector<512x128xi1>
    %xor3A_1906 = arith.xori %or3A_1896, %eq3A_1905 : vector<512x128xi1>
    %select_n3A_1907 = arith.select %xor3A_1906, %select_n3A_1873, %select_n3A_1860 : vector<512x128xi1>, vector<512x128xi32>
    %select_n3A_1908 = arith.select %xor3A_1906, %select_n3A_1885, %select_n3A_1861 : vector<512x128xi1>, vector<512x128xi32>
    %shift_right_arithmetic3A_1909 = arith.constant 10 : i32
    %shift_right_arithmetic3A_1910 = vector.broadcast %shift_right_arithmetic3A_1909 : i32 to vector<512x128xi32>
    %shift_right_arithmetic3A_1911 = arith.shrsi %add3A_6, %shift_right_arithmetic3A_1910 : vector<512x128xi32>
    %and3A_1912 = arith.constant 1 : i32
    %and3A_1913 = vector.broadcast %and3A_1912 : i32 to vector<512x128xi32>
    %and3A_1914 = arith.andi %shift_right_arithmetic3A_1911, %and3A_1913 : vector<512x128xi32>
    %eq3A_1915 = arith.constant 0 : i32
    %eq3A_1916 = vector.broadcast %eq3A_1915 : i32 to vector<512x128xi32>
    %eq3A_1917 = arith.cmpi eq, %and3A_1914, %eq3A_1916 : vector<512x128xi32>
    %roll3A_1918 = arith.constant 127 : i32
    %roll3A_1919 = tpu.dynamic_rotate %select_n3A_1907 by %roll3A_1918 dim 1 : vector<512x128xi32>, i32 -> vector<512x128xi32>
    %roll3A_1920 = arith.constant 1 : i32
    %roll3A_1921 = tpu.dynamic_rotate %select_n3A_1907 by %roll3A_1920 dim 1 : vector<512x128xi32>, i32 -> vector<512x128xi32>
    %iota3A_1922 = tpu.iota {dimensions = array<i32: 1>} : vector<512x128xi32>
    %and3A_1923 = arith.constant 1 : i32
    %and3A_1924 = vector.broadcast %and3A_1923 : i32 to vector<512x128xi32>
    %and3A_1925 = arith.andi %iota3A_1922, %and3A_1924 : vector<512x128xi32>
    %ne3A_1926 = arith.constant 0 : i32
    %ne3A_1927 = vector.broadcast %ne3A_1926 : i32 to vector<512x128xi32>
    %ne3A_1928 = arith.cmpi ne, %and3A_1925, %ne3A_1927 : vector<512x128xi32>
    %select_n3A_1929 = arith.select %ne3A_1928, %roll3A_1921, %roll3A_1919 : vector<512x128xi1>, vector<512x128xi32>
    %roll3A_1930 = arith.constant 127 : i32
    %roll3A_1931 = tpu.dynamic_rotate %select_n3A_1908 by %roll3A_1930 dim 1 : vector<512x128xi32>, i32 -> vector<512x128xi32>
    %roll3A_1932 = arith.constant 1 : i32
    %roll3A_1933 = tpu.dynamic_rotate %select_n3A_1908 by %roll3A_1932 dim 1 : vector<512x128xi32>, i32 -> vector<512x128xi32>
    %iota3A_1934 = tpu.iota {dimensions = array<i32: 1>} : vector<512x128xi32>
    %and3A_1935 = arith.constant 1 : i32
    %and3A_1936 = vector.broadcast %and3A_1935 : i32 to vector<512x128xi32>
    %and3A_1937 = arith.andi %iota3A_1934, %and3A_1936 : vector<512x128xi32>
    %ne3A_1938 = arith.constant 0 : i32
    %ne3A_1939 = vector.broadcast %ne3A_1938 : i32 to vector<512x128xi32>
    %ne3A_1940 = arith.cmpi ne, %and3A_1937, %ne3A_1939 : vector<512x128xi32>
    %select_n3A_1941 = arith.select %ne3A_1940, %roll3A_1933, %roll3A_1931 : vector<512x128xi1>, vector<512x128xi32>
    %and3A_1942 = arith.constant 65535 : i32
    %and3A_1943 = vector.broadcast %and3A_1942 : i32 to vector<512x128xi32>
    %and3A_1944 = arith.andi %select_n3A_1908, %and3A_1943 : vector<512x128xi32>
    %and3A_1945 = arith.constant 65535 : i32
    %and3A_1946 = vector.broadcast %and3A_1945 : i32 to vector<512x128xi32>
    %and3A_1947 = arith.andi %select_n3A_1941, %and3A_1946 : vector<512x128xi32>
    %gt3A_1948 = arith.cmpi sgt, %select_n3A_1907, %select_n3A_1929 : vector<512x128xi32>
    %eq3A_1949 = arith.cmpi eq, %select_n3A_1907, %select_n3A_1929 : vector<512x128xi32>
    %gt3A_1950 = arith.cmpi sgt, %and3A_1944, %and3A_1947 : vector<512x128xi32>
    %and3A_1951 = arith.andi %eq3A_1949, %gt3A_1950 : vector<512x128xi1>
    %or3A_1952 = arith.ori %gt3A_1948, %and3A_1951 : vector<512x128xi1>
    %and3A_1953 = arith.constant 1 : i32
    %and3A_1954 = vector.broadcast %and3A_1953 : i32 to vector<512x128xi32>
    %and3A_1955 = arith.andi %iota3A_0, %and3A_1954 : vector<512x128xi32>
    %ne3A_1956 = arith.constant 0 : i32
    %ne3A_1957 = vector.broadcast %ne3A_1956 : i32 to vector<512x128xi32>
    %ne3A_1958 = arith.cmpi ne, %and3A_1955, %ne3A_1957 : vector<512x128xi32>
    %eq3A_1959 = arith.xori %ne3A_1958, %eq3A_1917 : vector<512x128xi1>
    %eq3A_1960 = arith.constant dense<true> : vector<512x128xi1>
    %eq3A_1961 = arith.xori %eq3A_1959, %eq3A_1960 : vector<512x128xi1>
    %xor3A_1962 = arith.xori %or3A_1952, %eq3A_1961 : vector<512x128xi1>
    %select_n3A_1963 = arith.select %xor3A_1962, %select_n3A_1929, %select_n3A_1907 : vector<512x128xi1>, vector<512x128xi32>
    %select_n3A_1964 = arith.select %xor3A_1962, %select_n3A_1941, %select_n3A_1908 : vector<512x128xi1>, vector<512x128xi32>
    %reshape3A_1965 = vector.shape_cast %select_n3A_1963 : vector<512x128xi32> to vector<1x2x256x128xi32>
    %slice3A_1966 = vector.extract_strided_slice %reshape3A_1965 {offsets = [0, 1, 0, 0], sizes = [1, 1, 256, 128], strides = [1, 1, 1, 1]} : vector<1x2x256x128xi32> to vector<1x1x256x128xi32>
    %slice3A_1967 = vector.extract_strided_slice %reshape3A_1965 {offsets = [0, 0, 0, 0], sizes = [1, 1, 256, 128], strides = [1, 1, 1, 1]} : vector<1x2x256x128xi32> to vector<1x1x256x128xi32>
    %concatenate3A_1968 = tpu.concatenate %slice3A_1966, %slice3A_1967 in 1 : vector<1x1x256x128xi32>, vector<1x1x256x128xi32> -> vector<1x2x256x128xi32>
    %reshape3A_1969 = vector.shape_cast %concatenate3A_1968 : vector<1x2x256x128xi32> to vector<512x128xi32>
    %reshape3A_1970 = vector.shape_cast %select_n3A_1964 : vector<512x128xi32> to vector<1x2x256x128xi32>
    %slice3A_1971 = vector.extract_strided_slice %reshape3A_1970 {offsets = [0, 1, 0, 0], sizes = [1, 1, 256, 128], strides = [1, 1, 1, 1]} : vector<1x2x256x128xi32> to vector<1x1x256x128xi32>
    %slice3A_1972 = vector.extract_strided_slice %reshape3A_1970 {offsets = [0, 0, 0, 0], sizes = [1, 1, 256, 128], strides = [1, 1, 1, 1]} : vector<1x2x256x128xi32> to vector<1x1x256x128xi32>
    %concatenate3A_1973 = tpu.concatenate %slice3A_1971, %slice3A_1972 in 1 : vector<1x1x256x128xi32>, vector<1x1x256x128xi32> -> vector<1x2x256x128xi32>
    %reshape3A_1974 = vector.shape_cast %concatenate3A_1973 : vector<1x2x256x128xi32> to vector<512x128xi32>
    %and3A_1975 = arith.constant 65535 : i32
    %and3A_1976 = vector.broadcast %and3A_1975 : i32 to vector<512x128xi32>
    %and3A_1977 = arith.andi %select_n3A_1964, %and3A_1976 : vector<512x128xi32>
    %and3A_1978 = arith.constant 65535 : i32
    %and3A_1979 = vector.broadcast %and3A_1978 : i32 to vector<512x128xi32>
    %and3A_1980 = arith.andi %reshape3A_1974, %and3A_1979 : vector<512x128xi32>
    %gt3A_1981 = arith.cmpi sgt, %select_n3A_1963, %reshape3A_1969 : vector<512x128xi32>
    %eq3A_1982 = arith.cmpi eq, %select_n3A_1963, %reshape3A_1969 : vector<512x128xi32>
    %gt3A_1983 = arith.cmpi sgt, %and3A_1977, %and3A_1980 : vector<512x128xi32>
    %and3A_1984 = arith.andi %eq3A_1982, %gt3A_1983 : vector<512x128xi1>
    %or3A_1985 = arith.ori %gt3A_1981, %and3A_1984 : vector<512x128xi1>
    %and3A_1986 = arith.constant 256 : i32
    %and3A_1987 = vector.broadcast %and3A_1986 : i32 to vector<512x128xi32>
    %and3A_1988 = arith.andi %iota3A, %and3A_1987 : vector<512x128xi32>
    %ne3A_1989 = arith.constant 0 : i32
    %ne3A_1990 = vector.broadcast %ne3A_1989 : i32 to vector<512x128xi32>
    %ne3A_1991 = arith.cmpi ne, %and3A_1988, %ne3A_1990 : vector<512x128xi32>
    %eq3A_1992 = arith.xori %ne3A_1991, %eq3A_1917 : vector<512x128xi1>
    %eq3A_1993 = arith.constant dense<true> : vector<512x128xi1>
    %eq3A_1994 = arith.xori %eq3A_1992, %eq3A_1993 : vector<512x128xi1>
    %xor3A_1995 = arith.xori %or3A_1985, %eq3A_1994 : vector<512x128xi1>
    %select_n3A_1996 = arith.select %xor3A_1995, %reshape3A_1969, %select_n3A_1963 : vector<512x128xi1>, vector<512x128xi32>
    %select_n3A_1997 = arith.select %xor3A_1995, %reshape3A_1974, %select_n3A_1964 : vector<512x128xi1>, vector<512x128xi32>
    %reshape3A_1998 = vector.shape_cast %select_n3A_1996 : vector<512x128xi32> to vector<2x2x128x128xi32>
    %slice3A_1999 = vector.extract_strided_slice %reshape3A_1998 {offsets = [0, 1, 0, 0], sizes = [2, 1, 128, 128], strides = [1, 1, 1, 1]} : vector<2x2x128x128xi32> to vector<2x1x128x128xi32>
    %slice3A_2000 = vector.extract_strided_slice %reshape3A_1998 {offsets = [0, 0, 0, 0], sizes = [2, 1, 128, 128], strides = [1, 1, 1, 1]} : vector<2x2x128x128xi32> to vector<2x1x128x128xi32>
    %concatenate3A_2001 = tpu.concatenate %slice3A_1999, %slice3A_2000 in 1 : vector<2x1x128x128xi32>, vector<2x1x128x128xi32> -> vector<2x2x128x128xi32>
    %reshape3A_2002 = vector.shape_cast %concatenate3A_2001 : vector<2x2x128x128xi32> to vector<512x128xi32>
    %reshape3A_2003 = vector.shape_cast %select_n3A_1997 : vector<512x128xi32> to vector<2x2x128x128xi32>
    %slice3A_2004 = vector.extract_strided_slice %reshape3A_2003 {offsets = [0, 1, 0, 0], sizes = [2, 1, 128, 128], strides = [1, 1, 1, 1]} : vector<2x2x128x128xi32> to vector<2x1x128x128xi32>
    %slice3A_2005 = vector.extract_strided_slice %reshape3A_2003 {offsets = [0, 0, 0, 0], sizes = [2, 1, 128, 128], strides = [1, 1, 1, 1]} : vector<2x2x128x128xi32> to vector<2x1x128x128xi32>
    %concatenate3A_2006 = tpu.concatenate %slice3A_2004, %slice3A_2005 in 1 : vector<2x1x128x128xi32>, vector<2x1x128x128xi32> -> vector<2x2x128x128xi32>
    %reshape3A_2007 = vector.shape_cast %concatenate3A_2006 : vector<2x2x128x128xi32> to vector<512x128xi32>
    %and3A_2008 = arith.constant 65535 : i32
    %and3A_2009 = vector.broadcast %and3A_2008 : i32 to vector<512x128xi32>
    %and3A_2010 = arith.andi %select_n3A_1997, %and3A_2009 : vector<512x128xi32>
    %and3A_2011 = arith.constant 65535 : i32
    %and3A_2012 = vector.broadcast %and3A_2011 : i32 to vector<512x128xi32>
    %and3A_2013 = arith.andi %reshape3A_2007, %and3A_2012 : vector<512x128xi32>
    %gt3A_2014 = arith.cmpi sgt, %select_n3A_1996, %reshape3A_2002 : vector<512x128xi32>
    %eq3A_2015 = arith.cmpi eq, %select_n3A_1996, %reshape3A_2002 : vector<512x128xi32>
    %gt3A_2016 = arith.cmpi sgt, %and3A_2010, %and3A_2013 : vector<512x128xi32>
    %and3A_2017 = arith.andi %eq3A_2015, %gt3A_2016 : vector<512x128xi1>
    %or3A_2018 = arith.ori %gt3A_2014, %and3A_2017 : vector<512x128xi1>
    %and3A_2019 = arith.constant 128 : i32
    %and3A_2020 = vector.broadcast %and3A_2019 : i32 to vector<512x128xi32>
    %and3A_2021 = arith.andi %iota3A, %and3A_2020 : vector<512x128xi32>
    %ne3A_2022 = arith.constant 0 : i32
    %ne3A_2023 = vector.broadcast %ne3A_2022 : i32 to vector<512x128xi32>
    %ne3A_2024 = arith.cmpi ne, %and3A_2021, %ne3A_2023 : vector<512x128xi32>
    %eq3A_2025 = arith.xori %ne3A_2024, %eq3A_1917 : vector<512x128xi1>
    %eq3A_2026 = arith.constant dense<true> : vector<512x128xi1>
    %eq3A_2027 = arith.xori %eq3A_2025, %eq3A_2026 : vector<512x128xi1>
    %xor3A_2028 = arith.xori %or3A_2018, %eq3A_2027 : vector<512x128xi1>
    %select_n3A_2029 = arith.select %xor3A_2028, %reshape3A_2002, %select_n3A_1996 : vector<512x128xi1>, vector<512x128xi32>
    %select_n3A_2030 = arith.select %xor3A_2028, %reshape3A_2007, %select_n3A_1997 : vector<512x128xi1>, vector<512x128xi32>
    %reshape3A_2031 = vector.shape_cast %select_n3A_2029 : vector<512x128xi32> to vector<4x2x64x128xi32>
    %slice3A_2032 = vector.extract_strided_slice %reshape3A_2031 {offsets = [0, 1, 0, 0], sizes = [4, 1, 64, 128], strides = [1, 1, 1, 1]} : vector<4x2x64x128xi32> to vector<4x1x64x128xi32>
    %slice3A_2033 = vector.extract_strided_slice %reshape3A_2031 {offsets = [0, 0, 0, 0], sizes = [4, 1, 64, 128], strides = [1, 1, 1, 1]} : vector<4x2x64x128xi32> to vector<4x1x64x128xi32>
    %concatenate3A_2034 = tpu.concatenate %slice3A_2032, %slice3A_2033 in 1 : vector<4x1x64x128xi32>, vector<4x1x64x128xi32> -> vector<4x2x64x128xi32>
    %reshape3A_2035 = vector.shape_cast %concatenate3A_2034 : vector<4x2x64x128xi32> to vector<512x128xi32>
    %reshape3A_2036 = vector.shape_cast %select_n3A_2030 : vector<512x128xi32> to vector<4x2x64x128xi32>
    %slice3A_2037 = vector.extract_strided_slice %reshape3A_2036 {offsets = [0, 1, 0, 0], sizes = [4, 1, 64, 128], strides = [1, 1, 1, 1]} : vector<4x2x64x128xi32> to vector<4x1x64x128xi32>
    %slice3A_2038 = vector.extract_strided_slice %reshape3A_2036 {offsets = [0, 0, 0, 0], sizes = [4, 1, 64, 128], strides = [1, 1, 1, 1]} : vector<4x2x64x128xi32> to vector<4x1x64x128xi32>
    %concatenate3A_2039 = tpu.concatenate %slice3A_2037, %slice3A_2038 in 1 : vector<4x1x64x128xi32>, vector<4x1x64x128xi32> -> vector<4x2x64x128xi32>
    %reshape3A_2040 = vector.shape_cast %concatenate3A_2039 : vector<4x2x64x128xi32> to vector<512x128xi32>
    %and3A_2041 = arith.constant 65535 : i32
    %and3A_2042 = vector.broadcast %and3A_2041 : i32 to vector<512x128xi32>
    %and3A_2043 = arith.andi %select_n3A_2030, %and3A_2042 : vector<512x128xi32>
    %and3A_2044 = arith.constant 65535 : i32
    %and3A_2045 = vector.broadcast %and3A_2044 : i32 to vector<512x128xi32>
    %and3A_2046 = arith.andi %reshape3A_2040, %and3A_2045 : vector<512x128xi32>
    %gt3A_2047 = arith.cmpi sgt, %select_n3A_2029, %reshape3A_2035 : vector<512x128xi32>
    %eq3A_2048 = arith.cmpi eq, %select_n3A_2029, %reshape3A_2035 : vector<512x128xi32>
    %gt3A_2049 = arith.cmpi sgt, %and3A_2043, %and3A_2046 : vector<512x128xi32>
    %and3A_2050 = arith.andi %eq3A_2048, %gt3A_2049 : vector<512x128xi1>
    %or3A_2051 = arith.ori %gt3A_2047, %and3A_2050 : vector<512x128xi1>
    %and3A_2052 = arith.constant 64 : i32
    %and3A_2053 = vector.broadcast %and3A_2052 : i32 to vector<512x128xi32>
    %and3A_2054 = arith.andi %iota3A, %and3A_2053 : vector<512x128xi32>
    %ne3A_2055 = arith.constant 0 : i32
    %ne3A_2056 = vector.broadcast %ne3A_2055 : i32 to vector<512x128xi32>
    %ne3A_2057 = arith.cmpi ne, %and3A_2054, %ne3A_2056 : vector<512x128xi32>
    %eq3A_2058 = arith.xori %ne3A_2057, %eq3A_1917 : vector<512x128xi1>
    %eq3A_2059 = arith.constant dense<true> : vector<512x128xi1>
    %eq3A_2060 = arith.xori %eq3A_2058, %eq3A_2059 : vector<512x128xi1>
    %xor3A_2061 = arith.xori %or3A_2051, %eq3A_2060 : vector<512x128xi1>
    %select_n3A_2062 = arith.select %xor3A_2061, %reshape3A_2035, %select_n3A_2029 : vector<512x128xi1>, vector<512x128xi32>
    %select_n3A_2063 = arith.select %xor3A_2061, %reshape3A_2040, %select_n3A_2030 : vector<512x128xi1>, vector<512x128xi32>
    %reshape3A_2064 = vector.shape_cast %select_n3A_2062 : vector<512x128xi32> to vector<8x2x32x128xi32>
    %slice3A_2065 = vector.extract_strided_slice %reshape3A_2064 {offsets = [0, 1, 0, 0], sizes = [8, 1, 32, 128], strides = [1, 1, 1, 1]} : vector<8x2x32x128xi32> to vector<8x1x32x128xi32>
    %slice3A_2066 = vector.extract_strided_slice %reshape3A_2064 {offsets = [0, 0, 0, 0], sizes = [8, 1, 32, 128], strides = [1, 1, 1, 1]} : vector<8x2x32x128xi32> to vector<8x1x32x128xi32>
    %concatenate3A_2067 = tpu.concatenate %slice3A_2065, %slice3A_2066 in 1 : vector<8x1x32x128xi32>, vector<8x1x32x128xi32> -> vector<8x2x32x128xi32>
    %reshape3A_2068 = vector.shape_cast %concatenate3A_2067 : vector<8x2x32x128xi32> to vector<512x128xi32>
    %reshape3A_2069 = vector.shape_cast %select_n3A_2063 : vector<512x128xi32> to vector<8x2x32x128xi32>
    %slice3A_2070 = vector.extract_strided_slice %reshape3A_2069 {offsets = [0, 1, 0, 0], sizes = [8, 1, 32, 128], strides = [1, 1, 1, 1]} : vector<8x2x32x128xi32> to vector<8x1x32x128xi32>
    %slice3A_2071 = vector.extract_strided_slice %reshape3A_2069 {offsets = [0, 0, 0, 0], sizes = [8, 1, 32, 128], strides = [1, 1, 1, 1]} : vector<8x2x32x128xi32> to vector<8x1x32x128xi32>
    %concatenate3A_2072 = tpu.concatenate %slice3A_2070, %slice3A_2071 in 1 : vector<8x1x32x128xi32>, vector<8x1x32x128xi32> -> vector<8x2x32x128xi32>
    %reshape3A_2073 = vector.shape_cast %concatenate3A_2072 : vector<8x2x32x128xi32> to vector<512x128xi32>
    %and3A_2074 = arith.constant 65535 : i32
    %and3A_2075 = vector.broadcast %and3A_2074 : i32 to vector<512x128xi32>
    %and3A_2076 = arith.andi %select_n3A_2063, %and3A_2075 : vector<512x128xi32>
    %and3A_2077 = arith.constant 65535 : i32
    %and3A_2078 = vector.broadcast %and3A_2077 : i32 to vector<512x128xi32>
    %and3A_2079 = arith.andi %reshape3A_2073, %and3A_2078 : vector<512x128xi32>
    %gt3A_2080 = arith.cmpi sgt, %select_n3A_2062, %reshape3A_2068 : vector<512x128xi32>
    %eq3A_2081 = arith.cmpi eq, %select_n3A_2062, %reshape3A_2068 : vector<512x128xi32>
    %gt3A_2082 = arith.cmpi sgt, %and3A_2076, %and3A_2079 : vector<512x128xi32>
    %and3A_2083 = arith.andi %eq3A_2081, %gt3A_2082 : vector<512x128xi1>
    %or3A_2084 = arith.ori %gt3A_2080, %and3A_2083 : vector<512x128xi1>
    %and3A_2085 = arith.constant 32 : i32
    %and3A_2086 = vector.broadcast %and3A_2085 : i32 to vector<512x128xi32>
    %and3A_2087 = arith.andi %iota3A, %and3A_2086 : vector<512x128xi32>
    %ne3A_2088 = arith.constant 0 : i32
    %ne3A_2089 = vector.broadcast %ne3A_2088 : i32 to vector<512x128xi32>
    %ne3A_2090 = arith.cmpi ne, %and3A_2087, %ne3A_2089 : vector<512x128xi32>
    %eq3A_2091 = arith.xori %ne3A_2090, %eq3A_1917 : vector<512x128xi1>
    %eq3A_2092 = arith.constant dense<true> : vector<512x128xi1>
    %eq3A_2093 = arith.xori %eq3A_2091, %eq3A_2092 : vector<512x128xi1>
    %xor3A_2094 = arith.xori %or3A_2084, %eq3A_2093 : vector<512x128xi1>
    %select_n3A_2095 = arith.select %xor3A_2094, %reshape3A_2068, %select_n3A_2062 : vector<512x128xi1>, vector<512x128xi32>
    %select_n3A_2096 = arith.select %xor3A_2094, %reshape3A_2073, %select_n3A_2063 : vector<512x128xi1>, vector<512x128xi32>
    %reshape3A_2097 = vector.shape_cast %select_n3A_2095 : vector<512x128xi32> to vector<16x2x16x128xi32>
    %slice3A_2098 = vector.extract_strided_slice %reshape3A_2097 {offsets = [0, 1, 0, 0], sizes = [16, 1, 16, 128], strides = [1, 1, 1, 1]} : vector<16x2x16x128xi32> to vector<16x1x16x128xi32>
    %slice3A_2099 = vector.extract_strided_slice %reshape3A_2097 {offsets = [0, 0, 0, 0], sizes = [16, 1, 16, 128], strides = [1, 1, 1, 1]} : vector<16x2x16x128xi32> to vector<16x1x16x128xi32>
    %concatenate3A_2100 = tpu.concatenate %slice3A_2098, %slice3A_2099 in 1 : vector<16x1x16x128xi32>, vector<16x1x16x128xi32> -> vector<16x2x16x128xi32>
    %reshape3A_2101 = vector.shape_cast %concatenate3A_2100 : vector<16x2x16x128xi32> to vector<512x128xi32>
    %reshape3A_2102 = vector.shape_cast %select_n3A_2096 : vector<512x128xi32> to vector<16x2x16x128xi32>
    %slice3A_2103 = vector.extract_strided_slice %reshape3A_2102 {offsets = [0, 1, 0, 0], sizes = [16, 1, 16, 128], strides = [1, 1, 1, 1]} : vector<16x2x16x128xi32> to vector<16x1x16x128xi32>
    %slice3A_2104 = vector.extract_strided_slice %reshape3A_2102 {offsets = [0, 0, 0, 0], sizes = [16, 1, 16, 128], strides = [1, 1, 1, 1]} : vector<16x2x16x128xi32> to vector<16x1x16x128xi32>
    %concatenate3A_2105 = tpu.concatenate %slice3A_2103, %slice3A_2104 in 1 : vector<16x1x16x128xi32>, vector<16x1x16x128xi32> -> vector<16x2x16x128xi32>
    %reshape3A_2106 = vector.shape_cast %concatenate3A_2105 : vector<16x2x16x128xi32> to vector<512x128xi32>
    %and3A_2107 = arith.constant 65535 : i32
    %and3A_2108 = vector.broadcast %and3A_2107 : i32 to vector<512x128xi32>
    %and3A_2109 = arith.andi %select_n3A_2096, %and3A_2108 : vector<512x128xi32>
    %and3A_2110 = arith.constant 65535 : i32
    %and3A_2111 = vector.broadcast %and3A_2110 : i32 to vector<512x128xi32>
    %and3A_2112 = arith.andi %reshape3A_2106, %and3A_2111 : vector<512x128xi32>
    %gt3A_2113 = arith.cmpi sgt, %select_n3A_2095, %reshape3A_2101 : vector<512x128xi32>
    %eq3A_2114 = arith.cmpi eq, %select_n3A_2095, %reshape3A_2101 : vector<512x128xi32>
    %gt3A_2115 = arith.cmpi sgt, %and3A_2109, %and3A_2112 : vector<512x128xi32>
    %and3A_2116 = arith.andi %eq3A_2114, %gt3A_2115 : vector<512x128xi1>
    %or3A_2117 = arith.ori %gt3A_2113, %and3A_2116 : vector<512x128xi1>
    %and3A_2118 = arith.constant 16 : i32
    %and3A_2119 = vector.broadcast %and3A_2118 : i32 to vector<512x128xi32>
    %and3A_2120 = arith.andi %iota3A, %and3A_2119 : vector<512x128xi32>
    %ne3A_2121 = arith.constant 0 : i32
    %ne3A_2122 = vector.broadcast %ne3A_2121 : i32 to vector<512x128xi32>
    %ne3A_2123 = arith.cmpi ne, %and3A_2120, %ne3A_2122 : vector<512x128xi32>
    %eq3A_2124 = arith.xori %ne3A_2123, %eq3A_1917 : vector<512x128xi1>
    %eq3A_2125 = arith.constant dense<true> : vector<512x128xi1>
    %eq3A_2126 = arith.xori %eq3A_2124, %eq3A_2125 : vector<512x128xi1>
    %xor3A_2127 = arith.xori %or3A_2117, %eq3A_2126 : vector<512x128xi1>
    %select_n3A_2128 = arith.select %xor3A_2127, %reshape3A_2101, %select_n3A_2095 : vector<512x128xi1>, vector<512x128xi32>
    %select_n3A_2129 = arith.select %xor3A_2127, %reshape3A_2106, %select_n3A_2096 : vector<512x128xi1>, vector<512x128xi32>
    %reshape3A_2130 = vector.shape_cast %select_n3A_2128 : vector<512x128xi32> to vector<32x2x8x128xi32>
    %slice3A_2131 = vector.extract_strided_slice %reshape3A_2130 {offsets = [0, 1, 0, 0], sizes = [32, 1, 8, 128], strides = [1, 1, 1, 1]} : vector<32x2x8x128xi32> to vector<32x1x8x128xi32>
    %slice3A_2132 = vector.extract_strided_slice %reshape3A_2130 {offsets = [0, 0, 0, 0], sizes = [32, 1, 8, 128], strides = [1, 1, 1, 1]} : vector<32x2x8x128xi32> to vector<32x1x8x128xi32>
    %concatenate3A_2133 = tpu.concatenate %slice3A_2131, %slice3A_2132 in 1 : vector<32x1x8x128xi32>, vector<32x1x8x128xi32> -> vector<32x2x8x128xi32>
    %reshape3A_2134 = vector.shape_cast %concatenate3A_2133 : vector<32x2x8x128xi32> to vector<512x128xi32>
    %reshape3A_2135 = vector.shape_cast %select_n3A_2129 : vector<512x128xi32> to vector<32x2x8x128xi32>
    %slice3A_2136 = vector.extract_strided_slice %reshape3A_2135 {offsets = [0, 1, 0, 0], sizes = [32, 1, 8, 128], strides = [1, 1, 1, 1]} : vector<32x2x8x128xi32> to vector<32x1x8x128xi32>
    %slice3A_2137 = vector.extract_strided_slice %reshape3A_2135 {offsets = [0, 0, 0, 0], sizes = [32, 1, 8, 128], strides = [1, 1, 1, 1]} : vector<32x2x8x128xi32> to vector<32x1x8x128xi32>
    %concatenate3A_2138 = tpu.concatenate %slice3A_2136, %slice3A_2137 in 1 : vector<32x1x8x128xi32>, vector<32x1x8x128xi32> -> vector<32x2x8x128xi32>
    %reshape3A_2139 = vector.shape_cast %concatenate3A_2138 : vector<32x2x8x128xi32> to vector<512x128xi32>
    %and3A_2140 = arith.constant 65535 : i32
    %and3A_2141 = vector.broadcast %and3A_2140 : i32 to vector<512x128xi32>
    %and3A_2142 = arith.andi %select_n3A_2129, %and3A_2141 : vector<512x128xi32>
    %and3A_2143 = arith.constant 65535 : i32
    %and3A_2144 = vector.broadcast %and3A_2143 : i32 to vector<512x128xi32>
    %and3A_2145 = arith.andi %reshape3A_2139, %and3A_2144 : vector<512x128xi32>
    %gt3A_2146 = arith.cmpi sgt, %select_n3A_2128, %reshape3A_2134 : vector<512x128xi32>
    %eq3A_2147 = arith.cmpi eq, %select_n3A_2128, %reshape3A_2134 : vector<512x128xi32>
    %gt3A_2148 = arith.cmpi sgt, %and3A_2142, %and3A_2145 : vector<512x128xi32>
    %and3A_2149 = arith.andi %eq3A_2147, %gt3A_2148 : vector<512x128xi1>
    %or3A_2150 = arith.ori %gt3A_2146, %and3A_2149 : vector<512x128xi1>
    %and3A_2151 = arith.constant 8 : i32
    %and3A_2152 = vector.broadcast %and3A_2151 : i32 to vector<512x128xi32>
    %and3A_2153 = arith.andi %iota3A, %and3A_2152 : vector<512x128xi32>
    %ne3A_2154 = arith.constant 0 : i32
    %ne3A_2155 = vector.broadcast %ne3A_2154 : i32 to vector<512x128xi32>
    %ne3A_2156 = arith.cmpi ne, %and3A_2153, %ne3A_2155 : vector<512x128xi32>
    %eq3A_2157 = arith.xori %ne3A_2156, %eq3A_1917 : vector<512x128xi1>
    %eq3A_2158 = arith.constant dense<true> : vector<512x128xi1>
    %eq3A_2159 = arith.xori %eq3A_2157, %eq3A_2158 : vector<512x128xi1>
    %xor3A_2160 = arith.xori %or3A_2150, %eq3A_2159 : vector<512x128xi1>
    %select_n3A_2161 = arith.select %xor3A_2160, %reshape3A_2134, %select_n3A_2128 : vector<512x128xi1>, vector<512x128xi32>
    %select_n3A_2162 = arith.select %xor3A_2160, %reshape3A_2139, %select_n3A_2129 : vector<512x128xi1>, vector<512x128xi32>
    %roll3A_2163 = arith.constant 508 : i32
    %roll3A_2164 = tpu.dynamic_rotate %select_n3A_2161 by %roll3A_2163 dim 0 : vector<512x128xi32>, i32 -> vector<512x128xi32>
    %roll3A_2165 = arith.constant 4 : i32
    %roll3A_2166 = tpu.dynamic_rotate %select_n3A_2161 by %roll3A_2165 dim 0 : vector<512x128xi32>, i32 -> vector<512x128xi32>
    %iota3A_2167 = tpu.iota {dimensions = array<i32: 0>} : vector<512x128xi32>
    %and3A_2168 = arith.constant 4 : i32
    %and3A_2169 = vector.broadcast %and3A_2168 : i32 to vector<512x128xi32>
    %and3A_2170 = arith.andi %iota3A_2167, %and3A_2169 : vector<512x128xi32>
    %ne3A_2171 = arith.constant 0 : i32
    %ne3A_2172 = vector.broadcast %ne3A_2171 : i32 to vector<512x128xi32>
    %ne3A_2173 = arith.cmpi ne, %and3A_2170, %ne3A_2172 : vector<512x128xi32>
    %select_n3A_2174 = arith.select %ne3A_2173, %roll3A_2166, %roll3A_2164 : vector<512x128xi1>, vector<512x128xi32>
    %roll3A_2175 = arith.constant 508 : i32
    %roll3A_2176 = tpu.dynamic_rotate %select_n3A_2162 by %roll3A_2175 dim 0 : vector<512x128xi32>, i32 -> vector<512x128xi32>
    %roll3A_2177 = arith.constant 4 : i32
    %roll3A_2178 = tpu.dynamic_rotate %select_n3A_2162 by %roll3A_2177 dim 0 : vector<512x128xi32>, i32 -> vector<512x128xi32>
    %iota3A_2179 = tpu.iota {dimensions = array<i32: 0>} : vector<512x128xi32>
    %and3A_2180 = arith.constant 4 : i32
    %and3A_2181 = vector.broadcast %and3A_2180 : i32 to vector<512x128xi32>
    %and3A_2182 = arith.andi %iota3A_2179, %and3A_2181 : vector<512x128xi32>
    %ne3A_2183 = arith.constant 0 : i32
    %ne3A_2184 = vector.broadcast %ne3A_2183 : i32 to vector<512x128xi32>
    %ne3A_2185 = arith.cmpi ne, %and3A_2182, %ne3A_2184 : vector<512x128xi32>
    %select_n3A_2186 = arith.select %ne3A_2185, %roll3A_2178, %roll3A_2176 : vector<512x128xi1>, vector<512x128xi32>
    %and3A_2187 = arith.constant 65535 : i32
    %and3A_2188 = vector.broadcast %and3A_2187 : i32 to vector<512x128xi32>
    %and3A_2189 = arith.andi %select_n3A_2162, %and3A_2188 : vector<512x128xi32>
    %and3A_2190 = arith.constant 65535 : i32
    %and3A_2191 = vector.broadcast %and3A_2190 : i32 to vector<512x128xi32>
    %and3A_2192 = arith.andi %select_n3A_2186, %and3A_2191 : vector<512x128xi32>
    %gt3A_2193 = arith.cmpi sgt, %select_n3A_2161, %select_n3A_2174 : vector<512x128xi32>
    %eq3A_2194 = arith.cmpi eq, %select_n3A_2161, %select_n3A_2174 : vector<512x128xi32>
    %gt3A_2195 = arith.cmpi sgt, %and3A_2189, %and3A_2192 : vector<512x128xi32>
    %and3A_2196 = arith.andi %eq3A_2194, %gt3A_2195 : vector<512x128xi1>
    %or3A_2197 = arith.ori %gt3A_2193, %and3A_2196 : vector<512x128xi1>
    %and3A_2198 = arith.constant 4 : i32
    %and3A_2199 = vector.broadcast %and3A_2198 : i32 to vector<512x128xi32>
    %and3A_2200 = arith.andi %iota3A, %and3A_2199 : vector<512x128xi32>
    %ne3A_2201 = arith.constant 0 : i32
    %ne3A_2202 = vector.broadcast %ne3A_2201 : i32 to vector<512x128xi32>
    %ne3A_2203 = arith.cmpi ne, %and3A_2200, %ne3A_2202 : vector<512x128xi32>
    %eq3A_2204 = arith.xori %ne3A_2203, %eq3A_1917 : vector<512x128xi1>
    %eq3A_2205 = arith.constant dense<true> : vector<512x128xi1>
    %eq3A_2206 = arith.xori %eq3A_2204, %eq3A_2205 : vector<512x128xi1>
    %xor3A_2207 = arith.xori %or3A_2197, %eq3A_2206 : vector<512x128xi1>
    %select_n3A_2208 = arith.select %xor3A_2207, %select_n3A_2174, %select_n3A_2161 : vector<512x128xi1>, vector<512x128xi32>
    %select_n3A_2209 = arith.select %xor3A_2207, %select_n3A_2186, %select_n3A_2162 : vector<512x128xi1>, vector<512x128xi32>
    %roll3A_2210 = arith.constant 510 : i32
    %roll3A_2211 = tpu.dynamic_rotate %select_n3A_2208 by %roll3A_2210 dim 0 : vector<512x128xi32>, i32 -> vector<512x128xi32>
    %roll3A_2212 = arith.constant 2 : i32
    %roll3A_2213 = tpu.dynamic_rotate %select_n3A_2208 by %roll3A_2212 dim 0 : vector<512x128xi32>, i32 -> vector<512x128xi32>
    %iota3A_2214 = tpu.iota {dimensions = array<i32: 0>} : vector<512x128xi32>
    %and3A_2215 = arith.constant 2 : i32
    %and3A_2216 = vector.broadcast %and3A_2215 : i32 to vector<512x128xi32>
    %and3A_2217 = arith.andi %iota3A_2214, %and3A_2216 : vector<512x128xi32>
    %ne3A_2218 = arith.constant 0 : i32
    %ne3A_2219 = vector.broadcast %ne3A_2218 : i32 to vector<512x128xi32>
    %ne3A_2220 = arith.cmpi ne, %and3A_2217, %ne3A_2219 : vector<512x128xi32>
    %select_n3A_2221 = arith.select %ne3A_2220, %roll3A_2213, %roll3A_2211 : vector<512x128xi1>, vector<512x128xi32>
    %roll3A_2222 = arith.constant 510 : i32
    %roll3A_2223 = tpu.dynamic_rotate %select_n3A_2209 by %roll3A_2222 dim 0 : vector<512x128xi32>, i32 -> vector<512x128xi32>
    %roll3A_2224 = arith.constant 2 : i32
    %roll3A_2225 = tpu.dynamic_rotate %select_n3A_2209 by %roll3A_2224 dim 0 : vector<512x128xi32>, i32 -> vector<512x128xi32>
    %iota3A_2226 = tpu.iota {dimensions = array<i32: 0>} : vector<512x128xi32>
    %and3A_2227 = arith.constant 2 : i32
    %and3A_2228 = vector.broadcast %and3A_2227 : i32 to vector<512x128xi32>
    %and3A_2229 = arith.andi %iota3A_2226, %and3A_2228 : vector<512x128xi32>
    %ne3A_2230 = arith.constant 0 : i32
    %ne3A_2231 = vector.broadcast %ne3A_2230 : i32 to vector<512x128xi32>
    %ne3A_2232 = arith.cmpi ne, %and3A_2229, %ne3A_2231 : vector<512x128xi32>
    %select_n3A_2233 = arith.select %ne3A_2232, %roll3A_2225, %roll3A_2223 : vector<512x128xi1>, vector<512x128xi32>
    %and3A_2234 = arith.constant 65535 : i32
    %and3A_2235 = vector.broadcast %and3A_2234 : i32 to vector<512x128xi32>
    %and3A_2236 = arith.andi %select_n3A_2209, %and3A_2235 : vector<512x128xi32>
    %and3A_2237 = arith.constant 65535 : i32
    %and3A_2238 = vector.broadcast %and3A_2237 : i32 to vector<512x128xi32>
    %and3A_2239 = arith.andi %select_n3A_2233, %and3A_2238 : vector<512x128xi32>
    %gt3A_2240 = arith.cmpi sgt, %select_n3A_2208, %select_n3A_2221 : vector<512x128xi32>
    %eq3A_2241 = arith.cmpi eq, %select_n3A_2208, %select_n3A_2221 : vector<512x128xi32>
    %gt3A_2242 = arith.cmpi sgt, %and3A_2236, %and3A_2239 : vector<512x128xi32>
    %and3A_2243 = arith.andi %eq3A_2241, %gt3A_2242 : vector<512x128xi1>
    %or3A_2244 = arith.ori %gt3A_2240, %and3A_2243 : vector<512x128xi1>
    %and3A_2245 = arith.constant 2 : i32
    %and3A_2246 = vector.broadcast %and3A_2245 : i32 to vector<512x128xi32>
    %and3A_2247 = arith.andi %iota3A, %and3A_2246 : vector<512x128xi32>
    %ne3A_2248 = arith.constant 0 : i32
    %ne3A_2249 = vector.broadcast %ne3A_2248 : i32 to vector<512x128xi32>
    %ne3A_2250 = arith.cmpi ne, %and3A_2247, %ne3A_2249 : vector<512x128xi32>
    %eq3A_2251 = arith.xori %ne3A_2250, %eq3A_1917 : vector<512x128xi1>
    %eq3A_2252 = arith.constant dense<true> : vector<512x128xi1>
    %eq3A_2253 = arith.xori %eq3A_2251, %eq3A_2252 : vector<512x128xi1>
    %xor3A_2254 = arith.xori %or3A_2244, %eq3A_2253 : vector<512x128xi1>
    %select_n3A_2255 = arith.select %xor3A_2254, %select_n3A_2221, %select_n3A_2208 : vector<512x128xi1>, vector<512x128xi32>
    %select_n3A_2256 = arith.select %xor3A_2254, %select_n3A_2233, %select_n3A_2209 : vector<512x128xi1>, vector<512x128xi32>
    %roll3A_2257 = arith.constant 511 : i32
    %roll3A_2258 = tpu.dynamic_rotate %select_n3A_2255 by %roll3A_2257 dim 0 : vector<512x128xi32>, i32 -> vector<512x128xi32>
    %roll3A_2259 = arith.constant 1 : i32
    %roll3A_2260 = tpu.dynamic_rotate %select_n3A_2255 by %roll3A_2259 dim 0 : vector<512x128xi32>, i32 -> vector<512x128xi32>
    %iota3A_2261 = tpu.iota {dimensions = array<i32: 0>} : vector<512x128xi32>
    %and3A_2262 = arith.constant 1 : i32
    %and3A_2263 = vector.broadcast %and3A_2262 : i32 to vector<512x128xi32>
    %and3A_2264 = arith.andi %iota3A_2261, %and3A_2263 : vector<512x128xi32>
    %ne3A_2265 = arith.constant 0 : i32
    %ne3A_2266 = vector.broadcast %ne3A_2265 : i32 to vector<512x128xi32>
    %ne3A_2267 = arith.cmpi ne, %and3A_2264, %ne3A_2266 : vector<512x128xi32>
    %select_n3A_2268 = arith.select %ne3A_2267, %roll3A_2260, %roll3A_2258 : vector<512x128xi1>, vector<512x128xi32>
    %roll3A_2269 = arith.constant 511 : i32
    %roll3A_2270 = tpu.dynamic_rotate %select_n3A_2256 by %roll3A_2269 dim 0 : vector<512x128xi32>, i32 -> vector<512x128xi32>
    %roll3A_2271 = arith.constant 1 : i32
    %roll3A_2272 = tpu.dynamic_rotate %select_n3A_2256 by %roll3A_2271 dim 0 : vector<512x128xi32>, i32 -> vector<512x128xi32>
    %iota3A_2273 = tpu.iota {dimensions = array<i32: 0>} : vector<512x128xi32>
    %and3A_2274 = arith.constant 1 : i32
    %and3A_2275 = vector.broadcast %and3A_2274 : i32 to vector<512x128xi32>
    %and3A_2276 = arith.andi %iota3A_2273, %and3A_2275 : vector<512x128xi32>
    %ne3A_2277 = arith.constant 0 : i32
    %ne3A_2278 = vector.broadcast %ne3A_2277 : i32 to vector<512x128xi32>
    %ne3A_2279 = arith.cmpi ne, %and3A_2276, %ne3A_2278 : vector<512x128xi32>
    %select_n3A_2280 = arith.select %ne3A_2279, %roll3A_2272, %roll3A_2270 : vector<512x128xi1>, vector<512x128xi32>
    %and3A_2281 = arith.constant 65535 : i32
    %and3A_2282 = vector.broadcast %and3A_2281 : i32 to vector<512x128xi32>
    %and3A_2283 = arith.andi %select_n3A_2256, %and3A_2282 : vector<512x128xi32>
    %and3A_2284 = arith.constant 65535 : i32
    %and3A_2285 = vector.broadcast %and3A_2284 : i32 to vector<512x128xi32>
    %and3A_2286 = arith.andi %select_n3A_2280, %and3A_2285 : vector<512x128xi32>
    %gt3A_2287 = arith.cmpi sgt, %select_n3A_2255, %select_n3A_2268 : vector<512x128xi32>
    %eq3A_2288 = arith.cmpi eq, %select_n3A_2255, %select_n3A_2268 : vector<512x128xi32>
    %gt3A_2289 = arith.cmpi sgt, %and3A_2283, %and3A_2286 : vector<512x128xi32>
    %and3A_2290 = arith.andi %eq3A_2288, %gt3A_2289 : vector<512x128xi1>
    %or3A_2291 = arith.ori %gt3A_2287, %and3A_2290 : vector<512x128xi1>
    %and3A_2292 = arith.constant 1 : i32
    %and3A_2293 = vector.broadcast %and3A_2292 : i32 to vector<512x128xi32>
    %and3A_2294 = arith.andi %iota3A, %and3A_2293 : vector<512x128xi32>
    %ne3A_2295 = arith.constant 0 : i32
    %ne3A_2296 = vector.broadcast %ne3A_2295 : i32 to vector<512x128xi32>
    %ne3A_2297 = arith.cmpi ne, %and3A_2294, %ne3A_2296 : vector<512x128xi32>
    %eq3A_2298 = arith.xori %ne3A_2297, %eq3A_1917 : vector<512x128xi1>
    %eq3A_2299 = arith.constant dense<true> : vector<512x128xi1>
    %eq3A_2300 = arith.xori %eq3A_2298, %eq3A_2299 : vector<512x128xi1>
    %xor3A_2301 = arith.xori %or3A_2291, %eq3A_2300 : vector<512x128xi1>
    %select_n3A_2302 = arith.select %xor3A_2301, %select_n3A_2268, %select_n3A_2255 : vector<512x128xi1>, vector<512x128xi32>
    %select_n3A_2303 = arith.select %xor3A_2301, %select_n3A_2280, %select_n3A_2256 : vector<512x128xi1>, vector<512x128xi32>
    %shift_right_arithmetic3A_2304 = arith.constant 11 : i32
    %shift_right_arithmetic3A_2305 = vector.broadcast %shift_right_arithmetic3A_2304 : i32 to vector<512x128xi32>
    %shift_right_arithmetic3A_2306 = arith.shrsi %add3A_6, %shift_right_arithmetic3A_2305 : vector<512x128xi32>
    %and3A_2307 = arith.constant 1 : i32
    %and3A_2308 = vector.broadcast %and3A_2307 : i32 to vector<512x128xi32>
    %and3A_2309 = arith.andi %shift_right_arithmetic3A_2306, %and3A_2308 : vector<512x128xi32>
    %eq3A_2310 = arith.constant 0 : i32
    %eq3A_2311 = vector.broadcast %eq3A_2310 : i32 to vector<512x128xi32>
    %eq3A_2312 = arith.cmpi eq, %and3A_2309, %eq3A_2311 : vector<512x128xi32>
    %roll3A_2313 = arith.constant 126 : i32
    %roll3A_2314 = tpu.dynamic_rotate %select_n3A_2302 by %roll3A_2313 dim 1 : vector<512x128xi32>, i32 -> vector<512x128xi32>
    %roll3A_2315 = arith.constant 2 : i32
    %roll3A_2316 = tpu.dynamic_rotate %select_n3A_2302 by %roll3A_2315 dim 1 : vector<512x128xi32>, i32 -> vector<512x128xi32>
    %iota3A_2317 = tpu.iota {dimensions = array<i32: 1>} : vector<512x128xi32>
    %and3A_2318 = arith.constant 2 : i32
    %and3A_2319 = vector.broadcast %and3A_2318 : i32 to vector<512x128xi32>
    %and3A_2320 = arith.andi %iota3A_2317, %and3A_2319 : vector<512x128xi32>
    %ne3A_2321 = arith.constant 0 : i32
    %ne3A_2322 = vector.broadcast %ne3A_2321 : i32 to vector<512x128xi32>
    %ne3A_2323 = arith.cmpi ne, %and3A_2320, %ne3A_2322 : vector<512x128xi32>
    %select_n3A_2324 = arith.select %ne3A_2323, %roll3A_2316, %roll3A_2314 : vector<512x128xi1>, vector<512x128xi32>
    %roll3A_2325 = arith.constant 126 : i32
    %roll3A_2326 = tpu.dynamic_rotate %select_n3A_2303 by %roll3A_2325 dim 1 : vector<512x128xi32>, i32 -> vector<512x128xi32>
    %roll3A_2327 = arith.constant 2 : i32
    %roll3A_2328 = tpu.dynamic_rotate %select_n3A_2303 by %roll3A_2327 dim 1 : vector<512x128xi32>, i32 -> vector<512x128xi32>
    %iota3A_2329 = tpu.iota {dimensions = array<i32: 1>} : vector<512x128xi32>
    %and3A_2330 = arith.constant 2 : i32
    %and3A_2331 = vector.broadcast %and3A_2330 : i32 to vector<512x128xi32>
    %and3A_2332 = arith.andi %iota3A_2329, %and3A_2331 : vector<512x128xi32>
    %ne3A_2333 = arith.constant 0 : i32
    %ne3A_2334 = vector.broadcast %ne3A_2333 : i32 to vector<512x128xi32>
    %ne3A_2335 = arith.cmpi ne, %and3A_2332, %ne3A_2334 : vector<512x128xi32>
    %select_n3A_2336 = arith.select %ne3A_2335, %roll3A_2328, %roll3A_2326 : vector<512x128xi1>, vector<512x128xi32>
    %and3A_2337 = arith.constant 65535 : i32
    %and3A_2338 = vector.broadcast %and3A_2337 : i32 to vector<512x128xi32>
    %and3A_2339 = arith.andi %select_n3A_2303, %and3A_2338 : vector<512x128xi32>
    %and3A_2340 = arith.constant 65535 : i32
    %and3A_2341 = vector.broadcast %and3A_2340 : i32 to vector<512x128xi32>
    %and3A_2342 = arith.andi %select_n3A_2336, %and3A_2341 : vector<512x128xi32>
    %gt3A_2343 = arith.cmpi sgt, %select_n3A_2302, %select_n3A_2324 : vector<512x128xi32>
    %eq3A_2344 = arith.cmpi eq, %select_n3A_2302, %select_n3A_2324 : vector<512x128xi32>
    %gt3A_2345 = arith.cmpi sgt, %and3A_2339, %and3A_2342 : vector<512x128xi32>
    %and3A_2346 = arith.andi %eq3A_2344, %gt3A_2345 : vector<512x128xi1>
    %or3A_2347 = arith.ori %gt3A_2343, %and3A_2346 : vector<512x128xi1>
    %and3A_2348 = arith.constant 2 : i32
    %and3A_2349 = vector.broadcast %and3A_2348 : i32 to vector<512x128xi32>
    %and3A_2350 = arith.andi %iota3A_0, %and3A_2349 : vector<512x128xi32>
    %ne3A_2351 = arith.constant 0 : i32
    %ne3A_2352 = vector.broadcast %ne3A_2351 : i32 to vector<512x128xi32>
    %ne3A_2353 = arith.cmpi ne, %and3A_2350, %ne3A_2352 : vector<512x128xi32>
    %eq3A_2354 = arith.xori %ne3A_2353, %eq3A_2312 : vector<512x128xi1>
    %eq3A_2355 = arith.constant dense<true> : vector<512x128xi1>
    %eq3A_2356 = arith.xori %eq3A_2354, %eq3A_2355 : vector<512x128xi1>
    %xor3A_2357 = arith.xori %or3A_2347, %eq3A_2356 : vector<512x128xi1>
    %select_n3A_2358 = arith.select %xor3A_2357, %select_n3A_2324, %select_n3A_2302 : vector<512x128xi1>, vector<512x128xi32>
    %select_n3A_2359 = arith.select %xor3A_2357, %select_n3A_2336, %select_n3A_2303 : vector<512x128xi1>, vector<512x128xi32>
    %roll3A_2360 = arith.constant 127 : i32
    %roll3A_2361 = tpu.dynamic_rotate %select_n3A_2358 by %roll3A_2360 dim 1 : vector<512x128xi32>, i32 -> vector<512x128xi32>
    %roll3A_2362 = arith.constant 1 : i32
    %roll3A_2363 = tpu.dynamic_rotate %select_n3A_2358 by %roll3A_2362 dim 1 : vector<512x128xi32>, i32 -> vector<512x128xi32>
    %iota3A_2364 = tpu.iota {dimensions = array<i32: 1>} : vector<512x128xi32>
    %and3A_2365 = arith.constant 1 : i32
    %and3A_2366 = vector.broadcast %and3A_2365 : i32 to vector<512x128xi32>
    %and3A_2367 = arith.andi %iota3A_2364, %and3A_2366 : vector<512x128xi32>
    %ne3A_2368 = arith.constant 0 : i32
    %ne3A_2369 = vector.broadcast %ne3A_2368 : i32 to vector<512x128xi32>
    %ne3A_2370 = arith.cmpi ne, %and3A_2367, %ne3A_2369 : vector<512x128xi32>
    %select_n3A_2371 = arith.select %ne3A_2370, %roll3A_2363, %roll3A_2361 : vector<512x128xi1>, vector<512x128xi32>
    %roll3A_2372 = arith.constant 127 : i32
    %roll3A_2373 = tpu.dynamic_rotate %select_n3A_2359 by %roll3A_2372 dim 1 : vector<512x128xi32>, i32 -> vector<512x128xi32>
    %roll3A_2374 = arith.constant 1 : i32
    %roll3A_2375 = tpu.dynamic_rotate %select_n3A_2359 by %roll3A_2374 dim 1 : vector<512x128xi32>, i32 -> vector<512x128xi32>
    %iota3A_2376 = tpu.iota {dimensions = array<i32: 1>} : vector<512x128xi32>
    %and3A_2377 = arith.constant 1 : i32
    %and3A_2378 = vector.broadcast %and3A_2377 : i32 to vector<512x128xi32>
    %and3A_2379 = arith.andi %iota3A_2376, %and3A_2378 : vector<512x128xi32>
    %ne3A_2380 = arith.constant 0 : i32
    %ne3A_2381 = vector.broadcast %ne3A_2380 : i32 to vector<512x128xi32>
    %ne3A_2382 = arith.cmpi ne, %and3A_2379, %ne3A_2381 : vector<512x128xi32>
    %select_n3A_2383 = arith.select %ne3A_2382, %roll3A_2375, %roll3A_2373 : vector<512x128xi1>, vector<512x128xi32>
    %and3A_2384 = arith.constant 65535 : i32
    %and3A_2385 = vector.broadcast %and3A_2384 : i32 to vector<512x128xi32>
    %and3A_2386 = arith.andi %select_n3A_2359, %and3A_2385 : vector<512x128xi32>
    %and3A_2387 = arith.constant 65535 : i32
    %and3A_2388 = vector.broadcast %and3A_2387 : i32 to vector<512x128xi32>
    %and3A_2389 = arith.andi %select_n3A_2383, %and3A_2388 : vector<512x128xi32>
    %gt3A_2390 = arith.cmpi sgt, %select_n3A_2358, %select_n3A_2371 : vector<512x128xi32>
    %eq3A_2391 = arith.cmpi eq, %select_n3A_2358, %select_n3A_2371 : vector<512x128xi32>
    %gt3A_2392 = arith.cmpi sgt, %and3A_2386, %and3A_2389 : vector<512x128xi32>
    %and3A_2393 = arith.andi %eq3A_2391, %gt3A_2392 : vector<512x128xi1>
    %or3A_2394 = arith.ori %gt3A_2390, %and3A_2393 : vector<512x128xi1>
    %and3A_2395 = arith.constant 1 : i32
    %and3A_2396 = vector.broadcast %and3A_2395 : i32 to vector<512x128xi32>
    %and3A_2397 = arith.andi %iota3A_0, %and3A_2396 : vector<512x128xi32>
    %ne3A_2398 = arith.constant 0 : i32
    %ne3A_2399 = vector.broadcast %ne3A_2398 : i32 to vector<512x128xi32>
    %ne3A_2400 = arith.cmpi ne, %and3A_2397, %ne3A_2399 : vector<512x128xi32>
    %eq3A_2401 = arith.xori %ne3A_2400, %eq3A_2312 : vector<512x128xi1>
    %eq3A_2402 = arith.constant dense<true> : vector<512x128xi1>
    %eq3A_2403 = arith.xori %eq3A_2401, %eq3A_2402 : vector<512x128xi1>
    %xor3A_2404 = arith.xori %or3A_2394, %eq3A_2403 : vector<512x128xi1>
    %select_n3A_2405 = arith.select %xor3A_2404, %select_n3A_2371, %select_n3A_2358 : vector<512x128xi1>, vector<512x128xi32>
    %select_n3A_2406 = arith.select %xor3A_2404, %select_n3A_2383, %select_n3A_2359 : vector<512x128xi1>, vector<512x128xi32>
    %reshape3A_2407 = vector.shape_cast %select_n3A_2405 : vector<512x128xi32> to vector<1x2x256x128xi32>
    %slice3A_2408 = vector.extract_strided_slice %reshape3A_2407 {offsets = [0, 1, 0, 0], sizes = [1, 1, 256, 128], strides = [1, 1, 1, 1]} : vector<1x2x256x128xi32> to vector<1x1x256x128xi32>
    %slice3A_2409 = vector.extract_strided_slice %reshape3A_2407 {offsets = [0, 0, 0, 0], sizes = [1, 1, 256, 128], strides = [1, 1, 1, 1]} : vector<1x2x256x128xi32> to vector<1x1x256x128xi32>
    %concatenate3A_2410 = tpu.concatenate %slice3A_2408, %slice3A_2409 in 1 : vector<1x1x256x128xi32>, vector<1x1x256x128xi32> -> vector<1x2x256x128xi32>
    %reshape3A_2411 = vector.shape_cast %concatenate3A_2410 : vector<1x2x256x128xi32> to vector<512x128xi32>
    %reshape3A_2412 = vector.shape_cast %select_n3A_2406 : vector<512x128xi32> to vector<1x2x256x128xi32>
    %slice3A_2413 = vector.extract_strided_slice %reshape3A_2412 {offsets = [0, 1, 0, 0], sizes = [1, 1, 256, 128], strides = [1, 1, 1, 1]} : vector<1x2x256x128xi32> to vector<1x1x256x128xi32>
    %slice3A_2414 = vector.extract_strided_slice %reshape3A_2412 {offsets = [0, 0, 0, 0], sizes = [1, 1, 256, 128], strides = [1, 1, 1, 1]} : vector<1x2x256x128xi32> to vector<1x1x256x128xi32>
    %concatenate3A_2415 = tpu.concatenate %slice3A_2413, %slice3A_2414 in 1 : vector<1x1x256x128xi32>, vector<1x1x256x128xi32> -> vector<1x2x256x128xi32>
    %reshape3A_2416 = vector.shape_cast %concatenate3A_2415 : vector<1x2x256x128xi32> to vector<512x128xi32>
    %and3A_2417 = arith.constant 65535 : i32
    %and3A_2418 = vector.broadcast %and3A_2417 : i32 to vector<512x128xi32>
    %and3A_2419 = arith.andi %select_n3A_2406, %and3A_2418 : vector<512x128xi32>
    %and3A_2420 = arith.constant 65535 : i32
    %and3A_2421 = vector.broadcast %and3A_2420 : i32 to vector<512x128xi32>
    %and3A_2422 = arith.andi %reshape3A_2416, %and3A_2421 : vector<512x128xi32>
    %gt3A_2423 = arith.cmpi sgt, %select_n3A_2405, %reshape3A_2411 : vector<512x128xi32>
    %eq3A_2424 = arith.cmpi eq, %select_n3A_2405, %reshape3A_2411 : vector<512x128xi32>
    %gt3A_2425 = arith.cmpi sgt, %and3A_2419, %and3A_2422 : vector<512x128xi32>
    %and3A_2426 = arith.andi %eq3A_2424, %gt3A_2425 : vector<512x128xi1>
    %or3A_2427 = arith.ori %gt3A_2423, %and3A_2426 : vector<512x128xi1>
    %and3A_2428 = arith.constant 256 : i32
    %and3A_2429 = vector.broadcast %and3A_2428 : i32 to vector<512x128xi32>
    %and3A_2430 = arith.andi %iota3A, %and3A_2429 : vector<512x128xi32>
    %ne3A_2431 = arith.constant 0 : i32
    %ne3A_2432 = vector.broadcast %ne3A_2431 : i32 to vector<512x128xi32>
    %ne3A_2433 = arith.cmpi ne, %and3A_2430, %ne3A_2432 : vector<512x128xi32>
    %eq3A_2434 = arith.xori %ne3A_2433, %eq3A_2312 : vector<512x128xi1>
    %eq3A_2435 = arith.constant dense<true> : vector<512x128xi1>
    %eq3A_2436 = arith.xori %eq3A_2434, %eq3A_2435 : vector<512x128xi1>
    %xor3A_2437 = arith.xori %or3A_2427, %eq3A_2436 : vector<512x128xi1>
    %select_n3A_2438 = arith.select %xor3A_2437, %reshape3A_2411, %select_n3A_2405 : vector<512x128xi1>, vector<512x128xi32>
    %select_n3A_2439 = arith.select %xor3A_2437, %reshape3A_2416, %select_n3A_2406 : vector<512x128xi1>, vector<512x128xi32>
    %reshape3A_2440 = vector.shape_cast %select_n3A_2438 : vector<512x128xi32> to vector<2x2x128x128xi32>
    %slice3A_2441 = vector.extract_strided_slice %reshape3A_2440 {offsets = [0, 1, 0, 0], sizes = [2, 1, 128, 128], strides = [1, 1, 1, 1]} : vector<2x2x128x128xi32> to vector<2x1x128x128xi32>
    %slice3A_2442 = vector.extract_strided_slice %reshape3A_2440 {offsets = [0, 0, 0, 0], sizes = [2, 1, 128, 128], strides = [1, 1, 1, 1]} : vector<2x2x128x128xi32> to vector<2x1x128x128xi32>
    %concatenate3A_2443 = tpu.concatenate %slice3A_2441, %slice3A_2442 in 1 : vector<2x1x128x128xi32>, vector<2x1x128x128xi32> -> vector<2x2x128x128xi32>
    %reshape3A_2444 = vector.shape_cast %concatenate3A_2443 : vector<2x2x128x128xi32> to vector<512x128xi32>
    %reshape3A_2445 = vector.shape_cast %select_n3A_2439 : vector<512x128xi32> to vector<2x2x128x128xi32>
    %slice3A_2446 = vector.extract_strided_slice %reshape3A_2445 {offsets = [0, 1, 0, 0], sizes = [2, 1, 128, 128], strides = [1, 1, 1, 1]} : vector<2x2x128x128xi32> to vector<2x1x128x128xi32>
    %slice3A_2447 = vector.extract_strided_slice %reshape3A_2445 {offsets = [0, 0, 0, 0], sizes = [2, 1, 128, 128], strides = [1, 1, 1, 1]} : vector<2x2x128x128xi32> to vector<2x1x128x128xi32>
    %concatenate3A_2448 = tpu.concatenate %slice3A_2446, %slice3A_2447 in 1 : vector<2x1x128x128xi32>, vector<2x1x128x128xi32> -> vector<2x2x128x128xi32>
    %reshape3A_2449 = vector.shape_cast %concatenate3A_2448 : vector<2x2x128x128xi32> to vector<512x128xi32>
    %and3A_2450 = arith.constant 65535 : i32
    %and3A_2451 = vector.broadcast %and3A_2450 : i32 to vector<512x128xi32>
    %and3A_2452 = arith.andi %select_n3A_2439, %and3A_2451 : vector<512x128xi32>
    %and3A_2453 = arith.constant 65535 : i32
    %and3A_2454 = vector.broadcast %and3A_2453 : i32 to vector<512x128xi32>
    %and3A_2455 = arith.andi %reshape3A_2449, %and3A_2454 : vector<512x128xi32>
    %gt3A_2456 = arith.cmpi sgt, %select_n3A_2438, %reshape3A_2444 : vector<512x128xi32>
    %eq3A_2457 = arith.cmpi eq, %select_n3A_2438, %reshape3A_2444 : vector<512x128xi32>
    %gt3A_2458 = arith.cmpi sgt, %and3A_2452, %and3A_2455 : vector<512x128xi32>
    %and3A_2459 = arith.andi %eq3A_2457, %gt3A_2458 : vector<512x128xi1>
    %or3A_2460 = arith.ori %gt3A_2456, %and3A_2459 : vector<512x128xi1>
    %and3A_2461 = arith.constant 128 : i32
    %and3A_2462 = vector.broadcast %and3A_2461 : i32 to vector<512x128xi32>
    %and3A_2463 = arith.andi %iota3A, %and3A_2462 : vector<512x128xi32>
    %ne3A_2464 = arith.constant 0 : i32
    %ne3A_2465 = vector.broadcast %ne3A_2464 : i32 to vector<512x128xi32>
    %ne3A_2466 = arith.cmpi ne, %and3A_2463, %ne3A_2465 : vector<512x128xi32>
    %eq3A_2467 = arith.xori %ne3A_2466, %eq3A_2312 : vector<512x128xi1>
    %eq3A_2468 = arith.constant dense<true> : vector<512x128xi1>
    %eq3A_2469 = arith.xori %eq3A_2467, %eq3A_2468 : vector<512x128xi1>
    %xor3A_2470 = arith.xori %or3A_2460, %eq3A_2469 : vector<512x128xi1>
    %select_n3A_2471 = arith.select %xor3A_2470, %reshape3A_2444, %select_n3A_2438 : vector<512x128xi1>, vector<512x128xi32>
    %select_n3A_2472 = arith.select %xor3A_2470, %reshape3A_2449, %select_n3A_2439 : vector<512x128xi1>, vector<512x128xi32>
    %reshape3A_2473 = vector.shape_cast %select_n3A_2471 : vector<512x128xi32> to vector<4x2x64x128xi32>
    %slice3A_2474 = vector.extract_strided_slice %reshape3A_2473 {offsets = [0, 1, 0, 0], sizes = [4, 1, 64, 128], strides = [1, 1, 1, 1]} : vector<4x2x64x128xi32> to vector<4x1x64x128xi32>
    %slice3A_2475 = vector.extract_strided_slice %reshape3A_2473 {offsets = [0, 0, 0, 0], sizes = [4, 1, 64, 128], strides = [1, 1, 1, 1]} : vector<4x2x64x128xi32> to vector<4x1x64x128xi32>
    %concatenate3A_2476 = tpu.concatenate %slice3A_2474, %slice3A_2475 in 1 : vector<4x1x64x128xi32>, vector<4x1x64x128xi32> -> vector<4x2x64x128xi32>
    %reshape3A_2477 = vector.shape_cast %concatenate3A_2476 : vector<4x2x64x128xi32> to vector<512x128xi32>
    %reshape3A_2478 = vector.shape_cast %select_n3A_2472 : vector<512x128xi32> to vector<4x2x64x128xi32>
    %slice3A_2479 = vector.extract_strided_slice %reshape3A_2478 {offsets = [0, 1, 0, 0], sizes = [4, 1, 64, 128], strides = [1, 1, 1, 1]} : vector<4x2x64x128xi32> to vector<4x1x64x128xi32>
    %slice3A_2480 = vector.extract_strided_slice %reshape3A_2478 {offsets = [0, 0, 0, 0], sizes = [4, 1, 64, 128], strides = [1, 1, 1, 1]} : vector<4x2x64x128xi32> to vector<4x1x64x128xi32>
    %concatenate3A_2481 = tpu.concatenate %slice3A_2479, %slice3A_2480 in 1 : vector<4x1x64x128xi32>, vector<4x1x64x128xi32> -> vector<4x2x64x128xi32>
    %reshape3A_2482 = vector.shape_cast %concatenate3A_2481 : vector<4x2x64x128xi32> to vector<512x128xi32>
    %and3A_2483 = arith.constant 65535 : i32
    %and3A_2484 = vector.broadcast %and3A_2483 : i32 to vector<512x128xi32>
    %and3A_2485 = arith.andi %select_n3A_2472, %and3A_2484 : vector<512x128xi32>
    %and3A_2486 = arith.constant 65535 : i32
    %and3A_2487 = vector.broadcast %and3A_2486 : i32 to vector<512x128xi32>
    %and3A_2488 = arith.andi %reshape3A_2482, %and3A_2487 : vector<512x128xi32>
    %gt3A_2489 = arith.cmpi sgt, %select_n3A_2471, %reshape3A_2477 : vector<512x128xi32>
    %eq3A_2490 = arith.cmpi eq, %select_n3A_2471, %reshape3A_2477 : vector<512x128xi32>
    %gt3A_2491 = arith.cmpi sgt, %and3A_2485, %and3A_2488 : vector<512x128xi32>
    %and3A_2492 = arith.andi %eq3A_2490, %gt3A_2491 : vector<512x128xi1>
    %or3A_2493 = arith.ori %gt3A_2489, %and3A_2492 : vector<512x128xi1>
    %and3A_2494 = arith.constant 64 : i32
    %and3A_2495 = vector.broadcast %and3A_2494 : i32 to vector<512x128xi32>
    %and3A_2496 = arith.andi %iota3A, %and3A_2495 : vector<512x128xi32>
    %ne3A_2497 = arith.constant 0 : i32
    %ne3A_2498 = vector.broadcast %ne3A_2497 : i32 to vector<512x128xi32>
    %ne3A_2499 = arith.cmpi ne, %and3A_2496, %ne3A_2498 : vector<512x128xi32>
    %eq3A_2500 = arith.xori %ne3A_2499, %eq3A_2312 : vector<512x128xi1>
    %eq3A_2501 = arith.constant dense<true> : vector<512x128xi1>
    %eq3A_2502 = arith.xori %eq3A_2500, %eq3A_2501 : vector<512x128xi1>
    %xor3A_2503 = arith.xori %or3A_2493, %eq3A_2502 : vector<512x128xi1>
    %select_n3A_2504 = arith.select %xor3A_2503, %reshape3A_2477, %select_n3A_2471 : vector<512x128xi1>, vector<512x128xi32>
    %select_n3A_2505 = arith.select %xor3A_2503, %reshape3A_2482, %select_n3A_2472 : vector<512x128xi1>, vector<512x128xi32>
    %reshape3A_2506 = vector.shape_cast %select_n3A_2504 : vector<512x128xi32> to vector<8x2x32x128xi32>
    %slice3A_2507 = vector.extract_strided_slice %reshape3A_2506 {offsets = [0, 1, 0, 0], sizes = [8, 1, 32, 128], strides = [1, 1, 1, 1]} : vector<8x2x32x128xi32> to vector<8x1x32x128xi32>
    %slice3A_2508 = vector.extract_strided_slice %reshape3A_2506 {offsets = [0, 0, 0, 0], sizes = [8, 1, 32, 128], strides = [1, 1, 1, 1]} : vector<8x2x32x128xi32> to vector<8x1x32x128xi32>
    %concatenate3A_2509 = tpu.concatenate %slice3A_2507, %slice3A_2508 in 1 : vector<8x1x32x128xi32>, vector<8x1x32x128xi32> -> vector<8x2x32x128xi32>
    %reshape3A_2510 = vector.shape_cast %concatenate3A_2509 : vector<8x2x32x128xi32> to vector<512x128xi32>
    %reshape3A_2511 = vector.shape_cast %select_n3A_2505 : vector<512x128xi32> to vector<8x2x32x128xi32>
    %slice3A_2512 = vector.extract_strided_slice %reshape3A_2511 {offsets = [0, 1, 0, 0], sizes = [8, 1, 32, 128], strides = [1, 1, 1, 1]} : vector<8x2x32x128xi32> to vector<8x1x32x128xi32>
    %slice3A_2513 = vector.extract_strided_slice %reshape3A_2511 {offsets = [0, 0, 0, 0], sizes = [8, 1, 32, 128], strides = [1, 1, 1, 1]} : vector<8x2x32x128xi32> to vector<8x1x32x128xi32>
    %concatenate3A_2514 = tpu.concatenate %slice3A_2512, %slice3A_2513 in 1 : vector<8x1x32x128xi32>, vector<8x1x32x128xi32> -> vector<8x2x32x128xi32>
    %reshape3A_2515 = vector.shape_cast %concatenate3A_2514 : vector<8x2x32x128xi32> to vector<512x128xi32>
    %and3A_2516 = arith.constant 65535 : i32
    %and3A_2517 = vector.broadcast %and3A_2516 : i32 to vector<512x128xi32>
    %and3A_2518 = arith.andi %select_n3A_2505, %and3A_2517 : vector<512x128xi32>
    %and3A_2519 = arith.constant 65535 : i32
    %and3A_2520 = vector.broadcast %and3A_2519 : i32 to vector<512x128xi32>
    %and3A_2521 = arith.andi %reshape3A_2515, %and3A_2520 : vector<512x128xi32>
    %gt3A_2522 = arith.cmpi sgt, %select_n3A_2504, %reshape3A_2510 : vector<512x128xi32>
    %eq3A_2523 = arith.cmpi eq, %select_n3A_2504, %reshape3A_2510 : vector<512x128xi32>
    %gt3A_2524 = arith.cmpi sgt, %and3A_2518, %and3A_2521 : vector<512x128xi32>
    %and3A_2525 = arith.andi %eq3A_2523, %gt3A_2524 : vector<512x128xi1>
    %or3A_2526 = arith.ori %gt3A_2522, %and3A_2525 : vector<512x128xi1>
    %and3A_2527 = arith.constant 32 : i32
    %and3A_2528 = vector.broadcast %and3A_2527 : i32 to vector<512x128xi32>
    %and3A_2529 = arith.andi %iota3A, %and3A_2528 : vector<512x128xi32>
    %ne3A_2530 = arith.constant 0 : i32
    %ne3A_2531 = vector.broadcast %ne3A_2530 : i32 to vector<512x128xi32>
    %ne3A_2532 = arith.cmpi ne, %and3A_2529, %ne3A_2531 : vector<512x128xi32>
    %eq3A_2533 = arith.xori %ne3A_2532, %eq3A_2312 : vector<512x128xi1>
    %eq3A_2534 = arith.constant dense<true> : vector<512x128xi1>
    %eq3A_2535 = arith.xori %eq3A_2533, %eq3A_2534 : vector<512x128xi1>
    %xor3A_2536 = arith.xori %or3A_2526, %eq3A_2535 : vector<512x128xi1>
    %select_n3A_2537 = arith.select %xor3A_2536, %reshape3A_2510, %select_n3A_2504 : vector<512x128xi1>, vector<512x128xi32>
    %select_n3A_2538 = arith.select %xor3A_2536, %reshape3A_2515, %select_n3A_2505 : vector<512x128xi1>, vector<512x128xi32>
    %reshape3A_2539 = vector.shape_cast %select_n3A_2537 : vector<512x128xi32> to vector<16x2x16x128xi32>
    %slice3A_2540 = vector.extract_strided_slice %reshape3A_2539 {offsets = [0, 1, 0, 0], sizes = [16, 1, 16, 128], strides = [1, 1, 1, 1]} : vector<16x2x16x128xi32> to vector<16x1x16x128xi32>
    %slice3A_2541 = vector.extract_strided_slice %reshape3A_2539 {offsets = [0, 0, 0, 0], sizes = [16, 1, 16, 128], strides = [1, 1, 1, 1]} : vector<16x2x16x128xi32> to vector<16x1x16x128xi32>
    %concatenate3A_2542 = tpu.concatenate %slice3A_2540, %slice3A_2541 in 1 : vector<16x1x16x128xi32>, vector<16x1x16x128xi32> -> vector<16x2x16x128xi32>
    %reshape3A_2543 = vector.shape_cast %concatenate3A_2542 : vector<16x2x16x128xi32> to vector<512x128xi32>
    %reshape3A_2544 = vector.shape_cast %select_n3A_2538 : vector<512x128xi32> to vector<16x2x16x128xi32>
    %slice3A_2545 = vector.extract_strided_slice %reshape3A_2544 {offsets = [0, 1, 0, 0], sizes = [16, 1, 16, 128], strides = [1, 1, 1, 1]} : vector<16x2x16x128xi32> to vector<16x1x16x128xi32>
    %slice3A_2546 = vector.extract_strided_slice %reshape3A_2544 {offsets = [0, 0, 0, 0], sizes = [16, 1, 16, 128], strides = [1, 1, 1, 1]} : vector<16x2x16x128xi32> to vector<16x1x16x128xi32>
    %concatenate3A_2547 = tpu.concatenate %slice3A_2545, %slice3A_2546 in 1 : vector<16x1x16x128xi32>, vector<16x1x16x128xi32> -> vector<16x2x16x128xi32>
    %reshape3A_2548 = vector.shape_cast %concatenate3A_2547 : vector<16x2x16x128xi32> to vector<512x128xi32>
    %and3A_2549 = arith.constant 65535 : i32
    %and3A_2550 = vector.broadcast %and3A_2549 : i32 to vector<512x128xi32>
    %and3A_2551 = arith.andi %select_n3A_2538, %and3A_2550 : vector<512x128xi32>
    %and3A_2552 = arith.constant 65535 : i32
    %and3A_2553 = vector.broadcast %and3A_2552 : i32 to vector<512x128xi32>
    %and3A_2554 = arith.andi %reshape3A_2548, %and3A_2553 : vector<512x128xi32>
    %gt3A_2555 = arith.cmpi sgt, %select_n3A_2537, %reshape3A_2543 : vector<512x128xi32>
    %eq3A_2556 = arith.cmpi eq, %select_n3A_2537, %reshape3A_2543 : vector<512x128xi32>
    %gt3A_2557 = arith.cmpi sgt, %and3A_2551, %and3A_2554 : vector<512x128xi32>
    %and3A_2558 = arith.andi %eq3A_2556, %gt3A_2557 : vector<512x128xi1>
    %or3A_2559 = arith.ori %gt3A_2555, %and3A_2558 : vector<512x128xi1>
    %and3A_2560 = arith.constant 16 : i32
    %and3A_2561 = vector.broadcast %and3A_2560 : i32 to vector<512x128xi32>
    %and3A_2562 = arith.andi %iota3A, %and3A_2561 : vector<512x128xi32>
    %ne3A_2563 = arith.constant 0 : i32
    %ne3A_2564 = vector.broadcast %ne3A_2563 : i32 to vector<512x128xi32>
    %ne3A_2565 = arith.cmpi ne, %and3A_2562, %ne3A_2564 : vector<512x128xi32>
    %eq3A_2566 = arith.xori %ne3A_2565, %eq3A_2312 : vector<512x128xi1>
    %eq3A_2567 = arith.constant dense<true> : vector<512x128xi1>
    %eq3A_2568 = arith.xori %eq3A_2566, %eq3A_2567 : vector<512x128xi1>
    %xor3A_2569 = arith.xori %or3A_2559, %eq3A_2568 : vector<512x128xi1>
    %select_n3A_2570 = arith.select %xor3A_2569, %reshape3A_2543, %select_n3A_2537 : vector<512x128xi1>, vector<512x128xi32>
    %select_n3A_2571 = arith.select %xor3A_2569, %reshape3A_2548, %select_n3A_2538 : vector<512x128xi1>, vector<512x128xi32>
    %reshape3A_2572 = vector.shape_cast %select_n3A_2570 : vector<512x128xi32> to vector<32x2x8x128xi32>
    %slice3A_2573 = vector.extract_strided_slice %reshape3A_2572 {offsets = [0, 1, 0, 0], sizes = [32, 1, 8, 128], strides = [1, 1, 1, 1]} : vector<32x2x8x128xi32> to vector<32x1x8x128xi32>
    %slice3A_2574 = vector.extract_strided_slice %reshape3A_2572 {offsets = [0, 0, 0, 0], sizes = [32, 1, 8, 128], strides = [1, 1, 1, 1]} : vector<32x2x8x128xi32> to vector<32x1x8x128xi32>
    %concatenate3A_2575 = tpu.concatenate %slice3A_2573, %slice3A_2574 in 1 : vector<32x1x8x128xi32>, vector<32x1x8x128xi32> -> vector<32x2x8x128xi32>
    %reshape3A_2576 = vector.shape_cast %concatenate3A_2575 : vector<32x2x8x128xi32> to vector<512x128xi32>
    %reshape3A_2577 = vector.shape_cast %select_n3A_2571 : vector<512x128xi32> to vector<32x2x8x128xi32>
    %slice3A_2578 = vector.extract_strided_slice %reshape3A_2577 {offsets = [0, 1, 0, 0], sizes = [32, 1, 8, 128], strides = [1, 1, 1, 1]} : vector<32x2x8x128xi32> to vector<32x1x8x128xi32>
    %slice3A_2579 = vector.extract_strided_slice %reshape3A_2577 {offsets = [0, 0, 0, 0], sizes = [32, 1, 8, 128], strides = [1, 1, 1, 1]} : vector<32x2x8x128xi32> to vector<32x1x8x128xi32>
    %concatenate3A_2580 = tpu.concatenate %slice3A_2578, %slice3A_2579 in 1 : vector<32x1x8x128xi32>, vector<32x1x8x128xi32> -> vector<32x2x8x128xi32>
    %reshape3A_2581 = vector.shape_cast %concatenate3A_2580 : vector<32x2x8x128xi32> to vector<512x128xi32>
    %and3A_2582 = arith.constant 65535 : i32
    %and3A_2583 = vector.broadcast %and3A_2582 : i32 to vector<512x128xi32>
    %and3A_2584 = arith.andi %select_n3A_2571, %and3A_2583 : vector<512x128xi32>
    %and3A_2585 = arith.constant 65535 : i32
    %and3A_2586 = vector.broadcast %and3A_2585 : i32 to vector<512x128xi32>
    %and3A_2587 = arith.andi %reshape3A_2581, %and3A_2586 : vector<512x128xi32>
    %gt3A_2588 = arith.cmpi sgt, %select_n3A_2570, %reshape3A_2576 : vector<512x128xi32>
    %eq3A_2589 = arith.cmpi eq, %select_n3A_2570, %reshape3A_2576 : vector<512x128xi32>
    %gt3A_2590 = arith.cmpi sgt, %and3A_2584, %and3A_2587 : vector<512x128xi32>
    %and3A_2591 = arith.andi %eq3A_2589, %gt3A_2590 : vector<512x128xi1>
    %or3A_2592 = arith.ori %gt3A_2588, %and3A_2591 : vector<512x128xi1>
    %and3A_2593 = arith.constant 8 : i32
    %and3A_2594 = vector.broadcast %and3A_2593 : i32 to vector<512x128xi32>
    %and3A_2595 = arith.andi %iota3A, %and3A_2594 : vector<512x128xi32>
    %ne3A_2596 = arith.constant 0 : i32
    %ne3A_2597 = vector.broadcast %ne3A_2596 : i32 to vector<512x128xi32>
    %ne3A_2598 = arith.cmpi ne, %and3A_2595, %ne3A_2597 : vector<512x128xi32>
    %eq3A_2599 = arith.xori %ne3A_2598, %eq3A_2312 : vector<512x128xi1>
    %eq3A_2600 = arith.constant dense<true> : vector<512x128xi1>
    %eq3A_2601 = arith.xori %eq3A_2599, %eq3A_2600 : vector<512x128xi1>
    %xor3A_2602 = arith.xori %or3A_2592, %eq3A_2601 : vector<512x128xi1>
    %select_n3A_2603 = arith.select %xor3A_2602, %reshape3A_2576, %select_n3A_2570 : vector<512x128xi1>, vector<512x128xi32>
    %select_n3A_2604 = arith.select %xor3A_2602, %reshape3A_2581, %select_n3A_2571 : vector<512x128xi1>, vector<512x128xi32>
    %roll3A_2605 = arith.constant 508 : i32
    %roll3A_2606 = tpu.dynamic_rotate %select_n3A_2603 by %roll3A_2605 dim 0 : vector<512x128xi32>, i32 -> vector<512x128xi32>
    %roll3A_2607 = arith.constant 4 : i32
    %roll3A_2608 = tpu.dynamic_rotate %select_n3A_2603 by %roll3A_2607 dim 0 : vector<512x128xi32>, i32 -> vector<512x128xi32>
    %iota3A_2609 = tpu.iota {dimensions = array<i32: 0>} : vector<512x128xi32>
    %and3A_2610 = arith.constant 4 : i32
    %and3A_2611 = vector.broadcast %and3A_2610 : i32 to vector<512x128xi32>
    %and3A_2612 = arith.andi %iota3A_2609, %and3A_2611 : vector<512x128xi32>
    %ne3A_2613 = arith.constant 0 : i32
    %ne3A_2614 = vector.broadcast %ne3A_2613 : i32 to vector<512x128xi32>
    %ne3A_2615 = arith.cmpi ne, %and3A_2612, %ne3A_2614 : vector<512x128xi32>
    %select_n3A_2616 = arith.select %ne3A_2615, %roll3A_2608, %roll3A_2606 : vector<512x128xi1>, vector<512x128xi32>
    %roll3A_2617 = arith.constant 508 : i32
    %roll3A_2618 = tpu.dynamic_rotate %select_n3A_2604 by %roll3A_2617 dim 0 : vector<512x128xi32>, i32 -> vector<512x128xi32>
    %roll3A_2619 = arith.constant 4 : i32
    %roll3A_2620 = tpu.dynamic_rotate %select_n3A_2604 by %roll3A_2619 dim 0 : vector<512x128xi32>, i32 -> vector<512x128xi32>
    %iota3A_2621 = tpu.iota {dimensions = array<i32: 0>} : vector<512x128xi32>
    %and3A_2622 = arith.constant 4 : i32
    %and3A_2623 = vector.broadcast %and3A_2622 : i32 to vector<512x128xi32>
    %and3A_2624 = arith.andi %iota3A_2621, %and3A_2623 : vector<512x128xi32>
    %ne3A_2625 = arith.constant 0 : i32
    %ne3A_2626 = vector.broadcast %ne3A_2625 : i32 to vector<512x128xi32>
    %ne3A_2627 = arith.cmpi ne, %and3A_2624, %ne3A_2626 : vector<512x128xi32>
    %select_n3A_2628 = arith.select %ne3A_2627, %roll3A_2620, %roll3A_2618 : vector<512x128xi1>, vector<512x128xi32>
    %and3A_2629 = arith.constant 65535 : i32
    %and3A_2630 = vector.broadcast %and3A_2629 : i32 to vector<512x128xi32>
    %and3A_2631 = arith.andi %select_n3A_2604, %and3A_2630 : vector<512x128xi32>
    %and3A_2632 = arith.constant 65535 : i32
    %and3A_2633 = vector.broadcast %and3A_2632 : i32 to vector<512x128xi32>
    %and3A_2634 = arith.andi %select_n3A_2628, %and3A_2633 : vector<512x128xi32>
    %gt3A_2635 = arith.cmpi sgt, %select_n3A_2603, %select_n3A_2616 : vector<512x128xi32>
    %eq3A_2636 = arith.cmpi eq, %select_n3A_2603, %select_n3A_2616 : vector<512x128xi32>
    %gt3A_2637 = arith.cmpi sgt, %and3A_2631, %and3A_2634 : vector<512x128xi32>
    %and3A_2638 = arith.andi %eq3A_2636, %gt3A_2637 : vector<512x128xi1>
    %or3A_2639 = arith.ori %gt3A_2635, %and3A_2638 : vector<512x128xi1>
    %and3A_2640 = arith.constant 4 : i32
    %and3A_2641 = vector.broadcast %and3A_2640 : i32 to vector<512x128xi32>
    %and3A_2642 = arith.andi %iota3A, %and3A_2641 : vector<512x128xi32>
    %ne3A_2643 = arith.constant 0 : i32
    %ne3A_2644 = vector.broadcast %ne3A_2643 : i32 to vector<512x128xi32>
    %ne3A_2645 = arith.cmpi ne, %and3A_2642, %ne3A_2644 : vector<512x128xi32>
    %eq3A_2646 = arith.xori %ne3A_2645, %eq3A_2312 : vector<512x128xi1>
    %eq3A_2647 = arith.constant dense<true> : vector<512x128xi1>
    %eq3A_2648 = arith.xori %eq3A_2646, %eq3A_2647 : vector<512x128xi1>
    %xor3A_2649 = arith.xori %or3A_2639, %eq3A_2648 : vector<512x128xi1>
    %select_n3A_2650 = arith.select %xor3A_2649, %select_n3A_2616, %select_n3A_2603 : vector<512x128xi1>, vector<512x128xi32>
    %select_n3A_2651 = arith.select %xor3A_2649, %select_n3A_2628, %select_n3A_2604 : vector<512x128xi1>, vector<512x128xi32>
    %roll3A_2652 = arith.constant 510 : i32
    %roll3A_2653 = tpu.dynamic_rotate %select_n3A_2650 by %roll3A_2652 dim 0 : vector<512x128xi32>, i32 -> vector<512x128xi32>
    %roll3A_2654 = arith.constant 2 : i32
    %roll3A_2655 = tpu.dynamic_rotate %select_n3A_2650 by %roll3A_2654 dim 0 : vector<512x128xi32>, i32 -> vector<512x128xi32>
    %iota3A_2656 = tpu.iota {dimensions = array<i32: 0>} : vector<512x128xi32>
    %and3A_2657 = arith.constant 2 : i32
    %and3A_2658 = vector.broadcast %and3A_2657 : i32 to vector<512x128xi32>
    %and3A_2659 = arith.andi %iota3A_2656, %and3A_2658 : vector<512x128xi32>
    %ne3A_2660 = arith.constant 0 : i32
    %ne3A_2661 = vector.broadcast %ne3A_2660 : i32 to vector<512x128xi32>
    %ne3A_2662 = arith.cmpi ne, %and3A_2659, %ne3A_2661 : vector<512x128xi32>
    %select_n3A_2663 = arith.select %ne3A_2662, %roll3A_2655, %roll3A_2653 : vector<512x128xi1>, vector<512x128xi32>
    %roll3A_2664 = arith.constant 510 : i32
    %roll3A_2665 = tpu.dynamic_rotate %select_n3A_2651 by %roll3A_2664 dim 0 : vector<512x128xi32>, i32 -> vector<512x128xi32>
    %roll3A_2666 = arith.constant 2 : i32
    %roll3A_2667 = tpu.dynamic_rotate %select_n3A_2651 by %roll3A_2666 dim 0 : vector<512x128xi32>, i32 -> vector<512x128xi32>
    %iota3A_2668 = tpu.iota {dimensions = array<i32: 0>} : vector<512x128xi32>
    %and3A_2669 = arith.constant 2 : i32
    %and3A_2670 = vector.broadcast %and3A_2669 : i32 to vector<512x128xi32>
    %and3A_2671 = arith.andi %iota3A_2668, %and3A_2670 : vector<512x128xi32>
    %ne3A_2672 = arith.constant 0 : i32
    %ne3A_2673 = vector.broadcast %ne3A_2672 : i32 to vector<512x128xi32>
    %ne3A_2674 = arith.cmpi ne, %and3A_2671, %ne3A_2673 : vector<512x128xi32>
    %select_n3A_2675 = arith.select %ne3A_2674, %roll3A_2667, %roll3A_2665 : vector<512x128xi1>, vector<512x128xi32>
    %and3A_2676 = arith.constant 65535 : i32
    %and3A_2677 = vector.broadcast %and3A_2676 : i32 to vector<512x128xi32>
    %and3A_2678 = arith.andi %select_n3A_2651, %and3A_2677 : vector<512x128xi32>
    %and3A_2679 = arith.constant 65535 : i32
    %and3A_2680 = vector.broadcast %and3A_2679 : i32 to vector<512x128xi32>
    %and3A_2681 = arith.andi %select_n3A_2675, %and3A_2680 : vector<512x128xi32>
    %gt3A_2682 = arith.cmpi sgt, %select_n3A_2650, %select_n3A_2663 : vector<512x128xi32>
    %eq3A_2683 = arith.cmpi eq, %select_n3A_2650, %select_n3A_2663 : vector<512x128xi32>
    %gt3A_2684 = arith.cmpi sgt, %and3A_2678, %and3A_2681 : vector<512x128xi32>
    %and3A_2685 = arith.andi %eq3A_2683, %gt3A_2684 : vector<512x128xi1>
    %or3A_2686 = arith.ori %gt3A_2682, %and3A_2685 : vector<512x128xi1>
    %and3A_2687 = arith.constant 2 : i32
    %and3A_2688 = vector.broadcast %and3A_2687 : i32 to vector<512x128xi32>
    %and3A_2689 = arith.andi %iota3A, %and3A_2688 : vector<512x128xi32>
    %ne3A_2690 = arith.constant 0 : i32
    %ne3A_2691 = vector.broadcast %ne3A_2690 : i32 to vector<512x128xi32>
    %ne3A_2692 = arith.cmpi ne, %and3A_2689, %ne3A_2691 : vector<512x128xi32>
    %eq3A_2693 = arith.xori %ne3A_2692, %eq3A_2312 : vector<512x128xi1>
    %eq3A_2694 = arith.constant dense<true> : vector<512x128xi1>
    %eq3A_2695 = arith.xori %eq3A_2693, %eq3A_2694 : vector<512x128xi1>
    %xor3A_2696 = arith.xori %or3A_2686, %eq3A_2695 : vector<512x128xi1>
    %select_n3A_2697 = arith.select %xor3A_2696, %select_n3A_2663, %select_n3A_2650 : vector<512x128xi1>, vector<512x128xi32>
    %select_n3A_2698 = arith.select %xor3A_2696, %select_n3A_2675, %select_n3A_2651 : vector<512x128xi1>, vector<512x128xi32>
    %roll3A_2699 = arith.constant 511 : i32
    %roll3A_2700 = tpu.dynamic_rotate %select_n3A_2697 by %roll3A_2699 dim 0 : vector<512x128xi32>, i32 -> vector<512x128xi32>
    %roll3A_2701 = arith.constant 1 : i32
    %roll3A_2702 = tpu.dynamic_rotate %select_n3A_2697 by %roll3A_2701 dim 0 : vector<512x128xi32>, i32 -> vector<512x128xi32>
    %iota3A_2703 = tpu.iota {dimensions = array<i32: 0>} : vector<512x128xi32>
    %and3A_2704 = arith.constant 1 : i32
    %and3A_2705 = vector.broadcast %and3A_2704 : i32 to vector<512x128xi32>
    %and3A_2706 = arith.andi %iota3A_2703, %and3A_2705 : vector<512x128xi32>
    %ne3A_2707 = arith.constant 0 : i32
    %ne3A_2708 = vector.broadcast %ne3A_2707 : i32 to vector<512x128xi32>
    %ne3A_2709 = arith.cmpi ne, %and3A_2706, %ne3A_2708 : vector<512x128xi32>
    %select_n3A_2710 = arith.select %ne3A_2709, %roll3A_2702, %roll3A_2700 : vector<512x128xi1>, vector<512x128xi32>
    %roll3A_2711 = arith.constant 511 : i32
    %roll3A_2712 = tpu.dynamic_rotate %select_n3A_2698 by %roll3A_2711 dim 0 : vector<512x128xi32>, i32 -> vector<512x128xi32>
    %roll3A_2713 = arith.constant 1 : i32
    %roll3A_2714 = tpu.dynamic_rotate %select_n3A_2698 by %roll3A_2713 dim 0 : vector<512x128xi32>, i32 -> vector<512x128xi32>
    %iota3A_2715 = tpu.iota {dimensions = array<i32: 0>} : vector<512x128xi32>
    %and3A_2716 = arith.constant 1 : i32
    %and3A_2717 = vector.broadcast %and3A_2716 : i32 to vector<512x128xi32>
    %and3A_2718 = arith.andi %iota3A_2715, %and3A_2717 : vector<512x128xi32>
    %ne3A_2719 = arith.constant 0 : i32
    %ne3A_2720 = vector.broadcast %ne3A_2719 : i32 to vector<512x128xi32>
    %ne3A_2721 = arith.cmpi ne, %and3A_2718, %ne3A_2720 : vector<512x128xi32>
    %select_n3A_2722 = arith.select %ne3A_2721, %roll3A_2714, %roll3A_2712 : vector<512x128xi1>, vector<512x128xi32>
    %and3A_2723 = arith.constant 65535 : i32
    %and3A_2724 = vector.broadcast %and3A_2723 : i32 to vector<512x128xi32>
    %and3A_2725 = arith.andi %select_n3A_2698, %and3A_2724 : vector<512x128xi32>
    %and3A_2726 = arith.constant 65535 : i32
    %and3A_2727 = vector.broadcast %and3A_2726 : i32 to vector<512x128xi32>
    %and3A_2728 = arith.andi %select_n3A_2722, %and3A_2727 : vector<512x128xi32>
    %gt3A_2729 = arith.cmpi sgt, %select_n3A_2697, %select_n3A_2710 : vector<512x128xi32>
    %eq3A_2730 = arith.cmpi eq, %select_n3A_2697, %select_n3A_2710 : vector<512x128xi32>
    %gt3A_2731 = arith.cmpi sgt, %and3A_2725, %and3A_2728 : vector<512x128xi32>
    %and3A_2732 = arith.andi %eq3A_2730, %gt3A_2731 : vector<512x128xi1>
    %or3A_2733 = arith.ori %gt3A_2729, %and3A_2732 : vector<512x128xi1>
    %and3A_2734 = arith.constant 1 : i32
    %and3A_2735 = vector.broadcast %and3A_2734 : i32 to vector<512x128xi32>
    %and3A_2736 = arith.andi %iota3A, %and3A_2735 : vector<512x128xi32>
    %ne3A_2737 = arith.constant 0 : i32
    %ne3A_2738 = vector.broadcast %ne3A_2737 : i32 to vector<512x128xi32>
    %ne3A_2739 = arith.cmpi ne, %and3A_2736, %ne3A_2738 : vector<512x128xi32>
    %eq3A_2740 = arith.xori %ne3A_2739, %eq3A_2312 : vector<512x128xi1>
    %eq3A_2741 = arith.constant dense<true> : vector<512x128xi1>
    %eq3A_2742 = arith.xori %eq3A_2740, %eq3A_2741 : vector<512x128xi1>
    %xor3A_2743 = arith.xori %or3A_2733, %eq3A_2742 : vector<512x128xi1>
    %select_n3A_2744 = arith.select %xor3A_2743, %select_n3A_2710, %select_n3A_2697 : vector<512x128xi1>, vector<512x128xi32>
    %select_n3A_2745 = arith.select %xor3A_2743, %select_n3A_2722, %select_n3A_2698 : vector<512x128xi1>, vector<512x128xi32>
    %shift_right_arithmetic3A_2746 = arith.constant 12 : i32
    %shift_right_arithmetic3A_2747 = vector.broadcast %shift_right_arithmetic3A_2746 : i32 to vector<512x128xi32>
    %shift_right_arithmetic3A_2748 = arith.shrsi %add3A_6, %shift_right_arithmetic3A_2747 : vector<512x128xi32>
    %and3A_2749 = arith.constant 1 : i32
    %and3A_2750 = vector.broadcast %and3A_2749 : i32 to vector<512x128xi32>
    %and3A_2751 = arith.andi %shift_right_arithmetic3A_2748, %and3A_2750 : vector<512x128xi32>
    %eq3A_2752 = arith.constant 0 : i32
    %eq3A_2753 = vector.broadcast %eq3A_2752 : i32 to vector<512x128xi32>
    %eq3A_2754 = arith.cmpi eq, %and3A_2751, %eq3A_2753 : vector<512x128xi32>
    %roll3A_2755 = arith.constant 124 : i32
    %roll3A_2756 = tpu.dynamic_rotate %select_n3A_2744 by %roll3A_2755 dim 1 : vector<512x128xi32>, i32 -> vector<512x128xi32>
    %roll3A_2757 = arith.constant 4 : i32
    %roll3A_2758 = tpu.dynamic_rotate %select_n3A_2744 by %roll3A_2757 dim 1 : vector<512x128xi32>, i32 -> vector<512x128xi32>
    %iota3A_2759 = tpu.iota {dimensions = array<i32: 1>} : vector<512x128xi32>
    %and3A_2760 = arith.constant 4 : i32
    %and3A_2761 = vector.broadcast %and3A_2760 : i32 to vector<512x128xi32>
    %and3A_2762 = arith.andi %iota3A_2759, %and3A_2761 : vector<512x128xi32>
    %ne3A_2763 = arith.constant 0 : i32
    %ne3A_2764 = vector.broadcast %ne3A_2763 : i32 to vector<512x128xi32>
    %ne3A_2765 = arith.cmpi ne, %and3A_2762, %ne3A_2764 : vector<512x128xi32>
    %select_n3A_2766 = arith.select %ne3A_2765, %roll3A_2758, %roll3A_2756 : vector<512x128xi1>, vector<512x128xi32>
    %roll3A_2767 = arith.constant 124 : i32
    %roll3A_2768 = tpu.dynamic_rotate %select_n3A_2745 by %roll3A_2767 dim 1 : vector<512x128xi32>, i32 -> vector<512x128xi32>
    %roll3A_2769 = arith.constant 4 : i32
    %roll3A_2770 = tpu.dynamic_rotate %select_n3A_2745 by %roll3A_2769 dim 1 : vector<512x128xi32>, i32 -> vector<512x128xi32>
    %iota3A_2771 = tpu.iota {dimensions = array<i32: 1>} : vector<512x128xi32>
    %and3A_2772 = arith.constant 4 : i32
    %and3A_2773 = vector.broadcast %and3A_2772 : i32 to vector<512x128xi32>
    %and3A_2774 = arith.andi %iota3A_2771, %and3A_2773 : vector<512x128xi32>
    %ne3A_2775 = arith.constant 0 : i32
    %ne3A_2776 = vector.broadcast %ne3A_2775 : i32 to vector<512x128xi32>
    %ne3A_2777 = arith.cmpi ne, %and3A_2774, %ne3A_2776 : vector<512x128xi32>
    %select_n3A_2778 = arith.select %ne3A_2777, %roll3A_2770, %roll3A_2768 : vector<512x128xi1>, vector<512x128xi32>
    %and3A_2779 = arith.constant 65535 : i32
    %and3A_2780 = vector.broadcast %and3A_2779 : i32 to vector<512x128xi32>
    %and3A_2781 = arith.andi %select_n3A_2745, %and3A_2780 : vector<512x128xi32>
    %and3A_2782 = arith.constant 65535 : i32
    %and3A_2783 = vector.broadcast %and3A_2782 : i32 to vector<512x128xi32>
    %and3A_2784 = arith.andi %select_n3A_2778, %and3A_2783 : vector<512x128xi32>
    %gt3A_2785 = arith.cmpi sgt, %select_n3A_2744, %select_n3A_2766 : vector<512x128xi32>
    %eq3A_2786 = arith.cmpi eq, %select_n3A_2744, %select_n3A_2766 : vector<512x128xi32>
    %gt3A_2787 = arith.cmpi sgt, %and3A_2781, %and3A_2784 : vector<512x128xi32>
    %and3A_2788 = arith.andi %eq3A_2786, %gt3A_2787 : vector<512x128xi1>
    %or3A_2789 = arith.ori %gt3A_2785, %and3A_2788 : vector<512x128xi1>
    %and3A_2790 = arith.constant 4 : i32
    %and3A_2791 = vector.broadcast %and3A_2790 : i32 to vector<512x128xi32>
    %and3A_2792 = arith.andi %iota3A_0, %and3A_2791 : vector<512x128xi32>
    %ne3A_2793 = arith.constant 0 : i32
    %ne3A_2794 = vector.broadcast %ne3A_2793 : i32 to vector<512x128xi32>
    %ne3A_2795 = arith.cmpi ne, %and3A_2792, %ne3A_2794 : vector<512x128xi32>
    %eq3A_2796 = arith.xori %ne3A_2795, %eq3A_2754 : vector<512x128xi1>
    %eq3A_2797 = arith.constant dense<true> : vector<512x128xi1>
    %eq3A_2798 = arith.xori %eq3A_2796, %eq3A_2797 : vector<512x128xi1>
    %xor3A_2799 = arith.xori %or3A_2789, %eq3A_2798 : vector<512x128xi1>
    %select_n3A_2800 = arith.select %xor3A_2799, %select_n3A_2766, %select_n3A_2744 : vector<512x128xi1>, vector<512x128xi32>
    %select_n3A_2801 = arith.select %xor3A_2799, %select_n3A_2778, %select_n3A_2745 : vector<512x128xi1>, vector<512x128xi32>
    %roll3A_2802 = arith.constant 126 : i32
    %roll3A_2803 = tpu.dynamic_rotate %select_n3A_2800 by %roll3A_2802 dim 1 : vector<512x128xi32>, i32 -> vector<512x128xi32>
    %roll3A_2804 = arith.constant 2 : i32
    %roll3A_2805 = tpu.dynamic_rotate %select_n3A_2800 by %roll3A_2804 dim 1 : vector<512x128xi32>, i32 -> vector<512x128xi32>
    %iota3A_2806 = tpu.iota {dimensions = array<i32: 1>} : vector<512x128xi32>
    %and3A_2807 = arith.constant 2 : i32
    %and3A_2808 = vector.broadcast %and3A_2807 : i32 to vector<512x128xi32>
    %and3A_2809 = arith.andi %iota3A_2806, %and3A_2808 : vector<512x128xi32>
    %ne3A_2810 = arith.constant 0 : i32
    %ne3A_2811 = vector.broadcast %ne3A_2810 : i32 to vector<512x128xi32>
    %ne3A_2812 = arith.cmpi ne, %and3A_2809, %ne3A_2811 : vector<512x128xi32>
    %select_n3A_2813 = arith.select %ne3A_2812, %roll3A_2805, %roll3A_2803 : vector<512x128xi1>, vector<512x128xi32>
    %roll3A_2814 = arith.constant 126 : i32
    %roll3A_2815 = tpu.dynamic_rotate %select_n3A_2801 by %roll3A_2814 dim 1 : vector<512x128xi32>, i32 -> vector<512x128xi32>
    %roll3A_2816 = arith.constant 2 : i32
    %roll3A_2817 = tpu.dynamic_rotate %select_n3A_2801 by %roll3A_2816 dim 1 : vector<512x128xi32>, i32 -> vector<512x128xi32>
    %iota3A_2818 = tpu.iota {dimensions = array<i32: 1>} : vector<512x128xi32>
    %and3A_2819 = arith.constant 2 : i32
    %and3A_2820 = vector.broadcast %and3A_2819 : i32 to vector<512x128xi32>
    %and3A_2821 = arith.andi %iota3A_2818, %and3A_2820 : vector<512x128xi32>
    %ne3A_2822 = arith.constant 0 : i32
    %ne3A_2823 = vector.broadcast %ne3A_2822 : i32 to vector<512x128xi32>
    %ne3A_2824 = arith.cmpi ne, %and3A_2821, %ne3A_2823 : vector<512x128xi32>
    %select_n3A_2825 = arith.select %ne3A_2824, %roll3A_2817, %roll3A_2815 : vector<512x128xi1>, vector<512x128xi32>
    %and3A_2826 = arith.constant 65535 : i32
    %and3A_2827 = vector.broadcast %and3A_2826 : i32 to vector<512x128xi32>
    %and3A_2828 = arith.andi %select_n3A_2801, %and3A_2827 : vector<512x128xi32>
    %and3A_2829 = arith.constant 65535 : i32
    %and3A_2830 = vector.broadcast %and3A_2829 : i32 to vector<512x128xi32>
    %and3A_2831 = arith.andi %select_n3A_2825, %and3A_2830 : vector<512x128xi32>
    %gt3A_2832 = arith.cmpi sgt, %select_n3A_2800, %select_n3A_2813 : vector<512x128xi32>
    %eq3A_2833 = arith.cmpi eq, %select_n3A_2800, %select_n3A_2813 : vector<512x128xi32>
    %gt3A_2834 = arith.cmpi sgt, %and3A_2828, %and3A_2831 : vector<512x128xi32>
    %and3A_2835 = arith.andi %eq3A_2833, %gt3A_2834 : vector<512x128xi1>
    %or3A_2836 = arith.ori %gt3A_2832, %and3A_2835 : vector<512x128xi1>
    %and3A_2837 = arith.constant 2 : i32
    %and3A_2838 = vector.broadcast %and3A_2837 : i32 to vector<512x128xi32>
    %and3A_2839 = arith.andi %iota3A_0, %and3A_2838 : vector<512x128xi32>
    %ne3A_2840 = arith.constant 0 : i32
    %ne3A_2841 = vector.broadcast %ne3A_2840 : i32 to vector<512x128xi32>
    %ne3A_2842 = arith.cmpi ne, %and3A_2839, %ne3A_2841 : vector<512x128xi32>
    %eq3A_2843 = arith.xori %ne3A_2842, %eq3A_2754 : vector<512x128xi1>
    %eq3A_2844 = arith.constant dense<true> : vector<512x128xi1>
    %eq3A_2845 = arith.xori %eq3A_2843, %eq3A_2844 : vector<512x128xi1>
    %xor3A_2846 = arith.xori %or3A_2836, %eq3A_2845 : vector<512x128xi1>
    %select_n3A_2847 = arith.select %xor3A_2846, %select_n3A_2813, %select_n3A_2800 : vector<512x128xi1>, vector<512x128xi32>
    %select_n3A_2848 = arith.select %xor3A_2846, %select_n3A_2825, %select_n3A_2801 : vector<512x128xi1>, vector<512x128xi32>
    %roll3A_2849 = arith.constant 127 : i32
    %roll3A_2850 = tpu.dynamic_rotate %select_n3A_2847 by %roll3A_2849 dim 1 : vector<512x128xi32>, i32 -> vector<512x128xi32>
    %roll3A_2851 = arith.constant 1 : i32
    %roll3A_2852 = tpu.dynamic_rotate %select_n3A_2847 by %roll3A_2851 dim 1 : vector<512x128xi32>, i32 -> vector<512x128xi32>
    %iota3A_2853 = tpu.iota {dimensions = array<i32: 1>} : vector<512x128xi32>
    %and3A_2854 = arith.constant 1 : i32
    %and3A_2855 = vector.broadcast %and3A_2854 : i32 to vector<512x128xi32>
    %and3A_2856 = arith.andi %iota3A_2853, %and3A_2855 : vector<512x128xi32>
    %ne3A_2857 = arith.constant 0 : i32
    %ne3A_2858 = vector.broadcast %ne3A_2857 : i32 to vector<512x128xi32>
    %ne3A_2859 = arith.cmpi ne, %and3A_2856, %ne3A_2858 : vector<512x128xi32>
    %select_n3A_2860 = arith.select %ne3A_2859, %roll3A_2852, %roll3A_2850 : vector<512x128xi1>, vector<512x128xi32>
    %roll3A_2861 = arith.constant 127 : i32
    %roll3A_2862 = tpu.dynamic_rotate %select_n3A_2848 by %roll3A_2861 dim 1 : vector<512x128xi32>, i32 -> vector<512x128xi32>
    %roll3A_2863 = arith.constant 1 : i32
    %roll3A_2864 = tpu.dynamic_rotate %select_n3A_2848 by %roll3A_2863 dim 1 : vector<512x128xi32>, i32 -> vector<512x128xi32>
    %iota3A_2865 = tpu.iota {dimensions = array<i32: 1>} : vector<512x128xi32>
    %and3A_2866 = arith.constant 1 : i32
    %and3A_2867 = vector.broadcast %and3A_2866 : i32 to vector<512x128xi32>
    %and3A_2868 = arith.andi %iota3A_2865, %and3A_2867 : vector<512x128xi32>
    %ne3A_2869 = arith.constant 0 : i32
    %ne3A_2870 = vector.broadcast %ne3A_2869 : i32 to vector<512x128xi32>
    %ne3A_2871 = arith.cmpi ne, %and3A_2868, %ne3A_2870 : vector<512x128xi32>
    %select_n3A_2872 = arith.select %ne3A_2871, %roll3A_2864, %roll3A_2862 : vector<512x128xi1>, vector<512x128xi32>
    %and3A_2873 = arith.constant 65535 : i32
    %and3A_2874 = vector.broadcast %and3A_2873 : i32 to vector<512x128xi32>
    %and3A_2875 = arith.andi %select_n3A_2848, %and3A_2874 : vector<512x128xi32>
    %and3A_2876 = arith.constant 65535 : i32
    %and3A_2877 = vector.broadcast %and3A_2876 : i32 to vector<512x128xi32>
    %and3A_2878 = arith.andi %select_n3A_2872, %and3A_2877 : vector<512x128xi32>
    %gt3A_2879 = arith.cmpi sgt, %select_n3A_2847, %select_n3A_2860 : vector<512x128xi32>
    %eq3A_2880 = arith.cmpi eq, %select_n3A_2847, %select_n3A_2860 : vector<512x128xi32>
    %gt3A_2881 = arith.cmpi sgt, %and3A_2875, %and3A_2878 : vector<512x128xi32>
    %and3A_2882 = arith.andi %eq3A_2880, %gt3A_2881 : vector<512x128xi1>
    %or3A_2883 = arith.ori %gt3A_2879, %and3A_2882 : vector<512x128xi1>
    %and3A_2884 = arith.constant 1 : i32
    %and3A_2885 = vector.broadcast %and3A_2884 : i32 to vector<512x128xi32>
    %and3A_2886 = arith.andi %iota3A_0, %and3A_2885 : vector<512x128xi32>
    %ne3A_2887 = arith.constant 0 : i32
    %ne3A_2888 = vector.broadcast %ne3A_2887 : i32 to vector<512x128xi32>
    %ne3A_2889 = arith.cmpi ne, %and3A_2886, %ne3A_2888 : vector<512x128xi32>
    %eq3A_2890 = arith.xori %ne3A_2889, %eq3A_2754 : vector<512x128xi1>
    %eq3A_2891 = arith.constant dense<true> : vector<512x128xi1>
    %eq3A_2892 = arith.xori %eq3A_2890, %eq3A_2891 : vector<512x128xi1>
    %xor3A_2893 = arith.xori %or3A_2883, %eq3A_2892 : vector<512x128xi1>
    %select_n3A_2894 = arith.select %xor3A_2893, %select_n3A_2860, %select_n3A_2847 : vector<512x128xi1>, vector<512x128xi32>
    %select_n3A_2895 = arith.select %xor3A_2893, %select_n3A_2872, %select_n3A_2848 : vector<512x128xi1>, vector<512x128xi32>
    %reshape3A_2896 = vector.shape_cast %select_n3A_2894 : vector<512x128xi32> to vector<1x2x256x128xi32>
    %slice3A_2897 = vector.extract_strided_slice %reshape3A_2896 {offsets = [0, 1, 0, 0], sizes = [1, 1, 256, 128], strides = [1, 1, 1, 1]} : vector<1x2x256x128xi32> to vector<1x1x256x128xi32>
    %slice3A_2898 = vector.extract_strided_slice %reshape3A_2896 {offsets = [0, 0, 0, 0], sizes = [1, 1, 256, 128], strides = [1, 1, 1, 1]} : vector<1x2x256x128xi32> to vector<1x1x256x128xi32>
    %concatenate3A_2899 = tpu.concatenate %slice3A_2897, %slice3A_2898 in 1 : vector<1x1x256x128xi32>, vector<1x1x256x128xi32> -> vector<1x2x256x128xi32>
    %reshape3A_2900 = vector.shape_cast %concatenate3A_2899 : vector<1x2x256x128xi32> to vector<512x128xi32>
    %reshape3A_2901 = vector.shape_cast %select_n3A_2895 : vector<512x128xi32> to vector<1x2x256x128xi32>
    %slice3A_2902 = vector.extract_strided_slice %reshape3A_2901 {offsets = [0, 1, 0, 0], sizes = [1, 1, 256, 128], strides = [1, 1, 1, 1]} : vector<1x2x256x128xi32> to vector<1x1x256x128xi32>
    %slice3A_2903 = vector.extract_strided_slice %reshape3A_2901 {offsets = [0, 0, 0, 0], sizes = [1, 1, 256, 128], strides = [1, 1, 1, 1]} : vector<1x2x256x128xi32> to vector<1x1x256x128xi32>
    %concatenate3A_2904 = tpu.concatenate %slice3A_2902, %slice3A_2903 in 1 : vector<1x1x256x128xi32>, vector<1x1x256x128xi32> -> vector<1x2x256x128xi32>
    %reshape3A_2905 = vector.shape_cast %concatenate3A_2904 : vector<1x2x256x128xi32> to vector<512x128xi32>
    %and3A_2906 = arith.constant 65535 : i32
    %and3A_2907 = vector.broadcast %and3A_2906 : i32 to vector<512x128xi32>
    %and3A_2908 = arith.andi %select_n3A_2895, %and3A_2907 : vector<512x128xi32>
    %and3A_2909 = arith.constant 65535 : i32
    %and3A_2910 = vector.broadcast %and3A_2909 : i32 to vector<512x128xi32>
    %and3A_2911 = arith.andi %reshape3A_2905, %and3A_2910 : vector<512x128xi32>
    %gt3A_2912 = arith.cmpi sgt, %select_n3A_2894, %reshape3A_2900 : vector<512x128xi32>
    %eq3A_2913 = arith.cmpi eq, %select_n3A_2894, %reshape3A_2900 : vector<512x128xi32>
    %gt3A_2914 = arith.cmpi sgt, %and3A_2908, %and3A_2911 : vector<512x128xi32>
    %and3A_2915 = arith.andi %eq3A_2913, %gt3A_2914 : vector<512x128xi1>
    %or3A_2916 = arith.ori %gt3A_2912, %and3A_2915 : vector<512x128xi1>
    %and3A_2917 = arith.constant 256 : i32
    %and3A_2918 = vector.broadcast %and3A_2917 : i32 to vector<512x128xi32>
    %and3A_2919 = arith.andi %iota3A, %and3A_2918 : vector<512x128xi32>
    %ne3A_2920 = arith.constant 0 : i32
    %ne3A_2921 = vector.broadcast %ne3A_2920 : i32 to vector<512x128xi32>
    %ne3A_2922 = arith.cmpi ne, %and3A_2919, %ne3A_2921 : vector<512x128xi32>
    %eq3A_2923 = arith.xori %ne3A_2922, %eq3A_2754 : vector<512x128xi1>
    %eq3A_2924 = arith.constant dense<true> : vector<512x128xi1>
    %eq3A_2925 = arith.xori %eq3A_2923, %eq3A_2924 : vector<512x128xi1>
    %xor3A_2926 = arith.xori %or3A_2916, %eq3A_2925 : vector<512x128xi1>
    %select_n3A_2927 = arith.select %xor3A_2926, %reshape3A_2900, %select_n3A_2894 : vector<512x128xi1>, vector<512x128xi32>
    %select_n3A_2928 = arith.select %xor3A_2926, %reshape3A_2905, %select_n3A_2895 : vector<512x128xi1>, vector<512x128xi32>
    %reshape3A_2929 = vector.shape_cast %select_n3A_2927 : vector<512x128xi32> to vector<2x2x128x128xi32>
    %slice3A_2930 = vector.extract_strided_slice %reshape3A_2929 {offsets = [0, 1, 0, 0], sizes = [2, 1, 128, 128], strides = [1, 1, 1, 1]} : vector<2x2x128x128xi32> to vector<2x1x128x128xi32>
    %slice3A_2931 = vector.extract_strided_slice %reshape3A_2929 {offsets = [0, 0, 0, 0], sizes = [2, 1, 128, 128], strides = [1, 1, 1, 1]} : vector<2x2x128x128xi32> to vector<2x1x128x128xi32>
    %concatenate3A_2932 = tpu.concatenate %slice3A_2930, %slice3A_2931 in 1 : vector<2x1x128x128xi32>, vector<2x1x128x128xi32> -> vector<2x2x128x128xi32>
    %reshape3A_2933 = vector.shape_cast %concatenate3A_2932 : vector<2x2x128x128xi32> to vector<512x128xi32>
    %reshape3A_2934 = vector.shape_cast %select_n3A_2928 : vector<512x128xi32> to vector<2x2x128x128xi32>
    %slice3A_2935 = vector.extract_strided_slice %reshape3A_2934 {offsets = [0, 1, 0, 0], sizes = [2, 1, 128, 128], strides = [1, 1, 1, 1]} : vector<2x2x128x128xi32> to vector<2x1x128x128xi32>
    %slice3A_2936 = vector.extract_strided_slice %reshape3A_2934 {offsets = [0, 0, 0, 0], sizes = [2, 1, 128, 128], strides = [1, 1, 1, 1]} : vector<2x2x128x128xi32> to vector<2x1x128x128xi32>
    %concatenate3A_2937 = tpu.concatenate %slice3A_2935, %slice3A_2936 in 1 : vector<2x1x128x128xi32>, vector<2x1x128x128xi32> -> vector<2x2x128x128xi32>
    %reshape3A_2938 = vector.shape_cast %concatenate3A_2937 : vector<2x2x128x128xi32> to vector<512x128xi32>
    %and3A_2939 = arith.constant 65535 : i32
    %and3A_2940 = vector.broadcast %and3A_2939 : i32 to vector<512x128xi32>
    %and3A_2941 = arith.andi %select_n3A_2928, %and3A_2940 : vector<512x128xi32>
    %and3A_2942 = arith.constant 65535 : i32
    %and3A_2943 = vector.broadcast %and3A_2942 : i32 to vector<512x128xi32>
    %and3A_2944 = arith.andi %reshape3A_2938, %and3A_2943 : vector<512x128xi32>
    %gt3A_2945 = arith.cmpi sgt, %select_n3A_2927, %reshape3A_2933 : vector<512x128xi32>
    %eq3A_2946 = arith.cmpi eq, %select_n3A_2927, %reshape3A_2933 : vector<512x128xi32>
    %gt3A_2947 = arith.cmpi sgt, %and3A_2941, %and3A_2944 : vector<512x128xi32>
    %and3A_2948 = arith.andi %eq3A_2946, %gt3A_2947 : vector<512x128xi1>
    %or3A_2949 = arith.ori %gt3A_2945, %and3A_2948 : vector<512x128xi1>
    %and3A_2950 = arith.constant 128 : i32
    %and3A_2951 = vector.broadcast %and3A_2950 : i32 to vector<512x128xi32>
    %and3A_2952 = arith.andi %iota3A, %and3A_2951 : vector<512x128xi32>
    %ne3A_2953 = arith.constant 0 : i32
    %ne3A_2954 = vector.broadcast %ne3A_2953 : i32 to vector<512x128xi32>
    %ne3A_2955 = arith.cmpi ne, %and3A_2952, %ne3A_2954 : vector<512x128xi32>
    %eq3A_2956 = arith.xori %ne3A_2955, %eq3A_2754 : vector<512x128xi1>
    %eq3A_2957 = arith.constant dense<true> : vector<512x128xi1>
    %eq3A_2958 = arith.xori %eq3A_2956, %eq3A_2957 : vector<512x128xi1>
    %xor3A_2959 = arith.xori %or3A_2949, %eq3A_2958 : vector<512x128xi1>
    %select_n3A_2960 = arith.select %xor3A_2959, %reshape3A_2933, %select_n3A_2927 : vector<512x128xi1>, vector<512x128xi32>
    %select_n3A_2961 = arith.select %xor3A_2959, %reshape3A_2938, %select_n3A_2928 : vector<512x128xi1>, vector<512x128xi32>
    %reshape3A_2962 = vector.shape_cast %select_n3A_2960 : vector<512x128xi32> to vector<4x2x64x128xi32>
    %slice3A_2963 = vector.extract_strided_slice %reshape3A_2962 {offsets = [0, 1, 0, 0], sizes = [4, 1, 64, 128], strides = [1, 1, 1, 1]} : vector<4x2x64x128xi32> to vector<4x1x64x128xi32>
    %slice3A_2964 = vector.extract_strided_slice %reshape3A_2962 {offsets = [0, 0, 0, 0], sizes = [4, 1, 64, 128], strides = [1, 1, 1, 1]} : vector<4x2x64x128xi32> to vector<4x1x64x128xi32>
    %concatenate3A_2965 = tpu.concatenate %slice3A_2963, %slice3A_2964 in 1 : vector<4x1x64x128xi32>, vector<4x1x64x128xi32> -> vector<4x2x64x128xi32>
    %reshape3A_2966 = vector.shape_cast %concatenate3A_2965 : vector<4x2x64x128xi32> to vector<512x128xi32>
    %reshape3A_2967 = vector.shape_cast %select_n3A_2961 : vector<512x128xi32> to vector<4x2x64x128xi32>
    %slice3A_2968 = vector.extract_strided_slice %reshape3A_2967 {offsets = [0, 1, 0, 0], sizes = [4, 1, 64, 128], strides = [1, 1, 1, 1]} : vector<4x2x64x128xi32> to vector<4x1x64x128xi32>
    %slice3A_2969 = vector.extract_strided_slice %reshape3A_2967 {offsets = [0, 0, 0, 0], sizes = [4, 1, 64, 128], strides = [1, 1, 1, 1]} : vector<4x2x64x128xi32> to vector<4x1x64x128xi32>
    %concatenate3A_2970 = tpu.concatenate %slice3A_2968, %slice3A_2969 in 1 : vector<4x1x64x128xi32>, vector<4x1x64x128xi32> -> vector<4x2x64x128xi32>
    %reshape3A_2971 = vector.shape_cast %concatenate3A_2970 : vector<4x2x64x128xi32> to vector<512x128xi32>
    %and3A_2972 = arith.constant 65535 : i32
    %and3A_2973 = vector.broadcast %and3A_2972 : i32 to vector<512x128xi32>
    %and3A_2974 = arith.andi %select_n3A_2961, %and3A_2973 : vector<512x128xi32>
    %and3A_2975 = arith.constant 65535 : i32
    %and3A_2976 = vector.broadcast %and3A_2975 : i32 to vector<512x128xi32>
    %and3A_2977 = arith.andi %reshape3A_2971, %and3A_2976 : vector<512x128xi32>
    %gt3A_2978 = arith.cmpi sgt, %select_n3A_2960, %reshape3A_2966 : vector<512x128xi32>
    %eq3A_2979 = arith.cmpi eq, %select_n3A_2960, %reshape3A_2966 : vector<512x128xi32>
    %gt3A_2980 = arith.cmpi sgt, %and3A_2974, %and3A_2977 : vector<512x128xi32>
    %and3A_2981 = arith.andi %eq3A_2979, %gt3A_2980 : vector<512x128xi1>
    %or3A_2982 = arith.ori %gt3A_2978, %and3A_2981 : vector<512x128xi1>
    %and3A_2983 = arith.constant 64 : i32
    %and3A_2984 = vector.broadcast %and3A_2983 : i32 to vector<512x128xi32>
    %and3A_2985 = arith.andi %iota3A, %and3A_2984 : vector<512x128xi32>
    %ne3A_2986 = arith.constant 0 : i32
    %ne3A_2987 = vector.broadcast %ne3A_2986 : i32 to vector<512x128xi32>
    %ne3A_2988 = arith.cmpi ne, %and3A_2985, %ne3A_2987 : vector<512x128xi32>
    %eq3A_2989 = arith.xori %ne3A_2988, %eq3A_2754 : vector<512x128xi1>
    %eq3A_2990 = arith.constant dense<true> : vector<512x128xi1>
    %eq3A_2991 = arith.xori %eq3A_2989, %eq3A_2990 : vector<512x128xi1>
    %xor3A_2992 = arith.xori %or3A_2982, %eq3A_2991 : vector<512x128xi1>
    %select_n3A_2993 = arith.select %xor3A_2992, %reshape3A_2966, %select_n3A_2960 : vector<512x128xi1>, vector<512x128xi32>
    %select_n3A_2994 = arith.select %xor3A_2992, %reshape3A_2971, %select_n3A_2961 : vector<512x128xi1>, vector<512x128xi32>
    %reshape3A_2995 = vector.shape_cast %select_n3A_2993 : vector<512x128xi32> to vector<8x2x32x128xi32>
    %slice3A_2996 = vector.extract_strided_slice %reshape3A_2995 {offsets = [0, 1, 0, 0], sizes = [8, 1, 32, 128], strides = [1, 1, 1, 1]} : vector<8x2x32x128xi32> to vector<8x1x32x128xi32>
    %slice3A_2997 = vector.extract_strided_slice %reshape3A_2995 {offsets = [0, 0, 0, 0], sizes = [8, 1, 32, 128], strides = [1, 1, 1, 1]} : vector<8x2x32x128xi32> to vector<8x1x32x128xi32>
    %concatenate3A_2998 = tpu.concatenate %slice3A_2996, %slice3A_2997 in 1 : vector<8x1x32x128xi32>, vector<8x1x32x128xi32> -> vector<8x2x32x128xi32>
    %reshape3A_2999 = vector.shape_cast %concatenate3A_2998 : vector<8x2x32x128xi32> to vector<512x128xi32>
    %reshape3A_3000 = vector.shape_cast %select_n3A_2994 : vector<512x128xi32> to vector<8x2x32x128xi32>
    %slice3A_3001 = vector.extract_strided_slice %reshape3A_3000 {offsets = [0, 1, 0, 0], sizes = [8, 1, 32, 128], strides = [1, 1, 1, 1]} : vector<8x2x32x128xi32> to vector<8x1x32x128xi32>
    %slice3A_3002 = vector.extract_strided_slice %reshape3A_3000 {offsets = [0, 0, 0, 0], sizes = [8, 1, 32, 128], strides = [1, 1, 1, 1]} : vector<8x2x32x128xi32> to vector<8x1x32x128xi32>
    %concatenate3A_3003 = tpu.concatenate %slice3A_3001, %slice3A_3002 in 1 : vector<8x1x32x128xi32>, vector<8x1x32x128xi32> -> vector<8x2x32x128xi32>
    %reshape3A_3004 = vector.shape_cast %concatenate3A_3003 : vector<8x2x32x128xi32> to vector<512x128xi32>
    %and3A_3005 = arith.constant 65535 : i32
    %and3A_3006 = vector.broadcast %and3A_3005 : i32 to vector<512x128xi32>
    %and3A_3007 = arith.andi %select_n3A_2994, %and3A_3006 : vector<512x128xi32>
    %and3A_3008 = arith.constant 65535 : i32
    %and3A_3009 = vector.broadcast %and3A_3008 : i32 to vector<512x128xi32>
    %and3A_3010 = arith.andi %reshape3A_3004, %and3A_3009 : vector<512x128xi32>
    %gt3A_3011 = arith.cmpi sgt, %select_n3A_2993, %reshape3A_2999 : vector<512x128xi32>
    %eq3A_3012 = arith.cmpi eq, %select_n3A_2993, %reshape3A_2999 : vector<512x128xi32>
    %gt3A_3013 = arith.cmpi sgt, %and3A_3007, %and3A_3010 : vector<512x128xi32>
    %and3A_3014 = arith.andi %eq3A_3012, %gt3A_3013 : vector<512x128xi1>
    %or3A_3015 = arith.ori %gt3A_3011, %and3A_3014 : vector<512x128xi1>
    %and3A_3016 = arith.constant 32 : i32
    %and3A_3017 = vector.broadcast %and3A_3016 : i32 to vector<512x128xi32>
    %and3A_3018 = arith.andi %iota3A, %and3A_3017 : vector<512x128xi32>
    %ne3A_3019 = arith.constant 0 : i32
    %ne3A_3020 = vector.broadcast %ne3A_3019 : i32 to vector<512x128xi32>
    %ne3A_3021 = arith.cmpi ne, %and3A_3018, %ne3A_3020 : vector<512x128xi32>
    %eq3A_3022 = arith.xori %ne3A_3021, %eq3A_2754 : vector<512x128xi1>
    %eq3A_3023 = arith.constant dense<true> : vector<512x128xi1>
    %eq3A_3024 = arith.xori %eq3A_3022, %eq3A_3023 : vector<512x128xi1>
    %xor3A_3025 = arith.xori %or3A_3015, %eq3A_3024 : vector<512x128xi1>
    %select_n3A_3026 = arith.select %xor3A_3025, %reshape3A_2999, %select_n3A_2993 : vector<512x128xi1>, vector<512x128xi32>
    %select_n3A_3027 = arith.select %xor3A_3025, %reshape3A_3004, %select_n3A_2994 : vector<512x128xi1>, vector<512x128xi32>
    %reshape3A_3028 = vector.shape_cast %select_n3A_3026 : vector<512x128xi32> to vector<16x2x16x128xi32>
    %slice3A_3029 = vector.extract_strided_slice %reshape3A_3028 {offsets = [0, 1, 0, 0], sizes = [16, 1, 16, 128], strides = [1, 1, 1, 1]} : vector<16x2x16x128xi32> to vector<16x1x16x128xi32>
    %slice3A_3030 = vector.extract_strided_slice %reshape3A_3028 {offsets = [0, 0, 0, 0], sizes = [16, 1, 16, 128], strides = [1, 1, 1, 1]} : vector<16x2x16x128xi32> to vector<16x1x16x128xi32>
    %concatenate3A_3031 = tpu.concatenate %slice3A_3029, %slice3A_3030 in 1 : vector<16x1x16x128xi32>, vector<16x1x16x128xi32> -> vector<16x2x16x128xi32>
    %reshape3A_3032 = vector.shape_cast %concatenate3A_3031 : vector<16x2x16x128xi32> to vector<512x128xi32>
    %reshape3A_3033 = vector.shape_cast %select_n3A_3027 : vector<512x128xi32> to vector<16x2x16x128xi32>
    %slice3A_3034 = vector.extract_strided_slice %reshape3A_3033 {offsets = [0, 1, 0, 0], sizes = [16, 1, 16, 128], strides = [1, 1, 1, 1]} : vector<16x2x16x128xi32> to vector<16x1x16x128xi32>
    %slice3A_3035 = vector.extract_strided_slice %reshape3A_3033 {offsets = [0, 0, 0, 0], sizes = [16, 1, 16, 128], strides = [1, 1, 1, 1]} : vector<16x2x16x128xi32> to vector<16x1x16x128xi32>
    %concatenate3A_3036 = tpu.concatenate %slice3A_3034, %slice3A_3035 in 1 : vector<16x1x16x128xi32>, vector<16x1x16x128xi32> -> vector<16x2x16x128xi32>
    %reshape3A_3037 = vector.shape_cast %concatenate3A_3036 : vector<16x2x16x128xi32> to vector<512x128xi32>
    %and3A_3038 = arith.constant 65535 : i32
    %and3A_3039 = vector.broadcast %and3A_3038 : i32 to vector<512x128xi32>
    %and3A_3040 = arith.andi %select_n3A_3027, %and3A_3039 : vector<512x128xi32>
    %and3A_3041 = arith.constant 65535 : i32
    %and3A_3042 = vector.broadcast %and3A_3041 : i32 to vector<512x128xi32>
    %and3A_3043 = arith.andi %reshape3A_3037, %and3A_3042 : vector<512x128xi32>
    %gt3A_3044 = arith.cmpi sgt, %select_n3A_3026, %reshape3A_3032 : vector<512x128xi32>
    %eq3A_3045 = arith.cmpi eq, %select_n3A_3026, %reshape3A_3032 : vector<512x128xi32>
    %gt3A_3046 = arith.cmpi sgt, %and3A_3040, %and3A_3043 : vector<512x128xi32>
    %and3A_3047 = arith.andi %eq3A_3045, %gt3A_3046 : vector<512x128xi1>
    %or3A_3048 = arith.ori %gt3A_3044, %and3A_3047 : vector<512x128xi1>
    %and3A_3049 = arith.constant 16 : i32
    %and3A_3050 = vector.broadcast %and3A_3049 : i32 to vector<512x128xi32>
    %and3A_3051 = arith.andi %iota3A, %and3A_3050 : vector<512x128xi32>
    %ne3A_3052 = arith.constant 0 : i32
    %ne3A_3053 = vector.broadcast %ne3A_3052 : i32 to vector<512x128xi32>
    %ne3A_3054 = arith.cmpi ne, %and3A_3051, %ne3A_3053 : vector<512x128xi32>
    %eq3A_3055 = arith.xori %ne3A_3054, %eq3A_2754 : vector<512x128xi1>
    %eq3A_3056 = arith.constant dense<true> : vector<512x128xi1>
    %eq3A_3057 = arith.xori %eq3A_3055, %eq3A_3056 : vector<512x128xi1>
    %xor3A_3058 = arith.xori %or3A_3048, %eq3A_3057 : vector<512x128xi1>
    %select_n3A_3059 = arith.select %xor3A_3058, %reshape3A_3032, %select_n3A_3026 : vector<512x128xi1>, vector<512x128xi32>
    %select_n3A_3060 = arith.select %xor3A_3058, %reshape3A_3037, %select_n3A_3027 : vector<512x128xi1>, vector<512x128xi32>
    %reshape3A_3061 = vector.shape_cast %select_n3A_3059 : vector<512x128xi32> to vector<32x2x8x128xi32>
    %slice3A_3062 = vector.extract_strided_slice %reshape3A_3061 {offsets = [0, 1, 0, 0], sizes = [32, 1, 8, 128], strides = [1, 1, 1, 1]} : vector<32x2x8x128xi32> to vector<32x1x8x128xi32>
    %slice3A_3063 = vector.extract_strided_slice %reshape3A_3061 {offsets = [0, 0, 0, 0], sizes = [32, 1, 8, 128], strides = [1, 1, 1, 1]} : vector<32x2x8x128xi32> to vector<32x1x8x128xi32>
    %concatenate3A_3064 = tpu.concatenate %slice3A_3062, %slice3A_3063 in 1 : vector<32x1x8x128xi32>, vector<32x1x8x128xi32> -> vector<32x2x8x128xi32>
    %reshape3A_3065 = vector.shape_cast %concatenate3A_3064 : vector<32x2x8x128xi32> to vector<512x128xi32>
    %reshape3A_3066 = vector.shape_cast %select_n3A_3060 : vector<512x128xi32> to vector<32x2x8x128xi32>
    %slice3A_3067 = vector.extract_strided_slice %reshape3A_3066 {offsets = [0, 1, 0, 0], sizes = [32, 1, 8, 128], strides = [1, 1, 1, 1]} : vector<32x2x8x128xi32> to vector<32x1x8x128xi32>
    %slice3A_3068 = vector.extract_strided_slice %reshape3A_3066 {offsets = [0, 0, 0, 0], sizes = [32, 1, 8, 128], strides = [1, 1, 1, 1]} : vector<32x2x8x128xi32> to vector<32x1x8x128xi32>
    %concatenate3A_3069 = tpu.concatenate %slice3A_3067, %slice3A_3068 in 1 : vector<32x1x8x128xi32>, vector<32x1x8x128xi32> -> vector<32x2x8x128xi32>
    %reshape3A_3070 = vector.shape_cast %concatenate3A_3069 : vector<32x2x8x128xi32> to vector<512x128xi32>
    %and3A_3071 = arith.constant 65535 : i32
    %and3A_3072 = vector.broadcast %and3A_3071 : i32 to vector<512x128xi32>
    %and3A_3073 = arith.andi %select_n3A_3060, %and3A_3072 : vector<512x128xi32>
    %and3A_3074 = arith.constant 65535 : i32
    %and3A_3075 = vector.broadcast %and3A_3074 : i32 to vector<512x128xi32>
    %and3A_3076 = arith.andi %reshape3A_3070, %and3A_3075 : vector<512x128xi32>
    %gt3A_3077 = arith.cmpi sgt, %select_n3A_3059, %reshape3A_3065 : vector<512x128xi32>
    %eq3A_3078 = arith.cmpi eq, %select_n3A_3059, %reshape3A_3065 : vector<512x128xi32>
    %gt3A_3079 = arith.cmpi sgt, %and3A_3073, %and3A_3076 : vector<512x128xi32>
    %and3A_3080 = arith.andi %eq3A_3078, %gt3A_3079 : vector<512x128xi1>
    %or3A_3081 = arith.ori %gt3A_3077, %and3A_3080 : vector<512x128xi1>
    %and3A_3082 = arith.constant 8 : i32
    %and3A_3083 = vector.broadcast %and3A_3082 : i32 to vector<512x128xi32>
    %and3A_3084 = arith.andi %iota3A, %and3A_3083 : vector<512x128xi32>
    %ne3A_3085 = arith.constant 0 : i32
    %ne3A_3086 = vector.broadcast %ne3A_3085 : i32 to vector<512x128xi32>
    %ne3A_3087 = arith.cmpi ne, %and3A_3084, %ne3A_3086 : vector<512x128xi32>
    %eq3A_3088 = arith.xori %ne3A_3087, %eq3A_2754 : vector<512x128xi1>
    %eq3A_3089 = arith.constant dense<true> : vector<512x128xi1>
    %eq3A_3090 = arith.xori %eq3A_3088, %eq3A_3089 : vector<512x128xi1>
    %xor3A_3091 = arith.xori %or3A_3081, %eq3A_3090 : vector<512x128xi1>
    %select_n3A_3092 = arith.select %xor3A_3091, %reshape3A_3065, %select_n3A_3059 : vector<512x128xi1>, vector<512x128xi32>
    %select_n3A_3093 = arith.select %xor3A_3091, %reshape3A_3070, %select_n3A_3060 : vector<512x128xi1>, vector<512x128xi32>
    %roll3A_3094 = arith.constant 508 : i32
    %roll3A_3095 = tpu.dynamic_rotate %select_n3A_3092 by %roll3A_3094 dim 0 : vector<512x128xi32>, i32 -> vector<512x128xi32>
    %roll3A_3096 = arith.constant 4 : i32
    %roll3A_3097 = tpu.dynamic_rotate %select_n3A_3092 by %roll3A_3096 dim 0 : vector<512x128xi32>, i32 -> vector<512x128xi32>
    %iota3A_3098 = tpu.iota {dimensions = array<i32: 0>} : vector<512x128xi32>
    %and3A_3099 = arith.constant 4 : i32
    %and3A_3100 = vector.broadcast %and3A_3099 : i32 to vector<512x128xi32>
    %and3A_3101 = arith.andi %iota3A_3098, %and3A_3100 : vector<512x128xi32>
    %ne3A_3102 = arith.constant 0 : i32
    %ne3A_3103 = vector.broadcast %ne3A_3102 : i32 to vector<512x128xi32>
    %ne3A_3104 = arith.cmpi ne, %and3A_3101, %ne3A_3103 : vector<512x128xi32>
    %select_n3A_3105 = arith.select %ne3A_3104, %roll3A_3097, %roll3A_3095 : vector<512x128xi1>, vector<512x128xi32>
    %roll3A_3106 = arith.constant 508 : i32
    %roll3A_3107 = tpu.dynamic_rotate %select_n3A_3093 by %roll3A_3106 dim 0 : vector<512x128xi32>, i32 -> vector<512x128xi32>
    %roll3A_3108 = arith.constant 4 : i32
    %roll3A_3109 = tpu.dynamic_rotate %select_n3A_3093 by %roll3A_3108 dim 0 : vector<512x128xi32>, i32 -> vector<512x128xi32>
    %iota3A_3110 = tpu.iota {dimensions = array<i32: 0>} : vector<512x128xi32>
    %and3A_3111 = arith.constant 4 : i32
    %and3A_3112 = vector.broadcast %and3A_3111 : i32 to vector<512x128xi32>
    %and3A_3113 = arith.andi %iota3A_3110, %and3A_3112 : vector<512x128xi32>
    %ne3A_3114 = arith.constant 0 : i32
    %ne3A_3115 = vector.broadcast %ne3A_3114 : i32 to vector<512x128xi32>
    %ne3A_3116 = arith.cmpi ne, %and3A_3113, %ne3A_3115 : vector<512x128xi32>
    %select_n3A_3117 = arith.select %ne3A_3116, %roll3A_3109, %roll3A_3107 : vector<512x128xi1>, vector<512x128xi32>
    %and3A_3118 = arith.constant 65535 : i32
    %and3A_3119 = vector.broadcast %and3A_3118 : i32 to vector<512x128xi32>
    %and3A_3120 = arith.andi %select_n3A_3093, %and3A_3119 : vector<512x128xi32>
    %and3A_3121 = arith.constant 65535 : i32
    %and3A_3122 = vector.broadcast %and3A_3121 : i32 to vector<512x128xi32>
    %and3A_3123 = arith.andi %select_n3A_3117, %and3A_3122 : vector<512x128xi32>
    %gt3A_3124 = arith.cmpi sgt, %select_n3A_3092, %select_n3A_3105 : vector<512x128xi32>
    %eq3A_3125 = arith.cmpi eq, %select_n3A_3092, %select_n3A_3105 : vector<512x128xi32>
    %gt3A_3126 = arith.cmpi sgt, %and3A_3120, %and3A_3123 : vector<512x128xi32>
    %and3A_3127 = arith.andi %eq3A_3125, %gt3A_3126 : vector<512x128xi1>
    %or3A_3128 = arith.ori %gt3A_3124, %and3A_3127 : vector<512x128xi1>
    %and3A_3129 = arith.constant 4 : i32
    %and3A_3130 = vector.broadcast %and3A_3129 : i32 to vector<512x128xi32>
    %and3A_3131 = arith.andi %iota3A, %and3A_3130 : vector<512x128xi32>
    %ne3A_3132 = arith.constant 0 : i32
    %ne3A_3133 = vector.broadcast %ne3A_3132 : i32 to vector<512x128xi32>
    %ne3A_3134 = arith.cmpi ne, %and3A_3131, %ne3A_3133 : vector<512x128xi32>
    %eq3A_3135 = arith.xori %ne3A_3134, %eq3A_2754 : vector<512x128xi1>
    %eq3A_3136 = arith.constant dense<true> : vector<512x128xi1>
    %eq3A_3137 = arith.xori %eq3A_3135, %eq3A_3136 : vector<512x128xi1>
    %xor3A_3138 = arith.xori %or3A_3128, %eq3A_3137 : vector<512x128xi1>
    %select_n3A_3139 = arith.select %xor3A_3138, %select_n3A_3105, %select_n3A_3092 : vector<512x128xi1>, vector<512x128xi32>
    %select_n3A_3140 = arith.select %xor3A_3138, %select_n3A_3117, %select_n3A_3093 : vector<512x128xi1>, vector<512x128xi32>
    %roll3A_3141 = arith.constant 510 : i32
    %roll3A_3142 = tpu.dynamic_rotate %select_n3A_3139 by %roll3A_3141 dim 0 : vector<512x128xi32>, i32 -> vector<512x128xi32>
    %roll3A_3143 = arith.constant 2 : i32
    %roll3A_3144 = tpu.dynamic_rotate %select_n3A_3139 by %roll3A_3143 dim 0 : vector<512x128xi32>, i32 -> vector<512x128xi32>
    %iota3A_3145 = tpu.iota {dimensions = array<i32: 0>} : vector<512x128xi32>
    %and3A_3146 = arith.constant 2 : i32
    %and3A_3147 = vector.broadcast %and3A_3146 : i32 to vector<512x128xi32>
    %and3A_3148 = arith.andi %iota3A_3145, %and3A_3147 : vector<512x128xi32>
    %ne3A_3149 = arith.constant 0 : i32
    %ne3A_3150 = vector.broadcast %ne3A_3149 : i32 to vector<512x128xi32>
    %ne3A_3151 = arith.cmpi ne, %and3A_3148, %ne3A_3150 : vector<512x128xi32>
    %select_n3A_3152 = arith.select %ne3A_3151, %roll3A_3144, %roll3A_3142 : vector<512x128xi1>, vector<512x128xi32>
    %roll3A_3153 = arith.constant 510 : i32
    %roll3A_3154 = tpu.dynamic_rotate %select_n3A_3140 by %roll3A_3153 dim 0 : vector<512x128xi32>, i32 -> vector<512x128xi32>
    %roll3A_3155 = arith.constant 2 : i32
    %roll3A_3156 = tpu.dynamic_rotate %select_n3A_3140 by %roll3A_3155 dim 0 : vector<512x128xi32>, i32 -> vector<512x128xi32>
    %iota3A_3157 = tpu.iota {dimensions = array<i32: 0>} : vector<512x128xi32>
    %and3A_3158 = arith.constant 2 : i32
    %and3A_3159 = vector.broadcast %and3A_3158 : i32 to vector<512x128xi32>
    %and3A_3160 = arith.andi %iota3A_3157, %and3A_3159 : vector<512x128xi32>
    %ne3A_3161 = arith.constant 0 : i32
    %ne3A_3162 = vector.broadcast %ne3A_3161 : i32 to vector<512x128xi32>
    %ne3A_3163 = arith.cmpi ne, %and3A_3160, %ne3A_3162 : vector<512x128xi32>
    %select_n3A_3164 = arith.select %ne3A_3163, %roll3A_3156, %roll3A_3154 : vector<512x128xi1>, vector<512x128xi32>
    %and3A_3165 = arith.constant 65535 : i32
    %and3A_3166 = vector.broadcast %and3A_3165 : i32 to vector<512x128xi32>
    %and3A_3167 = arith.andi %select_n3A_3140, %and3A_3166 : vector<512x128xi32>
    %and3A_3168 = arith.constant 65535 : i32
    %and3A_3169 = vector.broadcast %and3A_3168 : i32 to vector<512x128xi32>
    %and3A_3170 = arith.andi %select_n3A_3164, %and3A_3169 : vector<512x128xi32>
    %gt3A_3171 = arith.cmpi sgt, %select_n3A_3139, %select_n3A_3152 : vector<512x128xi32>
    %eq3A_3172 = arith.cmpi eq, %select_n3A_3139, %select_n3A_3152 : vector<512x128xi32>
    %gt3A_3173 = arith.cmpi sgt, %and3A_3167, %and3A_3170 : vector<512x128xi32>
    %and3A_3174 = arith.andi %eq3A_3172, %gt3A_3173 : vector<512x128xi1>
    %or3A_3175 = arith.ori %gt3A_3171, %and3A_3174 : vector<512x128xi1>
    %and3A_3176 = arith.constant 2 : i32
    %and3A_3177 = vector.broadcast %and3A_3176 : i32 to vector<512x128xi32>
    %and3A_3178 = arith.andi %iota3A, %and3A_3177 : vector<512x128xi32>
    %ne3A_3179 = arith.constant 0 : i32
    %ne3A_3180 = vector.broadcast %ne3A_3179 : i32 to vector<512x128xi32>
    %ne3A_3181 = arith.cmpi ne, %and3A_3178, %ne3A_3180 : vector<512x128xi32>
    %eq3A_3182 = arith.xori %ne3A_3181, %eq3A_2754 : vector<512x128xi1>
    %eq3A_3183 = arith.constant dense<true> : vector<512x128xi1>
    %eq3A_3184 = arith.xori %eq3A_3182, %eq3A_3183 : vector<512x128xi1>
    %xor3A_3185 = arith.xori %or3A_3175, %eq3A_3184 : vector<512x128xi1>
    %select_n3A_3186 = arith.select %xor3A_3185, %select_n3A_3152, %select_n3A_3139 : vector<512x128xi1>, vector<512x128xi32>
    %select_n3A_3187 = arith.select %xor3A_3185, %select_n3A_3164, %select_n3A_3140 : vector<512x128xi1>, vector<512x128xi32>
    %roll3A_3188 = arith.constant 511 : i32
    %roll3A_3189 = tpu.dynamic_rotate %select_n3A_3186 by %roll3A_3188 dim 0 : vector<512x128xi32>, i32 -> vector<512x128xi32>
    %roll3A_3190 = arith.constant 1 : i32
    %roll3A_3191 = tpu.dynamic_rotate %select_n3A_3186 by %roll3A_3190 dim 0 : vector<512x128xi32>, i32 -> vector<512x128xi32>
    %iota3A_3192 = tpu.iota {dimensions = array<i32: 0>} : vector<512x128xi32>
    %and3A_3193 = arith.constant 1 : i32
    %and3A_3194 = vector.broadcast %and3A_3193 : i32 to vector<512x128xi32>
    %and3A_3195 = arith.andi %iota3A_3192, %and3A_3194 : vector<512x128xi32>
    %ne3A_3196 = arith.constant 0 : i32
    %ne3A_3197 = vector.broadcast %ne3A_3196 : i32 to vector<512x128xi32>
    %ne3A_3198 = arith.cmpi ne, %and3A_3195, %ne3A_3197 : vector<512x128xi32>
    %select_n3A_3199 = arith.select %ne3A_3198, %roll3A_3191, %roll3A_3189 : vector<512x128xi1>, vector<512x128xi32>
    %roll3A_3200 = arith.constant 511 : i32
    %roll3A_3201 = tpu.dynamic_rotate %select_n3A_3187 by %roll3A_3200 dim 0 : vector<512x128xi32>, i32 -> vector<512x128xi32>
    %roll3A_3202 = arith.constant 1 : i32
    %roll3A_3203 = tpu.dynamic_rotate %select_n3A_3187 by %roll3A_3202 dim 0 : vector<512x128xi32>, i32 -> vector<512x128xi32>
    %iota3A_3204 = tpu.iota {dimensions = array<i32: 0>} : vector<512x128xi32>
    %and3A_3205 = arith.constant 1 : i32
    %and3A_3206 = vector.broadcast %and3A_3205 : i32 to vector<512x128xi32>
    %and3A_3207 = arith.andi %iota3A_3204, %and3A_3206 : vector<512x128xi32>
    %ne3A_3208 = arith.constant 0 : i32
    %ne3A_3209 = vector.broadcast %ne3A_3208 : i32 to vector<512x128xi32>
    %ne3A_3210 = arith.cmpi ne, %and3A_3207, %ne3A_3209 : vector<512x128xi32>
    %select_n3A_3211 = arith.select %ne3A_3210, %roll3A_3203, %roll3A_3201 : vector<512x128xi1>, vector<512x128xi32>
    %and3A_3212 = arith.constant 65535 : i32
    %and3A_3213 = vector.broadcast %and3A_3212 : i32 to vector<512x128xi32>
    %and3A_3214 = arith.andi %select_n3A_3187, %and3A_3213 : vector<512x128xi32>
    %and3A_3215 = arith.constant 65535 : i32
    %and3A_3216 = vector.broadcast %and3A_3215 : i32 to vector<512x128xi32>
    %and3A_3217 = arith.andi %select_n3A_3211, %and3A_3216 : vector<512x128xi32>
    %gt3A_3218 = arith.cmpi sgt, %select_n3A_3186, %select_n3A_3199 : vector<512x128xi32>
    %eq3A_3219 = arith.cmpi eq, %select_n3A_3186, %select_n3A_3199 : vector<512x128xi32>
    %gt3A_3220 = arith.cmpi sgt, %and3A_3214, %and3A_3217 : vector<512x128xi32>
    %and3A_3221 = arith.andi %eq3A_3219, %gt3A_3220 : vector<512x128xi1>
    %or3A_3222 = arith.ori %gt3A_3218, %and3A_3221 : vector<512x128xi1>
    %and3A_3223 = arith.constant 1 : i32
    %and3A_3224 = vector.broadcast %and3A_3223 : i32 to vector<512x128xi32>
    %and3A_3225 = arith.andi %iota3A, %and3A_3224 : vector<512x128xi32>
    %ne3A_3226 = arith.constant 0 : i32
    %ne3A_3227 = vector.broadcast %ne3A_3226 : i32 to vector<512x128xi32>
    %ne3A_3228 = arith.cmpi ne, %and3A_3225, %ne3A_3227 : vector<512x128xi32>
    %eq3A_3229 = arith.xori %ne3A_3228, %eq3A_2754 : vector<512x128xi1>
    %eq3A_3230 = arith.constant dense<true> : vector<512x128xi1>
    %eq3A_3231 = arith.xori %eq3A_3229, %eq3A_3230 : vector<512x128xi1>
    %xor3A_3232 = arith.xori %or3A_3222, %eq3A_3231 : vector<512x128xi1>
    %select_n3A_3233 = arith.select %xor3A_3232, %select_n3A_3199, %select_n3A_3186 : vector<512x128xi1>, vector<512x128xi32>
    %select_n3A_3234 = arith.select %xor3A_3232, %select_n3A_3211, %select_n3A_3187 : vector<512x128xi1>, vector<512x128xi32>
    %shift_right_arithmetic3A_3235 = arith.constant 13 : i32
    %shift_right_arithmetic3A_3236 = vector.broadcast %shift_right_arithmetic3A_3235 : i32 to vector<512x128xi32>
    %shift_right_arithmetic3A_3237 = arith.shrsi %add3A_6, %shift_right_arithmetic3A_3236 : vector<512x128xi32>
    %and3A_3238 = arith.constant 1 : i32
    %and3A_3239 = vector.broadcast %and3A_3238 : i32 to vector<512x128xi32>
    %and3A_3240 = arith.andi %shift_right_arithmetic3A_3237, %and3A_3239 : vector<512x128xi32>
    %eq3A_3241 = arith.constant 0 : i32
    %eq3A_3242 = vector.broadcast %eq3A_3241 : i32 to vector<512x128xi32>
    %eq3A_3243 = arith.cmpi eq, %and3A_3240, %eq3A_3242 : vector<512x128xi32>
    %roll3A_3244 = arith.constant 120 : i32
    %roll3A_3245 = tpu.dynamic_rotate %select_n3A_3233 by %roll3A_3244 dim 1 : vector<512x128xi32>, i32 -> vector<512x128xi32>
    %roll3A_3246 = arith.constant 8 : i32
    %roll3A_3247 = tpu.dynamic_rotate %select_n3A_3233 by %roll3A_3246 dim 1 : vector<512x128xi32>, i32 -> vector<512x128xi32>
    %iota3A_3248 = tpu.iota {dimensions = array<i32: 1>} : vector<512x128xi32>
    %and3A_3249 = arith.constant 8 : i32
    %and3A_3250 = vector.broadcast %and3A_3249 : i32 to vector<512x128xi32>
    %and3A_3251 = arith.andi %iota3A_3248, %and3A_3250 : vector<512x128xi32>
    %ne3A_3252 = arith.constant 0 : i32
    %ne3A_3253 = vector.broadcast %ne3A_3252 : i32 to vector<512x128xi32>
    %ne3A_3254 = arith.cmpi ne, %and3A_3251, %ne3A_3253 : vector<512x128xi32>
    %select_n3A_3255 = arith.select %ne3A_3254, %roll3A_3247, %roll3A_3245 : vector<512x128xi1>, vector<512x128xi32>
    %roll3A_3256 = arith.constant 120 : i32
    %roll3A_3257 = tpu.dynamic_rotate %select_n3A_3234 by %roll3A_3256 dim 1 : vector<512x128xi32>, i32 -> vector<512x128xi32>
    %roll3A_3258 = arith.constant 8 : i32
    %roll3A_3259 = tpu.dynamic_rotate %select_n3A_3234 by %roll3A_3258 dim 1 : vector<512x128xi32>, i32 -> vector<512x128xi32>
    %iota3A_3260 = tpu.iota {dimensions = array<i32: 1>} : vector<512x128xi32>
    %and3A_3261 = arith.constant 8 : i32
    %and3A_3262 = vector.broadcast %and3A_3261 : i32 to vector<512x128xi32>
    %and3A_3263 = arith.andi %iota3A_3260, %and3A_3262 : vector<512x128xi32>
    %ne3A_3264 = arith.constant 0 : i32
    %ne3A_3265 = vector.broadcast %ne3A_3264 : i32 to vector<512x128xi32>
    %ne3A_3266 = arith.cmpi ne, %and3A_3263, %ne3A_3265 : vector<512x128xi32>
    %select_n3A_3267 = arith.select %ne3A_3266, %roll3A_3259, %roll3A_3257 : vector<512x128xi1>, vector<512x128xi32>
    %and3A_3268 = arith.constant 65535 : i32
    %and3A_3269 = vector.broadcast %and3A_3268 : i32 to vector<512x128xi32>
    %and3A_3270 = arith.andi %select_n3A_3234, %and3A_3269 : vector<512x128xi32>
    %and3A_3271 = arith.constant 65535 : i32
    %and3A_3272 = vector.broadcast %and3A_3271 : i32 to vector<512x128xi32>
    %and3A_3273 = arith.andi %select_n3A_3267, %and3A_3272 : vector<512x128xi32>
    %gt3A_3274 = arith.cmpi sgt, %select_n3A_3233, %select_n3A_3255 : vector<512x128xi32>
    %eq3A_3275 = arith.cmpi eq, %select_n3A_3233, %select_n3A_3255 : vector<512x128xi32>
    %gt3A_3276 = arith.cmpi sgt, %and3A_3270, %and3A_3273 : vector<512x128xi32>
    %and3A_3277 = arith.andi %eq3A_3275, %gt3A_3276 : vector<512x128xi1>
    %or3A_3278 = arith.ori %gt3A_3274, %and3A_3277 : vector<512x128xi1>
    %and3A_3279 = arith.constant 8 : i32
    %and3A_3280 = vector.broadcast %and3A_3279 : i32 to vector<512x128xi32>
    %and3A_3281 = arith.andi %iota3A_0, %and3A_3280 : vector<512x128xi32>
    %ne3A_3282 = arith.constant 0 : i32
    %ne3A_3283 = vector.broadcast %ne3A_3282 : i32 to vector<512x128xi32>
    %ne3A_3284 = arith.cmpi ne, %and3A_3281, %ne3A_3283 : vector<512x128xi32>
    %eq3A_3285 = arith.xori %ne3A_3284, %eq3A_3243 : vector<512x128xi1>
    %eq3A_3286 = arith.constant dense<true> : vector<512x128xi1>
    %eq3A_3287 = arith.xori %eq3A_3285, %eq3A_3286 : vector<512x128xi1>
    %xor3A_3288 = arith.xori %or3A_3278, %eq3A_3287 : vector<512x128xi1>
    %select_n3A_3289 = arith.select %xor3A_3288, %select_n3A_3255, %select_n3A_3233 : vector<512x128xi1>, vector<512x128xi32>
    %select_n3A_3290 = arith.select %xor3A_3288, %select_n3A_3267, %select_n3A_3234 : vector<512x128xi1>, vector<512x128xi32>
    %roll3A_3291 = arith.constant 124 : i32
    %roll3A_3292 = tpu.dynamic_rotate %select_n3A_3289 by %roll3A_3291 dim 1 : vector<512x128xi32>, i32 -> vector<512x128xi32>
    %roll3A_3293 = arith.constant 4 : i32
    %roll3A_3294 = tpu.dynamic_rotate %select_n3A_3289 by %roll3A_3293 dim 1 : vector<512x128xi32>, i32 -> vector<512x128xi32>
    %iota3A_3295 = tpu.iota {dimensions = array<i32: 1>} : vector<512x128xi32>
    %and3A_3296 = arith.constant 4 : i32
    %and3A_3297 = vector.broadcast %and3A_3296 : i32 to vector<512x128xi32>
    %and3A_3298 = arith.andi %iota3A_3295, %and3A_3297 : vector<512x128xi32>
    %ne3A_3299 = arith.constant 0 : i32
    %ne3A_3300 = vector.broadcast %ne3A_3299 : i32 to vector<512x128xi32>
    %ne3A_3301 = arith.cmpi ne, %and3A_3298, %ne3A_3300 : vector<512x128xi32>
    %select_n3A_3302 = arith.select %ne3A_3301, %roll3A_3294, %roll3A_3292 : vector<512x128xi1>, vector<512x128xi32>
    %roll3A_3303 = arith.constant 124 : i32
    %roll3A_3304 = tpu.dynamic_rotate %select_n3A_3290 by %roll3A_3303 dim 1 : vector<512x128xi32>, i32 -> vector<512x128xi32>
    %roll3A_3305 = arith.constant 4 : i32
    %roll3A_3306 = tpu.dynamic_rotate %select_n3A_3290 by %roll3A_3305 dim 1 : vector<512x128xi32>, i32 -> vector<512x128xi32>
    %iota3A_3307 = tpu.iota {dimensions = array<i32: 1>} : vector<512x128xi32>
    %and3A_3308 = arith.constant 4 : i32
    %and3A_3309 = vector.broadcast %and3A_3308 : i32 to vector<512x128xi32>
    %and3A_3310 = arith.andi %iota3A_3307, %and3A_3309 : vector<512x128xi32>
    %ne3A_3311 = arith.constant 0 : i32
    %ne3A_3312 = vector.broadcast %ne3A_3311 : i32 to vector<512x128xi32>
    %ne3A_3313 = arith.cmpi ne, %and3A_3310, %ne3A_3312 : vector<512x128xi32>
    %select_n3A_3314 = arith.select %ne3A_3313, %roll3A_3306, %roll3A_3304 : vector<512x128xi1>, vector<512x128xi32>
    %and3A_3315 = arith.constant 65535 : i32
    %and3A_3316 = vector.broadcast %and3A_3315 : i32 to vector<512x128xi32>
    %and3A_3317 = arith.andi %select_n3A_3290, %and3A_3316 : vector<512x128xi32>
    %and3A_3318 = arith.constant 65535 : i32
    %and3A_3319 = vector.broadcast %and3A_3318 : i32 to vector<512x128xi32>
    %and3A_3320 = arith.andi %select_n3A_3314, %and3A_3319 : vector<512x128xi32>
    %gt3A_3321 = arith.cmpi sgt, %select_n3A_3289, %select_n3A_3302 : vector<512x128xi32>
    %eq3A_3322 = arith.cmpi eq, %select_n3A_3289, %select_n3A_3302 : vector<512x128xi32>
    %gt3A_3323 = arith.cmpi sgt, %and3A_3317, %and3A_3320 : vector<512x128xi32>
    %and3A_3324 = arith.andi %eq3A_3322, %gt3A_3323 : vector<512x128xi1>
    %or3A_3325 = arith.ori %gt3A_3321, %and3A_3324 : vector<512x128xi1>
    %and3A_3326 = arith.constant 4 : i32
    %and3A_3327 = vector.broadcast %and3A_3326 : i32 to vector<512x128xi32>
    %and3A_3328 = arith.andi %iota3A_0, %and3A_3327 : vector<512x128xi32>
    %ne3A_3329 = arith.constant 0 : i32
    %ne3A_3330 = vector.broadcast %ne3A_3329 : i32 to vector<512x128xi32>
    %ne3A_3331 = arith.cmpi ne, %and3A_3328, %ne3A_3330 : vector<512x128xi32>
    %eq3A_3332 = arith.xori %ne3A_3331, %eq3A_3243 : vector<512x128xi1>
    %eq3A_3333 = arith.constant dense<true> : vector<512x128xi1>
    %eq3A_3334 = arith.xori %eq3A_3332, %eq3A_3333 : vector<512x128xi1>
    %xor3A_3335 = arith.xori %or3A_3325, %eq3A_3334 : vector<512x128xi1>
    %select_n3A_3336 = arith.select %xor3A_3335, %select_n3A_3302, %select_n3A_3289 : vector<512x128xi1>, vector<512x128xi32>
    %select_n3A_3337 = arith.select %xor3A_3335, %select_n3A_3314, %select_n3A_3290 : vector<512x128xi1>, vector<512x128xi32>
    %roll3A_3338 = arith.constant 126 : i32
    %roll3A_3339 = tpu.dynamic_rotate %select_n3A_3336 by %roll3A_3338 dim 1 : vector<512x128xi32>, i32 -> vector<512x128xi32>
    %roll3A_3340 = arith.constant 2 : i32
    %roll3A_3341 = tpu.dynamic_rotate %select_n3A_3336 by %roll3A_3340 dim 1 : vector<512x128xi32>, i32 -> vector<512x128xi32>
    %iota3A_3342 = tpu.iota {dimensions = array<i32: 1>} : vector<512x128xi32>
    %and3A_3343 = arith.constant 2 : i32
    %and3A_3344 = vector.broadcast %and3A_3343 : i32 to vector<512x128xi32>
    %and3A_3345 = arith.andi %iota3A_3342, %and3A_3344 : vector<512x128xi32>
    %ne3A_3346 = arith.constant 0 : i32
    %ne3A_3347 = vector.broadcast %ne3A_3346 : i32 to vector<512x128xi32>
    %ne3A_3348 = arith.cmpi ne, %and3A_3345, %ne3A_3347 : vector<512x128xi32>
    %select_n3A_3349 = arith.select %ne3A_3348, %roll3A_3341, %roll3A_3339 : vector<512x128xi1>, vector<512x128xi32>
    %roll3A_3350 = arith.constant 126 : i32
    %roll3A_3351 = tpu.dynamic_rotate %select_n3A_3337 by %roll3A_3350 dim 1 : vector<512x128xi32>, i32 -> vector<512x128xi32>
    %roll3A_3352 = arith.constant 2 : i32
    %roll3A_3353 = tpu.dynamic_rotate %select_n3A_3337 by %roll3A_3352 dim 1 : vector<512x128xi32>, i32 -> vector<512x128xi32>
    %iota3A_3354 = tpu.iota {dimensions = array<i32: 1>} : vector<512x128xi32>
    %and3A_3355 = arith.constant 2 : i32
    %and3A_3356 = vector.broadcast %and3A_3355 : i32 to vector<512x128xi32>
    %and3A_3357 = arith.andi %iota3A_3354, %and3A_3356 : vector<512x128xi32>
    %ne3A_3358 = arith.constant 0 : i32
    %ne3A_3359 = vector.broadcast %ne3A_3358 : i32 to vector<512x128xi32>
    %ne3A_3360 = arith.cmpi ne, %and3A_3357, %ne3A_3359 : vector<512x128xi32>
    %select_n3A_3361 = arith.select %ne3A_3360, %roll3A_3353, %roll3A_3351 : vector<512x128xi1>, vector<512x128xi32>
    %and3A_3362 = arith.constant 65535 : i32
    %and3A_3363 = vector.broadcast %and3A_3362 : i32 to vector<512x128xi32>
    %and3A_3364 = arith.andi %select_n3A_3337, %and3A_3363 : vector<512x128xi32>
    %and3A_3365 = arith.constant 65535 : i32
    %and3A_3366 = vector.broadcast %and3A_3365 : i32 to vector<512x128xi32>
    %and3A_3367 = arith.andi %select_n3A_3361, %and3A_3366 : vector<512x128xi32>
    %gt3A_3368 = arith.cmpi sgt, %select_n3A_3336, %select_n3A_3349 : vector<512x128xi32>
    %eq3A_3369 = arith.cmpi eq, %select_n3A_3336, %select_n3A_3349 : vector<512x128xi32>
    %gt3A_3370 = arith.cmpi sgt, %and3A_3364, %and3A_3367 : vector<512x128xi32>
    %and3A_3371 = arith.andi %eq3A_3369, %gt3A_3370 : vector<512x128xi1>
    %or3A_3372 = arith.ori %gt3A_3368, %and3A_3371 : vector<512x128xi1>
    %and3A_3373 = arith.constant 2 : i32
    %and3A_3374 = vector.broadcast %and3A_3373 : i32 to vector<512x128xi32>
    %and3A_3375 = arith.andi %iota3A_0, %and3A_3374 : vector<512x128xi32>
    %ne3A_3376 = arith.constant 0 : i32
    %ne3A_3377 = vector.broadcast %ne3A_3376 : i32 to vector<512x128xi32>
    %ne3A_3378 = arith.cmpi ne, %and3A_3375, %ne3A_3377 : vector<512x128xi32>
    %eq3A_3379 = arith.xori %ne3A_3378, %eq3A_3243 : vector<512x128xi1>
    %eq3A_3380 = arith.constant dense<true> : vector<512x128xi1>
    %eq3A_3381 = arith.xori %eq3A_3379, %eq3A_3380 : vector<512x128xi1>
    %xor3A_3382 = arith.xori %or3A_3372, %eq3A_3381 : vector<512x128xi1>
    %select_n3A_3383 = arith.select %xor3A_3382, %select_n3A_3349, %select_n3A_3336 : vector<512x128xi1>, vector<512x128xi32>
    %select_n3A_3384 = arith.select %xor3A_3382, %select_n3A_3361, %select_n3A_3337 : vector<512x128xi1>, vector<512x128xi32>
    %roll3A_3385 = arith.constant 127 : i32
    %roll3A_3386 = tpu.dynamic_rotate %select_n3A_3383 by %roll3A_3385 dim 1 : vector<512x128xi32>, i32 -> vector<512x128xi32>
    %roll3A_3387 = arith.constant 1 : i32
    %roll3A_3388 = tpu.dynamic_rotate %select_n3A_3383 by %roll3A_3387 dim 1 : vector<512x128xi32>, i32 -> vector<512x128xi32>
    %iota3A_3389 = tpu.iota {dimensions = array<i32: 1>} : vector<512x128xi32>
    %and3A_3390 = arith.constant 1 : i32
    %and3A_3391 = vector.broadcast %and3A_3390 : i32 to vector<512x128xi32>
    %and3A_3392 = arith.andi %iota3A_3389, %and3A_3391 : vector<512x128xi32>
    %ne3A_3393 = arith.constant 0 : i32
    %ne3A_3394 = vector.broadcast %ne3A_3393 : i32 to vector<512x128xi32>
    %ne3A_3395 = arith.cmpi ne, %and3A_3392, %ne3A_3394 : vector<512x128xi32>
    %select_n3A_3396 = arith.select %ne3A_3395, %roll3A_3388, %roll3A_3386 : vector<512x128xi1>, vector<512x128xi32>
    %roll3A_3397 = arith.constant 127 : i32
    %roll3A_3398 = tpu.dynamic_rotate %select_n3A_3384 by %roll3A_3397 dim 1 : vector<512x128xi32>, i32 -> vector<512x128xi32>
    %roll3A_3399 = arith.constant 1 : i32
    %roll3A_3400 = tpu.dynamic_rotate %select_n3A_3384 by %roll3A_3399 dim 1 : vector<512x128xi32>, i32 -> vector<512x128xi32>
    %iota3A_3401 = tpu.iota {dimensions = array<i32: 1>} : vector<512x128xi32>
    %and3A_3402 = arith.constant 1 : i32
    %and3A_3403 = vector.broadcast %and3A_3402 : i32 to vector<512x128xi32>
    %and3A_3404 = arith.andi %iota3A_3401, %and3A_3403 : vector<512x128xi32>
    %ne3A_3405 = arith.constant 0 : i32
    %ne3A_3406 = vector.broadcast %ne3A_3405 : i32 to vector<512x128xi32>
    %ne3A_3407 = arith.cmpi ne, %and3A_3404, %ne3A_3406 : vector<512x128xi32>
    %select_n3A_3408 = arith.select %ne3A_3407, %roll3A_3400, %roll3A_3398 : vector<512x128xi1>, vector<512x128xi32>
    %and3A_3409 = arith.constant 65535 : i32
    %and3A_3410 = vector.broadcast %and3A_3409 : i32 to vector<512x128xi32>
    %and3A_3411 = arith.andi %select_n3A_3384, %and3A_3410 : vector<512x128xi32>
    %and3A_3412 = arith.constant 65535 : i32
    %and3A_3413 = vector.broadcast %and3A_3412 : i32 to vector<512x128xi32>
    %and3A_3414 = arith.andi %select_n3A_3408, %and3A_3413 : vector<512x128xi32>
    %gt3A_3415 = arith.cmpi sgt, %select_n3A_3383, %select_n3A_3396 : vector<512x128xi32>
    %eq3A_3416 = arith.cmpi eq, %select_n3A_3383, %select_n3A_3396 : vector<512x128xi32>
    %gt3A_3417 = arith.cmpi sgt, %and3A_3411, %and3A_3414 : vector<512x128xi32>
    %and3A_3418 = arith.andi %eq3A_3416, %gt3A_3417 : vector<512x128xi1>
    %or3A_3419 = arith.ori %gt3A_3415, %and3A_3418 : vector<512x128xi1>
    %and3A_3420 = arith.constant 1 : i32
    %and3A_3421 = vector.broadcast %and3A_3420 : i32 to vector<512x128xi32>
    %and3A_3422 = arith.andi %iota3A_0, %and3A_3421 : vector<512x128xi32>
    %ne3A_3423 = arith.constant 0 : i32
    %ne3A_3424 = vector.broadcast %ne3A_3423 : i32 to vector<512x128xi32>
    %ne3A_3425 = arith.cmpi ne, %and3A_3422, %ne3A_3424 : vector<512x128xi32>
    %eq3A_3426 = arith.xori %ne3A_3425, %eq3A_3243 : vector<512x128xi1>
    %eq3A_3427 = arith.constant dense<true> : vector<512x128xi1>
    %eq3A_3428 = arith.xori %eq3A_3426, %eq3A_3427 : vector<512x128xi1>
    %xor3A_3429 = arith.xori %or3A_3419, %eq3A_3428 : vector<512x128xi1>
    %select_n3A_3430 = arith.select %xor3A_3429, %select_n3A_3396, %select_n3A_3383 : vector<512x128xi1>, vector<512x128xi32>
    %select_n3A_3431 = arith.select %xor3A_3429, %select_n3A_3408, %select_n3A_3384 : vector<512x128xi1>, vector<512x128xi32>
    %reshape3A_3432 = vector.shape_cast %select_n3A_3430 : vector<512x128xi32> to vector<1x2x256x128xi32>
    %slice3A_3433 = vector.extract_strided_slice %reshape3A_3432 {offsets = [0, 1, 0, 0], sizes = [1, 1, 256, 128], strides = [1, 1, 1, 1]} : vector<1x2x256x128xi32> to vector<1x1x256x128xi32>
    %slice3A_3434 = vector.extract_strided_slice %reshape3A_3432 {offsets = [0, 0, 0, 0], sizes = [1, 1, 256, 128], strides = [1, 1, 1, 1]} : vector<1x2x256x128xi32> to vector<1x1x256x128xi32>
    %concatenate3A_3435 = tpu.concatenate %slice3A_3433, %slice3A_3434 in 1 : vector<1x1x256x128xi32>, vector<1x1x256x128xi32> -> vector<1x2x256x128xi32>
    %reshape3A_3436 = vector.shape_cast %concatenate3A_3435 : vector<1x2x256x128xi32> to vector<512x128xi32>
    %reshape3A_3437 = vector.shape_cast %select_n3A_3431 : vector<512x128xi32> to vector<1x2x256x128xi32>
    %slice3A_3438 = vector.extract_strided_slice %reshape3A_3437 {offsets = [0, 1, 0, 0], sizes = [1, 1, 256, 128], strides = [1, 1, 1, 1]} : vector<1x2x256x128xi32> to vector<1x1x256x128xi32>
    %slice3A_3439 = vector.extract_strided_slice %reshape3A_3437 {offsets = [0, 0, 0, 0], sizes = [1, 1, 256, 128], strides = [1, 1, 1, 1]} : vector<1x2x256x128xi32> to vector<1x1x256x128xi32>
    %concatenate3A_3440 = tpu.concatenate %slice3A_3438, %slice3A_3439 in 1 : vector<1x1x256x128xi32>, vector<1x1x256x128xi32> -> vector<1x2x256x128xi32>
    %reshape3A_3441 = vector.shape_cast %concatenate3A_3440 : vector<1x2x256x128xi32> to vector<512x128xi32>
    %and3A_3442 = arith.constant 65535 : i32
    %and3A_3443 = vector.broadcast %and3A_3442 : i32 to vector<512x128xi32>
    %and3A_3444 = arith.andi %select_n3A_3431, %and3A_3443 : vector<512x128xi32>
    %and3A_3445 = arith.constant 65535 : i32
    %and3A_3446 = vector.broadcast %and3A_3445 : i32 to vector<512x128xi32>
    %and3A_3447 = arith.andi %reshape3A_3441, %and3A_3446 : vector<512x128xi32>
    %gt3A_3448 = arith.cmpi sgt, %select_n3A_3430, %reshape3A_3436 : vector<512x128xi32>
    %eq3A_3449 = arith.cmpi eq, %select_n3A_3430, %reshape3A_3436 : vector<512x128xi32>
    %gt3A_3450 = arith.cmpi sgt, %and3A_3444, %and3A_3447 : vector<512x128xi32>
    %and3A_3451 = arith.andi %eq3A_3449, %gt3A_3450 : vector<512x128xi1>
    %or3A_3452 = arith.ori %gt3A_3448, %and3A_3451 : vector<512x128xi1>
    %and3A_3453 = arith.constant 256 : i32
    %and3A_3454 = vector.broadcast %and3A_3453 : i32 to vector<512x128xi32>
    %and3A_3455 = arith.andi %iota3A, %and3A_3454 : vector<512x128xi32>
    %ne3A_3456 = arith.constant 0 : i32
    %ne3A_3457 = vector.broadcast %ne3A_3456 : i32 to vector<512x128xi32>
    %ne3A_3458 = arith.cmpi ne, %and3A_3455, %ne3A_3457 : vector<512x128xi32>
    %eq3A_3459 = arith.xori %ne3A_3458, %eq3A_3243 : vector<512x128xi1>
    %eq3A_3460 = arith.constant dense<true> : vector<512x128xi1>
    %eq3A_3461 = arith.xori %eq3A_3459, %eq3A_3460 : vector<512x128xi1>
    %xor3A_3462 = arith.xori %or3A_3452, %eq3A_3461 : vector<512x128xi1>
    %select_n3A_3463 = arith.select %xor3A_3462, %reshape3A_3436, %select_n3A_3430 : vector<512x128xi1>, vector<512x128xi32>
    %select_n3A_3464 = arith.select %xor3A_3462, %reshape3A_3441, %select_n3A_3431 : vector<512x128xi1>, vector<512x128xi32>
    %reshape3A_3465 = vector.shape_cast %select_n3A_3463 : vector<512x128xi32> to vector<2x2x128x128xi32>
    %slice3A_3466 = vector.extract_strided_slice %reshape3A_3465 {offsets = [0, 1, 0, 0], sizes = [2, 1, 128, 128], strides = [1, 1, 1, 1]} : vector<2x2x128x128xi32> to vector<2x1x128x128xi32>
    %slice3A_3467 = vector.extract_strided_slice %reshape3A_3465 {offsets = [0, 0, 0, 0], sizes = [2, 1, 128, 128], strides = [1, 1, 1, 1]} : vector<2x2x128x128xi32> to vector<2x1x128x128xi32>
    %concatenate3A_3468 = tpu.concatenate %slice3A_3466, %slice3A_3467 in 1 : vector<2x1x128x128xi32>, vector<2x1x128x128xi32> -> vector<2x2x128x128xi32>
    %reshape3A_3469 = vector.shape_cast %concatenate3A_3468 : vector<2x2x128x128xi32> to vector<512x128xi32>
    %reshape3A_3470 = vector.shape_cast %select_n3A_3464 : vector<512x128xi32> to vector<2x2x128x128xi32>
    %slice3A_3471 = vector.extract_strided_slice %reshape3A_3470 {offsets = [0, 1, 0, 0], sizes = [2, 1, 128, 128], strides = [1, 1, 1, 1]} : vector<2x2x128x128xi32> to vector<2x1x128x128xi32>
    %slice3A_3472 = vector.extract_strided_slice %reshape3A_3470 {offsets = [0, 0, 0, 0], sizes = [2, 1, 128, 128], strides = [1, 1, 1, 1]} : vector<2x2x128x128xi32> to vector<2x1x128x128xi32>
    %concatenate3A_3473 = tpu.concatenate %slice3A_3471, %slice3A_3472 in 1 : vector<2x1x128x128xi32>, vector<2x1x128x128xi32> -> vector<2x2x128x128xi32>
    %reshape3A_3474 = vector.shape_cast %concatenate3A_3473 : vector<2x2x128x128xi32> to vector<512x128xi32>
    %and3A_3475 = arith.constant 65535 : i32
    %and3A_3476 = vector.broadcast %and3A_3475 : i32 to vector<512x128xi32>
    %and3A_3477 = arith.andi %select_n3A_3464, %and3A_3476 : vector<512x128xi32>
    %and3A_3478 = arith.constant 65535 : i32
    %and3A_3479 = vector.broadcast %and3A_3478 : i32 to vector<512x128xi32>
    %and3A_3480 = arith.andi %reshape3A_3474, %and3A_3479 : vector<512x128xi32>
    %gt3A_3481 = arith.cmpi sgt, %select_n3A_3463, %reshape3A_3469 : vector<512x128xi32>
    %eq3A_3482 = arith.cmpi eq, %select_n3A_3463, %reshape3A_3469 : vector<512x128xi32>
    %gt3A_3483 = arith.cmpi sgt, %and3A_3477, %and3A_3480 : vector<512x128xi32>
    %and3A_3484 = arith.andi %eq3A_3482, %gt3A_3483 : vector<512x128xi1>
    %or3A_3485 = arith.ori %gt3A_3481, %and3A_3484 : vector<512x128xi1>
    %and3A_3486 = arith.constant 128 : i32
    %and3A_3487 = vector.broadcast %and3A_3486 : i32 to vector<512x128xi32>
    %and3A_3488 = arith.andi %iota3A, %and3A_3487 : vector<512x128xi32>
    %ne3A_3489 = arith.constant 0 : i32
    %ne3A_3490 = vector.broadcast %ne3A_3489 : i32 to vector<512x128xi32>
    %ne3A_3491 = arith.cmpi ne, %and3A_3488, %ne3A_3490 : vector<512x128xi32>
    %eq3A_3492 = arith.xori %ne3A_3491, %eq3A_3243 : vector<512x128xi1>
    %eq3A_3493 = arith.constant dense<true> : vector<512x128xi1>
    %eq3A_3494 = arith.xori %eq3A_3492, %eq3A_3493 : vector<512x128xi1>
    %xor3A_3495 = arith.xori %or3A_3485, %eq3A_3494 : vector<512x128xi1>
    %select_n3A_3496 = arith.select %xor3A_3495, %reshape3A_3469, %select_n3A_3463 : vector<512x128xi1>, vector<512x128xi32>
    %select_n3A_3497 = arith.select %xor3A_3495, %reshape3A_3474, %select_n3A_3464 : vector<512x128xi1>, vector<512x128xi32>
    %reshape3A_3498 = vector.shape_cast %select_n3A_3496 : vector<512x128xi32> to vector<4x2x64x128xi32>
    %slice3A_3499 = vector.extract_strided_slice %reshape3A_3498 {offsets = [0, 1, 0, 0], sizes = [4, 1, 64, 128], strides = [1, 1, 1, 1]} : vector<4x2x64x128xi32> to vector<4x1x64x128xi32>
    %slice3A_3500 = vector.extract_strided_slice %reshape3A_3498 {offsets = [0, 0, 0, 0], sizes = [4, 1, 64, 128], strides = [1, 1, 1, 1]} : vector<4x2x64x128xi32> to vector<4x1x64x128xi32>
    %concatenate3A_3501 = tpu.concatenate %slice3A_3499, %slice3A_3500 in 1 : vector<4x1x64x128xi32>, vector<4x1x64x128xi32> -> vector<4x2x64x128xi32>
    %reshape3A_3502 = vector.shape_cast %concatenate3A_3501 : vector<4x2x64x128xi32> to vector<512x128xi32>
    %reshape3A_3503 = vector.shape_cast %select_n3A_3497 : vector<512x128xi32> to vector<4x2x64x128xi32>
    %slice3A_3504 = vector.extract_strided_slice %reshape3A_3503 {offsets = [0, 1, 0, 0], sizes = [4, 1, 64, 128], strides = [1, 1, 1, 1]} : vector<4x2x64x128xi32> to vector<4x1x64x128xi32>
    %slice3A_3505 = vector.extract_strided_slice %reshape3A_3503 {offsets = [0, 0, 0, 0], sizes = [4, 1, 64, 128], strides = [1, 1, 1, 1]} : vector<4x2x64x128xi32> to vector<4x1x64x128xi32>
    %concatenate3A_3506 = tpu.concatenate %slice3A_3504, %slice3A_3505 in 1 : vector<4x1x64x128xi32>, vector<4x1x64x128xi32> -> vector<4x2x64x128xi32>
    %reshape3A_3507 = vector.shape_cast %concatenate3A_3506 : vector<4x2x64x128xi32> to vector<512x128xi32>
    %and3A_3508 = arith.constant 65535 : i32
    %and3A_3509 = vector.broadcast %and3A_3508 : i32 to vector<512x128xi32>
    %and3A_3510 = arith.andi %select_n3A_3497, %and3A_3509 : vector<512x128xi32>
    %and3A_3511 = arith.constant 65535 : i32
    %and3A_3512 = vector.broadcast %and3A_3511 : i32 to vector<512x128xi32>
    %and3A_3513 = arith.andi %reshape3A_3507, %and3A_3512 : vector<512x128xi32>
    %gt3A_3514 = arith.cmpi sgt, %select_n3A_3496, %reshape3A_3502 : vector<512x128xi32>
    %eq3A_3515 = arith.cmpi eq, %select_n3A_3496, %reshape3A_3502 : vector<512x128xi32>
    %gt3A_3516 = arith.cmpi sgt, %and3A_3510, %and3A_3513 : vector<512x128xi32>
    %and3A_3517 = arith.andi %eq3A_3515, %gt3A_3516 : vector<512x128xi1>
    %or3A_3518 = arith.ori %gt3A_3514, %and3A_3517 : vector<512x128xi1>
    %and3A_3519 = arith.constant 64 : i32
    %and3A_3520 = vector.broadcast %and3A_3519 : i32 to vector<512x128xi32>
    %and3A_3521 = arith.andi %iota3A, %and3A_3520 : vector<512x128xi32>
    %ne3A_3522 = arith.constant 0 : i32
    %ne3A_3523 = vector.broadcast %ne3A_3522 : i32 to vector<512x128xi32>
    %ne3A_3524 = arith.cmpi ne, %and3A_3521, %ne3A_3523 : vector<512x128xi32>
    %eq3A_3525 = arith.xori %ne3A_3524, %eq3A_3243 : vector<512x128xi1>
    %eq3A_3526 = arith.constant dense<true> : vector<512x128xi1>
    %eq3A_3527 = arith.xori %eq3A_3525, %eq3A_3526 : vector<512x128xi1>
    %xor3A_3528 = arith.xori %or3A_3518, %eq3A_3527 : vector<512x128xi1>
    %select_n3A_3529 = arith.select %xor3A_3528, %reshape3A_3502, %select_n3A_3496 : vector<512x128xi1>, vector<512x128xi32>
    %select_n3A_3530 = arith.select %xor3A_3528, %reshape3A_3507, %select_n3A_3497 : vector<512x128xi1>, vector<512x128xi32>
    %reshape3A_3531 = vector.shape_cast %select_n3A_3529 : vector<512x128xi32> to vector<8x2x32x128xi32>
    %slice3A_3532 = vector.extract_strided_slice %reshape3A_3531 {offsets = [0, 1, 0, 0], sizes = [8, 1, 32, 128], strides = [1, 1, 1, 1]} : vector<8x2x32x128xi32> to vector<8x1x32x128xi32>
    %slice3A_3533 = vector.extract_strided_slice %reshape3A_3531 {offsets = [0, 0, 0, 0], sizes = [8, 1, 32, 128], strides = [1, 1, 1, 1]} : vector<8x2x32x128xi32> to vector<8x1x32x128xi32>
    %concatenate3A_3534 = tpu.concatenate %slice3A_3532, %slice3A_3533 in 1 : vector<8x1x32x128xi32>, vector<8x1x32x128xi32> -> vector<8x2x32x128xi32>
    %reshape3A_3535 = vector.shape_cast %concatenate3A_3534 : vector<8x2x32x128xi32> to vector<512x128xi32>
    %reshape3A_3536 = vector.shape_cast %select_n3A_3530 : vector<512x128xi32> to vector<8x2x32x128xi32>
    %slice3A_3537 = vector.extract_strided_slice %reshape3A_3536 {offsets = [0, 1, 0, 0], sizes = [8, 1, 32, 128], strides = [1, 1, 1, 1]} : vector<8x2x32x128xi32> to vector<8x1x32x128xi32>
    %slice3A_3538 = vector.extract_strided_slice %reshape3A_3536 {offsets = [0, 0, 0, 0], sizes = [8, 1, 32, 128], strides = [1, 1, 1, 1]} : vector<8x2x32x128xi32> to vector<8x1x32x128xi32>
    %concatenate3A_3539 = tpu.concatenate %slice3A_3537, %slice3A_3538 in 1 : vector<8x1x32x128xi32>, vector<8x1x32x128xi32> -> vector<8x2x32x128xi32>
    %reshape3A_3540 = vector.shape_cast %concatenate3A_3539 : vector<8x2x32x128xi32> to vector<512x128xi32>
    %and3A_3541 = arith.constant 65535 : i32
    %and3A_3542 = vector.broadcast %and3A_3541 : i32 to vector<512x128xi32>
    %and3A_3543 = arith.andi %select_n3A_3530, %and3A_3542 : vector<512x128xi32>
    %and3A_3544 = arith.constant 65535 : i32
    %and3A_3545 = vector.broadcast %and3A_3544 : i32 to vector<512x128xi32>
    %and3A_3546 = arith.andi %reshape3A_3540, %and3A_3545 : vector<512x128xi32>
    %gt3A_3547 = arith.cmpi sgt, %select_n3A_3529, %reshape3A_3535 : vector<512x128xi32>
    %eq3A_3548 = arith.cmpi eq, %select_n3A_3529, %reshape3A_3535 : vector<512x128xi32>
    %gt3A_3549 = arith.cmpi sgt, %and3A_3543, %and3A_3546 : vector<512x128xi32>
    %and3A_3550 = arith.andi %eq3A_3548, %gt3A_3549 : vector<512x128xi1>
    %or3A_3551 = arith.ori %gt3A_3547, %and3A_3550 : vector<512x128xi1>
    %and3A_3552 = arith.constant 32 : i32
    %and3A_3553 = vector.broadcast %and3A_3552 : i32 to vector<512x128xi32>
    %and3A_3554 = arith.andi %iota3A, %and3A_3553 : vector<512x128xi32>
    %ne3A_3555 = arith.constant 0 : i32
    %ne3A_3556 = vector.broadcast %ne3A_3555 : i32 to vector<512x128xi32>
    %ne3A_3557 = arith.cmpi ne, %and3A_3554, %ne3A_3556 : vector<512x128xi32>
    %eq3A_3558 = arith.xori %ne3A_3557, %eq3A_3243 : vector<512x128xi1>
    %eq3A_3559 = arith.constant dense<true> : vector<512x128xi1>
    %eq3A_3560 = arith.xori %eq3A_3558, %eq3A_3559 : vector<512x128xi1>
    %xor3A_3561 = arith.xori %or3A_3551, %eq3A_3560 : vector<512x128xi1>
    %select_n3A_3562 = arith.select %xor3A_3561, %reshape3A_3535, %select_n3A_3529 : vector<512x128xi1>, vector<512x128xi32>
    %select_n3A_3563 = arith.select %xor3A_3561, %reshape3A_3540, %select_n3A_3530 : vector<512x128xi1>, vector<512x128xi32>
    %reshape3A_3564 = vector.shape_cast %select_n3A_3562 : vector<512x128xi32> to vector<16x2x16x128xi32>
    %slice3A_3565 = vector.extract_strided_slice %reshape3A_3564 {offsets = [0, 1, 0, 0], sizes = [16, 1, 16, 128], strides = [1, 1, 1, 1]} : vector<16x2x16x128xi32> to vector<16x1x16x128xi32>
    %slice3A_3566 = vector.extract_strided_slice %reshape3A_3564 {offsets = [0, 0, 0, 0], sizes = [16, 1, 16, 128], strides = [1, 1, 1, 1]} : vector<16x2x16x128xi32> to vector<16x1x16x128xi32>
    %concatenate3A_3567 = tpu.concatenate %slice3A_3565, %slice3A_3566 in 1 : vector<16x1x16x128xi32>, vector<16x1x16x128xi32> -> vector<16x2x16x128xi32>
    %reshape3A_3568 = vector.shape_cast %concatenate3A_3567 : vector<16x2x16x128xi32> to vector<512x128xi32>
    %reshape3A_3569 = vector.shape_cast %select_n3A_3563 : vector<512x128xi32> to vector<16x2x16x128xi32>
    %slice3A_3570 = vector.extract_strided_slice %reshape3A_3569 {offsets = [0, 1, 0, 0], sizes = [16, 1, 16, 128], strides = [1, 1, 1, 1]} : vector<16x2x16x128xi32> to vector<16x1x16x128xi32>
    %slice3A_3571 = vector.extract_strided_slice %reshape3A_3569 {offsets = [0, 0, 0, 0], sizes = [16, 1, 16, 128], strides = [1, 1, 1, 1]} : vector<16x2x16x128xi32> to vector<16x1x16x128xi32>
    %concatenate3A_3572 = tpu.concatenate %slice3A_3570, %slice3A_3571 in 1 : vector<16x1x16x128xi32>, vector<16x1x16x128xi32> -> vector<16x2x16x128xi32>
    %reshape3A_3573 = vector.shape_cast %concatenate3A_3572 : vector<16x2x16x128xi32> to vector<512x128xi32>
    %and3A_3574 = arith.constant 65535 : i32
    %and3A_3575 = vector.broadcast %and3A_3574 : i32 to vector<512x128xi32>
    %and3A_3576 = arith.andi %select_n3A_3563, %and3A_3575 : vector<512x128xi32>
    %and3A_3577 = arith.constant 65535 : i32
    %and3A_3578 = vector.broadcast %and3A_3577 : i32 to vector<512x128xi32>
    %and3A_3579 = arith.andi %reshape3A_3573, %and3A_3578 : vector<512x128xi32>
    %gt3A_3580 = arith.cmpi sgt, %select_n3A_3562, %reshape3A_3568 : vector<512x128xi32>
    %eq3A_3581 = arith.cmpi eq, %select_n3A_3562, %reshape3A_3568 : vector<512x128xi32>
    %gt3A_3582 = arith.cmpi sgt, %and3A_3576, %and3A_3579 : vector<512x128xi32>
    %and3A_3583 = arith.andi %eq3A_3581, %gt3A_3582 : vector<512x128xi1>
    %or3A_3584 = arith.ori %gt3A_3580, %and3A_3583 : vector<512x128xi1>
    %and3A_3585 = arith.constant 16 : i32
    %and3A_3586 = vector.broadcast %and3A_3585 : i32 to vector<512x128xi32>
    %and3A_3587 = arith.andi %iota3A, %and3A_3586 : vector<512x128xi32>
    %ne3A_3588 = arith.constant 0 : i32
    %ne3A_3589 = vector.broadcast %ne3A_3588 : i32 to vector<512x128xi32>
    %ne3A_3590 = arith.cmpi ne, %and3A_3587, %ne3A_3589 : vector<512x128xi32>
    %eq3A_3591 = arith.xori %ne3A_3590, %eq3A_3243 : vector<512x128xi1>
    %eq3A_3592 = arith.constant dense<true> : vector<512x128xi1>
    %eq3A_3593 = arith.xori %eq3A_3591, %eq3A_3592 : vector<512x128xi1>
    %xor3A_3594 = arith.xori %or3A_3584, %eq3A_3593 : vector<512x128xi1>
    %select_n3A_3595 = arith.select %xor3A_3594, %reshape3A_3568, %select_n3A_3562 : vector<512x128xi1>, vector<512x128xi32>
    %select_n3A_3596 = arith.select %xor3A_3594, %reshape3A_3573, %select_n3A_3563 : vector<512x128xi1>, vector<512x128xi32>
    %reshape3A_3597 = vector.shape_cast %select_n3A_3595 : vector<512x128xi32> to vector<32x2x8x128xi32>
    %slice3A_3598 = vector.extract_strided_slice %reshape3A_3597 {offsets = [0, 1, 0, 0], sizes = [32, 1, 8, 128], strides = [1, 1, 1, 1]} : vector<32x2x8x128xi32> to vector<32x1x8x128xi32>
    %slice3A_3599 = vector.extract_strided_slice %reshape3A_3597 {offsets = [0, 0, 0, 0], sizes = [32, 1, 8, 128], strides = [1, 1, 1, 1]} : vector<32x2x8x128xi32> to vector<32x1x8x128xi32>
    %concatenate3A_3600 = tpu.concatenate %slice3A_3598, %slice3A_3599 in 1 : vector<32x1x8x128xi32>, vector<32x1x8x128xi32> -> vector<32x2x8x128xi32>
    %reshape3A_3601 = vector.shape_cast %concatenate3A_3600 : vector<32x2x8x128xi32> to vector<512x128xi32>
    %reshape3A_3602 = vector.shape_cast %select_n3A_3596 : vector<512x128xi32> to vector<32x2x8x128xi32>
    %slice3A_3603 = vector.extract_strided_slice %reshape3A_3602 {offsets = [0, 1, 0, 0], sizes = [32, 1, 8, 128], strides = [1, 1, 1, 1]} : vector<32x2x8x128xi32> to vector<32x1x8x128xi32>
    %slice3A_3604 = vector.extract_strided_slice %reshape3A_3602 {offsets = [0, 0, 0, 0], sizes = [32, 1, 8, 128], strides = [1, 1, 1, 1]} : vector<32x2x8x128xi32> to vector<32x1x8x128xi32>
    %concatenate3A_3605 = tpu.concatenate %slice3A_3603, %slice3A_3604 in 1 : vector<32x1x8x128xi32>, vector<32x1x8x128xi32> -> vector<32x2x8x128xi32>
    %reshape3A_3606 = vector.shape_cast %concatenate3A_3605 : vector<32x2x8x128xi32> to vector<512x128xi32>
    %and3A_3607 = arith.constant 65535 : i32
    %and3A_3608 = vector.broadcast %and3A_3607 : i32 to vector<512x128xi32>
    %and3A_3609 = arith.andi %select_n3A_3596, %and3A_3608 : vector<512x128xi32>
    %and3A_3610 = arith.constant 65535 : i32
    %and3A_3611 = vector.broadcast %and3A_3610 : i32 to vector<512x128xi32>
    %and3A_3612 = arith.andi %reshape3A_3606, %and3A_3611 : vector<512x128xi32>
    %gt3A_3613 = arith.cmpi sgt, %select_n3A_3595, %reshape3A_3601 : vector<512x128xi32>
    %eq3A_3614 = arith.cmpi eq, %select_n3A_3595, %reshape3A_3601 : vector<512x128xi32>
    %gt3A_3615 = arith.cmpi sgt, %and3A_3609, %and3A_3612 : vector<512x128xi32>
    %and3A_3616 = arith.andi %eq3A_3614, %gt3A_3615 : vector<512x128xi1>
    %or3A_3617 = arith.ori %gt3A_3613, %and3A_3616 : vector<512x128xi1>
    %and3A_3618 = arith.constant 8 : i32
    %and3A_3619 = vector.broadcast %and3A_3618 : i32 to vector<512x128xi32>
    %and3A_3620 = arith.andi %iota3A, %and3A_3619 : vector<512x128xi32>
    %ne3A_3621 = arith.constant 0 : i32
    %ne3A_3622 = vector.broadcast %ne3A_3621 : i32 to vector<512x128xi32>
    %ne3A_3623 = arith.cmpi ne, %and3A_3620, %ne3A_3622 : vector<512x128xi32>
    %eq3A_3624 = arith.xori %ne3A_3623, %eq3A_3243 : vector<512x128xi1>
    %eq3A_3625 = arith.constant dense<true> : vector<512x128xi1>
    %eq3A_3626 = arith.xori %eq3A_3624, %eq3A_3625 : vector<512x128xi1>
    %xor3A_3627 = arith.xori %or3A_3617, %eq3A_3626 : vector<512x128xi1>
    %select_n3A_3628 = arith.select %xor3A_3627, %reshape3A_3601, %select_n3A_3595 : vector<512x128xi1>, vector<512x128xi32>
    %select_n3A_3629 = arith.select %xor3A_3627, %reshape3A_3606, %select_n3A_3596 : vector<512x128xi1>, vector<512x128xi32>
    %roll3A_3630 = arith.constant 508 : i32
    %roll3A_3631 = tpu.dynamic_rotate %select_n3A_3628 by %roll3A_3630 dim 0 : vector<512x128xi32>, i32 -> vector<512x128xi32>
    %roll3A_3632 = arith.constant 4 : i32
    %roll3A_3633 = tpu.dynamic_rotate %select_n3A_3628 by %roll3A_3632 dim 0 : vector<512x128xi32>, i32 -> vector<512x128xi32>
    %iota3A_3634 = tpu.iota {dimensions = array<i32: 0>} : vector<512x128xi32>
    %and3A_3635 = arith.constant 4 : i32
    %and3A_3636 = vector.broadcast %and3A_3635 : i32 to vector<512x128xi32>
    %and3A_3637 = arith.andi %iota3A_3634, %and3A_3636 : vector<512x128xi32>
    %ne3A_3638 = arith.constant 0 : i32
    %ne3A_3639 = vector.broadcast %ne3A_3638 : i32 to vector<512x128xi32>
    %ne3A_3640 = arith.cmpi ne, %and3A_3637, %ne3A_3639 : vector<512x128xi32>
    %select_n3A_3641 = arith.select %ne3A_3640, %roll3A_3633, %roll3A_3631 : vector<512x128xi1>, vector<512x128xi32>
    %roll3A_3642 = arith.constant 508 : i32
    %roll3A_3643 = tpu.dynamic_rotate %select_n3A_3629 by %roll3A_3642 dim 0 : vector<512x128xi32>, i32 -> vector<512x128xi32>
    %roll3A_3644 = arith.constant 4 : i32
    %roll3A_3645 = tpu.dynamic_rotate %select_n3A_3629 by %roll3A_3644 dim 0 : vector<512x128xi32>, i32 -> vector<512x128xi32>
    %iota3A_3646 = tpu.iota {dimensions = array<i32: 0>} : vector<512x128xi32>
    %and3A_3647 = arith.constant 4 : i32
    %and3A_3648 = vector.broadcast %and3A_3647 : i32 to vector<512x128xi32>
    %and3A_3649 = arith.andi %iota3A_3646, %and3A_3648 : vector<512x128xi32>
    %ne3A_3650 = arith.constant 0 : i32
    %ne3A_3651 = vector.broadcast %ne3A_3650 : i32 to vector<512x128xi32>
    %ne3A_3652 = arith.cmpi ne, %and3A_3649, %ne3A_3651 : vector<512x128xi32>
    %select_n3A_3653 = arith.select %ne3A_3652, %roll3A_3645, %roll3A_3643 : vector<512x128xi1>, vector<512x128xi32>
    %and3A_3654 = arith.constant 65535 : i32
    %and3A_3655 = vector.broadcast %and3A_3654 : i32 to vector<512x128xi32>
    %and3A_3656 = arith.andi %select_n3A_3629, %and3A_3655 : vector<512x128xi32>
    %and3A_3657 = arith.constant 65535 : i32
    %and3A_3658 = vector.broadcast %and3A_3657 : i32 to vector<512x128xi32>
    %and3A_3659 = arith.andi %select_n3A_3653, %and3A_3658 : vector<512x128xi32>
    %gt3A_3660 = arith.cmpi sgt, %select_n3A_3628, %select_n3A_3641 : vector<512x128xi32>
    %eq3A_3661 = arith.cmpi eq, %select_n3A_3628, %select_n3A_3641 : vector<512x128xi32>
    %gt3A_3662 = arith.cmpi sgt, %and3A_3656, %and3A_3659 : vector<512x128xi32>
    %and3A_3663 = arith.andi %eq3A_3661, %gt3A_3662 : vector<512x128xi1>
    %or3A_3664 = arith.ori %gt3A_3660, %and3A_3663 : vector<512x128xi1>
    %and3A_3665 = arith.constant 4 : i32
    %and3A_3666 = vector.broadcast %and3A_3665 : i32 to vector<512x128xi32>
    %and3A_3667 = arith.andi %iota3A, %and3A_3666 : vector<512x128xi32>
    %ne3A_3668 = arith.constant 0 : i32
    %ne3A_3669 = vector.broadcast %ne3A_3668 : i32 to vector<512x128xi32>
    %ne3A_3670 = arith.cmpi ne, %and3A_3667, %ne3A_3669 : vector<512x128xi32>
    %eq3A_3671 = arith.xori %ne3A_3670, %eq3A_3243 : vector<512x128xi1>
    %eq3A_3672 = arith.constant dense<true> : vector<512x128xi1>
    %eq3A_3673 = arith.xori %eq3A_3671, %eq3A_3672 : vector<512x128xi1>
    %xor3A_3674 = arith.xori %or3A_3664, %eq3A_3673 : vector<512x128xi1>
    %select_n3A_3675 = arith.select %xor3A_3674, %select_n3A_3641, %select_n3A_3628 : vector<512x128xi1>, vector<512x128xi32>
    %select_n3A_3676 = arith.select %xor3A_3674, %select_n3A_3653, %select_n3A_3629 : vector<512x128xi1>, vector<512x128xi32>
    %roll3A_3677 = arith.constant 510 : i32
    %roll3A_3678 = tpu.dynamic_rotate %select_n3A_3675 by %roll3A_3677 dim 0 : vector<512x128xi32>, i32 -> vector<512x128xi32>
    %roll3A_3679 = arith.constant 2 : i32
    %roll3A_3680 = tpu.dynamic_rotate %select_n3A_3675 by %roll3A_3679 dim 0 : vector<512x128xi32>, i32 -> vector<512x128xi32>
    %iota3A_3681 = tpu.iota {dimensions = array<i32: 0>} : vector<512x128xi32>
    %and3A_3682 = arith.constant 2 : i32
    %and3A_3683 = vector.broadcast %and3A_3682 : i32 to vector<512x128xi32>
    %and3A_3684 = arith.andi %iota3A_3681, %and3A_3683 : vector<512x128xi32>
    %ne3A_3685 = arith.constant 0 : i32
    %ne3A_3686 = vector.broadcast %ne3A_3685 : i32 to vector<512x128xi32>
    %ne3A_3687 = arith.cmpi ne, %and3A_3684, %ne3A_3686 : vector<512x128xi32>
    %select_n3A_3688 = arith.select %ne3A_3687, %roll3A_3680, %roll3A_3678 : vector<512x128xi1>, vector<512x128xi32>
    %roll3A_3689 = arith.constant 510 : i32
    %roll3A_3690 = tpu.dynamic_rotate %select_n3A_3676 by %roll3A_3689 dim 0 : vector<512x128xi32>, i32 -> vector<512x128xi32>
    %roll3A_3691 = arith.constant 2 : i32
    %roll3A_3692 = tpu.dynamic_rotate %select_n3A_3676 by %roll3A_3691 dim 0 : vector<512x128xi32>, i32 -> vector<512x128xi32>
    %iota3A_3693 = tpu.iota {dimensions = array<i32: 0>} : vector<512x128xi32>
    %and3A_3694 = arith.constant 2 : i32
    %and3A_3695 = vector.broadcast %and3A_3694 : i32 to vector<512x128xi32>
    %and3A_3696 = arith.andi %iota3A_3693, %and3A_3695 : vector<512x128xi32>
    %ne3A_3697 = arith.constant 0 : i32
    %ne3A_3698 = vector.broadcast %ne3A_3697 : i32 to vector<512x128xi32>
    %ne3A_3699 = arith.cmpi ne, %and3A_3696, %ne3A_3698 : vector<512x128xi32>
    %select_n3A_3700 = arith.select %ne3A_3699, %roll3A_3692, %roll3A_3690 : vector<512x128xi1>, vector<512x128xi32>
    %and3A_3701 = arith.constant 65535 : i32
    %and3A_3702 = vector.broadcast %and3A_3701 : i32 to vector<512x128xi32>
    %and3A_3703 = arith.andi %select_n3A_3676, %and3A_3702 : vector<512x128xi32>
    %and3A_3704 = arith.constant 65535 : i32
    %and3A_3705 = vector.broadcast %and3A_3704 : i32 to vector<512x128xi32>
    %and3A_3706 = arith.andi %select_n3A_3700, %and3A_3705 : vector<512x128xi32>
    %gt3A_3707 = arith.cmpi sgt, %select_n3A_3675, %select_n3A_3688 : vector<512x128xi32>
    %eq3A_3708 = arith.cmpi eq, %select_n3A_3675, %select_n3A_3688 : vector<512x128xi32>
    %gt3A_3709 = arith.cmpi sgt, %and3A_3703, %and3A_3706 : vector<512x128xi32>
    %and3A_3710 = arith.andi %eq3A_3708, %gt3A_3709 : vector<512x128xi1>
    %or3A_3711 = arith.ori %gt3A_3707, %and3A_3710 : vector<512x128xi1>
    %and3A_3712 = arith.constant 2 : i32
    %and3A_3713 = vector.broadcast %and3A_3712 : i32 to vector<512x128xi32>
    %and3A_3714 = arith.andi %iota3A, %and3A_3713 : vector<512x128xi32>
    %ne3A_3715 = arith.constant 0 : i32
    %ne3A_3716 = vector.broadcast %ne3A_3715 : i32 to vector<512x128xi32>
    %ne3A_3717 = arith.cmpi ne, %and3A_3714, %ne3A_3716 : vector<512x128xi32>
    %eq3A_3718 = arith.xori %ne3A_3717, %eq3A_3243 : vector<512x128xi1>
    %eq3A_3719 = arith.constant dense<true> : vector<512x128xi1>
    %eq3A_3720 = arith.xori %eq3A_3718, %eq3A_3719 : vector<512x128xi1>
    %xor3A_3721 = arith.xori %or3A_3711, %eq3A_3720 : vector<512x128xi1>
    %select_n3A_3722 = arith.select %xor3A_3721, %select_n3A_3688, %select_n3A_3675 : vector<512x128xi1>, vector<512x128xi32>
    %select_n3A_3723 = arith.select %xor3A_3721, %select_n3A_3700, %select_n3A_3676 : vector<512x128xi1>, vector<512x128xi32>
    %roll3A_3724 = arith.constant 511 : i32
    %roll3A_3725 = tpu.dynamic_rotate %select_n3A_3722 by %roll3A_3724 dim 0 : vector<512x128xi32>, i32 -> vector<512x128xi32>
    %roll3A_3726 = arith.constant 1 : i32
    %roll3A_3727 = tpu.dynamic_rotate %select_n3A_3722 by %roll3A_3726 dim 0 : vector<512x128xi32>, i32 -> vector<512x128xi32>
    %iota3A_3728 = tpu.iota {dimensions = array<i32: 0>} : vector<512x128xi32>
    %and3A_3729 = arith.constant 1 : i32
    %and3A_3730 = vector.broadcast %and3A_3729 : i32 to vector<512x128xi32>
    %and3A_3731 = arith.andi %iota3A_3728, %and3A_3730 : vector<512x128xi32>
    %ne3A_3732 = arith.constant 0 : i32
    %ne3A_3733 = vector.broadcast %ne3A_3732 : i32 to vector<512x128xi32>
    %ne3A_3734 = arith.cmpi ne, %and3A_3731, %ne3A_3733 : vector<512x128xi32>
    %select_n3A_3735 = arith.select %ne3A_3734, %roll3A_3727, %roll3A_3725 : vector<512x128xi1>, vector<512x128xi32>
    %roll3A_3736 = arith.constant 511 : i32
    %roll3A_3737 = tpu.dynamic_rotate %select_n3A_3723 by %roll3A_3736 dim 0 : vector<512x128xi32>, i32 -> vector<512x128xi32>
    %roll3A_3738 = arith.constant 1 : i32
    %roll3A_3739 = tpu.dynamic_rotate %select_n3A_3723 by %roll3A_3738 dim 0 : vector<512x128xi32>, i32 -> vector<512x128xi32>
    %iota3A_3740 = tpu.iota {dimensions = array<i32: 0>} : vector<512x128xi32>
    %and3A_3741 = arith.constant 1 : i32
    %and3A_3742 = vector.broadcast %and3A_3741 : i32 to vector<512x128xi32>
    %and3A_3743 = arith.andi %iota3A_3740, %and3A_3742 : vector<512x128xi32>
    %ne3A_3744 = arith.constant 0 : i32
    %ne3A_3745 = vector.broadcast %ne3A_3744 : i32 to vector<512x128xi32>
    %ne3A_3746 = arith.cmpi ne, %and3A_3743, %ne3A_3745 : vector<512x128xi32>
    %select_n3A_3747 = arith.select %ne3A_3746, %roll3A_3739, %roll3A_3737 : vector<512x128xi1>, vector<512x128xi32>
    %and3A_3748 = arith.constant 65535 : i32
    %and3A_3749 = vector.broadcast %and3A_3748 : i32 to vector<512x128xi32>
    %and3A_3750 = arith.andi %select_n3A_3723, %and3A_3749 : vector<512x128xi32>
    %and3A_3751 = arith.constant 65535 : i32
    %and3A_3752 = vector.broadcast %and3A_3751 : i32 to vector<512x128xi32>
    %and3A_3753 = arith.andi %select_n3A_3747, %and3A_3752 : vector<512x128xi32>
    %gt3A_3754 = arith.cmpi sgt, %select_n3A_3722, %select_n3A_3735 : vector<512x128xi32>
    %eq3A_3755 = arith.cmpi eq, %select_n3A_3722, %select_n3A_3735 : vector<512x128xi32>
    %gt3A_3756 = arith.cmpi sgt, %and3A_3750, %and3A_3753 : vector<512x128xi32>
    %and3A_3757 = arith.andi %eq3A_3755, %gt3A_3756 : vector<512x128xi1>
    %or3A_3758 = arith.ori %gt3A_3754, %and3A_3757 : vector<512x128xi1>
    %and3A_3759 = arith.constant 1 : i32
    %and3A_3760 = vector.broadcast %and3A_3759 : i32 to vector<512x128xi32>
    %and3A_3761 = arith.andi %iota3A, %and3A_3760 : vector<512x128xi32>
    %ne3A_3762 = arith.constant 0 : i32
    %ne3A_3763 = vector.broadcast %ne3A_3762 : i32 to vector<512x128xi32>
    %ne3A_3764 = arith.cmpi ne, %and3A_3761, %ne3A_3763 : vector<512x128xi32>
    %eq3A_3765 = arith.xori %ne3A_3764, %eq3A_3243 : vector<512x128xi1>
    %eq3A_3766 = arith.constant dense<true> : vector<512x128xi1>
    %eq3A_3767 = arith.xori %eq3A_3765, %eq3A_3766 : vector<512x128xi1>
    %xor3A_3768 = arith.xori %or3A_3758, %eq3A_3767 : vector<512x128xi1>
    %select_n3A_3769 = arith.select %xor3A_3768, %select_n3A_3735, %select_n3A_3722 : vector<512x128xi1>, vector<512x128xi32>
    %select_n3A_3770 = arith.select %xor3A_3768, %select_n3A_3747, %select_n3A_3723 : vector<512x128xi1>, vector<512x128xi32>
    %shift_right_arithmetic3A_3771 = arith.constant 14 : i32
    %shift_right_arithmetic3A_3772 = vector.broadcast %shift_right_arithmetic3A_3771 : i32 to vector<512x128xi32>
    %shift_right_arithmetic3A_3773 = arith.shrsi %add3A_6, %shift_right_arithmetic3A_3772 : vector<512x128xi32>
    %and3A_3774 = arith.constant 1 : i32
    %and3A_3775 = vector.broadcast %and3A_3774 : i32 to vector<512x128xi32>
    %and3A_3776 = arith.andi %shift_right_arithmetic3A_3773, %and3A_3775 : vector<512x128xi32>
    %eq3A_3777 = arith.constant 0 : i32
    %eq3A_3778 = vector.broadcast %eq3A_3777 : i32 to vector<512x128xi32>
    %eq3A_3779 = arith.cmpi eq, %and3A_3776, %eq3A_3778 : vector<512x128xi32>
    %roll3A_3780 = arith.constant 112 : i32
    %roll3A_3781 = tpu.dynamic_rotate %select_n3A_3769 by %roll3A_3780 dim 1 : vector<512x128xi32>, i32 -> vector<512x128xi32>
    %roll3A_3782 = arith.constant 16 : i32
    %roll3A_3783 = tpu.dynamic_rotate %select_n3A_3769 by %roll3A_3782 dim 1 : vector<512x128xi32>, i32 -> vector<512x128xi32>
    %iota3A_3784 = tpu.iota {dimensions = array<i32: 1>} : vector<512x128xi32>
    %and3A_3785 = arith.constant 16 : i32
    %and3A_3786 = vector.broadcast %and3A_3785 : i32 to vector<512x128xi32>
    %and3A_3787 = arith.andi %iota3A_3784, %and3A_3786 : vector<512x128xi32>
    %ne3A_3788 = arith.constant 0 : i32
    %ne3A_3789 = vector.broadcast %ne3A_3788 : i32 to vector<512x128xi32>
    %ne3A_3790 = arith.cmpi ne, %and3A_3787, %ne3A_3789 : vector<512x128xi32>
    %select_n3A_3791 = arith.select %ne3A_3790, %roll3A_3783, %roll3A_3781 : vector<512x128xi1>, vector<512x128xi32>
    %roll3A_3792 = arith.constant 112 : i32
    %roll3A_3793 = tpu.dynamic_rotate %select_n3A_3770 by %roll3A_3792 dim 1 : vector<512x128xi32>, i32 -> vector<512x128xi32>
    %roll3A_3794 = arith.constant 16 : i32
    %roll3A_3795 = tpu.dynamic_rotate %select_n3A_3770 by %roll3A_3794 dim 1 : vector<512x128xi32>, i32 -> vector<512x128xi32>
    %iota3A_3796 = tpu.iota {dimensions = array<i32: 1>} : vector<512x128xi32>
    %and3A_3797 = arith.constant 16 : i32
    %and3A_3798 = vector.broadcast %and3A_3797 : i32 to vector<512x128xi32>
    %and3A_3799 = arith.andi %iota3A_3796, %and3A_3798 : vector<512x128xi32>
    %ne3A_3800 = arith.constant 0 : i32
    %ne3A_3801 = vector.broadcast %ne3A_3800 : i32 to vector<512x128xi32>
    %ne3A_3802 = arith.cmpi ne, %and3A_3799, %ne3A_3801 : vector<512x128xi32>
    %select_n3A_3803 = arith.select %ne3A_3802, %roll3A_3795, %roll3A_3793 : vector<512x128xi1>, vector<512x128xi32>
    %and3A_3804 = arith.constant 65535 : i32
    %and3A_3805 = vector.broadcast %and3A_3804 : i32 to vector<512x128xi32>
    %and3A_3806 = arith.andi %select_n3A_3770, %and3A_3805 : vector<512x128xi32>
    %and3A_3807 = arith.constant 65535 : i32
    %and3A_3808 = vector.broadcast %and3A_3807 : i32 to vector<512x128xi32>
    %and3A_3809 = arith.andi %select_n3A_3803, %and3A_3808 : vector<512x128xi32>
    %gt3A_3810 = arith.cmpi sgt, %select_n3A_3769, %select_n3A_3791 : vector<512x128xi32>
    %eq3A_3811 = arith.cmpi eq, %select_n3A_3769, %select_n3A_3791 : vector<512x128xi32>
    %gt3A_3812 = arith.cmpi sgt, %and3A_3806, %and3A_3809 : vector<512x128xi32>
    %and3A_3813 = arith.andi %eq3A_3811, %gt3A_3812 : vector<512x128xi1>
    %or3A_3814 = arith.ori %gt3A_3810, %and3A_3813 : vector<512x128xi1>
    %and3A_3815 = arith.constant 16 : i32
    %and3A_3816 = vector.broadcast %and3A_3815 : i32 to vector<512x128xi32>
    %and3A_3817 = arith.andi %iota3A_0, %and3A_3816 : vector<512x128xi32>
    %ne3A_3818 = arith.constant 0 : i32
    %ne3A_3819 = vector.broadcast %ne3A_3818 : i32 to vector<512x128xi32>
    %ne3A_3820 = arith.cmpi ne, %and3A_3817, %ne3A_3819 : vector<512x128xi32>
    %eq3A_3821 = arith.xori %ne3A_3820, %eq3A_3779 : vector<512x128xi1>
    %eq3A_3822 = arith.constant dense<true> : vector<512x128xi1>
    %eq3A_3823 = arith.xori %eq3A_3821, %eq3A_3822 : vector<512x128xi1>
    %xor3A_3824 = arith.xori %or3A_3814, %eq3A_3823 : vector<512x128xi1>
    %select_n3A_3825 = arith.select %xor3A_3824, %select_n3A_3791, %select_n3A_3769 : vector<512x128xi1>, vector<512x128xi32>
    %select_n3A_3826 = arith.select %xor3A_3824, %select_n3A_3803, %select_n3A_3770 : vector<512x128xi1>, vector<512x128xi32>
    %roll3A_3827 = arith.constant 120 : i32
    %roll3A_3828 = tpu.dynamic_rotate %select_n3A_3825 by %roll3A_3827 dim 1 : vector<512x128xi32>, i32 -> vector<512x128xi32>
    %roll3A_3829 = arith.constant 8 : i32
    %roll3A_3830 = tpu.dynamic_rotate %select_n3A_3825 by %roll3A_3829 dim 1 : vector<512x128xi32>, i32 -> vector<512x128xi32>
    %iota3A_3831 = tpu.iota {dimensions = array<i32: 1>} : vector<512x128xi32>
    %and3A_3832 = arith.constant 8 : i32
    %and3A_3833 = vector.broadcast %and3A_3832 : i32 to vector<512x128xi32>
    %and3A_3834 = arith.andi %iota3A_3831, %and3A_3833 : vector<512x128xi32>
    %ne3A_3835 = arith.constant 0 : i32
    %ne3A_3836 = vector.broadcast %ne3A_3835 : i32 to vector<512x128xi32>
    %ne3A_3837 = arith.cmpi ne, %and3A_3834, %ne3A_3836 : vector<512x128xi32>
    %select_n3A_3838 = arith.select %ne3A_3837, %roll3A_3830, %roll3A_3828 : vector<512x128xi1>, vector<512x128xi32>
    %roll3A_3839 = arith.constant 120 : i32
    %roll3A_3840 = tpu.dynamic_rotate %select_n3A_3826 by %roll3A_3839 dim 1 : vector<512x128xi32>, i32 -> vector<512x128xi32>
    %roll3A_3841 = arith.constant 8 : i32
    %roll3A_3842 = tpu.dynamic_rotate %select_n3A_3826 by %roll3A_3841 dim 1 : vector<512x128xi32>, i32 -> vector<512x128xi32>
    %iota3A_3843 = tpu.iota {dimensions = array<i32: 1>} : vector<512x128xi32>
    %and3A_3844 = arith.constant 8 : i32
    %and3A_3845 = vector.broadcast %and3A_3844 : i32 to vector<512x128xi32>
    %and3A_3846 = arith.andi %iota3A_3843, %and3A_3845 : vector<512x128xi32>
    %ne3A_3847 = arith.constant 0 : i32
    %ne3A_3848 = vector.broadcast %ne3A_3847 : i32 to vector<512x128xi32>
    %ne3A_3849 = arith.cmpi ne, %and3A_3846, %ne3A_3848 : vector<512x128xi32>
    %select_n3A_3850 = arith.select %ne3A_3849, %roll3A_3842, %roll3A_3840 : vector<512x128xi1>, vector<512x128xi32>
    %and3A_3851 = arith.constant 65535 : i32
    %and3A_3852 = vector.broadcast %and3A_3851 : i32 to vector<512x128xi32>
    %and3A_3853 = arith.andi %select_n3A_3826, %and3A_3852 : vector<512x128xi32>
    %and3A_3854 = arith.constant 65535 : i32
    %and3A_3855 = vector.broadcast %and3A_3854 : i32 to vector<512x128xi32>
    %and3A_3856 = arith.andi %select_n3A_3850, %and3A_3855 : vector<512x128xi32>
    %gt3A_3857 = arith.cmpi sgt, %select_n3A_3825, %select_n3A_3838 : vector<512x128xi32>
    %eq3A_3858 = arith.cmpi eq, %select_n3A_3825, %select_n3A_3838 : vector<512x128xi32>
    %gt3A_3859 = arith.cmpi sgt, %and3A_3853, %and3A_3856 : vector<512x128xi32>
    %and3A_3860 = arith.andi %eq3A_3858, %gt3A_3859 : vector<512x128xi1>
    %or3A_3861 = arith.ori %gt3A_3857, %and3A_3860 : vector<512x128xi1>
    %and3A_3862 = arith.constant 8 : i32
    %and3A_3863 = vector.broadcast %and3A_3862 : i32 to vector<512x128xi32>
    %and3A_3864 = arith.andi %iota3A_0, %and3A_3863 : vector<512x128xi32>
    %ne3A_3865 = arith.constant 0 : i32
    %ne3A_3866 = vector.broadcast %ne3A_3865 : i32 to vector<512x128xi32>
    %ne3A_3867 = arith.cmpi ne, %and3A_3864, %ne3A_3866 : vector<512x128xi32>
    %eq3A_3868 = arith.xori %ne3A_3867, %eq3A_3779 : vector<512x128xi1>
    %eq3A_3869 = arith.constant dense<true> : vector<512x128xi1>
    %eq3A_3870 = arith.xori %eq3A_3868, %eq3A_3869 : vector<512x128xi1>
    %xor3A_3871 = arith.xori %or3A_3861, %eq3A_3870 : vector<512x128xi1>
    %select_n3A_3872 = arith.select %xor3A_3871, %select_n3A_3838, %select_n3A_3825 : vector<512x128xi1>, vector<512x128xi32>
    %select_n3A_3873 = arith.select %xor3A_3871, %select_n3A_3850, %select_n3A_3826 : vector<512x128xi1>, vector<512x128xi32>
    %roll3A_3874 = arith.constant 124 : i32
    %roll3A_3875 = tpu.dynamic_rotate %select_n3A_3872 by %roll3A_3874 dim 1 : vector<512x128xi32>, i32 -> vector<512x128xi32>
    %roll3A_3876 = arith.constant 4 : i32
    %roll3A_3877 = tpu.dynamic_rotate %select_n3A_3872 by %roll3A_3876 dim 1 : vector<512x128xi32>, i32 -> vector<512x128xi32>
    %iota3A_3878 = tpu.iota {dimensions = array<i32: 1>} : vector<512x128xi32>
    %and3A_3879 = arith.constant 4 : i32
    %and3A_3880 = vector.broadcast %and3A_3879 : i32 to vector<512x128xi32>
    %and3A_3881 = arith.andi %iota3A_3878, %and3A_3880 : vector<512x128xi32>
    %ne3A_3882 = arith.constant 0 : i32
    %ne3A_3883 = vector.broadcast %ne3A_3882 : i32 to vector<512x128xi32>
    %ne3A_3884 = arith.cmpi ne, %and3A_3881, %ne3A_3883 : vector<512x128xi32>
    %select_n3A_3885 = arith.select %ne3A_3884, %roll3A_3877, %roll3A_3875 : vector<512x128xi1>, vector<512x128xi32>
    %roll3A_3886 = arith.constant 124 : i32
    %roll3A_3887 = tpu.dynamic_rotate %select_n3A_3873 by %roll3A_3886 dim 1 : vector<512x128xi32>, i32 -> vector<512x128xi32>
    %roll3A_3888 = arith.constant 4 : i32
    %roll3A_3889 = tpu.dynamic_rotate %select_n3A_3873 by %roll3A_3888 dim 1 : vector<512x128xi32>, i32 -> vector<512x128xi32>
    %iota3A_3890 = tpu.iota {dimensions = array<i32: 1>} : vector<512x128xi32>
    %and3A_3891 = arith.constant 4 : i32
    %and3A_3892 = vector.broadcast %and3A_3891 : i32 to vector<512x128xi32>
    %and3A_3893 = arith.andi %iota3A_3890, %and3A_3892 : vector<512x128xi32>
    %ne3A_3894 = arith.constant 0 : i32
    %ne3A_3895 = vector.broadcast %ne3A_3894 : i32 to vector<512x128xi32>
    %ne3A_3896 = arith.cmpi ne, %and3A_3893, %ne3A_3895 : vector<512x128xi32>
    %select_n3A_3897 = arith.select %ne3A_3896, %roll3A_3889, %roll3A_3887 : vector<512x128xi1>, vector<512x128xi32>
    %and3A_3898 = arith.constant 65535 : i32
    %and3A_3899 = vector.broadcast %and3A_3898 : i32 to vector<512x128xi32>
    %and3A_3900 = arith.andi %select_n3A_3873, %and3A_3899 : vector<512x128xi32>
    %and3A_3901 = arith.constant 65535 : i32
    %and3A_3902 = vector.broadcast %and3A_3901 : i32 to vector<512x128xi32>
    %and3A_3903 = arith.andi %select_n3A_3897, %and3A_3902 : vector<512x128xi32>
    %gt3A_3904 = arith.cmpi sgt, %select_n3A_3872, %select_n3A_3885 : vector<512x128xi32>
    %eq3A_3905 = arith.cmpi eq, %select_n3A_3872, %select_n3A_3885 : vector<512x128xi32>
    %gt3A_3906 = arith.cmpi sgt, %and3A_3900, %and3A_3903 : vector<512x128xi32>
    %and3A_3907 = arith.andi %eq3A_3905, %gt3A_3906 : vector<512x128xi1>
    %or3A_3908 = arith.ori %gt3A_3904, %and3A_3907 : vector<512x128xi1>
    %and3A_3909 = arith.constant 4 : i32
    %and3A_3910 = vector.broadcast %and3A_3909 : i32 to vector<512x128xi32>
    %and3A_3911 = arith.andi %iota3A_0, %and3A_3910 : vector<512x128xi32>
    %ne3A_3912 = arith.constant 0 : i32
    %ne3A_3913 = vector.broadcast %ne3A_3912 : i32 to vector<512x128xi32>
    %ne3A_3914 = arith.cmpi ne, %and3A_3911, %ne3A_3913 : vector<512x128xi32>
    %eq3A_3915 = arith.xori %ne3A_3914, %eq3A_3779 : vector<512x128xi1>
    %eq3A_3916 = arith.constant dense<true> : vector<512x128xi1>
    %eq3A_3917 = arith.xori %eq3A_3915, %eq3A_3916 : vector<512x128xi1>
    %xor3A_3918 = arith.xori %or3A_3908, %eq3A_3917 : vector<512x128xi1>
    %select_n3A_3919 = arith.select %xor3A_3918, %select_n3A_3885, %select_n3A_3872 : vector<512x128xi1>, vector<512x128xi32>
    %select_n3A_3920 = arith.select %xor3A_3918, %select_n3A_3897, %select_n3A_3873 : vector<512x128xi1>, vector<512x128xi32>
    %roll3A_3921 = arith.constant 126 : i32
    %roll3A_3922 = tpu.dynamic_rotate %select_n3A_3919 by %roll3A_3921 dim 1 : vector<512x128xi32>, i32 -> vector<512x128xi32>
    %roll3A_3923 = arith.constant 2 : i32
    %roll3A_3924 = tpu.dynamic_rotate %select_n3A_3919 by %roll3A_3923 dim 1 : vector<512x128xi32>, i32 -> vector<512x128xi32>
    %iota3A_3925 = tpu.iota {dimensions = array<i32: 1>} : vector<512x128xi32>
    %and3A_3926 = arith.constant 2 : i32
    %and3A_3927 = vector.broadcast %and3A_3926 : i32 to vector<512x128xi32>
    %and3A_3928 = arith.andi %iota3A_3925, %and3A_3927 : vector<512x128xi32>
    %ne3A_3929 = arith.constant 0 : i32
    %ne3A_3930 = vector.broadcast %ne3A_3929 : i32 to vector<512x128xi32>
    %ne3A_3931 = arith.cmpi ne, %and3A_3928, %ne3A_3930 : vector<512x128xi32>
    %select_n3A_3932 = arith.select %ne3A_3931, %roll3A_3924, %roll3A_3922 : vector<512x128xi1>, vector<512x128xi32>
    %roll3A_3933 = arith.constant 126 : i32
    %roll3A_3934 = tpu.dynamic_rotate %select_n3A_3920 by %roll3A_3933 dim 1 : vector<512x128xi32>, i32 -> vector<512x128xi32>
    %roll3A_3935 = arith.constant 2 : i32
    %roll3A_3936 = tpu.dynamic_rotate %select_n3A_3920 by %roll3A_3935 dim 1 : vector<512x128xi32>, i32 -> vector<512x128xi32>
    %iota3A_3937 = tpu.iota {dimensions = array<i32: 1>} : vector<512x128xi32>
    %and3A_3938 = arith.constant 2 : i32
    %and3A_3939 = vector.broadcast %and3A_3938 : i32 to vector<512x128xi32>
    %and3A_3940 = arith.andi %iota3A_3937, %and3A_3939 : vector<512x128xi32>
    %ne3A_3941 = arith.constant 0 : i32
    %ne3A_3942 = vector.broadcast %ne3A_3941 : i32 to vector<512x128xi32>
    %ne3A_3943 = arith.cmpi ne, %and3A_3940, %ne3A_3942 : vector<512x128xi32>
    %select_n3A_3944 = arith.select %ne3A_3943, %roll3A_3936, %roll3A_3934 : vector<512x128xi1>, vector<512x128xi32>
    %and3A_3945 = arith.constant 65535 : i32
    %and3A_3946 = vector.broadcast %and3A_3945 : i32 to vector<512x128xi32>
    %and3A_3947 = arith.andi %select_n3A_3920, %and3A_3946 : vector<512x128xi32>
    %and3A_3948 = arith.constant 65535 : i32
    %and3A_3949 = vector.broadcast %and3A_3948 : i32 to vector<512x128xi32>
    %and3A_3950 = arith.andi %select_n3A_3944, %and3A_3949 : vector<512x128xi32>
    %gt3A_3951 = arith.cmpi sgt, %select_n3A_3919, %select_n3A_3932 : vector<512x128xi32>
    %eq3A_3952 = arith.cmpi eq, %select_n3A_3919, %select_n3A_3932 : vector<512x128xi32>
    %gt3A_3953 = arith.cmpi sgt, %and3A_3947, %and3A_3950 : vector<512x128xi32>
    %and3A_3954 = arith.andi %eq3A_3952, %gt3A_3953 : vector<512x128xi1>
    %or3A_3955 = arith.ori %gt3A_3951, %and3A_3954 : vector<512x128xi1>
    %and3A_3956 = arith.constant 2 : i32
    %and3A_3957 = vector.broadcast %and3A_3956 : i32 to vector<512x128xi32>
    %and3A_3958 = arith.andi %iota3A_0, %and3A_3957 : vector<512x128xi32>
    %ne3A_3959 = arith.constant 0 : i32
    %ne3A_3960 = vector.broadcast %ne3A_3959 : i32 to vector<512x128xi32>
    %ne3A_3961 = arith.cmpi ne, %and3A_3958, %ne3A_3960 : vector<512x128xi32>
    %eq3A_3962 = arith.xori %ne3A_3961, %eq3A_3779 : vector<512x128xi1>
    %eq3A_3963 = arith.constant dense<true> : vector<512x128xi1>
    %eq3A_3964 = arith.xori %eq3A_3962, %eq3A_3963 : vector<512x128xi1>
    %xor3A_3965 = arith.xori %or3A_3955, %eq3A_3964 : vector<512x128xi1>
    %select_n3A_3966 = arith.select %xor3A_3965, %select_n3A_3932, %select_n3A_3919 : vector<512x128xi1>, vector<512x128xi32>
    %select_n3A_3967 = arith.select %xor3A_3965, %select_n3A_3944, %select_n3A_3920 : vector<512x128xi1>, vector<512x128xi32>
    %roll3A_3968 = arith.constant 127 : i32
    %roll3A_3969 = tpu.dynamic_rotate %select_n3A_3966 by %roll3A_3968 dim 1 : vector<512x128xi32>, i32 -> vector<512x128xi32>
    %roll3A_3970 = arith.constant 1 : i32
    %roll3A_3971 = tpu.dynamic_rotate %select_n3A_3966 by %roll3A_3970 dim 1 : vector<512x128xi32>, i32 -> vector<512x128xi32>
    %iota3A_3972 = tpu.iota {dimensions = array<i32: 1>} : vector<512x128xi32>
    %and3A_3973 = arith.constant 1 : i32
    %and3A_3974 = vector.broadcast %and3A_3973 : i32 to vector<512x128xi32>
    %and3A_3975 = arith.andi %iota3A_3972, %and3A_3974 : vector<512x128xi32>
    %ne3A_3976 = arith.constant 0 : i32
    %ne3A_3977 = vector.broadcast %ne3A_3976 : i32 to vector<512x128xi32>
    %ne3A_3978 = arith.cmpi ne, %and3A_3975, %ne3A_3977 : vector<512x128xi32>
    %select_n3A_3979 = arith.select %ne3A_3978, %roll3A_3971, %roll3A_3969 : vector<512x128xi1>, vector<512x128xi32>
    %roll3A_3980 = arith.constant 127 : i32
    %roll3A_3981 = tpu.dynamic_rotate %select_n3A_3967 by %roll3A_3980 dim 1 : vector<512x128xi32>, i32 -> vector<512x128xi32>
    %roll3A_3982 = arith.constant 1 : i32
    %roll3A_3983 = tpu.dynamic_rotate %select_n3A_3967 by %roll3A_3982 dim 1 : vector<512x128xi32>, i32 -> vector<512x128xi32>
    %iota3A_3984 = tpu.iota {dimensions = array<i32: 1>} : vector<512x128xi32>
    %and3A_3985 = arith.constant 1 : i32
    %and3A_3986 = vector.broadcast %and3A_3985 : i32 to vector<512x128xi32>
    %and3A_3987 = arith.andi %iota3A_3984, %and3A_3986 : vector<512x128xi32>
    %ne3A_3988 = arith.constant 0 : i32
    %ne3A_3989 = vector.broadcast %ne3A_3988 : i32 to vector<512x128xi32>
    %ne3A_3990 = arith.cmpi ne, %and3A_3987, %ne3A_3989 : vector<512x128xi32>
    %select_n3A_3991 = arith.select %ne3A_3990, %roll3A_3983, %roll3A_3981 : vector<512x128xi1>, vector<512x128xi32>
    %and3A_3992 = arith.constant 65535 : i32
    %and3A_3993 = vector.broadcast %and3A_3992 : i32 to vector<512x128xi32>
    %and3A_3994 = arith.andi %select_n3A_3967, %and3A_3993 : vector<512x128xi32>
    %and3A_3995 = arith.constant 65535 : i32
    %and3A_3996 = vector.broadcast %and3A_3995 : i32 to vector<512x128xi32>
    %and3A_3997 = arith.andi %select_n3A_3991, %and3A_3996 : vector<512x128xi32>
    %gt3A_3998 = arith.cmpi sgt, %select_n3A_3966, %select_n3A_3979 : vector<512x128xi32>
    %eq3A_3999 = arith.cmpi eq, %select_n3A_3966, %select_n3A_3979 : vector<512x128xi32>
    %gt3A_4000 = arith.cmpi sgt, %and3A_3994, %and3A_3997 : vector<512x128xi32>
    %and3A_4001 = arith.andi %eq3A_3999, %gt3A_4000 : vector<512x128xi1>
    %or3A_4002 = arith.ori %gt3A_3998, %and3A_4001 : vector<512x128xi1>
    %and3A_4003 = arith.constant 1 : i32
    %and3A_4004 = vector.broadcast %and3A_4003 : i32 to vector<512x128xi32>
    %and3A_4005 = arith.andi %iota3A_0, %and3A_4004 : vector<512x128xi32>
    %ne3A_4006 = arith.constant 0 : i32
    %ne3A_4007 = vector.broadcast %ne3A_4006 : i32 to vector<512x128xi32>
    %ne3A_4008 = arith.cmpi ne, %and3A_4005, %ne3A_4007 : vector<512x128xi32>
    %eq3A_4009 = arith.xori %ne3A_4008, %eq3A_3779 : vector<512x128xi1>
    %eq3A_4010 = arith.constant dense<true> : vector<512x128xi1>
    %eq3A_4011 = arith.xori %eq3A_4009, %eq3A_4010 : vector<512x128xi1>
    %xor3A_4012 = arith.xori %or3A_4002, %eq3A_4011 : vector<512x128xi1>
    %select_n3A_4013 = arith.select %xor3A_4012, %select_n3A_3979, %select_n3A_3966 : vector<512x128xi1>, vector<512x128xi32>
    %select_n3A_4014 = arith.select %xor3A_4012, %select_n3A_3991, %select_n3A_3967 : vector<512x128xi1>, vector<512x128xi32>
    %reshape3A_4015 = vector.shape_cast %select_n3A_4013 : vector<512x128xi32> to vector<1x2x256x128xi32>
    %slice3A_4016 = vector.extract_strided_slice %reshape3A_4015 {offsets = [0, 1, 0, 0], sizes = [1, 1, 256, 128], strides = [1, 1, 1, 1]} : vector<1x2x256x128xi32> to vector<1x1x256x128xi32>
    %slice3A_4017 = vector.extract_strided_slice %reshape3A_4015 {offsets = [0, 0, 0, 0], sizes = [1, 1, 256, 128], strides = [1, 1, 1, 1]} : vector<1x2x256x128xi32> to vector<1x1x256x128xi32>
    %concatenate3A_4018 = tpu.concatenate %slice3A_4016, %slice3A_4017 in 1 : vector<1x1x256x128xi32>, vector<1x1x256x128xi32> -> vector<1x2x256x128xi32>
    %reshape3A_4019 = vector.shape_cast %concatenate3A_4018 : vector<1x2x256x128xi32> to vector<512x128xi32>
    %reshape3A_4020 = vector.shape_cast %select_n3A_4014 : vector<512x128xi32> to vector<1x2x256x128xi32>
    %slice3A_4021 = vector.extract_strided_slice %reshape3A_4020 {offsets = [0, 1, 0, 0], sizes = [1, 1, 256, 128], strides = [1, 1, 1, 1]} : vector<1x2x256x128xi32> to vector<1x1x256x128xi32>
    %slice3A_4022 = vector.extract_strided_slice %reshape3A_4020 {offsets = [0, 0, 0, 0], sizes = [1, 1, 256, 128], strides = [1, 1, 1, 1]} : vector<1x2x256x128xi32> to vector<1x1x256x128xi32>
    %concatenate3A_4023 = tpu.concatenate %slice3A_4021, %slice3A_4022 in 1 : vector<1x1x256x128xi32>, vector<1x1x256x128xi32> -> vector<1x2x256x128xi32>
    %reshape3A_4024 = vector.shape_cast %concatenate3A_4023 : vector<1x2x256x128xi32> to vector<512x128xi32>
    %and3A_4025 = arith.constant 65535 : i32
    %and3A_4026 = vector.broadcast %and3A_4025 : i32 to vector<512x128xi32>
    %and3A_4027 = arith.andi %select_n3A_4014, %and3A_4026 : vector<512x128xi32>
    %and3A_4028 = arith.constant 65535 : i32
    %and3A_4029 = vector.broadcast %and3A_4028 : i32 to vector<512x128xi32>
    %and3A_4030 = arith.andi %reshape3A_4024, %and3A_4029 : vector<512x128xi32>
    %gt3A_4031 = arith.cmpi sgt, %select_n3A_4013, %reshape3A_4019 : vector<512x128xi32>
    %eq3A_4032 = arith.cmpi eq, %select_n3A_4013, %reshape3A_4019 : vector<512x128xi32>
    %gt3A_4033 = arith.cmpi sgt, %and3A_4027, %and3A_4030 : vector<512x128xi32>
    %and3A_4034 = arith.andi %eq3A_4032, %gt3A_4033 : vector<512x128xi1>
    %or3A_4035 = arith.ori %gt3A_4031, %and3A_4034 : vector<512x128xi1>
    %and3A_4036 = arith.constant 256 : i32
    %and3A_4037 = vector.broadcast %and3A_4036 : i32 to vector<512x128xi32>
    %and3A_4038 = arith.andi %iota3A, %and3A_4037 : vector<512x128xi32>
    %ne3A_4039 = arith.constant 0 : i32
    %ne3A_4040 = vector.broadcast %ne3A_4039 : i32 to vector<512x128xi32>
    %ne3A_4041 = arith.cmpi ne, %and3A_4038, %ne3A_4040 : vector<512x128xi32>
    %eq3A_4042 = arith.xori %ne3A_4041, %eq3A_3779 : vector<512x128xi1>
    %eq3A_4043 = arith.constant dense<true> : vector<512x128xi1>
    %eq3A_4044 = arith.xori %eq3A_4042, %eq3A_4043 : vector<512x128xi1>
    %xor3A_4045 = arith.xori %or3A_4035, %eq3A_4044 : vector<512x128xi1>
    %select_n3A_4046 = arith.select %xor3A_4045, %reshape3A_4019, %select_n3A_4013 : vector<512x128xi1>, vector<512x128xi32>
    %select_n3A_4047 = arith.select %xor3A_4045, %reshape3A_4024, %select_n3A_4014 : vector<512x128xi1>, vector<512x128xi32>
    %reshape3A_4048 = vector.shape_cast %select_n3A_4046 : vector<512x128xi32> to vector<2x2x128x128xi32>
    %slice3A_4049 = vector.extract_strided_slice %reshape3A_4048 {offsets = [0, 1, 0, 0], sizes = [2, 1, 128, 128], strides = [1, 1, 1, 1]} : vector<2x2x128x128xi32> to vector<2x1x128x128xi32>
    %slice3A_4050 = vector.extract_strided_slice %reshape3A_4048 {offsets = [0, 0, 0, 0], sizes = [2, 1, 128, 128], strides = [1, 1, 1, 1]} : vector<2x2x128x128xi32> to vector<2x1x128x128xi32>
    %concatenate3A_4051 = tpu.concatenate %slice3A_4049, %slice3A_4050 in 1 : vector<2x1x128x128xi32>, vector<2x1x128x128xi32> -> vector<2x2x128x128xi32>
    %reshape3A_4052 = vector.shape_cast %concatenate3A_4051 : vector<2x2x128x128xi32> to vector<512x128xi32>
    %reshape3A_4053 = vector.shape_cast %select_n3A_4047 : vector<512x128xi32> to vector<2x2x128x128xi32>
    %slice3A_4054 = vector.extract_strided_slice %reshape3A_4053 {offsets = [0, 1, 0, 0], sizes = [2, 1, 128, 128], strides = [1, 1, 1, 1]} : vector<2x2x128x128xi32> to vector<2x1x128x128xi32>
    %slice3A_4055 = vector.extract_strided_slice %reshape3A_4053 {offsets = [0, 0, 0, 0], sizes = [2, 1, 128, 128], strides = [1, 1, 1, 1]} : vector<2x2x128x128xi32> to vector<2x1x128x128xi32>
    %concatenate3A_4056 = tpu.concatenate %slice3A_4054, %slice3A_4055 in 1 : vector<2x1x128x128xi32>, vector<2x1x128x128xi32> -> vector<2x2x128x128xi32>
    %reshape3A_4057 = vector.shape_cast %concatenate3A_4056 : vector<2x2x128x128xi32> to vector<512x128xi32>
    %and3A_4058 = arith.constant 65535 : i32
    %and3A_4059 = vector.broadcast %and3A_4058 : i32 to vector<512x128xi32>
    %and3A_4060 = arith.andi %select_n3A_4047, %and3A_4059 : vector<512x128xi32>
    %and3A_4061 = arith.constant 65535 : i32
    %and3A_4062 = vector.broadcast %and3A_4061 : i32 to vector<512x128xi32>
    %and3A_4063 = arith.andi %reshape3A_4057, %and3A_4062 : vector<512x128xi32>
    %gt3A_4064 = arith.cmpi sgt, %select_n3A_4046, %reshape3A_4052 : vector<512x128xi32>
    %eq3A_4065 = arith.cmpi eq, %select_n3A_4046, %reshape3A_4052 : vector<512x128xi32>
    %gt3A_4066 = arith.cmpi sgt, %and3A_4060, %and3A_4063 : vector<512x128xi32>
    %and3A_4067 = arith.andi %eq3A_4065, %gt3A_4066 : vector<512x128xi1>
    %or3A_4068 = arith.ori %gt3A_4064, %and3A_4067 : vector<512x128xi1>
    %and3A_4069 = arith.constant 128 : i32
    %and3A_4070 = vector.broadcast %and3A_4069 : i32 to vector<512x128xi32>
    %and3A_4071 = arith.andi %iota3A, %and3A_4070 : vector<512x128xi32>
    %ne3A_4072 = arith.constant 0 : i32
    %ne3A_4073 = vector.broadcast %ne3A_4072 : i32 to vector<512x128xi32>
    %ne3A_4074 = arith.cmpi ne, %and3A_4071, %ne3A_4073 : vector<512x128xi32>
    %eq3A_4075 = arith.xori %ne3A_4074, %eq3A_3779 : vector<512x128xi1>
    %eq3A_4076 = arith.constant dense<true> : vector<512x128xi1>
    %eq3A_4077 = arith.xori %eq3A_4075, %eq3A_4076 : vector<512x128xi1>
    %xor3A_4078 = arith.xori %or3A_4068, %eq3A_4077 : vector<512x128xi1>
    %select_n3A_4079 = arith.select %xor3A_4078, %reshape3A_4052, %select_n3A_4046 : vector<512x128xi1>, vector<512x128xi32>
    %select_n3A_4080 = arith.select %xor3A_4078, %reshape3A_4057, %select_n3A_4047 : vector<512x128xi1>, vector<512x128xi32>
    %reshape3A_4081 = vector.shape_cast %select_n3A_4079 : vector<512x128xi32> to vector<4x2x64x128xi32>
    %slice3A_4082 = vector.extract_strided_slice %reshape3A_4081 {offsets = [0, 1, 0, 0], sizes = [4, 1, 64, 128], strides = [1, 1, 1, 1]} : vector<4x2x64x128xi32> to vector<4x1x64x128xi32>
    %slice3A_4083 = vector.extract_strided_slice %reshape3A_4081 {offsets = [0, 0, 0, 0], sizes = [4, 1, 64, 128], strides = [1, 1, 1, 1]} : vector<4x2x64x128xi32> to vector<4x1x64x128xi32>
    %concatenate3A_4084 = tpu.concatenate %slice3A_4082, %slice3A_4083 in 1 : vector<4x1x64x128xi32>, vector<4x1x64x128xi32> -> vector<4x2x64x128xi32>
    %reshape3A_4085 = vector.shape_cast %concatenate3A_4084 : vector<4x2x64x128xi32> to vector<512x128xi32>
    %reshape3A_4086 = vector.shape_cast %select_n3A_4080 : vector<512x128xi32> to vector<4x2x64x128xi32>
    %slice3A_4087 = vector.extract_strided_slice %reshape3A_4086 {offsets = [0, 1, 0, 0], sizes = [4, 1, 64, 128], strides = [1, 1, 1, 1]} : vector<4x2x64x128xi32> to vector<4x1x64x128xi32>
    %slice3A_4088 = vector.extract_strided_slice %reshape3A_4086 {offsets = [0, 0, 0, 0], sizes = [4, 1, 64, 128], strides = [1, 1, 1, 1]} : vector<4x2x64x128xi32> to vector<4x1x64x128xi32>
    %concatenate3A_4089 = tpu.concatenate %slice3A_4087, %slice3A_4088 in 1 : vector<4x1x64x128xi32>, vector<4x1x64x128xi32> -> vector<4x2x64x128xi32>
    %reshape3A_4090 = vector.shape_cast %concatenate3A_4089 : vector<4x2x64x128xi32> to vector<512x128xi32>
    %and3A_4091 = arith.constant 65535 : i32
    %and3A_4092 = vector.broadcast %and3A_4091 : i32 to vector<512x128xi32>
    %and3A_4093 = arith.andi %select_n3A_4080, %and3A_4092 : vector<512x128xi32>
    %and3A_4094 = arith.constant 65535 : i32
    %and3A_4095 = vector.broadcast %and3A_4094 : i32 to vector<512x128xi32>
    %and3A_4096 = arith.andi %reshape3A_4090, %and3A_4095 : vector<512x128xi32>
    %gt3A_4097 = arith.cmpi sgt, %select_n3A_4079, %reshape3A_4085 : vector<512x128xi32>
    %eq3A_4098 = arith.cmpi eq, %select_n3A_4079, %reshape3A_4085 : vector<512x128xi32>
    %gt3A_4099 = arith.cmpi sgt, %and3A_4093, %and3A_4096 : vector<512x128xi32>
    %and3A_4100 = arith.andi %eq3A_4098, %gt3A_4099 : vector<512x128xi1>
    %or3A_4101 = arith.ori %gt3A_4097, %and3A_4100 : vector<512x128xi1>
    %and3A_4102 = arith.constant 64 : i32
    %and3A_4103 = vector.broadcast %and3A_4102 : i32 to vector<512x128xi32>
    %and3A_4104 = arith.andi %iota3A, %and3A_4103 : vector<512x128xi32>
    %ne3A_4105 = arith.constant 0 : i32
    %ne3A_4106 = vector.broadcast %ne3A_4105 : i32 to vector<512x128xi32>
    %ne3A_4107 = arith.cmpi ne, %and3A_4104, %ne3A_4106 : vector<512x128xi32>
    %eq3A_4108 = arith.xori %ne3A_4107, %eq3A_3779 : vector<512x128xi1>
    %eq3A_4109 = arith.constant dense<true> : vector<512x128xi1>
    %eq3A_4110 = arith.xori %eq3A_4108, %eq3A_4109 : vector<512x128xi1>
    %xor3A_4111 = arith.xori %or3A_4101, %eq3A_4110 : vector<512x128xi1>
    %select_n3A_4112 = arith.select %xor3A_4111, %reshape3A_4085, %select_n3A_4079 : vector<512x128xi1>, vector<512x128xi32>
    %select_n3A_4113 = arith.select %xor3A_4111, %reshape3A_4090, %select_n3A_4080 : vector<512x128xi1>, vector<512x128xi32>
    %reshape3A_4114 = vector.shape_cast %select_n3A_4112 : vector<512x128xi32> to vector<8x2x32x128xi32>
    %slice3A_4115 = vector.extract_strided_slice %reshape3A_4114 {offsets = [0, 1, 0, 0], sizes = [8, 1, 32, 128], strides = [1, 1, 1, 1]} : vector<8x2x32x128xi32> to vector<8x1x32x128xi32>
    %slice3A_4116 = vector.extract_strided_slice %reshape3A_4114 {offsets = [0, 0, 0, 0], sizes = [8, 1, 32, 128], strides = [1, 1, 1, 1]} : vector<8x2x32x128xi32> to vector<8x1x32x128xi32>
    %concatenate3A_4117 = tpu.concatenate %slice3A_4115, %slice3A_4116 in 1 : vector<8x1x32x128xi32>, vector<8x1x32x128xi32> -> vector<8x2x32x128xi32>
    %reshape3A_4118 = vector.shape_cast %concatenate3A_4117 : vector<8x2x32x128xi32> to vector<512x128xi32>
    %reshape3A_4119 = vector.shape_cast %select_n3A_4113 : vector<512x128xi32> to vector<8x2x32x128xi32>
    %slice3A_4120 = vector.extract_strided_slice %reshape3A_4119 {offsets = [0, 1, 0, 0], sizes = [8, 1, 32, 128], strides = [1, 1, 1, 1]} : vector<8x2x32x128xi32> to vector<8x1x32x128xi32>
    %slice3A_4121 = vector.extract_strided_slice %reshape3A_4119 {offsets = [0, 0, 0, 0], sizes = [8, 1, 32, 128], strides = [1, 1, 1, 1]} : vector<8x2x32x128xi32> to vector<8x1x32x128xi32>
    %concatenate3A_4122 = tpu.concatenate %slice3A_4120, %slice3A_4121 in 1 : vector<8x1x32x128xi32>, vector<8x1x32x128xi32> -> vector<8x2x32x128xi32>
    %reshape3A_4123 = vector.shape_cast %concatenate3A_4122 : vector<8x2x32x128xi32> to vector<512x128xi32>
    %and3A_4124 = arith.constant 65535 : i32
    %and3A_4125 = vector.broadcast %and3A_4124 : i32 to vector<512x128xi32>
    %and3A_4126 = arith.andi %select_n3A_4113, %and3A_4125 : vector<512x128xi32>
    %and3A_4127 = arith.constant 65535 : i32
    %and3A_4128 = vector.broadcast %and3A_4127 : i32 to vector<512x128xi32>
    %and3A_4129 = arith.andi %reshape3A_4123, %and3A_4128 : vector<512x128xi32>
    %gt3A_4130 = arith.cmpi sgt, %select_n3A_4112, %reshape3A_4118 : vector<512x128xi32>
    %eq3A_4131 = arith.cmpi eq, %select_n3A_4112, %reshape3A_4118 : vector<512x128xi32>
    %gt3A_4132 = arith.cmpi sgt, %and3A_4126, %and3A_4129 : vector<512x128xi32>
    %and3A_4133 = arith.andi %eq3A_4131, %gt3A_4132 : vector<512x128xi1>
    %or3A_4134 = arith.ori %gt3A_4130, %and3A_4133 : vector<512x128xi1>
    %and3A_4135 = arith.constant 32 : i32
    %and3A_4136 = vector.broadcast %and3A_4135 : i32 to vector<512x128xi32>
    %and3A_4137 = arith.andi %iota3A, %and3A_4136 : vector<512x128xi32>
    %ne3A_4138 = arith.constant 0 : i32
    %ne3A_4139 = vector.broadcast %ne3A_4138 : i32 to vector<512x128xi32>
    %ne3A_4140 = arith.cmpi ne, %and3A_4137, %ne3A_4139 : vector<512x128xi32>
    %eq3A_4141 = arith.xori %ne3A_4140, %eq3A_3779 : vector<512x128xi1>
    %eq3A_4142 = arith.constant dense<true> : vector<512x128xi1>
    %eq3A_4143 = arith.xori %eq3A_4141, %eq3A_4142 : vector<512x128xi1>
    %xor3A_4144 = arith.xori %or3A_4134, %eq3A_4143 : vector<512x128xi1>
    %select_n3A_4145 = arith.select %xor3A_4144, %reshape3A_4118, %select_n3A_4112 : vector<512x128xi1>, vector<512x128xi32>
    %select_n3A_4146 = arith.select %xor3A_4144, %reshape3A_4123, %select_n3A_4113 : vector<512x128xi1>, vector<512x128xi32>
    %reshape3A_4147 = vector.shape_cast %select_n3A_4145 : vector<512x128xi32> to vector<16x2x16x128xi32>
    %slice3A_4148 = vector.extract_strided_slice %reshape3A_4147 {offsets = [0, 1, 0, 0], sizes = [16, 1, 16, 128], strides = [1, 1, 1, 1]} : vector<16x2x16x128xi32> to vector<16x1x16x128xi32>
    %slice3A_4149 = vector.extract_strided_slice %reshape3A_4147 {offsets = [0, 0, 0, 0], sizes = [16, 1, 16, 128], strides = [1, 1, 1, 1]} : vector<16x2x16x128xi32> to vector<16x1x16x128xi32>
    %concatenate3A_4150 = tpu.concatenate %slice3A_4148, %slice3A_4149 in 1 : vector<16x1x16x128xi32>, vector<16x1x16x128xi32> -> vector<16x2x16x128xi32>
    %reshape3A_4151 = vector.shape_cast %concatenate3A_4150 : vector<16x2x16x128xi32> to vector<512x128xi32>
    %reshape3A_4152 = vector.shape_cast %select_n3A_4146 : vector<512x128xi32> to vector<16x2x16x128xi32>
    %slice3A_4153 = vector.extract_strided_slice %reshape3A_4152 {offsets = [0, 1, 0, 0], sizes = [16, 1, 16, 128], strides = [1, 1, 1, 1]} : vector<16x2x16x128xi32> to vector<16x1x16x128xi32>
    %slice3A_4154 = vector.extract_strided_slice %reshape3A_4152 {offsets = [0, 0, 0, 0], sizes = [16, 1, 16, 128], strides = [1, 1, 1, 1]} : vector<16x2x16x128xi32> to vector<16x1x16x128xi32>
    %concatenate3A_4155 = tpu.concatenate %slice3A_4153, %slice3A_4154 in 1 : vector<16x1x16x128xi32>, vector<16x1x16x128xi32> -> vector<16x2x16x128xi32>
    %reshape3A_4156 = vector.shape_cast %concatenate3A_4155 : vector<16x2x16x128xi32> to vector<512x128xi32>
    %and3A_4157 = arith.constant 65535 : i32
    %and3A_4158 = vector.broadcast %and3A_4157 : i32 to vector<512x128xi32>
    %and3A_4159 = arith.andi %select_n3A_4146, %and3A_4158 : vector<512x128xi32>
    %and3A_4160 = arith.constant 65535 : i32
    %and3A_4161 = vector.broadcast %and3A_4160 : i32 to vector<512x128xi32>
    %and3A_4162 = arith.andi %reshape3A_4156, %and3A_4161 : vector<512x128xi32>
    %gt3A_4163 = arith.cmpi sgt, %select_n3A_4145, %reshape3A_4151 : vector<512x128xi32>
    %eq3A_4164 = arith.cmpi eq, %select_n3A_4145, %reshape3A_4151 : vector<512x128xi32>
    %gt3A_4165 = arith.cmpi sgt, %and3A_4159, %and3A_4162 : vector<512x128xi32>
    %and3A_4166 = arith.andi %eq3A_4164, %gt3A_4165 : vector<512x128xi1>
    %or3A_4167 = arith.ori %gt3A_4163, %and3A_4166 : vector<512x128xi1>
    %and3A_4168 = arith.constant 16 : i32
    %and3A_4169 = vector.broadcast %and3A_4168 : i32 to vector<512x128xi32>
    %and3A_4170 = arith.andi %iota3A, %and3A_4169 : vector<512x128xi32>
    %ne3A_4171 = arith.constant 0 : i32
    %ne3A_4172 = vector.broadcast %ne3A_4171 : i32 to vector<512x128xi32>
    %ne3A_4173 = arith.cmpi ne, %and3A_4170, %ne3A_4172 : vector<512x128xi32>
    %eq3A_4174 = arith.xori %ne3A_4173, %eq3A_3779 : vector<512x128xi1>
    %eq3A_4175 = arith.constant dense<true> : vector<512x128xi1>
    %eq3A_4176 = arith.xori %eq3A_4174, %eq3A_4175 : vector<512x128xi1>
    %xor3A_4177 = arith.xori %or3A_4167, %eq3A_4176 : vector<512x128xi1>
    %select_n3A_4178 = arith.select %xor3A_4177, %reshape3A_4151, %select_n3A_4145 : vector<512x128xi1>, vector<512x128xi32>
    %select_n3A_4179 = arith.select %xor3A_4177, %reshape3A_4156, %select_n3A_4146 : vector<512x128xi1>, vector<512x128xi32>
    %reshape3A_4180 = vector.shape_cast %select_n3A_4178 : vector<512x128xi32> to vector<32x2x8x128xi32>
    %slice3A_4181 = vector.extract_strided_slice %reshape3A_4180 {offsets = [0, 1, 0, 0], sizes = [32, 1, 8, 128], strides = [1, 1, 1, 1]} : vector<32x2x8x128xi32> to vector<32x1x8x128xi32>
    %slice3A_4182 = vector.extract_strided_slice %reshape3A_4180 {offsets = [0, 0, 0, 0], sizes = [32, 1, 8, 128], strides = [1, 1, 1, 1]} : vector<32x2x8x128xi32> to vector<32x1x8x128xi32>
    %concatenate3A_4183 = tpu.concatenate %slice3A_4181, %slice3A_4182 in 1 : vector<32x1x8x128xi32>, vector<32x1x8x128xi32> -> vector<32x2x8x128xi32>
    %reshape3A_4184 = vector.shape_cast %concatenate3A_4183 : vector<32x2x8x128xi32> to vector<512x128xi32>
    %reshape3A_4185 = vector.shape_cast %select_n3A_4179 : vector<512x128xi32> to vector<32x2x8x128xi32>
    %slice3A_4186 = vector.extract_strided_slice %reshape3A_4185 {offsets = [0, 1, 0, 0], sizes = [32, 1, 8, 128], strides = [1, 1, 1, 1]} : vector<32x2x8x128xi32> to vector<32x1x8x128xi32>
    %slice3A_4187 = vector.extract_strided_slice %reshape3A_4185 {offsets = [0, 0, 0, 0], sizes = [32, 1, 8, 128], strides = [1, 1, 1, 1]} : vector<32x2x8x128xi32> to vector<32x1x8x128xi32>
    %concatenate3A_4188 = tpu.concatenate %slice3A_4186, %slice3A_4187 in 1 : vector<32x1x8x128xi32>, vector<32x1x8x128xi32> -> vector<32x2x8x128xi32>
    %reshape3A_4189 = vector.shape_cast %concatenate3A_4188 : vector<32x2x8x128xi32> to vector<512x128xi32>
    %and3A_4190 = arith.constant 65535 : i32
    %and3A_4191 = vector.broadcast %and3A_4190 : i32 to vector<512x128xi32>
    %and3A_4192 = arith.andi %select_n3A_4179, %and3A_4191 : vector<512x128xi32>
    %and3A_4193 = arith.constant 65535 : i32
    %and3A_4194 = vector.broadcast %and3A_4193 : i32 to vector<512x128xi32>
    %and3A_4195 = arith.andi %reshape3A_4189, %and3A_4194 : vector<512x128xi32>
    %gt3A_4196 = arith.cmpi sgt, %select_n3A_4178, %reshape3A_4184 : vector<512x128xi32>
    %eq3A_4197 = arith.cmpi eq, %select_n3A_4178, %reshape3A_4184 : vector<512x128xi32>
    %gt3A_4198 = arith.cmpi sgt, %and3A_4192, %and3A_4195 : vector<512x128xi32>
    %and3A_4199 = arith.andi %eq3A_4197, %gt3A_4198 : vector<512x128xi1>
    %or3A_4200 = arith.ori %gt3A_4196, %and3A_4199 : vector<512x128xi1>
    %and3A_4201 = arith.constant 8 : i32
    %and3A_4202 = vector.broadcast %and3A_4201 : i32 to vector<512x128xi32>
    %and3A_4203 = arith.andi %iota3A, %and3A_4202 : vector<512x128xi32>
    %ne3A_4204 = arith.constant 0 : i32
    %ne3A_4205 = vector.broadcast %ne3A_4204 : i32 to vector<512x128xi32>
    %ne3A_4206 = arith.cmpi ne, %and3A_4203, %ne3A_4205 : vector<512x128xi32>
    %eq3A_4207 = arith.xori %ne3A_4206, %eq3A_3779 : vector<512x128xi1>
    %eq3A_4208 = arith.constant dense<true> : vector<512x128xi1>
    %eq3A_4209 = arith.xori %eq3A_4207, %eq3A_4208 : vector<512x128xi1>
    %xor3A_4210 = arith.xori %or3A_4200, %eq3A_4209 : vector<512x128xi1>
    %select_n3A_4211 = arith.select %xor3A_4210, %reshape3A_4184, %select_n3A_4178 : vector<512x128xi1>, vector<512x128xi32>
    %select_n3A_4212 = arith.select %xor3A_4210, %reshape3A_4189, %select_n3A_4179 : vector<512x128xi1>, vector<512x128xi32>
    %roll3A_4213 = arith.constant 508 : i32
    %roll3A_4214 = tpu.dynamic_rotate %select_n3A_4211 by %roll3A_4213 dim 0 : vector<512x128xi32>, i32 -> vector<512x128xi32>
    %roll3A_4215 = arith.constant 4 : i32
    %roll3A_4216 = tpu.dynamic_rotate %select_n3A_4211 by %roll3A_4215 dim 0 : vector<512x128xi32>, i32 -> vector<512x128xi32>
    %iota3A_4217 = tpu.iota {dimensions = array<i32: 0>} : vector<512x128xi32>
    %and3A_4218 = arith.constant 4 : i32
    %and3A_4219 = vector.broadcast %and3A_4218 : i32 to vector<512x128xi32>
    %and3A_4220 = arith.andi %iota3A_4217, %and3A_4219 : vector<512x128xi32>
    %ne3A_4221 = arith.constant 0 : i32
    %ne3A_4222 = vector.broadcast %ne3A_4221 : i32 to vector<512x128xi32>
    %ne3A_4223 = arith.cmpi ne, %and3A_4220, %ne3A_4222 : vector<512x128xi32>
    %select_n3A_4224 = arith.select %ne3A_4223, %roll3A_4216, %roll3A_4214 : vector<512x128xi1>, vector<512x128xi32>
    %roll3A_4225 = arith.constant 508 : i32
    %roll3A_4226 = tpu.dynamic_rotate %select_n3A_4212 by %roll3A_4225 dim 0 : vector<512x128xi32>, i32 -> vector<512x128xi32>
    %roll3A_4227 = arith.constant 4 : i32
    %roll3A_4228 = tpu.dynamic_rotate %select_n3A_4212 by %roll3A_4227 dim 0 : vector<512x128xi32>, i32 -> vector<512x128xi32>
    %iota3A_4229 = tpu.iota {dimensions = array<i32: 0>} : vector<512x128xi32>
    %and3A_4230 = arith.constant 4 : i32
    %and3A_4231 = vector.broadcast %and3A_4230 : i32 to vector<512x128xi32>
    %and3A_4232 = arith.andi %iota3A_4229, %and3A_4231 : vector<512x128xi32>
    %ne3A_4233 = arith.constant 0 : i32
    %ne3A_4234 = vector.broadcast %ne3A_4233 : i32 to vector<512x128xi32>
    %ne3A_4235 = arith.cmpi ne, %and3A_4232, %ne3A_4234 : vector<512x128xi32>
    %select_n3A_4236 = arith.select %ne3A_4235, %roll3A_4228, %roll3A_4226 : vector<512x128xi1>, vector<512x128xi32>
    %and3A_4237 = arith.constant 65535 : i32
    %and3A_4238 = vector.broadcast %and3A_4237 : i32 to vector<512x128xi32>
    %and3A_4239 = arith.andi %select_n3A_4212, %and3A_4238 : vector<512x128xi32>
    %and3A_4240 = arith.constant 65535 : i32
    %and3A_4241 = vector.broadcast %and3A_4240 : i32 to vector<512x128xi32>
    %and3A_4242 = arith.andi %select_n3A_4236, %and3A_4241 : vector<512x128xi32>
    %gt3A_4243 = arith.cmpi sgt, %select_n3A_4211, %select_n3A_4224 : vector<512x128xi32>
    %eq3A_4244 = arith.cmpi eq, %select_n3A_4211, %select_n3A_4224 : vector<512x128xi32>
    %gt3A_4245 = arith.cmpi sgt, %and3A_4239, %and3A_4242 : vector<512x128xi32>
    %and3A_4246 = arith.andi %eq3A_4244, %gt3A_4245 : vector<512x128xi1>
    %or3A_4247 = arith.ori %gt3A_4243, %and3A_4246 : vector<512x128xi1>
    %and3A_4248 = arith.constant 4 : i32
    %and3A_4249 = vector.broadcast %and3A_4248 : i32 to vector<512x128xi32>
    %and3A_4250 = arith.andi %iota3A, %and3A_4249 : vector<512x128xi32>
    %ne3A_4251 = arith.constant 0 : i32
    %ne3A_4252 = vector.broadcast %ne3A_4251 : i32 to vector<512x128xi32>
    %ne3A_4253 = arith.cmpi ne, %and3A_4250, %ne3A_4252 : vector<512x128xi32>
    %eq3A_4254 = arith.xori %ne3A_4253, %eq3A_3779 : vector<512x128xi1>
    %eq3A_4255 = arith.constant dense<true> : vector<512x128xi1>
    %eq3A_4256 = arith.xori %eq3A_4254, %eq3A_4255 : vector<512x128xi1>
    %xor3A_4257 = arith.xori %or3A_4247, %eq3A_4256 : vector<512x128xi1>
    %select_n3A_4258 = arith.select %xor3A_4257, %select_n3A_4224, %select_n3A_4211 : vector<512x128xi1>, vector<512x128xi32>
    %select_n3A_4259 = arith.select %xor3A_4257, %select_n3A_4236, %select_n3A_4212 : vector<512x128xi1>, vector<512x128xi32>
    %roll3A_4260 = arith.constant 510 : i32
    %roll3A_4261 = tpu.dynamic_rotate %select_n3A_4258 by %roll3A_4260 dim 0 : vector<512x128xi32>, i32 -> vector<512x128xi32>
    %roll3A_4262 = arith.constant 2 : i32
    %roll3A_4263 = tpu.dynamic_rotate %select_n3A_4258 by %roll3A_4262 dim 0 : vector<512x128xi32>, i32 -> vector<512x128xi32>
    %iota3A_4264 = tpu.iota {dimensions = array<i32: 0>} : vector<512x128xi32>
    %and3A_4265 = arith.constant 2 : i32
    %and3A_4266 = vector.broadcast %and3A_4265 : i32 to vector<512x128xi32>
    %and3A_4267 = arith.andi %iota3A_4264, %and3A_4266 : vector<512x128xi32>
    %ne3A_4268 = arith.constant 0 : i32
    %ne3A_4269 = vector.broadcast %ne3A_4268 : i32 to vector<512x128xi32>
    %ne3A_4270 = arith.cmpi ne, %and3A_4267, %ne3A_4269 : vector<512x128xi32>
    %select_n3A_4271 = arith.select %ne3A_4270, %roll3A_4263, %roll3A_4261 : vector<512x128xi1>, vector<512x128xi32>
    %roll3A_4272 = arith.constant 510 : i32
    %roll3A_4273 = tpu.dynamic_rotate %select_n3A_4259 by %roll3A_4272 dim 0 : vector<512x128xi32>, i32 -> vector<512x128xi32>
    %roll3A_4274 = arith.constant 2 : i32
    %roll3A_4275 = tpu.dynamic_rotate %select_n3A_4259 by %roll3A_4274 dim 0 : vector<512x128xi32>, i32 -> vector<512x128xi32>
    %iota3A_4276 = tpu.iota {dimensions = array<i32: 0>} : vector<512x128xi32>
    %and3A_4277 = arith.constant 2 : i32
    %and3A_4278 = vector.broadcast %and3A_4277 : i32 to vector<512x128xi32>
    %and3A_4279 = arith.andi %iota3A_4276, %and3A_4278 : vector<512x128xi32>
    %ne3A_4280 = arith.constant 0 : i32
    %ne3A_4281 = vector.broadcast %ne3A_4280 : i32 to vector<512x128xi32>
    %ne3A_4282 = arith.cmpi ne, %and3A_4279, %ne3A_4281 : vector<512x128xi32>
    %select_n3A_4283 = arith.select %ne3A_4282, %roll3A_4275, %roll3A_4273 : vector<512x128xi1>, vector<512x128xi32>
    %and3A_4284 = arith.constant 65535 : i32
    %and3A_4285 = vector.broadcast %and3A_4284 : i32 to vector<512x128xi32>
    %and3A_4286 = arith.andi %select_n3A_4259, %and3A_4285 : vector<512x128xi32>
    %and3A_4287 = arith.constant 65535 : i32
    %and3A_4288 = vector.broadcast %and3A_4287 : i32 to vector<512x128xi32>
    %and3A_4289 = arith.andi %select_n3A_4283, %and3A_4288 : vector<512x128xi32>
    %gt3A_4290 = arith.cmpi sgt, %select_n3A_4258, %select_n3A_4271 : vector<512x128xi32>
    %eq3A_4291 = arith.cmpi eq, %select_n3A_4258, %select_n3A_4271 : vector<512x128xi32>
    %gt3A_4292 = arith.cmpi sgt, %and3A_4286, %and3A_4289 : vector<512x128xi32>
    %and3A_4293 = arith.andi %eq3A_4291, %gt3A_4292 : vector<512x128xi1>
    %or3A_4294 = arith.ori %gt3A_4290, %and3A_4293 : vector<512x128xi1>
    %and3A_4295 = arith.constant 2 : i32
    %and3A_4296 = vector.broadcast %and3A_4295 : i32 to vector<512x128xi32>
    %and3A_4297 = arith.andi %iota3A, %and3A_4296 : vector<512x128xi32>
    %ne3A_4298 = arith.constant 0 : i32
    %ne3A_4299 = vector.broadcast %ne3A_4298 : i32 to vector<512x128xi32>
    %ne3A_4300 = arith.cmpi ne, %and3A_4297, %ne3A_4299 : vector<512x128xi32>
    %eq3A_4301 = arith.xori %ne3A_4300, %eq3A_3779 : vector<512x128xi1>
    %eq3A_4302 = arith.constant dense<true> : vector<512x128xi1>
    %eq3A_4303 = arith.xori %eq3A_4301, %eq3A_4302 : vector<512x128xi1>
    %xor3A_4304 = arith.xori %or3A_4294, %eq3A_4303 : vector<512x128xi1>
    %select_n3A_4305 = arith.select %xor3A_4304, %select_n3A_4271, %select_n3A_4258 : vector<512x128xi1>, vector<512x128xi32>
    %select_n3A_4306 = arith.select %xor3A_4304, %select_n3A_4283, %select_n3A_4259 : vector<512x128xi1>, vector<512x128xi32>
    %roll3A_4307 = arith.constant 511 : i32
    %roll3A_4308 = tpu.dynamic_rotate %select_n3A_4305 by %roll3A_4307 dim 0 : vector<512x128xi32>, i32 -> vector<512x128xi32>
    %roll3A_4309 = arith.constant 1 : i32
    %roll3A_4310 = tpu.dynamic_rotate %select_n3A_4305 by %roll3A_4309 dim 0 : vector<512x128xi32>, i32 -> vector<512x128xi32>
    %iota3A_4311 = tpu.iota {dimensions = array<i32: 0>} : vector<512x128xi32>
    %and3A_4312 = arith.constant 1 : i32
    %and3A_4313 = vector.broadcast %and3A_4312 : i32 to vector<512x128xi32>
    %and3A_4314 = arith.andi %iota3A_4311, %and3A_4313 : vector<512x128xi32>
    %ne3A_4315 = arith.constant 0 : i32
    %ne3A_4316 = vector.broadcast %ne3A_4315 : i32 to vector<512x128xi32>
    %ne3A_4317 = arith.cmpi ne, %and3A_4314, %ne3A_4316 : vector<512x128xi32>
    %select_n3A_4318 = arith.select %ne3A_4317, %roll3A_4310, %roll3A_4308 : vector<512x128xi1>, vector<512x128xi32>
    %roll3A_4319 = arith.constant 511 : i32
    %roll3A_4320 = tpu.dynamic_rotate %select_n3A_4306 by %roll3A_4319 dim 0 : vector<512x128xi32>, i32 -> vector<512x128xi32>
    %roll3A_4321 = arith.constant 1 : i32
    %roll3A_4322 = tpu.dynamic_rotate %select_n3A_4306 by %roll3A_4321 dim 0 : vector<512x128xi32>, i32 -> vector<512x128xi32>
    %iota3A_4323 = tpu.iota {dimensions = array<i32: 0>} : vector<512x128xi32>
    %and3A_4324 = arith.constant 1 : i32
    %and3A_4325 = vector.broadcast %and3A_4324 : i32 to vector<512x128xi32>
    %and3A_4326 = arith.andi %iota3A_4323, %and3A_4325 : vector<512x128xi32>
    %ne3A_4327 = arith.constant 0 : i32
    %ne3A_4328 = vector.broadcast %ne3A_4327 : i32 to vector<512x128xi32>
    %ne3A_4329 = arith.cmpi ne, %and3A_4326, %ne3A_4328 : vector<512x128xi32>
    %select_n3A_4330 = arith.select %ne3A_4329, %roll3A_4322, %roll3A_4320 : vector<512x128xi1>, vector<512x128xi32>
    %and3A_4331 = arith.constant 65535 : i32
    %and3A_4332 = vector.broadcast %and3A_4331 : i32 to vector<512x128xi32>
    %and3A_4333 = arith.andi %select_n3A_4306, %and3A_4332 : vector<512x128xi32>
    %and3A_4334 = arith.constant 65535 : i32
    %and3A_4335 = vector.broadcast %and3A_4334 : i32 to vector<512x128xi32>
    %and3A_4336 = arith.andi %select_n3A_4330, %and3A_4335 : vector<512x128xi32>
    %gt3A_4337 = arith.cmpi sgt, %select_n3A_4305, %select_n3A_4318 : vector<512x128xi32>
    %eq3A_4338 = arith.cmpi eq, %select_n3A_4305, %select_n3A_4318 : vector<512x128xi32>
    %gt3A_4339 = arith.cmpi sgt, %and3A_4333, %and3A_4336 : vector<512x128xi32>
    %and3A_4340 = arith.andi %eq3A_4338, %gt3A_4339 : vector<512x128xi1>
    %or3A_4341 = arith.ori %gt3A_4337, %and3A_4340 : vector<512x128xi1>
    %and3A_4342 = arith.constant 1 : i32
    %and3A_4343 = vector.broadcast %and3A_4342 : i32 to vector<512x128xi32>
    %and3A_4344 = arith.andi %iota3A, %and3A_4343 : vector<512x128xi32>
    %ne3A_4345 = arith.constant 0 : i32
    %ne3A_4346 = vector.broadcast %ne3A_4345 : i32 to vector<512x128xi32>
    %ne3A_4347 = arith.cmpi ne, %and3A_4344, %ne3A_4346 : vector<512x128xi32>
    %eq3A_4348 = arith.xori %ne3A_4347, %eq3A_3779 : vector<512x128xi1>
    %eq3A_4349 = arith.constant dense<true> : vector<512x128xi1>
    %eq3A_4350 = arith.xori %eq3A_4348, %eq3A_4349 : vector<512x128xi1>
    %xor3A_4351 = arith.xori %or3A_4341, %eq3A_4350 : vector<512x128xi1>
    %select_n3A_4352 = arith.select %xor3A_4351, %select_n3A_4318, %select_n3A_4305 : vector<512x128xi1>, vector<512x128xi32>
    %select_n3A_4353 = arith.select %xor3A_4351, %select_n3A_4330, %select_n3A_4306 : vector<512x128xi1>, vector<512x128xi32>
    %shift_right_arithmetic3A_4354 = arith.constant 15 : i32
    %shift_right_arithmetic3A_4355 = vector.broadcast %shift_right_arithmetic3A_4354 : i32 to vector<512x128xi32>
    %shift_right_arithmetic3A_4356 = arith.shrsi %add3A_6, %shift_right_arithmetic3A_4355 : vector<512x128xi32>
    %and3A_4357 = arith.constant 1 : i32
    %and3A_4358 = vector.broadcast %and3A_4357 : i32 to vector<512x128xi32>
    %and3A_4359 = arith.andi %shift_right_arithmetic3A_4356, %and3A_4358 : vector<512x128xi32>
    %eq3A_4360 = arith.constant 0 : i32
    %eq3A_4361 = vector.broadcast %eq3A_4360 : i32 to vector<512x128xi32>
    %eq3A_4362 = arith.cmpi eq, %and3A_4359, %eq3A_4361 : vector<512x128xi32>
    %roll3A_4363 = arith.constant 96 : i32
    %roll3A_4364 = tpu.dynamic_rotate %select_n3A_4352 by %roll3A_4363 dim 1 : vector<512x128xi32>, i32 -> vector<512x128xi32>
    %roll3A_4365 = arith.constant 32 : i32
    %roll3A_4366 = tpu.dynamic_rotate %select_n3A_4352 by %roll3A_4365 dim 1 : vector<512x128xi32>, i32 -> vector<512x128xi32>
    %iota3A_4367 = tpu.iota {dimensions = array<i32: 1>} : vector<512x128xi32>
    %and3A_4368 = arith.constant 32 : i32
    %and3A_4369 = vector.broadcast %and3A_4368 : i32 to vector<512x128xi32>
    %and3A_4370 = arith.andi %iota3A_4367, %and3A_4369 : vector<512x128xi32>
    %ne3A_4371 = arith.constant 0 : i32
    %ne3A_4372 = vector.broadcast %ne3A_4371 : i32 to vector<512x128xi32>
    %ne3A_4373 = arith.cmpi ne, %and3A_4370, %ne3A_4372 : vector<512x128xi32>
    %select_n3A_4374 = arith.select %ne3A_4373, %roll3A_4366, %roll3A_4364 : vector<512x128xi1>, vector<512x128xi32>
    %roll3A_4375 = arith.constant 96 : i32
    %roll3A_4376 = tpu.dynamic_rotate %select_n3A_4353 by %roll3A_4375 dim 1 : vector<512x128xi32>, i32 -> vector<512x128xi32>
    %roll3A_4377 = arith.constant 32 : i32
    %roll3A_4378 = tpu.dynamic_rotate %select_n3A_4353 by %roll3A_4377 dim 1 : vector<512x128xi32>, i32 -> vector<512x128xi32>
    %iota3A_4379 = tpu.iota {dimensions = array<i32: 1>} : vector<512x128xi32>
    %and3A_4380 = arith.constant 32 : i32
    %and3A_4381 = vector.broadcast %and3A_4380 : i32 to vector<512x128xi32>
    %and3A_4382 = arith.andi %iota3A_4379, %and3A_4381 : vector<512x128xi32>
    %ne3A_4383 = arith.constant 0 : i32
    %ne3A_4384 = vector.broadcast %ne3A_4383 : i32 to vector<512x128xi32>
    %ne3A_4385 = arith.cmpi ne, %and3A_4382, %ne3A_4384 : vector<512x128xi32>
    %select_n3A_4386 = arith.select %ne3A_4385, %roll3A_4378, %roll3A_4376 : vector<512x128xi1>, vector<512x128xi32>
    %and3A_4387 = arith.constant 65535 : i32
    %and3A_4388 = vector.broadcast %and3A_4387 : i32 to vector<512x128xi32>
    %and3A_4389 = arith.andi %select_n3A_4353, %and3A_4388 : vector<512x128xi32>
    %and3A_4390 = arith.constant 65535 : i32
    %and3A_4391 = vector.broadcast %and3A_4390 : i32 to vector<512x128xi32>
    %and3A_4392 = arith.andi %select_n3A_4386, %and3A_4391 : vector<512x128xi32>
    %gt3A_4393 = arith.cmpi sgt, %select_n3A_4352, %select_n3A_4374 : vector<512x128xi32>
    %eq3A_4394 = arith.cmpi eq, %select_n3A_4352, %select_n3A_4374 : vector<512x128xi32>
    %gt3A_4395 = arith.cmpi sgt, %and3A_4389, %and3A_4392 : vector<512x128xi32>
    %and3A_4396 = arith.andi %eq3A_4394, %gt3A_4395 : vector<512x128xi1>
    %or3A_4397 = arith.ori %gt3A_4393, %and3A_4396 : vector<512x128xi1>
    %and3A_4398 = arith.constant 32 : i32
    %and3A_4399 = vector.broadcast %and3A_4398 : i32 to vector<512x128xi32>
    %and3A_4400 = arith.andi %iota3A_0, %and3A_4399 : vector<512x128xi32>
    %ne3A_4401 = arith.constant 0 : i32
    %ne3A_4402 = vector.broadcast %ne3A_4401 : i32 to vector<512x128xi32>
    %ne3A_4403 = arith.cmpi ne, %and3A_4400, %ne3A_4402 : vector<512x128xi32>
    %eq3A_4404 = arith.xori %ne3A_4403, %eq3A_4362 : vector<512x128xi1>
    %eq3A_4405 = arith.constant dense<true> : vector<512x128xi1>
    %eq3A_4406 = arith.xori %eq3A_4404, %eq3A_4405 : vector<512x128xi1>
    %xor3A_4407 = arith.xori %or3A_4397, %eq3A_4406 : vector<512x128xi1>
    %select_n3A_4408 = arith.select %xor3A_4407, %select_n3A_4374, %select_n3A_4352 : vector<512x128xi1>, vector<512x128xi32>
    %select_n3A_4409 = arith.select %xor3A_4407, %select_n3A_4386, %select_n3A_4353 : vector<512x128xi1>, vector<512x128xi32>
    %roll3A_4410 = arith.constant 112 : i32
    %roll3A_4411 = tpu.dynamic_rotate %select_n3A_4408 by %roll3A_4410 dim 1 : vector<512x128xi32>, i32 -> vector<512x128xi32>
    %roll3A_4412 = arith.constant 16 : i32
    %roll3A_4413 = tpu.dynamic_rotate %select_n3A_4408 by %roll3A_4412 dim 1 : vector<512x128xi32>, i32 -> vector<512x128xi32>
    %iota3A_4414 = tpu.iota {dimensions = array<i32: 1>} : vector<512x128xi32>
    %and3A_4415 = arith.constant 16 : i32
    %and3A_4416 = vector.broadcast %and3A_4415 : i32 to vector<512x128xi32>
    %and3A_4417 = arith.andi %iota3A_4414, %and3A_4416 : vector<512x128xi32>
    %ne3A_4418 = arith.constant 0 : i32
    %ne3A_4419 = vector.broadcast %ne3A_4418 : i32 to vector<512x128xi32>
    %ne3A_4420 = arith.cmpi ne, %and3A_4417, %ne3A_4419 : vector<512x128xi32>
    %select_n3A_4421 = arith.select %ne3A_4420, %roll3A_4413, %roll3A_4411 : vector<512x128xi1>, vector<512x128xi32>
    %roll3A_4422 = arith.constant 112 : i32
    %roll3A_4423 = tpu.dynamic_rotate %select_n3A_4409 by %roll3A_4422 dim 1 : vector<512x128xi32>, i32 -> vector<512x128xi32>
    %roll3A_4424 = arith.constant 16 : i32
    %roll3A_4425 = tpu.dynamic_rotate %select_n3A_4409 by %roll3A_4424 dim 1 : vector<512x128xi32>, i32 -> vector<512x128xi32>
    %iota3A_4426 = tpu.iota {dimensions = array<i32: 1>} : vector<512x128xi32>
    %and3A_4427 = arith.constant 16 : i32
    %and3A_4428 = vector.broadcast %and3A_4427 : i32 to vector<512x128xi32>
    %and3A_4429 = arith.andi %iota3A_4426, %and3A_4428 : vector<512x128xi32>
    %ne3A_4430 = arith.constant 0 : i32
    %ne3A_4431 = vector.broadcast %ne3A_4430 : i32 to vector<512x128xi32>
    %ne3A_4432 = arith.cmpi ne, %and3A_4429, %ne3A_4431 : vector<512x128xi32>
    %select_n3A_4433 = arith.select %ne3A_4432, %roll3A_4425, %roll3A_4423 : vector<512x128xi1>, vector<512x128xi32>
    %and3A_4434 = arith.constant 65535 : i32
    %and3A_4435 = vector.broadcast %and3A_4434 : i32 to vector<512x128xi32>
    %and3A_4436 = arith.andi %select_n3A_4409, %and3A_4435 : vector<512x128xi32>
    %and3A_4437 = arith.constant 65535 : i32
    %and3A_4438 = vector.broadcast %and3A_4437 : i32 to vector<512x128xi32>
    %and3A_4439 = arith.andi %select_n3A_4433, %and3A_4438 : vector<512x128xi32>
    %gt3A_4440 = arith.cmpi sgt, %select_n3A_4408, %select_n3A_4421 : vector<512x128xi32>
    %eq3A_4441 = arith.cmpi eq, %select_n3A_4408, %select_n3A_4421 : vector<512x128xi32>
    %gt3A_4442 = arith.cmpi sgt, %and3A_4436, %and3A_4439 : vector<512x128xi32>
    %and3A_4443 = arith.andi %eq3A_4441, %gt3A_4442 : vector<512x128xi1>
    %or3A_4444 = arith.ori %gt3A_4440, %and3A_4443 : vector<512x128xi1>
    %and3A_4445 = arith.constant 16 : i32
    %and3A_4446 = vector.broadcast %and3A_4445 : i32 to vector<512x128xi32>
    %and3A_4447 = arith.andi %iota3A_0, %and3A_4446 : vector<512x128xi32>
    %ne3A_4448 = arith.constant 0 : i32
    %ne3A_4449 = vector.broadcast %ne3A_4448 : i32 to vector<512x128xi32>
    %ne3A_4450 = arith.cmpi ne, %and3A_4447, %ne3A_4449 : vector<512x128xi32>
    %eq3A_4451 = arith.xori %ne3A_4450, %eq3A_4362 : vector<512x128xi1>
    %eq3A_4452 = arith.constant dense<true> : vector<512x128xi1>
    %eq3A_4453 = arith.xori %eq3A_4451, %eq3A_4452 : vector<512x128xi1>
    %xor3A_4454 = arith.xori %or3A_4444, %eq3A_4453 : vector<512x128xi1>
    %select_n3A_4455 = arith.select %xor3A_4454, %select_n3A_4421, %select_n3A_4408 : vector<512x128xi1>, vector<512x128xi32>
    %select_n3A_4456 = arith.select %xor3A_4454, %select_n3A_4433, %select_n3A_4409 : vector<512x128xi1>, vector<512x128xi32>
    %roll3A_4457 = arith.constant 120 : i32
    %roll3A_4458 = tpu.dynamic_rotate %select_n3A_4455 by %roll3A_4457 dim 1 : vector<512x128xi32>, i32 -> vector<512x128xi32>
    %roll3A_4459 = arith.constant 8 : i32
    %roll3A_4460 = tpu.dynamic_rotate %select_n3A_4455 by %roll3A_4459 dim 1 : vector<512x128xi32>, i32 -> vector<512x128xi32>
    %iota3A_4461 = tpu.iota {dimensions = array<i32: 1>} : vector<512x128xi32>
    %and3A_4462 = arith.constant 8 : i32
    %and3A_4463 = vector.broadcast %and3A_4462 : i32 to vector<512x128xi32>
    %and3A_4464 = arith.andi %iota3A_4461, %and3A_4463 : vector<512x128xi32>
    %ne3A_4465 = arith.constant 0 : i32
    %ne3A_4466 = vector.broadcast %ne3A_4465 : i32 to vector<512x128xi32>
    %ne3A_4467 = arith.cmpi ne, %and3A_4464, %ne3A_4466 : vector<512x128xi32>
    %select_n3A_4468 = arith.select %ne3A_4467, %roll3A_4460, %roll3A_4458 : vector<512x128xi1>, vector<512x128xi32>
    %roll3A_4469 = arith.constant 120 : i32
    %roll3A_4470 = tpu.dynamic_rotate %select_n3A_4456 by %roll3A_4469 dim 1 : vector<512x128xi32>, i32 -> vector<512x128xi32>
    %roll3A_4471 = arith.constant 8 : i32
    %roll3A_4472 = tpu.dynamic_rotate %select_n3A_4456 by %roll3A_4471 dim 1 : vector<512x128xi32>, i32 -> vector<512x128xi32>
    %iota3A_4473 = tpu.iota {dimensions = array<i32: 1>} : vector<512x128xi32>
    %and3A_4474 = arith.constant 8 : i32
    %and3A_4475 = vector.broadcast %and3A_4474 : i32 to vector<512x128xi32>
    %and3A_4476 = arith.andi %iota3A_4473, %and3A_4475 : vector<512x128xi32>
    %ne3A_4477 = arith.constant 0 : i32
    %ne3A_4478 = vector.broadcast %ne3A_4477 : i32 to vector<512x128xi32>
    %ne3A_4479 = arith.cmpi ne, %and3A_4476, %ne3A_4478 : vector<512x128xi32>
    %select_n3A_4480 = arith.select %ne3A_4479, %roll3A_4472, %roll3A_4470 : vector<512x128xi1>, vector<512x128xi32>
    %and3A_4481 = arith.constant 65535 : i32
    %and3A_4482 = vector.broadcast %and3A_4481 : i32 to vector<512x128xi32>
    %and3A_4483 = arith.andi %select_n3A_4456, %and3A_4482 : vector<512x128xi32>
    %and3A_4484 = arith.constant 65535 : i32
    %and3A_4485 = vector.broadcast %and3A_4484 : i32 to vector<512x128xi32>
    %and3A_4486 = arith.andi %select_n3A_4480, %and3A_4485 : vector<512x128xi32>
    %gt3A_4487 = arith.cmpi sgt, %select_n3A_4455, %select_n3A_4468 : vector<512x128xi32>
    %eq3A_4488 = arith.cmpi eq, %select_n3A_4455, %select_n3A_4468 : vector<512x128xi32>
    %gt3A_4489 = arith.cmpi sgt, %and3A_4483, %and3A_4486 : vector<512x128xi32>
    %and3A_4490 = arith.andi %eq3A_4488, %gt3A_4489 : vector<512x128xi1>
    %or3A_4491 = arith.ori %gt3A_4487, %and3A_4490 : vector<512x128xi1>
    %and3A_4492 = arith.constant 8 : i32
    %and3A_4493 = vector.broadcast %and3A_4492 : i32 to vector<512x128xi32>
    %and3A_4494 = arith.andi %iota3A_0, %and3A_4493 : vector<512x128xi32>
    %ne3A_4495 = arith.constant 0 : i32
    %ne3A_4496 = vector.broadcast %ne3A_4495 : i32 to vector<512x128xi32>
    %ne3A_4497 = arith.cmpi ne, %and3A_4494, %ne3A_4496 : vector<512x128xi32>
    %eq3A_4498 = arith.xori %ne3A_4497, %eq3A_4362 : vector<512x128xi1>
    %eq3A_4499 = arith.constant dense<true> : vector<512x128xi1>
    %eq3A_4500 = arith.xori %eq3A_4498, %eq3A_4499 : vector<512x128xi1>
    %xor3A_4501 = arith.xori %or3A_4491, %eq3A_4500 : vector<512x128xi1>
    %select_n3A_4502 = arith.select %xor3A_4501, %select_n3A_4468, %select_n3A_4455 : vector<512x128xi1>, vector<512x128xi32>
    %select_n3A_4503 = arith.select %xor3A_4501, %select_n3A_4480, %select_n3A_4456 : vector<512x128xi1>, vector<512x128xi32>
    %roll3A_4504 = arith.constant 124 : i32
    %roll3A_4505 = tpu.dynamic_rotate %select_n3A_4502 by %roll3A_4504 dim 1 : vector<512x128xi32>, i32 -> vector<512x128xi32>
    %roll3A_4506 = arith.constant 4 : i32
    %roll3A_4507 = tpu.dynamic_rotate %select_n3A_4502 by %roll3A_4506 dim 1 : vector<512x128xi32>, i32 -> vector<512x128xi32>
    %iota3A_4508 = tpu.iota {dimensions = array<i32: 1>} : vector<512x128xi32>
    %and3A_4509 = arith.constant 4 : i32
    %and3A_4510 = vector.broadcast %and3A_4509 : i32 to vector<512x128xi32>
    %and3A_4511 = arith.andi %iota3A_4508, %and3A_4510 : vector<512x128xi32>
    %ne3A_4512 = arith.constant 0 : i32
    %ne3A_4513 = vector.broadcast %ne3A_4512 : i32 to vector<512x128xi32>
    %ne3A_4514 = arith.cmpi ne, %and3A_4511, %ne3A_4513 : vector<512x128xi32>
    %select_n3A_4515 = arith.select %ne3A_4514, %roll3A_4507, %roll3A_4505 : vector<512x128xi1>, vector<512x128xi32>
    %roll3A_4516 = arith.constant 124 : i32
    %roll3A_4517 = tpu.dynamic_rotate %select_n3A_4503 by %roll3A_4516 dim 1 : vector<512x128xi32>, i32 -> vector<512x128xi32>
    %roll3A_4518 = arith.constant 4 : i32
    %roll3A_4519 = tpu.dynamic_rotate %select_n3A_4503 by %roll3A_4518 dim 1 : vector<512x128xi32>, i32 -> vector<512x128xi32>
    %iota3A_4520 = tpu.iota {dimensions = array<i32: 1>} : vector<512x128xi32>
    %and3A_4521 = arith.constant 4 : i32
    %and3A_4522 = vector.broadcast %and3A_4521 : i32 to vector<512x128xi32>
    %and3A_4523 = arith.andi %iota3A_4520, %and3A_4522 : vector<512x128xi32>
    %ne3A_4524 = arith.constant 0 : i32
    %ne3A_4525 = vector.broadcast %ne3A_4524 : i32 to vector<512x128xi32>
    %ne3A_4526 = arith.cmpi ne, %and3A_4523, %ne3A_4525 : vector<512x128xi32>
    %select_n3A_4527 = arith.select %ne3A_4526, %roll3A_4519, %roll3A_4517 : vector<512x128xi1>, vector<512x128xi32>
    %and3A_4528 = arith.constant 65535 : i32
    %and3A_4529 = vector.broadcast %and3A_4528 : i32 to vector<512x128xi32>
    %and3A_4530 = arith.andi %select_n3A_4503, %and3A_4529 : vector<512x128xi32>
    %and3A_4531 = arith.constant 65535 : i32
    %and3A_4532 = vector.broadcast %and3A_4531 : i32 to vector<512x128xi32>
    %and3A_4533 = arith.andi %select_n3A_4527, %and3A_4532 : vector<512x128xi32>
    %gt3A_4534 = arith.cmpi sgt, %select_n3A_4502, %select_n3A_4515 : vector<512x128xi32>
    %eq3A_4535 = arith.cmpi eq, %select_n3A_4502, %select_n3A_4515 : vector<512x128xi32>
    %gt3A_4536 = arith.cmpi sgt, %and3A_4530, %and3A_4533 : vector<512x128xi32>
    %and3A_4537 = arith.andi %eq3A_4535, %gt3A_4536 : vector<512x128xi1>
    %or3A_4538 = arith.ori %gt3A_4534, %and3A_4537 : vector<512x128xi1>
    %and3A_4539 = arith.constant 4 : i32
    %and3A_4540 = vector.broadcast %and3A_4539 : i32 to vector<512x128xi32>
    %and3A_4541 = arith.andi %iota3A_0, %and3A_4540 : vector<512x128xi32>
    %ne3A_4542 = arith.constant 0 : i32
    %ne3A_4543 = vector.broadcast %ne3A_4542 : i32 to vector<512x128xi32>
    %ne3A_4544 = arith.cmpi ne, %and3A_4541, %ne3A_4543 : vector<512x128xi32>
    %eq3A_4545 = arith.xori %ne3A_4544, %eq3A_4362 : vector<512x128xi1>
    %eq3A_4546 = arith.constant dense<true> : vector<512x128xi1>
    %eq3A_4547 = arith.xori %eq3A_4545, %eq3A_4546 : vector<512x128xi1>
    %xor3A_4548 = arith.xori %or3A_4538, %eq3A_4547 : vector<512x128xi1>
    %select_n3A_4549 = arith.select %xor3A_4548, %select_n3A_4515, %select_n3A_4502 : vector<512x128xi1>, vector<512x128xi32>
    %select_n3A_4550 = arith.select %xor3A_4548, %select_n3A_4527, %select_n3A_4503 : vector<512x128xi1>, vector<512x128xi32>
    %roll3A_4551 = arith.constant 126 : i32
    %roll3A_4552 = tpu.dynamic_rotate %select_n3A_4549 by %roll3A_4551 dim 1 : vector<512x128xi32>, i32 -> vector<512x128xi32>
    %roll3A_4553 = arith.constant 2 : i32
    %roll3A_4554 = tpu.dynamic_rotate %select_n3A_4549 by %roll3A_4553 dim 1 : vector<512x128xi32>, i32 -> vector<512x128xi32>
    %iota3A_4555 = tpu.iota {dimensions = array<i32: 1>} : vector<512x128xi32>
    %and3A_4556 = arith.constant 2 : i32
    %and3A_4557 = vector.broadcast %and3A_4556 : i32 to vector<512x128xi32>
    %and3A_4558 = arith.andi %iota3A_4555, %and3A_4557 : vector<512x128xi32>
    %ne3A_4559 = arith.constant 0 : i32
    %ne3A_4560 = vector.broadcast %ne3A_4559 : i32 to vector<512x128xi32>
    %ne3A_4561 = arith.cmpi ne, %and3A_4558, %ne3A_4560 : vector<512x128xi32>
    %select_n3A_4562 = arith.select %ne3A_4561, %roll3A_4554, %roll3A_4552 : vector<512x128xi1>, vector<512x128xi32>
    %roll3A_4563 = arith.constant 126 : i32
    %roll3A_4564 = tpu.dynamic_rotate %select_n3A_4550 by %roll3A_4563 dim 1 : vector<512x128xi32>, i32 -> vector<512x128xi32>
    %roll3A_4565 = arith.constant 2 : i32
    %roll3A_4566 = tpu.dynamic_rotate %select_n3A_4550 by %roll3A_4565 dim 1 : vector<512x128xi32>, i32 -> vector<512x128xi32>
    %iota3A_4567 = tpu.iota {dimensions = array<i32: 1>} : vector<512x128xi32>
    %and3A_4568 = arith.constant 2 : i32
    %and3A_4569 = vector.broadcast %and3A_4568 : i32 to vector<512x128xi32>
    %and3A_4570 = arith.andi %iota3A_4567, %and3A_4569 : vector<512x128xi32>
    %ne3A_4571 = arith.constant 0 : i32
    %ne3A_4572 = vector.broadcast %ne3A_4571 : i32 to vector<512x128xi32>
    %ne3A_4573 = arith.cmpi ne, %and3A_4570, %ne3A_4572 : vector<512x128xi32>
    %select_n3A_4574 = arith.select %ne3A_4573, %roll3A_4566, %roll3A_4564 : vector<512x128xi1>, vector<512x128xi32>
    %and3A_4575 = arith.constant 65535 : i32
    %and3A_4576 = vector.broadcast %and3A_4575 : i32 to vector<512x128xi32>
    %and3A_4577 = arith.andi %select_n3A_4550, %and3A_4576 : vector<512x128xi32>
    %and3A_4578 = arith.constant 65535 : i32
    %and3A_4579 = vector.broadcast %and3A_4578 : i32 to vector<512x128xi32>
    %and3A_4580 = arith.andi %select_n3A_4574, %and3A_4579 : vector<512x128xi32>
    %gt3A_4581 = arith.cmpi sgt, %select_n3A_4549, %select_n3A_4562 : vector<512x128xi32>
    %eq3A_4582 = arith.cmpi eq, %select_n3A_4549, %select_n3A_4562 : vector<512x128xi32>
    %gt3A_4583 = arith.cmpi sgt, %and3A_4577, %and3A_4580 : vector<512x128xi32>
    %and3A_4584 = arith.andi %eq3A_4582, %gt3A_4583 : vector<512x128xi1>
    %or3A_4585 = arith.ori %gt3A_4581, %and3A_4584 : vector<512x128xi1>
    %and3A_4586 = arith.constant 2 : i32
    %and3A_4587 = vector.broadcast %and3A_4586 : i32 to vector<512x128xi32>
    %and3A_4588 = arith.andi %iota3A_0, %and3A_4587 : vector<512x128xi32>
    %ne3A_4589 = arith.constant 0 : i32
    %ne3A_4590 = vector.broadcast %ne3A_4589 : i32 to vector<512x128xi32>
    %ne3A_4591 = arith.cmpi ne, %and3A_4588, %ne3A_4590 : vector<512x128xi32>
    %eq3A_4592 = arith.xori %ne3A_4591, %eq3A_4362 : vector<512x128xi1>
    %eq3A_4593 = arith.constant dense<true> : vector<512x128xi1>
    %eq3A_4594 = arith.xori %eq3A_4592, %eq3A_4593 : vector<512x128xi1>
    %xor3A_4595 = arith.xori %or3A_4585, %eq3A_4594 : vector<512x128xi1>
    %select_n3A_4596 = arith.select %xor3A_4595, %select_n3A_4562, %select_n3A_4549 : vector<512x128xi1>, vector<512x128xi32>
    %select_n3A_4597 = arith.select %xor3A_4595, %select_n3A_4574, %select_n3A_4550 : vector<512x128xi1>, vector<512x128xi32>
    %roll3A_4598 = arith.constant 127 : i32
    %roll3A_4599 = tpu.dynamic_rotate %select_n3A_4596 by %roll3A_4598 dim 1 : vector<512x128xi32>, i32 -> vector<512x128xi32>
    %roll3A_4600 = arith.constant 1 : i32
    %roll3A_4601 = tpu.dynamic_rotate %select_n3A_4596 by %roll3A_4600 dim 1 : vector<512x128xi32>, i32 -> vector<512x128xi32>
    %iota3A_4602 = tpu.iota {dimensions = array<i32: 1>} : vector<512x128xi32>
    %and3A_4603 = arith.constant 1 : i32
    %and3A_4604 = vector.broadcast %and3A_4603 : i32 to vector<512x128xi32>
    %and3A_4605 = arith.andi %iota3A_4602, %and3A_4604 : vector<512x128xi32>
    %ne3A_4606 = arith.constant 0 : i32
    %ne3A_4607 = vector.broadcast %ne3A_4606 : i32 to vector<512x128xi32>
    %ne3A_4608 = arith.cmpi ne, %and3A_4605, %ne3A_4607 : vector<512x128xi32>
    %select_n3A_4609 = arith.select %ne3A_4608, %roll3A_4601, %roll3A_4599 : vector<512x128xi1>, vector<512x128xi32>
    %roll3A_4610 = arith.constant 127 : i32
    %roll3A_4611 = tpu.dynamic_rotate %select_n3A_4597 by %roll3A_4610 dim 1 : vector<512x128xi32>, i32 -> vector<512x128xi32>
    %roll3A_4612 = arith.constant 1 : i32
    %roll3A_4613 = tpu.dynamic_rotate %select_n3A_4597 by %roll3A_4612 dim 1 : vector<512x128xi32>, i32 -> vector<512x128xi32>
    %iota3A_4614 = tpu.iota {dimensions = array<i32: 1>} : vector<512x128xi32>
    %and3A_4615 = arith.constant 1 : i32
    %and3A_4616 = vector.broadcast %and3A_4615 : i32 to vector<512x128xi32>
    %and3A_4617 = arith.andi %iota3A_4614, %and3A_4616 : vector<512x128xi32>
    %ne3A_4618 = arith.constant 0 : i32
    %ne3A_4619 = vector.broadcast %ne3A_4618 : i32 to vector<512x128xi32>
    %ne3A_4620 = arith.cmpi ne, %and3A_4617, %ne3A_4619 : vector<512x128xi32>
    %select_n3A_4621 = arith.select %ne3A_4620, %roll3A_4613, %roll3A_4611 : vector<512x128xi1>, vector<512x128xi32>
    %and3A_4622 = arith.constant 65535 : i32
    %and3A_4623 = vector.broadcast %and3A_4622 : i32 to vector<512x128xi32>
    %and3A_4624 = arith.andi %select_n3A_4597, %and3A_4623 : vector<512x128xi32>
    %and3A_4625 = arith.constant 65535 : i32
    %and3A_4626 = vector.broadcast %and3A_4625 : i32 to vector<512x128xi32>
    %and3A_4627 = arith.andi %select_n3A_4621, %and3A_4626 : vector<512x128xi32>
    %gt3A_4628 = arith.cmpi sgt, %select_n3A_4596, %select_n3A_4609 : vector<512x128xi32>
    %eq3A_4629 = arith.cmpi eq, %select_n3A_4596, %select_n3A_4609 : vector<512x128xi32>
    %gt3A_4630 = arith.cmpi sgt, %and3A_4624, %and3A_4627 : vector<512x128xi32>
    %and3A_4631 = arith.andi %eq3A_4629, %gt3A_4630 : vector<512x128xi1>
    %or3A_4632 = arith.ori %gt3A_4628, %and3A_4631 : vector<512x128xi1>
    %and3A_4633 = arith.constant 1 : i32
    %and3A_4634 = vector.broadcast %and3A_4633 : i32 to vector<512x128xi32>
    %and3A_4635 = arith.andi %iota3A_0, %and3A_4634 : vector<512x128xi32>
    %ne3A_4636 = arith.constant 0 : i32
    %ne3A_4637 = vector.broadcast %ne3A_4636 : i32 to vector<512x128xi32>
    %ne3A_4638 = arith.cmpi ne, %and3A_4635, %ne3A_4637 : vector<512x128xi32>
    %eq3A_4639 = arith.xori %ne3A_4638, %eq3A_4362 : vector<512x128xi1>
    %eq3A_4640 = arith.constant dense<true> : vector<512x128xi1>
    %eq3A_4641 = arith.xori %eq3A_4639, %eq3A_4640 : vector<512x128xi1>
    %xor3A_4642 = arith.xori %or3A_4632, %eq3A_4641 : vector<512x128xi1>
    %select_n3A_4643 = arith.select %xor3A_4642, %select_n3A_4609, %select_n3A_4596 : vector<512x128xi1>, vector<512x128xi32>
    %select_n3A_4644 = arith.select %xor3A_4642, %select_n3A_4621, %select_n3A_4597 : vector<512x128xi1>, vector<512x128xi32>
    %reshape3A_4645 = vector.shape_cast %select_n3A_4643 : vector<512x128xi32> to vector<1x2x256x128xi32>
    %slice3A_4646 = vector.extract_strided_slice %reshape3A_4645 {offsets = [0, 1, 0, 0], sizes = [1, 1, 256, 128], strides = [1, 1, 1, 1]} : vector<1x2x256x128xi32> to vector<1x1x256x128xi32>
    %slice3A_4647 = vector.extract_strided_slice %reshape3A_4645 {offsets = [0, 0, 0, 0], sizes = [1, 1, 256, 128], strides = [1, 1, 1, 1]} : vector<1x2x256x128xi32> to vector<1x1x256x128xi32>
    %concatenate3A_4648 = tpu.concatenate %slice3A_4646, %slice3A_4647 in 1 : vector<1x1x256x128xi32>, vector<1x1x256x128xi32> -> vector<1x2x256x128xi32>
    %reshape3A_4649 = vector.shape_cast %concatenate3A_4648 : vector<1x2x256x128xi32> to vector<512x128xi32>
    %reshape3A_4650 = vector.shape_cast %select_n3A_4644 : vector<512x128xi32> to vector<1x2x256x128xi32>
    %slice3A_4651 = vector.extract_strided_slice %reshape3A_4650 {offsets = [0, 1, 0, 0], sizes = [1, 1, 256, 128], strides = [1, 1, 1, 1]} : vector<1x2x256x128xi32> to vector<1x1x256x128xi32>
    %slice3A_4652 = vector.extract_strided_slice %reshape3A_4650 {offsets = [0, 0, 0, 0], sizes = [1, 1, 256, 128], strides = [1, 1, 1, 1]} : vector<1x2x256x128xi32> to vector<1x1x256x128xi32>
    %concatenate3A_4653 = tpu.concatenate %slice3A_4651, %slice3A_4652 in 1 : vector<1x1x256x128xi32>, vector<1x1x256x128xi32> -> vector<1x2x256x128xi32>
    %reshape3A_4654 = vector.shape_cast %concatenate3A_4653 : vector<1x2x256x128xi32> to vector<512x128xi32>
    %and3A_4655 = arith.constant 65535 : i32
    %and3A_4656 = vector.broadcast %and3A_4655 : i32 to vector<512x128xi32>
    %and3A_4657 = arith.andi %select_n3A_4644, %and3A_4656 : vector<512x128xi32>
    %and3A_4658 = arith.constant 65535 : i32
    %and3A_4659 = vector.broadcast %and3A_4658 : i32 to vector<512x128xi32>
    %and3A_4660 = arith.andi %reshape3A_4654, %and3A_4659 : vector<512x128xi32>
    %gt3A_4661 = arith.cmpi sgt, %select_n3A_4643, %reshape3A_4649 : vector<512x128xi32>
    %eq3A_4662 = arith.cmpi eq, %select_n3A_4643, %reshape3A_4649 : vector<512x128xi32>
    %gt3A_4663 = arith.cmpi sgt, %and3A_4657, %and3A_4660 : vector<512x128xi32>
    %and3A_4664 = arith.andi %eq3A_4662, %gt3A_4663 : vector<512x128xi1>
    %or3A_4665 = arith.ori %gt3A_4661, %and3A_4664 : vector<512x128xi1>
    %and3A_4666 = arith.constant 256 : i32
    %and3A_4667 = vector.broadcast %and3A_4666 : i32 to vector<512x128xi32>
    %and3A_4668 = arith.andi %iota3A, %and3A_4667 : vector<512x128xi32>
    %ne3A_4669 = arith.constant 0 : i32
    %ne3A_4670 = vector.broadcast %ne3A_4669 : i32 to vector<512x128xi32>
    %ne3A_4671 = arith.cmpi ne, %and3A_4668, %ne3A_4670 : vector<512x128xi32>
    %eq3A_4672 = arith.xori %ne3A_4671, %eq3A_4362 : vector<512x128xi1>
    %eq3A_4673 = arith.constant dense<true> : vector<512x128xi1>
    %eq3A_4674 = arith.xori %eq3A_4672, %eq3A_4673 : vector<512x128xi1>
    %xor3A_4675 = arith.xori %or3A_4665, %eq3A_4674 : vector<512x128xi1>
    %select_n3A_4676 = arith.select %xor3A_4675, %reshape3A_4649, %select_n3A_4643 : vector<512x128xi1>, vector<512x128xi32>
    %select_n3A_4677 = arith.select %xor3A_4675, %reshape3A_4654, %select_n3A_4644 : vector<512x128xi1>, vector<512x128xi32>
    %reshape3A_4678 = vector.shape_cast %select_n3A_4676 : vector<512x128xi32> to vector<2x2x128x128xi32>
    %slice3A_4679 = vector.extract_strided_slice %reshape3A_4678 {offsets = [0, 1, 0, 0], sizes = [2, 1, 128, 128], strides = [1, 1, 1, 1]} : vector<2x2x128x128xi32> to vector<2x1x128x128xi32>
    %slice3A_4680 = vector.extract_strided_slice %reshape3A_4678 {offsets = [0, 0, 0, 0], sizes = [2, 1, 128, 128], strides = [1, 1, 1, 1]} : vector<2x2x128x128xi32> to vector<2x1x128x128xi32>
    %concatenate3A_4681 = tpu.concatenate %slice3A_4679, %slice3A_4680 in 1 : vector<2x1x128x128xi32>, vector<2x1x128x128xi32> -> vector<2x2x128x128xi32>
    %reshape3A_4682 = vector.shape_cast %concatenate3A_4681 : vector<2x2x128x128xi32> to vector<512x128xi32>
    %reshape3A_4683 = vector.shape_cast %select_n3A_4677 : vector<512x128xi32> to vector<2x2x128x128xi32>
    %slice3A_4684 = vector.extract_strided_slice %reshape3A_4683 {offsets = [0, 1, 0, 0], sizes = [2, 1, 128, 128], strides = [1, 1, 1, 1]} : vector<2x2x128x128xi32> to vector<2x1x128x128xi32>
    %slice3A_4685 = vector.extract_strided_slice %reshape3A_4683 {offsets = [0, 0, 0, 0], sizes = [2, 1, 128, 128], strides = [1, 1, 1, 1]} : vector<2x2x128x128xi32> to vector<2x1x128x128xi32>
    %concatenate3A_4686 = tpu.concatenate %slice3A_4684, %slice3A_4685 in 1 : vector<2x1x128x128xi32>, vector<2x1x128x128xi32> -> vector<2x2x128x128xi32>
    %reshape3A_4687 = vector.shape_cast %concatenate3A_4686 : vector<2x2x128x128xi32> to vector<512x128xi32>
    %and3A_4688 = arith.constant 65535 : i32
    %and3A_4689 = vector.broadcast %and3A_4688 : i32 to vector<512x128xi32>
    %and3A_4690 = arith.andi %select_n3A_4677, %and3A_4689 : vector<512x128xi32>
    %and3A_4691 = arith.constant 65535 : i32
    %and3A_4692 = vector.broadcast %and3A_4691 : i32 to vector<512x128xi32>
    %and3A_4693 = arith.andi %reshape3A_4687, %and3A_4692 : vector<512x128xi32>
    %gt3A_4694 = arith.cmpi sgt, %select_n3A_4676, %reshape3A_4682 : vector<512x128xi32>
    %eq3A_4695 = arith.cmpi eq, %select_n3A_4676, %reshape3A_4682 : vector<512x128xi32>
    %gt3A_4696 = arith.cmpi sgt, %and3A_4690, %and3A_4693 : vector<512x128xi32>
    %and3A_4697 = arith.andi %eq3A_4695, %gt3A_4696 : vector<512x128xi1>
    %or3A_4698 = arith.ori %gt3A_4694, %and3A_4697 : vector<512x128xi1>
    %and3A_4699 = arith.constant 128 : i32
    %and3A_4700 = vector.broadcast %and3A_4699 : i32 to vector<512x128xi32>
    %and3A_4701 = arith.andi %iota3A, %and3A_4700 : vector<512x128xi32>
    %ne3A_4702 = arith.constant 0 : i32
    %ne3A_4703 = vector.broadcast %ne3A_4702 : i32 to vector<512x128xi32>
    %ne3A_4704 = arith.cmpi ne, %and3A_4701, %ne3A_4703 : vector<512x128xi32>
    %eq3A_4705 = arith.xori %ne3A_4704, %eq3A_4362 : vector<512x128xi1>
    %eq3A_4706 = arith.constant dense<true> : vector<512x128xi1>
    %eq3A_4707 = arith.xori %eq3A_4705, %eq3A_4706 : vector<512x128xi1>
    %xor3A_4708 = arith.xori %or3A_4698, %eq3A_4707 : vector<512x128xi1>
    %select_n3A_4709 = arith.select %xor3A_4708, %reshape3A_4682, %select_n3A_4676 : vector<512x128xi1>, vector<512x128xi32>
    %select_n3A_4710 = arith.select %xor3A_4708, %reshape3A_4687, %select_n3A_4677 : vector<512x128xi1>, vector<512x128xi32>
    %reshape3A_4711 = vector.shape_cast %select_n3A_4709 : vector<512x128xi32> to vector<4x2x64x128xi32>
    %slice3A_4712 = vector.extract_strided_slice %reshape3A_4711 {offsets = [0, 1, 0, 0], sizes = [4, 1, 64, 128], strides = [1, 1, 1, 1]} : vector<4x2x64x128xi32> to vector<4x1x64x128xi32>
    %slice3A_4713 = vector.extract_strided_slice %reshape3A_4711 {offsets = [0, 0, 0, 0], sizes = [4, 1, 64, 128], strides = [1, 1, 1, 1]} : vector<4x2x64x128xi32> to vector<4x1x64x128xi32>
    %concatenate3A_4714 = tpu.concatenate %slice3A_4712, %slice3A_4713 in 1 : vector<4x1x64x128xi32>, vector<4x1x64x128xi32> -> vector<4x2x64x128xi32>
    %reshape3A_4715 = vector.shape_cast %concatenate3A_4714 : vector<4x2x64x128xi32> to vector<512x128xi32>
    %reshape3A_4716 = vector.shape_cast %select_n3A_4710 : vector<512x128xi32> to vector<4x2x64x128xi32>
    %slice3A_4717 = vector.extract_strided_slice %reshape3A_4716 {offsets = [0, 1, 0, 0], sizes = [4, 1, 64, 128], strides = [1, 1, 1, 1]} : vector<4x2x64x128xi32> to vector<4x1x64x128xi32>
    %slice3A_4718 = vector.extract_strided_slice %reshape3A_4716 {offsets = [0, 0, 0, 0], sizes = [4, 1, 64, 128], strides = [1, 1, 1, 1]} : vector<4x2x64x128xi32> to vector<4x1x64x128xi32>
    %concatenate3A_4719 = tpu.concatenate %slice3A_4717, %slice3A_4718 in 1 : vector<4x1x64x128xi32>, vector<4x1x64x128xi32> -> vector<4x2x64x128xi32>
    %reshape3A_4720 = vector.shape_cast %concatenate3A_4719 : vector<4x2x64x128xi32> to vector<512x128xi32>
    %and3A_4721 = arith.constant 65535 : i32
    %and3A_4722 = vector.broadcast %and3A_4721 : i32 to vector<512x128xi32>
    %and3A_4723 = arith.andi %select_n3A_4710, %and3A_4722 : vector<512x128xi32>
    %and3A_4724 = arith.constant 65535 : i32
    %and3A_4725 = vector.broadcast %and3A_4724 : i32 to vector<512x128xi32>
    %and3A_4726 = arith.andi %reshape3A_4720, %and3A_4725 : vector<512x128xi32>
    %gt3A_4727 = arith.cmpi sgt, %select_n3A_4709, %reshape3A_4715 : vector<512x128xi32>
    %eq3A_4728 = arith.cmpi eq, %select_n3A_4709, %reshape3A_4715 : vector<512x128xi32>
    %gt3A_4729 = arith.cmpi sgt, %and3A_4723, %and3A_4726 : vector<512x128xi32>
    %and3A_4730 = arith.andi %eq3A_4728, %gt3A_4729 : vector<512x128xi1>
    %or3A_4731 = arith.ori %gt3A_4727, %and3A_4730 : vector<512x128xi1>
    %and3A_4732 = arith.constant 64 : i32
    %and3A_4733 = vector.broadcast %and3A_4732 : i32 to vector<512x128xi32>
    %and3A_4734 = arith.andi %iota3A, %and3A_4733 : vector<512x128xi32>
    %ne3A_4735 = arith.constant 0 : i32
    %ne3A_4736 = vector.broadcast %ne3A_4735 : i32 to vector<512x128xi32>
    %ne3A_4737 = arith.cmpi ne, %and3A_4734, %ne3A_4736 : vector<512x128xi32>
    %eq3A_4738 = arith.xori %ne3A_4737, %eq3A_4362 : vector<512x128xi1>
    %eq3A_4739 = arith.constant dense<true> : vector<512x128xi1>
    %eq3A_4740 = arith.xori %eq3A_4738, %eq3A_4739 : vector<512x128xi1>
    %xor3A_4741 = arith.xori %or3A_4731, %eq3A_4740 : vector<512x128xi1>
    %select_n3A_4742 = arith.select %xor3A_4741, %reshape3A_4715, %select_n3A_4709 : vector<512x128xi1>, vector<512x128xi32>
    %select_n3A_4743 = arith.select %xor3A_4741, %reshape3A_4720, %select_n3A_4710 : vector<512x128xi1>, vector<512x128xi32>
    %reshape3A_4744 = vector.shape_cast %select_n3A_4742 : vector<512x128xi32> to vector<8x2x32x128xi32>
    %slice3A_4745 = vector.extract_strided_slice %reshape3A_4744 {offsets = [0, 1, 0, 0], sizes = [8, 1, 32, 128], strides = [1, 1, 1, 1]} : vector<8x2x32x128xi32> to vector<8x1x32x128xi32>
    %slice3A_4746 = vector.extract_strided_slice %reshape3A_4744 {offsets = [0, 0, 0, 0], sizes = [8, 1, 32, 128], strides = [1, 1, 1, 1]} : vector<8x2x32x128xi32> to vector<8x1x32x128xi32>
    %concatenate3A_4747 = tpu.concatenate %slice3A_4745, %slice3A_4746 in 1 : vector<8x1x32x128xi32>, vector<8x1x32x128xi32> -> vector<8x2x32x128xi32>
    %reshape3A_4748 = vector.shape_cast %concatenate3A_4747 : vector<8x2x32x128xi32> to vector<512x128xi32>
    %reshape3A_4749 = vector.shape_cast %select_n3A_4743 : vector<512x128xi32> to vector<8x2x32x128xi32>
    %slice3A_4750 = vector.extract_strided_slice %reshape3A_4749 {offsets = [0, 1, 0, 0], sizes = [8, 1, 32, 128], strides = [1, 1, 1, 1]} : vector<8x2x32x128xi32> to vector<8x1x32x128xi32>
    %slice3A_4751 = vector.extract_strided_slice %reshape3A_4749 {offsets = [0, 0, 0, 0], sizes = [8, 1, 32, 128], strides = [1, 1, 1, 1]} : vector<8x2x32x128xi32> to vector<8x1x32x128xi32>
    %concatenate3A_4752 = tpu.concatenate %slice3A_4750, %slice3A_4751 in 1 : vector<8x1x32x128xi32>, vector<8x1x32x128xi32> -> vector<8x2x32x128xi32>
    %reshape3A_4753 = vector.shape_cast %concatenate3A_4752 : vector<8x2x32x128xi32> to vector<512x128xi32>
    %and3A_4754 = arith.constant 65535 : i32
    %and3A_4755 = vector.broadcast %and3A_4754 : i32 to vector<512x128xi32>
    %and3A_4756 = arith.andi %select_n3A_4743, %and3A_4755 : vector<512x128xi32>
    %and3A_4757 = arith.constant 65535 : i32
    %and3A_4758 = vector.broadcast %and3A_4757 : i32 to vector<512x128xi32>
    %and3A_4759 = arith.andi %reshape3A_4753, %and3A_4758 : vector<512x128xi32>
    %gt3A_4760 = arith.cmpi sgt, %select_n3A_4742, %reshape3A_4748 : vector<512x128xi32>
    %eq3A_4761 = arith.cmpi eq, %select_n3A_4742, %reshape3A_4748 : vector<512x128xi32>
    %gt3A_4762 = arith.cmpi sgt, %and3A_4756, %and3A_4759 : vector<512x128xi32>
    %and3A_4763 = arith.andi %eq3A_4761, %gt3A_4762 : vector<512x128xi1>
    %or3A_4764 = arith.ori %gt3A_4760, %and3A_4763 : vector<512x128xi1>
    %and3A_4765 = arith.constant 32 : i32
    %and3A_4766 = vector.broadcast %and3A_4765 : i32 to vector<512x128xi32>
    %and3A_4767 = arith.andi %iota3A, %and3A_4766 : vector<512x128xi32>
    %ne3A_4768 = arith.constant 0 : i32
    %ne3A_4769 = vector.broadcast %ne3A_4768 : i32 to vector<512x128xi32>
    %ne3A_4770 = arith.cmpi ne, %and3A_4767, %ne3A_4769 : vector<512x128xi32>
    %eq3A_4771 = arith.xori %ne3A_4770, %eq3A_4362 : vector<512x128xi1>
    %eq3A_4772 = arith.constant dense<true> : vector<512x128xi1>
    %eq3A_4773 = arith.xori %eq3A_4771, %eq3A_4772 : vector<512x128xi1>
    %xor3A_4774 = arith.xori %or3A_4764, %eq3A_4773 : vector<512x128xi1>
    %select_n3A_4775 = arith.select %xor3A_4774, %reshape3A_4748, %select_n3A_4742 : vector<512x128xi1>, vector<512x128xi32>
    %select_n3A_4776 = arith.select %xor3A_4774, %reshape3A_4753, %select_n3A_4743 : vector<512x128xi1>, vector<512x128xi32>
    %reshape3A_4777 = vector.shape_cast %select_n3A_4775 : vector<512x128xi32> to vector<16x2x16x128xi32>
    %slice3A_4778 = vector.extract_strided_slice %reshape3A_4777 {offsets = [0, 1, 0, 0], sizes = [16, 1, 16, 128], strides = [1, 1, 1, 1]} : vector<16x2x16x128xi32> to vector<16x1x16x128xi32>
    %slice3A_4779 = vector.extract_strided_slice %reshape3A_4777 {offsets = [0, 0, 0, 0], sizes = [16, 1, 16, 128], strides = [1, 1, 1, 1]} : vector<16x2x16x128xi32> to vector<16x1x16x128xi32>
    %concatenate3A_4780 = tpu.concatenate %slice3A_4778, %slice3A_4779 in 1 : vector<16x1x16x128xi32>, vector<16x1x16x128xi32> -> vector<16x2x16x128xi32>
    %reshape3A_4781 = vector.shape_cast %concatenate3A_4780 : vector<16x2x16x128xi32> to vector<512x128xi32>
    %reshape3A_4782 = vector.shape_cast %select_n3A_4776 : vector<512x128xi32> to vector<16x2x16x128xi32>
    %slice3A_4783 = vector.extract_strided_slice %reshape3A_4782 {offsets = [0, 1, 0, 0], sizes = [16, 1, 16, 128], strides = [1, 1, 1, 1]} : vector<16x2x16x128xi32> to vector<16x1x16x128xi32>
    %slice3A_4784 = vector.extract_strided_slice %reshape3A_4782 {offsets = [0, 0, 0, 0], sizes = [16, 1, 16, 128], strides = [1, 1, 1, 1]} : vector<16x2x16x128xi32> to vector<16x1x16x128xi32>
    %concatenate3A_4785 = tpu.concatenate %slice3A_4783, %slice3A_4784 in 1 : vector<16x1x16x128xi32>, vector<16x1x16x128xi32> -> vector<16x2x16x128xi32>
    %reshape3A_4786 = vector.shape_cast %concatenate3A_4785 : vector<16x2x16x128xi32> to vector<512x128xi32>
    %and3A_4787 = arith.constant 65535 : i32
    %and3A_4788 = vector.broadcast %and3A_4787 : i32 to vector<512x128xi32>
    %and3A_4789 = arith.andi %select_n3A_4776, %and3A_4788 : vector<512x128xi32>
    %and3A_4790 = arith.constant 65535 : i32
    %and3A_4791 = vector.broadcast %and3A_4790 : i32 to vector<512x128xi32>
    %and3A_4792 = arith.andi %reshape3A_4786, %and3A_4791 : vector<512x128xi32>
    %gt3A_4793 = arith.cmpi sgt, %select_n3A_4775, %reshape3A_4781 : vector<512x128xi32>
    %eq3A_4794 = arith.cmpi eq, %select_n3A_4775, %reshape3A_4781 : vector<512x128xi32>
    %gt3A_4795 = arith.cmpi sgt, %and3A_4789, %and3A_4792 : vector<512x128xi32>
    %and3A_4796 = arith.andi %eq3A_4794, %gt3A_4795 : vector<512x128xi1>
    %or3A_4797 = arith.ori %gt3A_4793, %and3A_4796 : vector<512x128xi1>
    %and3A_4798 = arith.constant 16 : i32
    %and3A_4799 = vector.broadcast %and3A_4798 : i32 to vector<512x128xi32>
    %and3A_4800 = arith.andi %iota3A, %and3A_4799 : vector<512x128xi32>
    %ne3A_4801 = arith.constant 0 : i32
    %ne3A_4802 = vector.broadcast %ne3A_4801 : i32 to vector<512x128xi32>
    %ne3A_4803 = arith.cmpi ne, %and3A_4800, %ne3A_4802 : vector<512x128xi32>
    %eq3A_4804 = arith.xori %ne3A_4803, %eq3A_4362 : vector<512x128xi1>
    %eq3A_4805 = arith.constant dense<true> : vector<512x128xi1>
    %eq3A_4806 = arith.xori %eq3A_4804, %eq3A_4805 : vector<512x128xi1>
    %xor3A_4807 = arith.xori %or3A_4797, %eq3A_4806 : vector<512x128xi1>
    %select_n3A_4808 = arith.select %xor3A_4807, %reshape3A_4781, %select_n3A_4775 : vector<512x128xi1>, vector<512x128xi32>
    %select_n3A_4809 = arith.select %xor3A_4807, %reshape3A_4786, %select_n3A_4776 : vector<512x128xi1>, vector<512x128xi32>
    %reshape3A_4810 = vector.shape_cast %select_n3A_4808 : vector<512x128xi32> to vector<32x2x8x128xi32>
    %slice3A_4811 = vector.extract_strided_slice %reshape3A_4810 {offsets = [0, 1, 0, 0], sizes = [32, 1, 8, 128], strides = [1, 1, 1, 1]} : vector<32x2x8x128xi32> to vector<32x1x8x128xi32>
    %slice3A_4812 = vector.extract_strided_slice %reshape3A_4810 {offsets = [0, 0, 0, 0], sizes = [32, 1, 8, 128], strides = [1, 1, 1, 1]} : vector<32x2x8x128xi32> to vector<32x1x8x128xi32>
    %concatenate3A_4813 = tpu.concatenate %slice3A_4811, %slice3A_4812 in 1 : vector<32x1x8x128xi32>, vector<32x1x8x128xi32> -> vector<32x2x8x128xi32>
    %reshape3A_4814 = vector.shape_cast %concatenate3A_4813 : vector<32x2x8x128xi32> to vector<512x128xi32>
    %reshape3A_4815 = vector.shape_cast %select_n3A_4809 : vector<512x128xi32> to vector<32x2x8x128xi32>
    %slice3A_4816 = vector.extract_strided_slice %reshape3A_4815 {offsets = [0, 1, 0, 0], sizes = [32, 1, 8, 128], strides = [1, 1, 1, 1]} : vector<32x2x8x128xi32> to vector<32x1x8x128xi32>
    %slice3A_4817 = vector.extract_strided_slice %reshape3A_4815 {offsets = [0, 0, 0, 0], sizes = [32, 1, 8, 128], strides = [1, 1, 1, 1]} : vector<32x2x8x128xi32> to vector<32x1x8x128xi32>
    %concatenate3A_4818 = tpu.concatenate %slice3A_4816, %slice3A_4817 in 1 : vector<32x1x8x128xi32>, vector<32x1x8x128xi32> -> vector<32x2x8x128xi32>
    %reshape3A_4819 = vector.shape_cast %concatenate3A_4818 : vector<32x2x8x128xi32> to vector<512x128xi32>
    %and3A_4820 = arith.constant 65535 : i32
    %and3A_4821 = vector.broadcast %and3A_4820 : i32 to vector<512x128xi32>
    %and3A_4822 = arith.andi %select_n3A_4809, %and3A_4821 : vector<512x128xi32>
    %and3A_4823 = arith.constant 65535 : i32
    %and3A_4824 = vector.broadcast %and3A_4823 : i32 to vector<512x128xi32>
    %and3A_4825 = arith.andi %reshape3A_4819, %and3A_4824 : vector<512x128xi32>
    %gt3A_4826 = arith.cmpi sgt, %select_n3A_4808, %reshape3A_4814 : vector<512x128xi32>
    %eq3A_4827 = arith.cmpi eq, %select_n3A_4808, %reshape3A_4814 : vector<512x128xi32>
    %gt3A_4828 = arith.cmpi sgt, %and3A_4822, %and3A_4825 : vector<512x128xi32>
    %and3A_4829 = arith.andi %eq3A_4827, %gt3A_4828 : vector<512x128xi1>
    %or3A_4830 = arith.ori %gt3A_4826, %and3A_4829 : vector<512x128xi1>
    %and3A_4831 = arith.constant 8 : i32
    %and3A_4832 = vector.broadcast %and3A_4831 : i32 to vector<512x128xi32>
    %and3A_4833 = arith.andi %iota3A, %and3A_4832 : vector<512x128xi32>
    %ne3A_4834 = arith.constant 0 : i32
    %ne3A_4835 = vector.broadcast %ne3A_4834 : i32 to vector<512x128xi32>
    %ne3A_4836 = arith.cmpi ne, %and3A_4833, %ne3A_4835 : vector<512x128xi32>
    %eq3A_4837 = arith.xori %ne3A_4836, %eq3A_4362 : vector<512x128xi1>
    %eq3A_4838 = arith.constant dense<true> : vector<512x128xi1>
    %eq3A_4839 = arith.xori %eq3A_4837, %eq3A_4838 : vector<512x128xi1>
    %xor3A_4840 = arith.xori %or3A_4830, %eq3A_4839 : vector<512x128xi1>
    %select_n3A_4841 = arith.select %xor3A_4840, %reshape3A_4814, %select_n3A_4808 : vector<512x128xi1>, vector<512x128xi32>
    %select_n3A_4842 = arith.select %xor3A_4840, %reshape3A_4819, %select_n3A_4809 : vector<512x128xi1>, vector<512x128xi32>
    %roll3A_4843 = arith.constant 508 : i32
    %roll3A_4844 = tpu.dynamic_rotate %select_n3A_4841 by %roll3A_4843 dim 0 : vector<512x128xi32>, i32 -> vector<512x128xi32>
    %roll3A_4845 = arith.constant 4 : i32
    %roll3A_4846 = tpu.dynamic_rotate %select_n3A_4841 by %roll3A_4845 dim 0 : vector<512x128xi32>, i32 -> vector<512x128xi32>
    %iota3A_4847 = tpu.iota {dimensions = array<i32: 0>} : vector<512x128xi32>
    %and3A_4848 = arith.constant 4 : i32
    %and3A_4849 = vector.broadcast %and3A_4848 : i32 to vector<512x128xi32>
    %and3A_4850 = arith.andi %iota3A_4847, %and3A_4849 : vector<512x128xi32>
    %ne3A_4851 = arith.constant 0 : i32
    %ne3A_4852 = vector.broadcast %ne3A_4851 : i32 to vector<512x128xi32>
    %ne3A_4853 = arith.cmpi ne, %and3A_4850, %ne3A_4852 : vector<512x128xi32>
    %select_n3A_4854 = arith.select %ne3A_4853, %roll3A_4846, %roll3A_4844 : vector<512x128xi1>, vector<512x128xi32>
    %roll3A_4855 = arith.constant 508 : i32
    %roll3A_4856 = tpu.dynamic_rotate %select_n3A_4842 by %roll3A_4855 dim 0 : vector<512x128xi32>, i32 -> vector<512x128xi32>
    %roll3A_4857 = arith.constant 4 : i32
    %roll3A_4858 = tpu.dynamic_rotate %select_n3A_4842 by %roll3A_4857 dim 0 : vector<512x128xi32>, i32 -> vector<512x128xi32>
    %iota3A_4859 = tpu.iota {dimensions = array<i32: 0>} : vector<512x128xi32>
    %and3A_4860 = arith.constant 4 : i32
    %and3A_4861 = vector.broadcast %and3A_4860 : i32 to vector<512x128xi32>
    %and3A_4862 = arith.andi %iota3A_4859, %and3A_4861 : vector<512x128xi32>
    %ne3A_4863 = arith.constant 0 : i32
    %ne3A_4864 = vector.broadcast %ne3A_4863 : i32 to vector<512x128xi32>
    %ne3A_4865 = arith.cmpi ne, %and3A_4862, %ne3A_4864 : vector<512x128xi32>
    %select_n3A_4866 = arith.select %ne3A_4865, %roll3A_4858, %roll3A_4856 : vector<512x128xi1>, vector<512x128xi32>
    %and3A_4867 = arith.constant 65535 : i32
    %and3A_4868 = vector.broadcast %and3A_4867 : i32 to vector<512x128xi32>
    %and3A_4869 = arith.andi %select_n3A_4842, %and3A_4868 : vector<512x128xi32>
    %and3A_4870 = arith.constant 65535 : i32
    %and3A_4871 = vector.broadcast %and3A_4870 : i32 to vector<512x128xi32>
    %and3A_4872 = arith.andi %select_n3A_4866, %and3A_4871 : vector<512x128xi32>
    %gt3A_4873 = arith.cmpi sgt, %select_n3A_4841, %select_n3A_4854 : vector<512x128xi32>
    %eq3A_4874 = arith.cmpi eq, %select_n3A_4841, %select_n3A_4854 : vector<512x128xi32>
    %gt3A_4875 = arith.cmpi sgt, %and3A_4869, %and3A_4872 : vector<512x128xi32>
    %and3A_4876 = arith.andi %eq3A_4874, %gt3A_4875 : vector<512x128xi1>
    %or3A_4877 = arith.ori %gt3A_4873, %and3A_4876 : vector<512x128xi1>
    %and3A_4878 = arith.constant 4 : i32
    %and3A_4879 = vector.broadcast %and3A_4878 : i32 to vector<512x128xi32>
    %and3A_4880 = arith.andi %iota3A, %and3A_4879 : vector<512x128xi32>
    %ne3A_4881 = arith.constant 0 : i32
    %ne3A_4882 = vector.broadcast %ne3A_4881 : i32 to vector<512x128xi32>
    %ne3A_4883 = arith.cmpi ne, %and3A_4880, %ne3A_4882 : vector<512x128xi32>
    %eq3A_4884 = arith.xori %ne3A_4883, %eq3A_4362 : vector<512x128xi1>
    %eq3A_4885 = arith.constant dense<true> : vector<512x128xi1>
    %eq3A_4886 = arith.xori %eq3A_4884, %eq3A_4885 : vector<512x128xi1>
    %xor3A_4887 = arith.xori %or3A_4877, %eq3A_4886 : vector<512x128xi1>
    %select_n3A_4888 = arith.select %xor3A_4887, %select_n3A_4854, %select_n3A_4841 : vector<512x128xi1>, vector<512x128xi32>
    %select_n3A_4889 = arith.select %xor3A_4887, %select_n3A_4866, %select_n3A_4842 : vector<512x128xi1>, vector<512x128xi32>
    %roll3A_4890 = arith.constant 510 : i32
    %roll3A_4891 = tpu.dynamic_rotate %select_n3A_4888 by %roll3A_4890 dim 0 : vector<512x128xi32>, i32 -> vector<512x128xi32>
    %roll3A_4892 = arith.constant 2 : i32
    %roll3A_4893 = tpu.dynamic_rotate %select_n3A_4888 by %roll3A_4892 dim 0 : vector<512x128xi32>, i32 -> vector<512x128xi32>
    %iota3A_4894 = tpu.iota {dimensions = array<i32: 0>} : vector<512x128xi32>
    %and3A_4895 = arith.constant 2 : i32
    %and3A_4896 = vector.broadcast %and3A_4895 : i32 to vector<512x128xi32>
    %and3A_4897 = arith.andi %iota3A_4894, %and3A_4896 : vector<512x128xi32>
    %ne3A_4898 = arith.constant 0 : i32
    %ne3A_4899 = vector.broadcast %ne3A_4898 : i32 to vector<512x128xi32>
    %ne3A_4900 = arith.cmpi ne, %and3A_4897, %ne3A_4899 : vector<512x128xi32>
    %select_n3A_4901 = arith.select %ne3A_4900, %roll3A_4893, %roll3A_4891 : vector<512x128xi1>, vector<512x128xi32>
    %roll3A_4902 = arith.constant 510 : i32
    %roll3A_4903 = tpu.dynamic_rotate %select_n3A_4889 by %roll3A_4902 dim 0 : vector<512x128xi32>, i32 -> vector<512x128xi32>
    %roll3A_4904 = arith.constant 2 : i32
    %roll3A_4905 = tpu.dynamic_rotate %select_n3A_4889 by %roll3A_4904 dim 0 : vector<512x128xi32>, i32 -> vector<512x128xi32>
    %iota3A_4906 = tpu.iota {dimensions = array<i32: 0>} : vector<512x128xi32>
    %and3A_4907 = arith.constant 2 : i32
    %and3A_4908 = vector.broadcast %and3A_4907 : i32 to vector<512x128xi32>
    %and3A_4909 = arith.andi %iota3A_4906, %and3A_4908 : vector<512x128xi32>
    %ne3A_4910 = arith.constant 0 : i32
    %ne3A_4911 = vector.broadcast %ne3A_4910 : i32 to vector<512x128xi32>
    %ne3A_4912 = arith.cmpi ne, %and3A_4909, %ne3A_4911 : vector<512x128xi32>
    %select_n3A_4913 = arith.select %ne3A_4912, %roll3A_4905, %roll3A_4903 : vector<512x128xi1>, vector<512x128xi32>
    %and3A_4914 = arith.constant 65535 : i32
    %and3A_4915 = vector.broadcast %and3A_4914 : i32 to vector<512x128xi32>
    %and3A_4916 = arith.andi %select_n3A_4889, %and3A_4915 : vector<512x128xi32>
    %and3A_4917 = arith.constant 65535 : i32
    %and3A_4918 = vector.broadcast %and3A_4917 : i32 to vector<512x128xi32>
    %and3A_4919 = arith.andi %select_n3A_4913, %and3A_4918 : vector<512x128xi32>
    %gt3A_4920 = arith.cmpi sgt, %select_n3A_4888, %select_n3A_4901 : vector<512x128xi32>
    %eq3A_4921 = arith.cmpi eq, %select_n3A_4888, %select_n3A_4901 : vector<512x128xi32>
    %gt3A_4922 = arith.cmpi sgt, %and3A_4916, %and3A_4919 : vector<512x128xi32>
    %and3A_4923 = arith.andi %eq3A_4921, %gt3A_4922 : vector<512x128xi1>
    %or3A_4924 = arith.ori %gt3A_4920, %and3A_4923 : vector<512x128xi1>
    %and3A_4925 = arith.constant 2 : i32
    %and3A_4926 = vector.broadcast %and3A_4925 : i32 to vector<512x128xi32>
    %and3A_4927 = arith.andi %iota3A, %and3A_4926 : vector<512x128xi32>
    %ne3A_4928 = arith.constant 0 : i32
    %ne3A_4929 = vector.broadcast %ne3A_4928 : i32 to vector<512x128xi32>
    %ne3A_4930 = arith.cmpi ne, %and3A_4927, %ne3A_4929 : vector<512x128xi32>
    %eq3A_4931 = arith.xori %ne3A_4930, %eq3A_4362 : vector<512x128xi1>
    %eq3A_4932 = arith.constant dense<true> : vector<512x128xi1>
    %eq3A_4933 = arith.xori %eq3A_4931, %eq3A_4932 : vector<512x128xi1>
    %xor3A_4934 = arith.xori %or3A_4924, %eq3A_4933 : vector<512x128xi1>
    %select_n3A_4935 = arith.select %xor3A_4934, %select_n3A_4901, %select_n3A_4888 : vector<512x128xi1>, vector<512x128xi32>
    %select_n3A_4936 = arith.select %xor3A_4934, %select_n3A_4913, %select_n3A_4889 : vector<512x128xi1>, vector<512x128xi32>
    %roll3A_4937 = arith.constant 511 : i32
    %roll3A_4938 = tpu.dynamic_rotate %select_n3A_4935 by %roll3A_4937 dim 0 : vector<512x128xi32>, i32 -> vector<512x128xi32>
    %roll3A_4939 = arith.constant 1 : i32
    %roll3A_4940 = tpu.dynamic_rotate %select_n3A_4935 by %roll3A_4939 dim 0 : vector<512x128xi32>, i32 -> vector<512x128xi32>
    %iota3A_4941 = tpu.iota {dimensions = array<i32: 0>} : vector<512x128xi32>
    %and3A_4942 = arith.constant 1 : i32
    %and3A_4943 = vector.broadcast %and3A_4942 : i32 to vector<512x128xi32>
    %and3A_4944 = arith.andi %iota3A_4941, %and3A_4943 : vector<512x128xi32>
    %ne3A_4945 = arith.constant 0 : i32
    %ne3A_4946 = vector.broadcast %ne3A_4945 : i32 to vector<512x128xi32>
    %ne3A_4947 = arith.cmpi ne, %and3A_4944, %ne3A_4946 : vector<512x128xi32>
    %select_n3A_4948 = arith.select %ne3A_4947, %roll3A_4940, %roll3A_4938 : vector<512x128xi1>, vector<512x128xi32>
    %roll3A_4949 = arith.constant 511 : i32
    %roll3A_4950 = tpu.dynamic_rotate %select_n3A_4936 by %roll3A_4949 dim 0 : vector<512x128xi32>, i32 -> vector<512x128xi32>
    %roll3A_4951 = arith.constant 1 : i32
    %roll3A_4952 = tpu.dynamic_rotate %select_n3A_4936 by %roll3A_4951 dim 0 : vector<512x128xi32>, i32 -> vector<512x128xi32>
    %iota3A_4953 = tpu.iota {dimensions = array<i32: 0>} : vector<512x128xi32>
    %and3A_4954 = arith.constant 1 : i32
    %and3A_4955 = vector.broadcast %and3A_4954 : i32 to vector<512x128xi32>
    %and3A_4956 = arith.andi %iota3A_4953, %and3A_4955 : vector<512x128xi32>
    %ne3A_4957 = arith.constant 0 : i32
    %ne3A_4958 = vector.broadcast %ne3A_4957 : i32 to vector<512x128xi32>
    %ne3A_4959 = arith.cmpi ne, %and3A_4956, %ne3A_4958 : vector<512x128xi32>
    %select_n3A_4960 = arith.select %ne3A_4959, %roll3A_4952, %roll3A_4950 : vector<512x128xi1>, vector<512x128xi32>
    %and3A_4961 = arith.constant 65535 : i32
    %and3A_4962 = vector.broadcast %and3A_4961 : i32 to vector<512x128xi32>
    %and3A_4963 = arith.andi %select_n3A_4936, %and3A_4962 : vector<512x128xi32>
    %and3A_4964 = arith.constant 65535 : i32
    %and3A_4965 = vector.broadcast %and3A_4964 : i32 to vector<512x128xi32>
    %and3A_4966 = arith.andi %select_n3A_4960, %and3A_4965 : vector<512x128xi32>
    %gt3A_4967 = arith.cmpi sgt, %select_n3A_4935, %select_n3A_4948 : vector<512x128xi32>
    %eq3A_4968 = arith.cmpi eq, %select_n3A_4935, %select_n3A_4948 : vector<512x128xi32>
    %gt3A_4969 = arith.cmpi sgt, %and3A_4963, %and3A_4966 : vector<512x128xi32>
    %and3A_4970 = arith.andi %eq3A_4968, %gt3A_4969 : vector<512x128xi1>
    %or3A_4971 = arith.ori %gt3A_4967, %and3A_4970 : vector<512x128xi1>
    %and3A_4972 = arith.constant 1 : i32
    %and3A_4973 = vector.broadcast %and3A_4972 : i32 to vector<512x128xi32>
    %and3A_4974 = arith.andi %iota3A, %and3A_4973 : vector<512x128xi32>
    %ne3A_4975 = arith.constant 0 : i32
    %ne3A_4976 = vector.broadcast %ne3A_4975 : i32 to vector<512x128xi32>
    %ne3A_4977 = arith.cmpi ne, %and3A_4974, %ne3A_4976 : vector<512x128xi32>
    %eq3A_4978 = arith.xori %ne3A_4977, %eq3A_4362 : vector<512x128xi1>
    %eq3A_4979 = arith.constant dense<true> : vector<512x128xi1>
    %eq3A_4980 = arith.xori %eq3A_4978, %eq3A_4979 : vector<512x128xi1>
    %xor3A_4981 = arith.xori %or3A_4971, %eq3A_4980 : vector<512x128xi1>
    %select_n3A_4982 = arith.select %xor3A_4981, %select_n3A_4948, %select_n3A_4935 : vector<512x128xi1>, vector<512x128xi32>
    %select_n3A_4983 = arith.select %xor3A_4981, %select_n3A_4960, %select_n3A_4936 : vector<512x128xi1>, vector<512x128xi32>
    %shift_right_arithmetic3A_4984 = arith.constant 16 : i32
    %shift_right_arithmetic3A_4985 = vector.broadcast %shift_right_arithmetic3A_4984 : i32 to vector<512x128xi32>
    %shift_right_arithmetic3A_4986 = arith.shrsi %add3A_6, %shift_right_arithmetic3A_4985 : vector<512x128xi32>
    %and3A_4987 = arith.constant 1 : i32
    %and3A_4988 = vector.broadcast %and3A_4987 : i32 to vector<512x128xi32>
    %and3A_4989 = arith.andi %shift_right_arithmetic3A_4986, %and3A_4988 : vector<512x128xi32>
    %eq3A_4990 = arith.constant 0 : i32
    %eq3A_4991 = vector.broadcast %eq3A_4990 : i32 to vector<512x128xi32>
    %eq3A_4992 = arith.cmpi eq, %and3A_4989, %eq3A_4991 : vector<512x128xi32>
    %roll3A_4993 = arith.constant 64 : i32
    %roll3A_4994 = tpu.dynamic_rotate %select_n3A_4982 by %roll3A_4993 dim 1 : vector<512x128xi32>, i32 -> vector<512x128xi32>
    %roll3A_4995 = arith.constant 64 : i32
    %roll3A_4996 = tpu.dynamic_rotate %select_n3A_4982 by %roll3A_4995 dim 1 : vector<512x128xi32>, i32 -> vector<512x128xi32>
    %iota3A_4997 = tpu.iota {dimensions = array<i32: 1>} : vector<512x128xi32>
    %and3A_4998 = arith.constant 64 : i32
    %and3A_4999 = vector.broadcast %and3A_4998 : i32 to vector<512x128xi32>
    %and3A_5000 = arith.andi %iota3A_4997, %and3A_4999 : vector<512x128xi32>
    %ne3A_5001 = arith.constant 0 : i32
    %ne3A_5002 = vector.broadcast %ne3A_5001 : i32 to vector<512x128xi32>
    %ne3A_5003 = arith.cmpi ne, %and3A_5000, %ne3A_5002 : vector<512x128xi32>
    %select_n3A_5004 = arith.select %ne3A_5003, %roll3A_4996, %roll3A_4994 : vector<512x128xi1>, vector<512x128xi32>
    %roll3A_5005 = arith.constant 64 : i32
    %roll3A_5006 = tpu.dynamic_rotate %select_n3A_4983 by %roll3A_5005 dim 1 : vector<512x128xi32>, i32 -> vector<512x128xi32>
    %roll3A_5007 = arith.constant 64 : i32
    %roll3A_5008 = tpu.dynamic_rotate %select_n3A_4983 by %roll3A_5007 dim 1 : vector<512x128xi32>, i32 -> vector<512x128xi32>
    %iota3A_5009 = tpu.iota {dimensions = array<i32: 1>} : vector<512x128xi32>
    %and3A_5010 = arith.constant 64 : i32
    %and3A_5011 = vector.broadcast %and3A_5010 : i32 to vector<512x128xi32>
    %and3A_5012 = arith.andi %iota3A_5009, %and3A_5011 : vector<512x128xi32>
    %ne3A_5013 = arith.constant 0 : i32
    %ne3A_5014 = vector.broadcast %ne3A_5013 : i32 to vector<512x128xi32>
    %ne3A_5015 = arith.cmpi ne, %and3A_5012, %ne3A_5014 : vector<512x128xi32>
    %select_n3A_5016 = arith.select %ne3A_5015, %roll3A_5008, %roll3A_5006 : vector<512x128xi1>, vector<512x128xi32>
    %and3A_5017 = arith.constant 65535 : i32
    %and3A_5018 = vector.broadcast %and3A_5017 : i32 to vector<512x128xi32>
    %and3A_5019 = arith.andi %select_n3A_4983, %and3A_5018 : vector<512x128xi32>
    %and3A_5020 = arith.constant 65535 : i32
    %and3A_5021 = vector.broadcast %and3A_5020 : i32 to vector<512x128xi32>
    %and3A_5022 = arith.andi %select_n3A_5016, %and3A_5021 : vector<512x128xi32>
    %gt3A_5023 = arith.cmpi sgt, %select_n3A_4982, %select_n3A_5004 : vector<512x128xi32>
    %eq3A_5024 = arith.cmpi eq, %select_n3A_4982, %select_n3A_5004 : vector<512x128xi32>
    %gt3A_5025 = arith.cmpi sgt, %and3A_5019, %and3A_5022 : vector<512x128xi32>
    %and3A_5026 = arith.andi %eq3A_5024, %gt3A_5025 : vector<512x128xi1>
    %or3A_5027 = arith.ori %gt3A_5023, %and3A_5026 : vector<512x128xi1>
    %and3A_5028 = arith.constant 64 : i32
    %and3A_5029 = vector.broadcast %and3A_5028 : i32 to vector<512x128xi32>
    %and3A_5030 = arith.andi %iota3A_0, %and3A_5029 : vector<512x128xi32>
    %ne3A_5031 = arith.constant 0 : i32
    %ne3A_5032 = vector.broadcast %ne3A_5031 : i32 to vector<512x128xi32>
    %ne3A_5033 = arith.cmpi ne, %and3A_5030, %ne3A_5032 : vector<512x128xi32>
    %eq3A_5034 = arith.xori %ne3A_5033, %eq3A_4992 : vector<512x128xi1>
    %eq3A_5035 = arith.constant dense<true> : vector<512x128xi1>
    %eq3A_5036 = arith.xori %eq3A_5034, %eq3A_5035 : vector<512x128xi1>
    %xor3A_5037 = arith.xori %or3A_5027, %eq3A_5036 : vector<512x128xi1>
    %select_n3A_5038 = arith.select %xor3A_5037, %select_n3A_5004, %select_n3A_4982 : vector<512x128xi1>, vector<512x128xi32>
    %select_n3A_5039 = arith.select %xor3A_5037, %select_n3A_5016, %select_n3A_4983 : vector<512x128xi1>, vector<512x128xi32>
    %roll3A_5040 = arith.constant 96 : i32
    %roll3A_5041 = tpu.dynamic_rotate %select_n3A_5038 by %roll3A_5040 dim 1 : vector<512x128xi32>, i32 -> vector<512x128xi32>
    %roll3A_5042 = arith.constant 32 : i32
    %roll3A_5043 = tpu.dynamic_rotate %select_n3A_5038 by %roll3A_5042 dim 1 : vector<512x128xi32>, i32 -> vector<512x128xi32>
    %iota3A_5044 = tpu.iota {dimensions = array<i32: 1>} : vector<512x128xi32>
    %and3A_5045 = arith.constant 32 : i32
    %and3A_5046 = vector.broadcast %and3A_5045 : i32 to vector<512x128xi32>
    %and3A_5047 = arith.andi %iota3A_5044, %and3A_5046 : vector<512x128xi32>
    %ne3A_5048 = arith.constant 0 : i32
    %ne3A_5049 = vector.broadcast %ne3A_5048 : i32 to vector<512x128xi32>
    %ne3A_5050 = arith.cmpi ne, %and3A_5047, %ne3A_5049 : vector<512x128xi32>
    %select_n3A_5051 = arith.select %ne3A_5050, %roll3A_5043, %roll3A_5041 : vector<512x128xi1>, vector<512x128xi32>
    %roll3A_5052 = arith.constant 96 : i32
    %roll3A_5053 = tpu.dynamic_rotate %select_n3A_5039 by %roll3A_5052 dim 1 : vector<512x128xi32>, i32 -> vector<512x128xi32>
    %roll3A_5054 = arith.constant 32 : i32
    %roll3A_5055 = tpu.dynamic_rotate %select_n3A_5039 by %roll3A_5054 dim 1 : vector<512x128xi32>, i32 -> vector<512x128xi32>
    %iota3A_5056 = tpu.iota {dimensions = array<i32: 1>} : vector<512x128xi32>
    %and3A_5057 = arith.constant 32 : i32
    %and3A_5058 = vector.broadcast %and3A_5057 : i32 to vector<512x128xi32>
    %and3A_5059 = arith.andi %iota3A_5056, %and3A_5058 : vector<512x128xi32>
    %ne3A_5060 = arith.constant 0 : i32
    %ne3A_5061 = vector.broadcast %ne3A_5060 : i32 to vector<512x128xi32>
    %ne3A_5062 = arith.cmpi ne, %and3A_5059, %ne3A_5061 : vector<512x128xi32>
    %select_n3A_5063 = arith.select %ne3A_5062, %roll3A_5055, %roll3A_5053 : vector<512x128xi1>, vector<512x128xi32>
    %and3A_5064 = arith.constant 65535 : i32
    %and3A_5065 = vector.broadcast %and3A_5064 : i32 to vector<512x128xi32>
    %and3A_5066 = arith.andi %select_n3A_5039, %and3A_5065 : vector<512x128xi32>
    %and3A_5067 = arith.constant 65535 : i32
    %and3A_5068 = vector.broadcast %and3A_5067 : i32 to vector<512x128xi32>
    %and3A_5069 = arith.andi %select_n3A_5063, %and3A_5068 : vector<512x128xi32>
    %gt3A_5070 = arith.cmpi sgt, %select_n3A_5038, %select_n3A_5051 : vector<512x128xi32>
    %eq3A_5071 = arith.cmpi eq, %select_n3A_5038, %select_n3A_5051 : vector<512x128xi32>
    %gt3A_5072 = arith.cmpi sgt, %and3A_5066, %and3A_5069 : vector<512x128xi32>
    %and3A_5073 = arith.andi %eq3A_5071, %gt3A_5072 : vector<512x128xi1>
    %or3A_5074 = arith.ori %gt3A_5070, %and3A_5073 : vector<512x128xi1>
    %and3A_5075 = arith.constant 32 : i32
    %and3A_5076 = vector.broadcast %and3A_5075 : i32 to vector<512x128xi32>
    %and3A_5077 = arith.andi %iota3A_0, %and3A_5076 : vector<512x128xi32>
    %ne3A_5078 = arith.constant 0 : i32
    %ne3A_5079 = vector.broadcast %ne3A_5078 : i32 to vector<512x128xi32>
    %ne3A_5080 = arith.cmpi ne, %and3A_5077, %ne3A_5079 : vector<512x128xi32>
    %eq3A_5081 = arith.xori %ne3A_5080, %eq3A_4992 : vector<512x128xi1>
    %eq3A_5082 = arith.constant dense<true> : vector<512x128xi1>
    %eq3A_5083 = arith.xori %eq3A_5081, %eq3A_5082 : vector<512x128xi1>
    %xor3A_5084 = arith.xori %or3A_5074, %eq3A_5083 : vector<512x128xi1>
    %select_n3A_5085 = arith.select %xor3A_5084, %select_n3A_5051, %select_n3A_5038 : vector<512x128xi1>, vector<512x128xi32>
    %select_n3A_5086 = arith.select %xor3A_5084, %select_n3A_5063, %select_n3A_5039 : vector<512x128xi1>, vector<512x128xi32>
    %roll3A_5087 = arith.constant 112 : i32
    %roll3A_5088 = tpu.dynamic_rotate %select_n3A_5085 by %roll3A_5087 dim 1 : vector<512x128xi32>, i32 -> vector<512x128xi32>
    %roll3A_5089 = arith.constant 16 : i32
    %roll3A_5090 = tpu.dynamic_rotate %select_n3A_5085 by %roll3A_5089 dim 1 : vector<512x128xi32>, i32 -> vector<512x128xi32>
    %iota3A_5091 = tpu.iota {dimensions = array<i32: 1>} : vector<512x128xi32>
    %and3A_5092 = arith.constant 16 : i32
    %and3A_5093 = vector.broadcast %and3A_5092 : i32 to vector<512x128xi32>
    %and3A_5094 = arith.andi %iota3A_5091, %and3A_5093 : vector<512x128xi32>
    %ne3A_5095 = arith.constant 0 : i32
    %ne3A_5096 = vector.broadcast %ne3A_5095 : i32 to vector<512x128xi32>
    %ne3A_5097 = arith.cmpi ne, %and3A_5094, %ne3A_5096 : vector<512x128xi32>
    %select_n3A_5098 = arith.select %ne3A_5097, %roll3A_5090, %roll3A_5088 : vector<512x128xi1>, vector<512x128xi32>
    %roll3A_5099 = arith.constant 112 : i32
    %roll3A_5100 = tpu.dynamic_rotate %select_n3A_5086 by %roll3A_5099 dim 1 : vector<512x128xi32>, i32 -> vector<512x128xi32>
    %roll3A_5101 = arith.constant 16 : i32
    %roll3A_5102 = tpu.dynamic_rotate %select_n3A_5086 by %roll3A_5101 dim 1 : vector<512x128xi32>, i32 -> vector<512x128xi32>
    %iota3A_5103 = tpu.iota {dimensions = array<i32: 1>} : vector<512x128xi32>
    %and3A_5104 = arith.constant 16 : i32
    %and3A_5105 = vector.broadcast %and3A_5104 : i32 to vector<512x128xi32>
    %and3A_5106 = arith.andi %iota3A_5103, %and3A_5105 : vector<512x128xi32>
    %ne3A_5107 = arith.constant 0 : i32
    %ne3A_5108 = vector.broadcast %ne3A_5107 : i32 to vector<512x128xi32>
    %ne3A_5109 = arith.cmpi ne, %and3A_5106, %ne3A_5108 : vector<512x128xi32>
    %select_n3A_5110 = arith.select %ne3A_5109, %roll3A_5102, %roll3A_5100 : vector<512x128xi1>, vector<512x128xi32>
    %and3A_5111 = arith.constant 65535 : i32
    %and3A_5112 = vector.broadcast %and3A_5111 : i32 to vector<512x128xi32>
    %and3A_5113 = arith.andi %select_n3A_5086, %and3A_5112 : vector<512x128xi32>
    %and3A_5114 = arith.constant 65535 : i32
    %and3A_5115 = vector.broadcast %and3A_5114 : i32 to vector<512x128xi32>
    %and3A_5116 = arith.andi %select_n3A_5110, %and3A_5115 : vector<512x128xi32>
    %gt3A_5117 = arith.cmpi sgt, %select_n3A_5085, %select_n3A_5098 : vector<512x128xi32>
    %eq3A_5118 = arith.cmpi eq, %select_n3A_5085, %select_n3A_5098 : vector<512x128xi32>
    %gt3A_5119 = arith.cmpi sgt, %and3A_5113, %and3A_5116 : vector<512x128xi32>
    %and3A_5120 = arith.andi %eq3A_5118, %gt3A_5119 : vector<512x128xi1>
    %or3A_5121 = arith.ori %gt3A_5117, %and3A_5120 : vector<512x128xi1>
    %and3A_5122 = arith.constant 16 : i32
    %and3A_5123 = vector.broadcast %and3A_5122 : i32 to vector<512x128xi32>
    %and3A_5124 = arith.andi %iota3A_0, %and3A_5123 : vector<512x128xi32>
    %ne3A_5125 = arith.constant 0 : i32
    %ne3A_5126 = vector.broadcast %ne3A_5125 : i32 to vector<512x128xi32>
    %ne3A_5127 = arith.cmpi ne, %and3A_5124, %ne3A_5126 : vector<512x128xi32>
    %eq3A_5128 = arith.xori %ne3A_5127, %eq3A_4992 : vector<512x128xi1>
    %eq3A_5129 = arith.constant dense<true> : vector<512x128xi1>
    %eq3A_5130 = arith.xori %eq3A_5128, %eq3A_5129 : vector<512x128xi1>
    %xor3A_5131 = arith.xori %or3A_5121, %eq3A_5130 : vector<512x128xi1>
    %select_n3A_5132 = arith.select %xor3A_5131, %select_n3A_5098, %select_n3A_5085 : vector<512x128xi1>, vector<512x128xi32>
    %select_n3A_5133 = arith.select %xor3A_5131, %select_n3A_5110, %select_n3A_5086 : vector<512x128xi1>, vector<512x128xi32>
    %roll3A_5134 = arith.constant 120 : i32
    %roll3A_5135 = tpu.dynamic_rotate %select_n3A_5132 by %roll3A_5134 dim 1 : vector<512x128xi32>, i32 -> vector<512x128xi32>
    %roll3A_5136 = arith.constant 8 : i32
    %roll3A_5137 = tpu.dynamic_rotate %select_n3A_5132 by %roll3A_5136 dim 1 : vector<512x128xi32>, i32 -> vector<512x128xi32>
    %iota3A_5138 = tpu.iota {dimensions = array<i32: 1>} : vector<512x128xi32>
    %and3A_5139 = arith.constant 8 : i32
    %and3A_5140 = vector.broadcast %and3A_5139 : i32 to vector<512x128xi32>
    %and3A_5141 = arith.andi %iota3A_5138, %and3A_5140 : vector<512x128xi32>
    %ne3A_5142 = arith.constant 0 : i32
    %ne3A_5143 = vector.broadcast %ne3A_5142 : i32 to vector<512x128xi32>
    %ne3A_5144 = arith.cmpi ne, %and3A_5141, %ne3A_5143 : vector<512x128xi32>
    %select_n3A_5145 = arith.select %ne3A_5144, %roll3A_5137, %roll3A_5135 : vector<512x128xi1>, vector<512x128xi32>
    %roll3A_5146 = arith.constant 120 : i32
    %roll3A_5147 = tpu.dynamic_rotate %select_n3A_5133 by %roll3A_5146 dim 1 : vector<512x128xi32>, i32 -> vector<512x128xi32>
    %roll3A_5148 = arith.constant 8 : i32
    %roll3A_5149 = tpu.dynamic_rotate %select_n3A_5133 by %roll3A_5148 dim 1 : vector<512x128xi32>, i32 -> vector<512x128xi32>
    %iota3A_5150 = tpu.iota {dimensions = array<i32: 1>} : vector<512x128xi32>
    %and3A_5151 = arith.constant 8 : i32
    %and3A_5152 = vector.broadcast %and3A_5151 : i32 to vector<512x128xi32>
    %and3A_5153 = arith.andi %iota3A_5150, %and3A_5152 : vector<512x128xi32>
    %ne3A_5154 = arith.constant 0 : i32
    %ne3A_5155 = vector.broadcast %ne3A_5154 : i32 to vector<512x128xi32>
    %ne3A_5156 = arith.cmpi ne, %and3A_5153, %ne3A_5155 : vector<512x128xi32>
    %select_n3A_5157 = arith.select %ne3A_5156, %roll3A_5149, %roll3A_5147 : vector<512x128xi1>, vector<512x128xi32>
    %and3A_5158 = arith.constant 65535 : i32
    %and3A_5159 = vector.broadcast %and3A_5158 : i32 to vector<512x128xi32>
    %and3A_5160 = arith.andi %select_n3A_5133, %and3A_5159 : vector<512x128xi32>
    %and3A_5161 = arith.constant 65535 : i32
    %and3A_5162 = vector.broadcast %and3A_5161 : i32 to vector<512x128xi32>
    %and3A_5163 = arith.andi %select_n3A_5157, %and3A_5162 : vector<512x128xi32>
    %gt3A_5164 = arith.cmpi sgt, %select_n3A_5132, %select_n3A_5145 : vector<512x128xi32>
    %eq3A_5165 = arith.cmpi eq, %select_n3A_5132, %select_n3A_5145 : vector<512x128xi32>
    %gt3A_5166 = arith.cmpi sgt, %and3A_5160, %and3A_5163 : vector<512x128xi32>
    %and3A_5167 = arith.andi %eq3A_5165, %gt3A_5166 : vector<512x128xi1>
    %or3A_5168 = arith.ori %gt3A_5164, %and3A_5167 : vector<512x128xi1>
    %and3A_5169 = arith.constant 8 : i32
    %and3A_5170 = vector.broadcast %and3A_5169 : i32 to vector<512x128xi32>
    %and3A_5171 = arith.andi %iota3A_0, %and3A_5170 : vector<512x128xi32>
    %ne3A_5172 = arith.constant 0 : i32
    %ne3A_5173 = vector.broadcast %ne3A_5172 : i32 to vector<512x128xi32>
    %ne3A_5174 = arith.cmpi ne, %and3A_5171, %ne3A_5173 : vector<512x128xi32>
    %eq3A_5175 = arith.xori %ne3A_5174, %eq3A_4992 : vector<512x128xi1>
    %eq3A_5176 = arith.constant dense<true> : vector<512x128xi1>
    %eq3A_5177 = arith.xori %eq3A_5175, %eq3A_5176 : vector<512x128xi1>
    %xor3A_5178 = arith.xori %or3A_5168, %eq3A_5177 : vector<512x128xi1>
    %select_n3A_5179 = arith.select %xor3A_5178, %select_n3A_5145, %select_n3A_5132 : vector<512x128xi1>, vector<512x128xi32>
    %select_n3A_5180 = arith.select %xor3A_5178, %select_n3A_5157, %select_n3A_5133 : vector<512x128xi1>, vector<512x128xi32>
    %roll3A_5181 = arith.constant 124 : i32
    %roll3A_5182 = tpu.dynamic_rotate %select_n3A_5179 by %roll3A_5181 dim 1 : vector<512x128xi32>, i32 -> vector<512x128xi32>
    %roll3A_5183 = arith.constant 4 : i32
    %roll3A_5184 = tpu.dynamic_rotate %select_n3A_5179 by %roll3A_5183 dim 1 : vector<512x128xi32>, i32 -> vector<512x128xi32>
    %iota3A_5185 = tpu.iota {dimensions = array<i32: 1>} : vector<512x128xi32>
    %and3A_5186 = arith.constant 4 : i32
    %and3A_5187 = vector.broadcast %and3A_5186 : i32 to vector<512x128xi32>
    %and3A_5188 = arith.andi %iota3A_5185, %and3A_5187 : vector<512x128xi32>
    %ne3A_5189 = arith.constant 0 : i32
    %ne3A_5190 = vector.broadcast %ne3A_5189 : i32 to vector<512x128xi32>
    %ne3A_5191 = arith.cmpi ne, %and3A_5188, %ne3A_5190 : vector<512x128xi32>
    %select_n3A_5192 = arith.select %ne3A_5191, %roll3A_5184, %roll3A_5182 : vector<512x128xi1>, vector<512x128xi32>
    %roll3A_5193 = arith.constant 124 : i32
    %roll3A_5194 = tpu.dynamic_rotate %select_n3A_5180 by %roll3A_5193 dim 1 : vector<512x128xi32>, i32 -> vector<512x128xi32>
    %roll3A_5195 = arith.constant 4 : i32
    %roll3A_5196 = tpu.dynamic_rotate %select_n3A_5180 by %roll3A_5195 dim 1 : vector<512x128xi32>, i32 -> vector<512x128xi32>
    %iota3A_5197 = tpu.iota {dimensions = array<i32: 1>} : vector<512x128xi32>
    %and3A_5198 = arith.constant 4 : i32
    %and3A_5199 = vector.broadcast %and3A_5198 : i32 to vector<512x128xi32>
    %and3A_5200 = arith.andi %iota3A_5197, %and3A_5199 : vector<512x128xi32>
    %ne3A_5201 = arith.constant 0 : i32
    %ne3A_5202 = vector.broadcast %ne3A_5201 : i32 to vector<512x128xi32>
    %ne3A_5203 = arith.cmpi ne, %and3A_5200, %ne3A_5202 : vector<512x128xi32>
    %select_n3A_5204 = arith.select %ne3A_5203, %roll3A_5196, %roll3A_5194 : vector<512x128xi1>, vector<512x128xi32>
    %and3A_5205 = arith.constant 65535 : i32
    %and3A_5206 = vector.broadcast %and3A_5205 : i32 to vector<512x128xi32>
    %and3A_5207 = arith.andi %select_n3A_5180, %and3A_5206 : vector<512x128xi32>
    %and3A_5208 = arith.constant 65535 : i32
    %and3A_5209 = vector.broadcast %and3A_5208 : i32 to vector<512x128xi32>
    %and3A_5210 = arith.andi %select_n3A_5204, %and3A_5209 : vector<512x128xi32>
    %gt3A_5211 = arith.cmpi sgt, %select_n3A_5179, %select_n3A_5192 : vector<512x128xi32>
    %eq3A_5212 = arith.cmpi eq, %select_n3A_5179, %select_n3A_5192 : vector<512x128xi32>
    %gt3A_5213 = arith.cmpi sgt, %and3A_5207, %and3A_5210 : vector<512x128xi32>
    %and3A_5214 = arith.andi %eq3A_5212, %gt3A_5213 : vector<512x128xi1>
    %or3A_5215 = arith.ori %gt3A_5211, %and3A_5214 : vector<512x128xi1>
    %and3A_5216 = arith.constant 4 : i32
    %and3A_5217 = vector.broadcast %and3A_5216 : i32 to vector<512x128xi32>
    %and3A_5218 = arith.andi %iota3A_0, %and3A_5217 : vector<512x128xi32>
    %ne3A_5219 = arith.constant 0 : i32
    %ne3A_5220 = vector.broadcast %ne3A_5219 : i32 to vector<512x128xi32>
    %ne3A_5221 = arith.cmpi ne, %and3A_5218, %ne3A_5220 : vector<512x128xi32>
    %eq3A_5222 = arith.xori %ne3A_5221, %eq3A_4992 : vector<512x128xi1>
    %eq3A_5223 = arith.constant dense<true> : vector<512x128xi1>
    %eq3A_5224 = arith.xori %eq3A_5222, %eq3A_5223 : vector<512x128xi1>
    %xor3A_5225 = arith.xori %or3A_5215, %eq3A_5224 : vector<512x128xi1>
    %select_n3A_5226 = arith.select %xor3A_5225, %select_n3A_5192, %select_n3A_5179 : vector<512x128xi1>, vector<512x128xi32>
    %select_n3A_5227 = arith.select %xor3A_5225, %select_n3A_5204, %select_n3A_5180 : vector<512x128xi1>, vector<512x128xi32>
    %roll3A_5228 = arith.constant 126 : i32
    %roll3A_5229 = tpu.dynamic_rotate %select_n3A_5226 by %roll3A_5228 dim 1 : vector<512x128xi32>, i32 -> vector<512x128xi32>
    %roll3A_5230 = arith.constant 2 : i32
    %roll3A_5231 = tpu.dynamic_rotate %select_n3A_5226 by %roll3A_5230 dim 1 : vector<512x128xi32>, i32 -> vector<512x128xi32>
    %iota3A_5232 = tpu.iota {dimensions = array<i32: 1>} : vector<512x128xi32>
    %and3A_5233 = arith.constant 2 : i32
    %and3A_5234 = vector.broadcast %and3A_5233 : i32 to vector<512x128xi32>
    %and3A_5235 = arith.andi %iota3A_5232, %and3A_5234 : vector<512x128xi32>
    %ne3A_5236 = arith.constant 0 : i32
    %ne3A_5237 = vector.broadcast %ne3A_5236 : i32 to vector<512x128xi32>
    %ne3A_5238 = arith.cmpi ne, %and3A_5235, %ne3A_5237 : vector<512x128xi32>
    %select_n3A_5239 = arith.select %ne3A_5238, %roll3A_5231, %roll3A_5229 : vector<512x128xi1>, vector<512x128xi32>
    %roll3A_5240 = arith.constant 126 : i32
    %roll3A_5241 = tpu.dynamic_rotate %select_n3A_5227 by %roll3A_5240 dim 1 : vector<512x128xi32>, i32 -> vector<512x128xi32>
    %roll3A_5242 = arith.constant 2 : i32
    %roll3A_5243 = tpu.dynamic_rotate %select_n3A_5227 by %roll3A_5242 dim 1 : vector<512x128xi32>, i32 -> vector<512x128xi32>
    %iota3A_5244 = tpu.iota {dimensions = array<i32: 1>} : vector<512x128xi32>
    %and3A_5245 = arith.constant 2 : i32
    %and3A_5246 = vector.broadcast %and3A_5245 : i32 to vector<512x128xi32>
    %and3A_5247 = arith.andi %iota3A_5244, %and3A_5246 : vector<512x128xi32>
    %ne3A_5248 = arith.constant 0 : i32
    %ne3A_5249 = vector.broadcast %ne3A_5248 : i32 to vector<512x128xi32>
    %ne3A_5250 = arith.cmpi ne, %and3A_5247, %ne3A_5249 : vector<512x128xi32>
    %select_n3A_5251 = arith.select %ne3A_5250, %roll3A_5243, %roll3A_5241 : vector<512x128xi1>, vector<512x128xi32>
    %and3A_5252 = arith.constant 65535 : i32
    %and3A_5253 = vector.broadcast %and3A_5252 : i32 to vector<512x128xi32>
    %and3A_5254 = arith.andi %select_n3A_5227, %and3A_5253 : vector<512x128xi32>
    %and3A_5255 = arith.constant 65535 : i32
    %and3A_5256 = vector.broadcast %and3A_5255 : i32 to vector<512x128xi32>
    %and3A_5257 = arith.andi %select_n3A_5251, %and3A_5256 : vector<512x128xi32>
    %gt3A_5258 = arith.cmpi sgt, %select_n3A_5226, %select_n3A_5239 : vector<512x128xi32>
    %eq3A_5259 = arith.cmpi eq, %select_n3A_5226, %select_n3A_5239 : vector<512x128xi32>
    %gt3A_5260 = arith.cmpi sgt, %and3A_5254, %and3A_5257 : vector<512x128xi32>
    %and3A_5261 = arith.andi %eq3A_5259, %gt3A_5260 : vector<512x128xi1>
    %or3A_5262 = arith.ori %gt3A_5258, %and3A_5261 : vector<512x128xi1>
    %and3A_5263 = arith.constant 2 : i32
    %and3A_5264 = vector.broadcast %and3A_5263 : i32 to vector<512x128xi32>
    %and3A_5265 = arith.andi %iota3A_0, %and3A_5264 : vector<512x128xi32>
    %ne3A_5266 = arith.constant 0 : i32
    %ne3A_5267 = vector.broadcast %ne3A_5266 : i32 to vector<512x128xi32>
    %ne3A_5268 = arith.cmpi ne, %and3A_5265, %ne3A_5267 : vector<512x128xi32>
    %eq3A_5269 = arith.xori %ne3A_5268, %eq3A_4992 : vector<512x128xi1>
    %eq3A_5270 = arith.constant dense<true> : vector<512x128xi1>
    %eq3A_5271 = arith.xori %eq3A_5269, %eq3A_5270 : vector<512x128xi1>
    %xor3A_5272 = arith.xori %or3A_5262, %eq3A_5271 : vector<512x128xi1>
    %select_n3A_5273 = arith.select %xor3A_5272, %select_n3A_5239, %select_n3A_5226 : vector<512x128xi1>, vector<512x128xi32>
    %select_n3A_5274 = arith.select %xor3A_5272, %select_n3A_5251, %select_n3A_5227 : vector<512x128xi1>, vector<512x128xi32>
    %roll3A_5275 = arith.constant 127 : i32
    %roll3A_5276 = tpu.dynamic_rotate %select_n3A_5273 by %roll3A_5275 dim 1 : vector<512x128xi32>, i32 -> vector<512x128xi32>
    %roll3A_5277 = arith.constant 1 : i32
    %roll3A_5278 = tpu.dynamic_rotate %select_n3A_5273 by %roll3A_5277 dim 1 : vector<512x128xi32>, i32 -> vector<512x128xi32>
    %iota3A_5279 = tpu.iota {dimensions = array<i32: 1>} : vector<512x128xi32>
    %and3A_5280 = arith.constant 1 : i32
    %and3A_5281 = vector.broadcast %and3A_5280 : i32 to vector<512x128xi32>
    %and3A_5282 = arith.andi %iota3A_5279, %and3A_5281 : vector<512x128xi32>
    %ne3A_5283 = arith.constant 0 : i32
    %ne3A_5284 = vector.broadcast %ne3A_5283 : i32 to vector<512x128xi32>
    %ne3A_5285 = arith.cmpi ne, %and3A_5282, %ne3A_5284 : vector<512x128xi32>
    %select_n3A_5286 = arith.select %ne3A_5285, %roll3A_5278, %roll3A_5276 : vector<512x128xi1>, vector<512x128xi32>
    %roll3A_5287 = arith.constant 127 : i32
    %roll3A_5288 = tpu.dynamic_rotate %select_n3A_5274 by %roll3A_5287 dim 1 : vector<512x128xi32>, i32 -> vector<512x128xi32>
    %roll3A_5289 = arith.constant 1 : i32
    %roll3A_5290 = tpu.dynamic_rotate %select_n3A_5274 by %roll3A_5289 dim 1 : vector<512x128xi32>, i32 -> vector<512x128xi32>
    %iota3A_5291 = tpu.iota {dimensions = array<i32: 1>} : vector<512x128xi32>
    %and3A_5292 = arith.constant 1 : i32
    %and3A_5293 = vector.broadcast %and3A_5292 : i32 to vector<512x128xi32>
    %and3A_5294 = arith.andi %iota3A_5291, %and3A_5293 : vector<512x128xi32>
    %ne3A_5295 = arith.constant 0 : i32
    %ne3A_5296 = vector.broadcast %ne3A_5295 : i32 to vector<512x128xi32>
    %ne3A_5297 = arith.cmpi ne, %and3A_5294, %ne3A_5296 : vector<512x128xi32>
    %select_n3A_5298 = arith.select %ne3A_5297, %roll3A_5290, %roll3A_5288 : vector<512x128xi1>, vector<512x128xi32>
    %and3A_5299 = arith.constant 65535 : i32
    %and3A_5300 = vector.broadcast %and3A_5299 : i32 to vector<512x128xi32>
    %and3A_5301 = arith.andi %select_n3A_5274, %and3A_5300 : vector<512x128xi32>
    %and3A_5302 = arith.constant 65535 : i32
    %and3A_5303 = vector.broadcast %and3A_5302 : i32 to vector<512x128xi32>
    %and3A_5304 = arith.andi %select_n3A_5298, %and3A_5303 : vector<512x128xi32>
    %gt3A_5305 = arith.cmpi sgt, %select_n3A_5273, %select_n3A_5286 : vector<512x128xi32>
    %eq3A_5306 = arith.cmpi eq, %select_n3A_5273, %select_n3A_5286 : vector<512x128xi32>
    %gt3A_5307 = arith.cmpi sgt, %and3A_5301, %and3A_5304 : vector<512x128xi32>
    %and3A_5308 = arith.andi %eq3A_5306, %gt3A_5307 : vector<512x128xi1>
    %or3A_5309 = arith.ori %gt3A_5305, %and3A_5308 : vector<512x128xi1>
    %and3A_5310 = arith.constant 1 : i32
    %and3A_5311 = vector.broadcast %and3A_5310 : i32 to vector<512x128xi32>
    %and3A_5312 = arith.andi %iota3A_0, %and3A_5311 : vector<512x128xi32>
    %ne3A_5313 = arith.constant 0 : i32
    %ne3A_5314 = vector.broadcast %ne3A_5313 : i32 to vector<512x128xi32>
    %ne3A_5315 = arith.cmpi ne, %and3A_5312, %ne3A_5314 : vector<512x128xi32>
    %eq3A_5316 = arith.xori %ne3A_5315, %eq3A_4992 : vector<512x128xi1>
    %eq3A_5317 = arith.constant dense<true> : vector<512x128xi1>
    %eq3A_5318 = arith.xori %eq3A_5316, %eq3A_5317 : vector<512x128xi1>
    %xor3A_5319 = arith.xori %or3A_5309, %eq3A_5318 : vector<512x128xi1>
    %select_n3A_5320 = arith.select %xor3A_5319, %select_n3A_5286, %select_n3A_5273 : vector<512x128xi1>, vector<512x128xi32>
    %select_n3A_5321 = arith.select %xor3A_5319, %select_n3A_5298, %select_n3A_5274 : vector<512x128xi1>, vector<512x128xi32>
    %reshape3A_5322 = vector.shape_cast %select_n3A_5320 : vector<512x128xi32> to vector<1x2x256x128xi32>
    %slice3A_5323 = vector.extract_strided_slice %reshape3A_5322 {offsets = [0, 1, 0, 0], sizes = [1, 1, 256, 128], strides = [1, 1, 1, 1]} : vector<1x2x256x128xi32> to vector<1x1x256x128xi32>
    %slice3A_5324 = vector.extract_strided_slice %reshape3A_5322 {offsets = [0, 0, 0, 0], sizes = [1, 1, 256, 128], strides = [1, 1, 1, 1]} : vector<1x2x256x128xi32> to vector<1x1x256x128xi32>
    %concatenate3A_5325 = tpu.concatenate %slice3A_5323, %slice3A_5324 in 1 : vector<1x1x256x128xi32>, vector<1x1x256x128xi32> -> vector<1x2x256x128xi32>
    %reshape3A_5326 = vector.shape_cast %concatenate3A_5325 : vector<1x2x256x128xi32> to vector<512x128xi32>
    %reshape3A_5327 = vector.shape_cast %select_n3A_5321 : vector<512x128xi32> to vector<1x2x256x128xi32>
    %slice3A_5328 = vector.extract_strided_slice %reshape3A_5327 {offsets = [0, 1, 0, 0], sizes = [1, 1, 256, 128], strides = [1, 1, 1, 1]} : vector<1x2x256x128xi32> to vector<1x1x256x128xi32>
    %slice3A_5329 = vector.extract_strided_slice %reshape3A_5327 {offsets = [0, 0, 0, 0], sizes = [1, 1, 256, 128], strides = [1, 1, 1, 1]} : vector<1x2x256x128xi32> to vector<1x1x256x128xi32>
    %concatenate3A_5330 = tpu.concatenate %slice3A_5328, %slice3A_5329 in 1 : vector<1x1x256x128xi32>, vector<1x1x256x128xi32> -> vector<1x2x256x128xi32>
    %reshape3A_5331 = vector.shape_cast %concatenate3A_5330 : vector<1x2x256x128xi32> to vector<512x128xi32>
    %and3A_5332 = arith.constant 65535 : i32
    %and3A_5333 = vector.broadcast %and3A_5332 : i32 to vector<512x128xi32>
    %and3A_5334 = arith.andi %select_n3A_5321, %and3A_5333 : vector<512x128xi32>
    %and3A_5335 = arith.constant 65535 : i32
    %and3A_5336 = vector.broadcast %and3A_5335 : i32 to vector<512x128xi32>
    %and3A_5337 = arith.andi %reshape3A_5331, %and3A_5336 : vector<512x128xi32>
    %gt3A_5338 = arith.cmpi sgt, %select_n3A_5320, %reshape3A_5326 : vector<512x128xi32>
    %eq3A_5339 = arith.cmpi eq, %select_n3A_5320, %reshape3A_5326 : vector<512x128xi32>
    %gt3A_5340 = arith.cmpi sgt, %and3A_5334, %and3A_5337 : vector<512x128xi32>
    %and3A_5341 = arith.andi %eq3A_5339, %gt3A_5340 : vector<512x128xi1>
    %or3A_5342 = arith.ori %gt3A_5338, %and3A_5341 : vector<512x128xi1>
    %and3A_5343 = arith.constant 256 : i32
    %and3A_5344 = vector.broadcast %and3A_5343 : i32 to vector<512x128xi32>
    %and3A_5345 = arith.andi %iota3A, %and3A_5344 : vector<512x128xi32>
    %ne3A_5346 = arith.constant 0 : i32
    %ne3A_5347 = vector.broadcast %ne3A_5346 : i32 to vector<512x128xi32>
    %ne3A_5348 = arith.cmpi ne, %and3A_5345, %ne3A_5347 : vector<512x128xi32>
    %eq3A_5349 = arith.xori %ne3A_5348, %eq3A_4992 : vector<512x128xi1>
    %eq3A_5350 = arith.constant dense<true> : vector<512x128xi1>
    %eq3A_5351 = arith.xori %eq3A_5349, %eq3A_5350 : vector<512x128xi1>
    %xor3A_5352 = arith.xori %or3A_5342, %eq3A_5351 : vector<512x128xi1>
    %select_n3A_5353 = arith.select %xor3A_5352, %reshape3A_5326, %select_n3A_5320 : vector<512x128xi1>, vector<512x128xi32>
    %select_n3A_5354 = arith.select %xor3A_5352, %reshape3A_5331, %select_n3A_5321 : vector<512x128xi1>, vector<512x128xi32>
    %reshape3A_5355 = vector.shape_cast %select_n3A_5353 : vector<512x128xi32> to vector<2x2x128x128xi32>
    %slice3A_5356 = vector.extract_strided_slice %reshape3A_5355 {offsets = [0, 1, 0, 0], sizes = [2, 1, 128, 128], strides = [1, 1, 1, 1]} : vector<2x2x128x128xi32> to vector<2x1x128x128xi32>
    %slice3A_5357 = vector.extract_strided_slice %reshape3A_5355 {offsets = [0, 0, 0, 0], sizes = [2, 1, 128, 128], strides = [1, 1, 1, 1]} : vector<2x2x128x128xi32> to vector<2x1x128x128xi32>
    %concatenate3A_5358 = tpu.concatenate %slice3A_5356, %slice3A_5357 in 1 : vector<2x1x128x128xi32>, vector<2x1x128x128xi32> -> vector<2x2x128x128xi32>
    %reshape3A_5359 = vector.shape_cast %concatenate3A_5358 : vector<2x2x128x128xi32> to vector<512x128xi32>
    %reshape3A_5360 = vector.shape_cast %select_n3A_5354 : vector<512x128xi32> to vector<2x2x128x128xi32>
    %slice3A_5361 = vector.extract_strided_slice %reshape3A_5360 {offsets = [0, 1, 0, 0], sizes = [2, 1, 128, 128], strides = [1, 1, 1, 1]} : vector<2x2x128x128xi32> to vector<2x1x128x128xi32>
    %slice3A_5362 = vector.extract_strided_slice %reshape3A_5360 {offsets = [0, 0, 0, 0], sizes = [2, 1, 128, 128], strides = [1, 1, 1, 1]} : vector<2x2x128x128xi32> to vector<2x1x128x128xi32>
    %concatenate3A_5363 = tpu.concatenate %slice3A_5361, %slice3A_5362 in 1 : vector<2x1x128x128xi32>, vector<2x1x128x128xi32> -> vector<2x2x128x128xi32>
    %reshape3A_5364 = vector.shape_cast %concatenate3A_5363 : vector<2x2x128x128xi32> to vector<512x128xi32>
    %and3A_5365 = arith.constant 65535 : i32
    %and3A_5366 = vector.broadcast %and3A_5365 : i32 to vector<512x128xi32>
    %and3A_5367 = arith.andi %select_n3A_5354, %and3A_5366 : vector<512x128xi32>
    %and3A_5368 = arith.constant 65535 : i32
    %and3A_5369 = vector.broadcast %and3A_5368 : i32 to vector<512x128xi32>
    %and3A_5370 = arith.andi %reshape3A_5364, %and3A_5369 : vector<512x128xi32>
    %gt3A_5371 = arith.cmpi sgt, %select_n3A_5353, %reshape3A_5359 : vector<512x128xi32>
    %eq3A_5372 = arith.cmpi eq, %select_n3A_5353, %reshape3A_5359 : vector<512x128xi32>
    %gt3A_5373 = arith.cmpi sgt, %and3A_5367, %and3A_5370 : vector<512x128xi32>
    %and3A_5374 = arith.andi %eq3A_5372, %gt3A_5373 : vector<512x128xi1>
    %or3A_5375 = arith.ori %gt3A_5371, %and3A_5374 : vector<512x128xi1>
    %and3A_5376 = arith.constant 128 : i32
    %and3A_5377 = vector.broadcast %and3A_5376 : i32 to vector<512x128xi32>
    %and3A_5378 = arith.andi %iota3A, %and3A_5377 : vector<512x128xi32>
    %ne3A_5379 = arith.constant 0 : i32
    %ne3A_5380 = vector.broadcast %ne3A_5379 : i32 to vector<512x128xi32>
    %ne3A_5381 = arith.cmpi ne, %and3A_5378, %ne3A_5380 : vector<512x128xi32>
    %eq3A_5382 = arith.xori %ne3A_5381, %eq3A_4992 : vector<512x128xi1>
    %eq3A_5383 = arith.constant dense<true> : vector<512x128xi1>
    %eq3A_5384 = arith.xori %eq3A_5382, %eq3A_5383 : vector<512x128xi1>
    %xor3A_5385 = arith.xori %or3A_5375, %eq3A_5384 : vector<512x128xi1>
    %select_n3A_5386 = arith.select %xor3A_5385, %reshape3A_5359, %select_n3A_5353 : vector<512x128xi1>, vector<512x128xi32>
    %select_n3A_5387 = arith.select %xor3A_5385, %reshape3A_5364, %select_n3A_5354 : vector<512x128xi1>, vector<512x128xi32>
    %reshape3A_5388 = vector.shape_cast %select_n3A_5386 : vector<512x128xi32> to vector<4x2x64x128xi32>
    %slice3A_5389 = vector.extract_strided_slice %reshape3A_5388 {offsets = [0, 1, 0, 0], sizes = [4, 1, 64, 128], strides = [1, 1, 1, 1]} : vector<4x2x64x128xi32> to vector<4x1x64x128xi32>
    %slice3A_5390 = vector.extract_strided_slice %reshape3A_5388 {offsets = [0, 0, 0, 0], sizes = [4, 1, 64, 128], strides = [1, 1, 1, 1]} : vector<4x2x64x128xi32> to vector<4x1x64x128xi32>
    %concatenate3A_5391 = tpu.concatenate %slice3A_5389, %slice3A_5390 in 1 : vector<4x1x64x128xi32>, vector<4x1x64x128xi32> -> vector<4x2x64x128xi32>
    %reshape3A_5392 = vector.shape_cast %concatenate3A_5391 : vector<4x2x64x128xi32> to vector<512x128xi32>
    %reshape3A_5393 = vector.shape_cast %select_n3A_5387 : vector<512x128xi32> to vector<4x2x64x128xi32>
    %slice3A_5394 = vector.extract_strided_slice %reshape3A_5393 {offsets = [0, 1, 0, 0], sizes = [4, 1, 64, 128], strides = [1, 1, 1, 1]} : vector<4x2x64x128xi32> to vector<4x1x64x128xi32>
    %slice3A_5395 = vector.extract_strided_slice %reshape3A_5393 {offsets = [0, 0, 0, 0], sizes = [4, 1, 64, 128], strides = [1, 1, 1, 1]} : vector<4x2x64x128xi32> to vector<4x1x64x128xi32>
    %concatenate3A_5396 = tpu.concatenate %slice3A_5394, %slice3A_5395 in 1 : vector<4x1x64x128xi32>, vector<4x1x64x128xi32> -> vector<4x2x64x128xi32>
    %reshape3A_5397 = vector.shape_cast %concatenate3A_5396 : vector<4x2x64x128xi32> to vector<512x128xi32>
    %and3A_5398 = arith.constant 65535 : i32
    %and3A_5399 = vector.broadcast %and3A_5398 : i32 to vector<512x128xi32>
    %and3A_5400 = arith.andi %select_n3A_5387, %and3A_5399 : vector<512x128xi32>
    %and3A_5401 = arith.constant 65535 : i32
    %and3A_5402 = vector.broadcast %and3A_5401 : i32 to vector<512x128xi32>
    %and3A_5403 = arith.andi %reshape3A_5397, %and3A_5402 : vector<512x128xi32>
    %gt3A_5404 = arith.cmpi sgt, %select_n3A_5386, %reshape3A_5392 : vector<512x128xi32>
    %eq3A_5405 = arith.cmpi eq, %select_n3A_5386, %reshape3A_5392 : vector<512x128xi32>
    %gt3A_5406 = arith.cmpi sgt, %and3A_5400, %and3A_5403 : vector<512x128xi32>
    %and3A_5407 = arith.andi %eq3A_5405, %gt3A_5406 : vector<512x128xi1>
    %or3A_5408 = arith.ori %gt3A_5404, %and3A_5407 : vector<512x128xi1>
    %and3A_5409 = arith.constant 64 : i32
    %and3A_5410 = vector.broadcast %and3A_5409 : i32 to vector<512x128xi32>
    %and3A_5411 = arith.andi %iota3A, %and3A_5410 : vector<512x128xi32>
    %ne3A_5412 = arith.constant 0 : i32
    %ne3A_5413 = vector.broadcast %ne3A_5412 : i32 to vector<512x128xi32>
    %ne3A_5414 = arith.cmpi ne, %and3A_5411, %ne3A_5413 : vector<512x128xi32>
    %eq3A_5415 = arith.xori %ne3A_5414, %eq3A_4992 : vector<512x128xi1>
    %eq3A_5416 = arith.constant dense<true> : vector<512x128xi1>
    %eq3A_5417 = arith.xori %eq3A_5415, %eq3A_5416 : vector<512x128xi1>
    %xor3A_5418 = arith.xori %or3A_5408, %eq3A_5417 : vector<512x128xi1>
    %select_n3A_5419 = arith.select %xor3A_5418, %reshape3A_5392, %select_n3A_5386 : vector<512x128xi1>, vector<512x128xi32>
    %select_n3A_5420 = arith.select %xor3A_5418, %reshape3A_5397, %select_n3A_5387 : vector<512x128xi1>, vector<512x128xi32>
    %reshape3A_5421 = vector.shape_cast %select_n3A_5419 : vector<512x128xi32> to vector<8x2x32x128xi32>
    %slice3A_5422 = vector.extract_strided_slice %reshape3A_5421 {offsets = [0, 1, 0, 0], sizes = [8, 1, 32, 128], strides = [1, 1, 1, 1]} : vector<8x2x32x128xi32> to vector<8x1x32x128xi32>
    %slice3A_5423 = vector.extract_strided_slice %reshape3A_5421 {offsets = [0, 0, 0, 0], sizes = [8, 1, 32, 128], strides = [1, 1, 1, 1]} : vector<8x2x32x128xi32> to vector<8x1x32x128xi32>
    %concatenate3A_5424 = tpu.concatenate %slice3A_5422, %slice3A_5423 in 1 : vector<8x1x32x128xi32>, vector<8x1x32x128xi32> -> vector<8x2x32x128xi32>
    %reshape3A_5425 = vector.shape_cast %concatenate3A_5424 : vector<8x2x32x128xi32> to vector<512x128xi32>
    %reshape3A_5426 = vector.shape_cast %select_n3A_5420 : vector<512x128xi32> to vector<8x2x32x128xi32>
    %slice3A_5427 = vector.extract_strided_slice %reshape3A_5426 {offsets = [0, 1, 0, 0], sizes = [8, 1, 32, 128], strides = [1, 1, 1, 1]} : vector<8x2x32x128xi32> to vector<8x1x32x128xi32>
    %slice3A_5428 = vector.extract_strided_slice %reshape3A_5426 {offsets = [0, 0, 0, 0], sizes = [8, 1, 32, 128], strides = [1, 1, 1, 1]} : vector<8x2x32x128xi32> to vector<8x1x32x128xi32>
    %concatenate3A_5429 = tpu.concatenate %slice3A_5427, %slice3A_5428 in 1 : vector<8x1x32x128xi32>, vector<8x1x32x128xi32> -> vector<8x2x32x128xi32>
    %reshape3A_5430 = vector.shape_cast %concatenate3A_5429 : vector<8x2x32x128xi32> to vector<512x128xi32>
    %and3A_5431 = arith.constant 65535 : i32
    %and3A_5432 = vector.broadcast %and3A_5431 : i32 to vector<512x128xi32>
    %and3A_5433 = arith.andi %select_n3A_5420, %and3A_5432 : vector<512x128xi32>
    %and3A_5434 = arith.constant 65535 : i32
    %and3A_5435 = vector.broadcast %and3A_5434 : i32 to vector<512x128xi32>
    %and3A_5436 = arith.andi %reshape3A_5430, %and3A_5435 : vector<512x128xi32>
    %gt3A_5437 = arith.cmpi sgt, %select_n3A_5419, %reshape3A_5425 : vector<512x128xi32>
    %eq3A_5438 = arith.cmpi eq, %select_n3A_5419, %reshape3A_5425 : vector<512x128xi32>
    %gt3A_5439 = arith.cmpi sgt, %and3A_5433, %and3A_5436 : vector<512x128xi32>
    %and3A_5440 = arith.andi %eq3A_5438, %gt3A_5439 : vector<512x128xi1>
    %or3A_5441 = arith.ori %gt3A_5437, %and3A_5440 : vector<512x128xi1>
    %and3A_5442 = arith.constant 32 : i32
    %and3A_5443 = vector.broadcast %and3A_5442 : i32 to vector<512x128xi32>
    %and3A_5444 = arith.andi %iota3A, %and3A_5443 : vector<512x128xi32>
    %ne3A_5445 = arith.constant 0 : i32
    %ne3A_5446 = vector.broadcast %ne3A_5445 : i32 to vector<512x128xi32>
    %ne3A_5447 = arith.cmpi ne, %and3A_5444, %ne3A_5446 : vector<512x128xi32>
    %eq3A_5448 = arith.xori %ne3A_5447, %eq3A_4992 : vector<512x128xi1>
    %eq3A_5449 = arith.constant dense<true> : vector<512x128xi1>
    %eq3A_5450 = arith.xori %eq3A_5448, %eq3A_5449 : vector<512x128xi1>
    %xor3A_5451 = arith.xori %or3A_5441, %eq3A_5450 : vector<512x128xi1>
    %select_n3A_5452 = arith.select %xor3A_5451, %reshape3A_5425, %select_n3A_5419 : vector<512x128xi1>, vector<512x128xi32>
    %select_n3A_5453 = arith.select %xor3A_5451, %reshape3A_5430, %select_n3A_5420 : vector<512x128xi1>, vector<512x128xi32>
    %reshape3A_5454 = vector.shape_cast %select_n3A_5452 : vector<512x128xi32> to vector<16x2x16x128xi32>
    %slice3A_5455 = vector.extract_strided_slice %reshape3A_5454 {offsets = [0, 1, 0, 0], sizes = [16, 1, 16, 128], strides = [1, 1, 1, 1]} : vector<16x2x16x128xi32> to vector<16x1x16x128xi32>
    %slice3A_5456 = vector.extract_strided_slice %reshape3A_5454 {offsets = [0, 0, 0, 0], sizes = [16, 1, 16, 128], strides = [1, 1, 1, 1]} : vector<16x2x16x128xi32> to vector<16x1x16x128xi32>
    %concatenate3A_5457 = tpu.concatenate %slice3A_5455, %slice3A_5456 in 1 : vector<16x1x16x128xi32>, vector<16x1x16x128xi32> -> vector<16x2x16x128xi32>
    %reshape3A_5458 = vector.shape_cast %concatenate3A_5457 : vector<16x2x16x128xi32> to vector<512x128xi32>
    %reshape3A_5459 = vector.shape_cast %select_n3A_5453 : vector<512x128xi32> to vector<16x2x16x128xi32>
    %slice3A_5460 = vector.extract_strided_slice %reshape3A_5459 {offsets = [0, 1, 0, 0], sizes = [16, 1, 16, 128], strides = [1, 1, 1, 1]} : vector<16x2x16x128xi32> to vector<16x1x16x128xi32>
    %slice3A_5461 = vector.extract_strided_slice %reshape3A_5459 {offsets = [0, 0, 0, 0], sizes = [16, 1, 16, 128], strides = [1, 1, 1, 1]} : vector<16x2x16x128xi32> to vector<16x1x16x128xi32>
    %concatenate3A_5462 = tpu.concatenate %slice3A_5460, %slice3A_5461 in 1 : vector<16x1x16x128xi32>, vector<16x1x16x128xi32> -> vector<16x2x16x128xi32>
    %reshape3A_5463 = vector.shape_cast %concatenate3A_5462 : vector<16x2x16x128xi32> to vector<512x128xi32>
    %and3A_5464 = arith.constant 65535 : i32
    %and3A_5465 = vector.broadcast %and3A_5464 : i32 to vector<512x128xi32>
    %and3A_5466 = arith.andi %select_n3A_5453, %and3A_5465 : vector<512x128xi32>
    %and3A_5467 = arith.constant 65535 : i32
    %and3A_5468 = vector.broadcast %and3A_5467 : i32 to vector<512x128xi32>
    %and3A_5469 = arith.andi %reshape3A_5463, %and3A_5468 : vector<512x128xi32>
    %gt3A_5470 = arith.cmpi sgt, %select_n3A_5452, %reshape3A_5458 : vector<512x128xi32>
    %eq3A_5471 = arith.cmpi eq, %select_n3A_5452, %reshape3A_5458 : vector<512x128xi32>
    %gt3A_5472 = arith.cmpi sgt, %and3A_5466, %and3A_5469 : vector<512x128xi32>
    %and3A_5473 = arith.andi %eq3A_5471, %gt3A_5472 : vector<512x128xi1>
    %or3A_5474 = arith.ori %gt3A_5470, %and3A_5473 : vector<512x128xi1>
    %and3A_5475 = arith.constant 16 : i32
    %and3A_5476 = vector.broadcast %and3A_5475 : i32 to vector<512x128xi32>
    %and3A_5477 = arith.andi %iota3A, %and3A_5476 : vector<512x128xi32>
    %ne3A_5478 = arith.constant 0 : i32
    %ne3A_5479 = vector.broadcast %ne3A_5478 : i32 to vector<512x128xi32>
    %ne3A_5480 = arith.cmpi ne, %and3A_5477, %ne3A_5479 : vector<512x128xi32>
    %eq3A_5481 = arith.xori %ne3A_5480, %eq3A_4992 : vector<512x128xi1>
    %eq3A_5482 = arith.constant dense<true> : vector<512x128xi1>
    %eq3A_5483 = arith.xori %eq3A_5481, %eq3A_5482 : vector<512x128xi1>
    %xor3A_5484 = arith.xori %or3A_5474, %eq3A_5483 : vector<512x128xi1>
    %select_n3A_5485 = arith.select %xor3A_5484, %reshape3A_5458, %select_n3A_5452 : vector<512x128xi1>, vector<512x128xi32>
    %select_n3A_5486 = arith.select %xor3A_5484, %reshape3A_5463, %select_n3A_5453 : vector<512x128xi1>, vector<512x128xi32>
    %reshape3A_5487 = vector.shape_cast %select_n3A_5485 : vector<512x128xi32> to vector<32x2x8x128xi32>
    %slice3A_5488 = vector.extract_strided_slice %reshape3A_5487 {offsets = [0, 1, 0, 0], sizes = [32, 1, 8, 128], strides = [1, 1, 1, 1]} : vector<32x2x8x128xi32> to vector<32x1x8x128xi32>
    %slice3A_5489 = vector.extract_strided_slice %reshape3A_5487 {offsets = [0, 0, 0, 0], sizes = [32, 1, 8, 128], strides = [1, 1, 1, 1]} : vector<32x2x8x128xi32> to vector<32x1x8x128xi32>
    %concatenate3A_5490 = tpu.concatenate %slice3A_5488, %slice3A_5489 in 1 : vector<32x1x8x128xi32>, vector<32x1x8x128xi32> -> vector<32x2x8x128xi32>
    %reshape3A_5491 = vector.shape_cast %concatenate3A_5490 : vector<32x2x8x128xi32> to vector<512x128xi32>
    %reshape3A_5492 = vector.shape_cast %select_n3A_5486 : vector<512x128xi32> to vector<32x2x8x128xi32>
    %slice3A_5493 = vector.extract_strided_slice %reshape3A_5492 {offsets = [0, 1, 0, 0], sizes = [32, 1, 8, 128], strides = [1, 1, 1, 1]} : vector<32x2x8x128xi32> to vector<32x1x8x128xi32>
    %slice3A_5494 = vector.extract_strided_slice %reshape3A_5492 {offsets = [0, 0, 0, 0], sizes = [32, 1, 8, 128], strides = [1, 1, 1, 1]} : vector<32x2x8x128xi32> to vector<32x1x8x128xi32>
    %concatenate3A_5495 = tpu.concatenate %slice3A_5493, %slice3A_5494 in 1 : vector<32x1x8x128xi32>, vector<32x1x8x128xi32> -> vector<32x2x8x128xi32>
    %reshape3A_5496 = vector.shape_cast %concatenate3A_5495 : vector<32x2x8x128xi32> to vector<512x128xi32>
    %and3A_5497 = arith.constant 65535 : i32
    %and3A_5498 = vector.broadcast %and3A_5497 : i32 to vector<512x128xi32>
    %and3A_5499 = arith.andi %select_n3A_5486, %and3A_5498 : vector<512x128xi32>
    %and3A_5500 = arith.constant 65535 : i32
    %and3A_5501 = vector.broadcast %and3A_5500 : i32 to vector<512x128xi32>
    %and3A_5502 = arith.andi %reshape3A_5496, %and3A_5501 : vector<512x128xi32>
    %gt3A_5503 = arith.cmpi sgt, %select_n3A_5485, %reshape3A_5491 : vector<512x128xi32>
    %eq3A_5504 = arith.cmpi eq, %select_n3A_5485, %reshape3A_5491 : vector<512x128xi32>
    %gt3A_5505 = arith.cmpi sgt, %and3A_5499, %and3A_5502 : vector<512x128xi32>
    %and3A_5506 = arith.andi %eq3A_5504, %gt3A_5505 : vector<512x128xi1>
    %or3A_5507 = arith.ori %gt3A_5503, %and3A_5506 : vector<512x128xi1>
    %and3A_5508 = arith.constant 8 : i32
    %and3A_5509 = vector.broadcast %and3A_5508 : i32 to vector<512x128xi32>
    %and3A_5510 = arith.andi %iota3A, %and3A_5509 : vector<512x128xi32>
    %ne3A_5511 = arith.constant 0 : i32
    %ne3A_5512 = vector.broadcast %ne3A_5511 : i32 to vector<512x128xi32>
    %ne3A_5513 = arith.cmpi ne, %and3A_5510, %ne3A_5512 : vector<512x128xi32>
    %eq3A_5514 = arith.xori %ne3A_5513, %eq3A_4992 : vector<512x128xi1>
    %eq3A_5515 = arith.constant dense<true> : vector<512x128xi1>
    %eq3A_5516 = arith.xori %eq3A_5514, %eq3A_5515 : vector<512x128xi1>
    %xor3A_5517 = arith.xori %or3A_5507, %eq3A_5516 : vector<512x128xi1>
    %select_n3A_5518 = arith.select %xor3A_5517, %reshape3A_5491, %select_n3A_5485 : vector<512x128xi1>, vector<512x128xi32>
    %select_n3A_5519 = arith.select %xor3A_5517, %reshape3A_5496, %select_n3A_5486 : vector<512x128xi1>, vector<512x128xi32>
    %roll3A_5520 = arith.constant 508 : i32
    %roll3A_5521 = tpu.dynamic_rotate %select_n3A_5518 by %roll3A_5520 dim 0 : vector<512x128xi32>, i32 -> vector<512x128xi32>
    %roll3A_5522 = arith.constant 4 : i32
    %roll3A_5523 = tpu.dynamic_rotate %select_n3A_5518 by %roll3A_5522 dim 0 : vector<512x128xi32>, i32 -> vector<512x128xi32>
    %iota3A_5524 = tpu.iota {dimensions = array<i32: 0>} : vector<512x128xi32>
    %and3A_5525 = arith.constant 4 : i32
    %and3A_5526 = vector.broadcast %and3A_5525 : i32 to vector<512x128xi32>
    %and3A_5527 = arith.andi %iota3A_5524, %and3A_5526 : vector<512x128xi32>
    %ne3A_5528 = arith.constant 0 : i32
    %ne3A_5529 = vector.broadcast %ne3A_5528 : i32 to vector<512x128xi32>
    %ne3A_5530 = arith.cmpi ne, %and3A_5527, %ne3A_5529 : vector<512x128xi32>
    %select_n3A_5531 = arith.select %ne3A_5530, %roll3A_5523, %roll3A_5521 : vector<512x128xi1>, vector<512x128xi32>
    %roll3A_5532 = arith.constant 508 : i32
    %roll3A_5533 = tpu.dynamic_rotate %select_n3A_5519 by %roll3A_5532 dim 0 : vector<512x128xi32>, i32 -> vector<512x128xi32>
    %roll3A_5534 = arith.constant 4 : i32
    %roll3A_5535 = tpu.dynamic_rotate %select_n3A_5519 by %roll3A_5534 dim 0 : vector<512x128xi32>, i32 -> vector<512x128xi32>
    %iota3A_5536 = tpu.iota {dimensions = array<i32: 0>} : vector<512x128xi32>
    %and3A_5537 = arith.constant 4 : i32
    %and3A_5538 = vector.broadcast %and3A_5537 : i32 to vector<512x128xi32>
    %and3A_5539 = arith.andi %iota3A_5536, %and3A_5538 : vector<512x128xi32>
    %ne3A_5540 = arith.constant 0 : i32
    %ne3A_5541 = vector.broadcast %ne3A_5540 : i32 to vector<512x128xi32>
    %ne3A_5542 = arith.cmpi ne, %and3A_5539, %ne3A_5541 : vector<512x128xi32>
    %select_n3A_5543 = arith.select %ne3A_5542, %roll3A_5535, %roll3A_5533 : vector<512x128xi1>, vector<512x128xi32>
    %and3A_5544 = arith.constant 65535 : i32
    %and3A_5545 = vector.broadcast %and3A_5544 : i32 to vector<512x128xi32>
    %and3A_5546 = arith.andi %select_n3A_5519, %and3A_5545 : vector<512x128xi32>
    %and3A_5547 = arith.constant 65535 : i32
    %and3A_5548 = vector.broadcast %and3A_5547 : i32 to vector<512x128xi32>
    %and3A_5549 = arith.andi %select_n3A_5543, %and3A_5548 : vector<512x128xi32>
    %gt3A_5550 = arith.cmpi sgt, %select_n3A_5518, %select_n3A_5531 : vector<512x128xi32>
    %eq3A_5551 = arith.cmpi eq, %select_n3A_5518, %select_n3A_5531 : vector<512x128xi32>
    %gt3A_5552 = arith.cmpi sgt, %and3A_5546, %and3A_5549 : vector<512x128xi32>
    %and3A_5553 = arith.andi %eq3A_5551, %gt3A_5552 : vector<512x128xi1>
    %or3A_5554 = arith.ori %gt3A_5550, %and3A_5553 : vector<512x128xi1>
    %and3A_5555 = arith.constant 4 : i32
    %and3A_5556 = vector.broadcast %and3A_5555 : i32 to vector<512x128xi32>
    %and3A_5557 = arith.andi %iota3A, %and3A_5556 : vector<512x128xi32>
    %ne3A_5558 = arith.constant 0 : i32
    %ne3A_5559 = vector.broadcast %ne3A_5558 : i32 to vector<512x128xi32>
    %ne3A_5560 = arith.cmpi ne, %and3A_5557, %ne3A_5559 : vector<512x128xi32>
    %eq3A_5561 = arith.xori %ne3A_5560, %eq3A_4992 : vector<512x128xi1>
    %eq3A_5562 = arith.constant dense<true> : vector<512x128xi1>
    %eq3A_5563 = arith.xori %eq3A_5561, %eq3A_5562 : vector<512x128xi1>
    %xor3A_5564 = arith.xori %or3A_5554, %eq3A_5563 : vector<512x128xi1>
    %select_n3A_5565 = arith.select %xor3A_5564, %select_n3A_5531, %select_n3A_5518 : vector<512x128xi1>, vector<512x128xi32>
    %select_n3A_5566 = arith.select %xor3A_5564, %select_n3A_5543, %select_n3A_5519 : vector<512x128xi1>, vector<512x128xi32>
    %roll3A_5567 = arith.constant 510 : i32
    %roll3A_5568 = tpu.dynamic_rotate %select_n3A_5565 by %roll3A_5567 dim 0 : vector<512x128xi32>, i32 -> vector<512x128xi32>
    %roll3A_5569 = arith.constant 2 : i32
    %roll3A_5570 = tpu.dynamic_rotate %select_n3A_5565 by %roll3A_5569 dim 0 : vector<512x128xi32>, i32 -> vector<512x128xi32>
    %iota3A_5571 = tpu.iota {dimensions = array<i32: 0>} : vector<512x128xi32>
    %and3A_5572 = arith.constant 2 : i32
    %and3A_5573 = vector.broadcast %and3A_5572 : i32 to vector<512x128xi32>
    %and3A_5574 = arith.andi %iota3A_5571, %and3A_5573 : vector<512x128xi32>
    %ne3A_5575 = arith.constant 0 : i32
    %ne3A_5576 = vector.broadcast %ne3A_5575 : i32 to vector<512x128xi32>
    %ne3A_5577 = arith.cmpi ne, %and3A_5574, %ne3A_5576 : vector<512x128xi32>
    %select_n3A_5578 = arith.select %ne3A_5577, %roll3A_5570, %roll3A_5568 : vector<512x128xi1>, vector<512x128xi32>
    %roll3A_5579 = arith.constant 510 : i32
    %roll3A_5580 = tpu.dynamic_rotate %select_n3A_5566 by %roll3A_5579 dim 0 : vector<512x128xi32>, i32 -> vector<512x128xi32>
    %roll3A_5581 = arith.constant 2 : i32
    %roll3A_5582 = tpu.dynamic_rotate %select_n3A_5566 by %roll3A_5581 dim 0 : vector<512x128xi32>, i32 -> vector<512x128xi32>
    %iota3A_5583 = tpu.iota {dimensions = array<i32: 0>} : vector<512x128xi32>
    %and3A_5584 = arith.constant 2 : i32
    %and3A_5585 = vector.broadcast %and3A_5584 : i32 to vector<512x128xi32>
    %and3A_5586 = arith.andi %iota3A_5583, %and3A_5585 : vector<512x128xi32>
    %ne3A_5587 = arith.constant 0 : i32
    %ne3A_5588 = vector.broadcast %ne3A_5587 : i32 to vector<512x128xi32>
    %ne3A_5589 = arith.cmpi ne, %and3A_5586, %ne3A_5588 : vector<512x128xi32>
    %select_n3A_5590 = arith.select %ne3A_5589, %roll3A_5582, %roll3A_5580 : vector<512x128xi1>, vector<512x128xi32>
    %and3A_5591 = arith.constant 65535 : i32
    %and3A_5592 = vector.broadcast %and3A_5591 : i32 to vector<512x128xi32>
    %and3A_5593 = arith.andi %select_n3A_5566, %and3A_5592 : vector<512x128xi32>
    %and3A_5594 = arith.constant 65535 : i32
    %and3A_5595 = vector.broadcast %and3A_5594 : i32 to vector<512x128xi32>
    %and3A_5596 = arith.andi %select_n3A_5590, %and3A_5595 : vector<512x128xi32>
    %gt3A_5597 = arith.cmpi sgt, %select_n3A_5565, %select_n3A_5578 : vector<512x128xi32>
    %eq3A_5598 = arith.cmpi eq, %select_n3A_5565, %select_n3A_5578 : vector<512x128xi32>
    %gt3A_5599 = arith.cmpi sgt, %and3A_5593, %and3A_5596 : vector<512x128xi32>
    %and3A_5600 = arith.andi %eq3A_5598, %gt3A_5599 : vector<512x128xi1>
    %or3A_5601 = arith.ori %gt3A_5597, %and3A_5600 : vector<512x128xi1>
    %and3A_5602 = arith.constant 2 : i32
    %and3A_5603 = vector.broadcast %and3A_5602 : i32 to vector<512x128xi32>
    %and3A_5604 = arith.andi %iota3A, %and3A_5603 : vector<512x128xi32>
    %ne3A_5605 = arith.constant 0 : i32
    %ne3A_5606 = vector.broadcast %ne3A_5605 : i32 to vector<512x128xi32>
    %ne3A_5607 = arith.cmpi ne, %and3A_5604, %ne3A_5606 : vector<512x128xi32>
    %eq3A_5608 = arith.xori %ne3A_5607, %eq3A_4992 : vector<512x128xi1>
    %eq3A_5609 = arith.constant dense<true> : vector<512x128xi1>
    %eq3A_5610 = arith.xori %eq3A_5608, %eq3A_5609 : vector<512x128xi1>
    %xor3A_5611 = arith.xori %or3A_5601, %eq3A_5610 : vector<512x128xi1>
    %select_n3A_5612 = arith.select %xor3A_5611, %select_n3A_5578, %select_n3A_5565 : vector<512x128xi1>, vector<512x128xi32>
    %select_n3A_5613 = arith.select %xor3A_5611, %select_n3A_5590, %select_n3A_5566 : vector<512x128xi1>, vector<512x128xi32>
    %roll3A_5614 = arith.constant 511 : i32
    %roll3A_5615 = tpu.dynamic_rotate %select_n3A_5612 by %roll3A_5614 dim 0 : vector<512x128xi32>, i32 -> vector<512x128xi32>
    %roll3A_5616 = arith.constant 1 : i32
    %roll3A_5617 = tpu.dynamic_rotate %select_n3A_5612 by %roll3A_5616 dim 0 : vector<512x128xi32>, i32 -> vector<512x128xi32>
    %iota3A_5618 = tpu.iota {dimensions = array<i32: 0>} : vector<512x128xi32>
    %and3A_5619 = arith.constant 1 : i32
    %and3A_5620 = vector.broadcast %and3A_5619 : i32 to vector<512x128xi32>
    %and3A_5621 = arith.andi %iota3A_5618, %and3A_5620 : vector<512x128xi32>
    %ne3A_5622 = arith.constant 0 : i32
    %ne3A_5623 = vector.broadcast %ne3A_5622 : i32 to vector<512x128xi32>
    %ne3A_5624 = arith.cmpi ne, %and3A_5621, %ne3A_5623 : vector<512x128xi32>
    %select_n3A_5625 = arith.select %ne3A_5624, %roll3A_5617, %roll3A_5615 : vector<512x128xi1>, vector<512x128xi32>
    %roll3A_5626 = arith.constant 511 : i32
    %roll3A_5627 = tpu.dynamic_rotate %select_n3A_5613 by %roll3A_5626 dim 0 : vector<512x128xi32>, i32 -> vector<512x128xi32>
    %roll3A_5628 = arith.constant 1 : i32
    %roll3A_5629 = tpu.dynamic_rotate %select_n3A_5613 by %roll3A_5628 dim 0 : vector<512x128xi32>, i32 -> vector<512x128xi32>
    %iota3A_5630 = tpu.iota {dimensions = array<i32: 0>} : vector<512x128xi32>
    %and3A_5631 = arith.constant 1 : i32
    %and3A_5632 = vector.broadcast %and3A_5631 : i32 to vector<512x128xi32>
    %and3A_5633 = arith.andi %iota3A_5630, %and3A_5632 : vector<512x128xi32>
    %ne3A_5634 = arith.constant 0 : i32
    %ne3A_5635 = vector.broadcast %ne3A_5634 : i32 to vector<512x128xi32>
    %ne3A_5636 = arith.cmpi ne, %and3A_5633, %ne3A_5635 : vector<512x128xi32>
    %select_n3A_5637 = arith.select %ne3A_5636, %roll3A_5629, %roll3A_5627 : vector<512x128xi1>, vector<512x128xi32>
    %and3A_5638 = arith.constant 65535 : i32
    %and3A_5639 = vector.broadcast %and3A_5638 : i32 to vector<512x128xi32>
    %and3A_5640 = arith.andi %select_n3A_5613, %and3A_5639 : vector<512x128xi32>
    %and3A_5641 = arith.constant 65535 : i32
    %and3A_5642 = vector.broadcast %and3A_5641 : i32 to vector<512x128xi32>
    %and3A_5643 = arith.andi %select_n3A_5637, %and3A_5642 : vector<512x128xi32>
    %gt3A_5644 = arith.cmpi sgt, %select_n3A_5612, %select_n3A_5625 : vector<512x128xi32>
    %eq3A_5645 = arith.cmpi eq, %select_n3A_5612, %select_n3A_5625 : vector<512x128xi32>
    %gt3A_5646 = arith.cmpi sgt, %and3A_5640, %and3A_5643 : vector<512x128xi32>
    %and3A_5647 = arith.andi %eq3A_5645, %gt3A_5646 : vector<512x128xi1>
    %or3A_5648 = arith.ori %gt3A_5644, %and3A_5647 : vector<512x128xi1>
    %and3A_5649 = arith.constant 1 : i32
    %and3A_5650 = vector.broadcast %and3A_5649 : i32 to vector<512x128xi32>
    %and3A_5651 = arith.andi %iota3A, %and3A_5650 : vector<512x128xi32>
    %ne3A_5652 = arith.constant 0 : i32
    %ne3A_5653 = vector.broadcast %ne3A_5652 : i32 to vector<512x128xi32>
    %ne3A_5654 = arith.cmpi ne, %and3A_5651, %ne3A_5653 : vector<512x128xi32>
    %eq3A_5655 = arith.xori %ne3A_5654, %eq3A_4992 : vector<512x128xi1>
    %eq3A_5656 = arith.constant dense<true> : vector<512x128xi1>
    %eq3A_5657 = arith.xori %eq3A_5655, %eq3A_5656 : vector<512x128xi1>
    %xor3A_5658 = arith.xori %or3A_5648, %eq3A_5657 : vector<512x128xi1>
    %select_n3A_5659 = arith.select %xor3A_5658, %select_n3A_5637, %select_n3A_5613 : vector<512x128xi1>, vector<512x128xi32>
    %shift_right_logical3A = arith.constant 16 : i32
    %shift_right_logical3A_5660 = vector.broadcast %shift_right_logical3A : i32 to vector<512x128xi32>
    %shift_right_logical3A_5661 = arith.shrui %select_n3A_5659, %shift_right_logical3A_5660 : vector<512x128xi32>
    %and3A_5662 = arith.constant 65535 : i32
    %and3A_5663 = vector.broadcast %and3A_5662 : i32 to vector<512x128xi32>
    %and3A_5664 = arith.andi %shift_right_logical3A_5661, %and3A_5663 : vector<512x128xi32>
    %jit3A = arith.constant 16 : i32
    %eq3A_5665 = arith.constant 0 : i32
    %eq3A_5666 = arith.cmpi eq, %jit3A, %eq3A_5665 : i32
    %jit3A_5667 = arith.constant 1 : i32
    %select_n3A_5668 = arith.select %eq3A_5666, %jit3A_5667, %jit3A : i32
    %rem3A = vector.broadcast %select_n3A_5668 : i32 to vector<512x128xi32>
    %rem3A_5669 = arith.remsi %iota3A, %rem3A : vector<512x128xi32>
    %ne3A_5670 = arith.constant 0 : i32
    %ne3A_5671 = vector.broadcast %ne3A_5670 : i32 to vector<512x128xi32>
    %ne3A_5672 = arith.cmpi ne, %rem3A_5669, %ne3A_5671 : vector<512x128xi32>
    %lt3A = arith.constant 0 : i32
    %lt3A_5673 = vector.broadcast %lt3A : i32 to vector<512x128xi32>
    %lt3A_5674 = arith.cmpi slt, %rem3A_5669, %lt3A_5673 : vector<512x128xi32>
    %lt3A_5675 = arith.constant 0 : i32
    %lt3A_5676 = arith.cmpi slt, %select_n3A_5668, %lt3A_5675 : i32
    %ne3A_5677 = vector.broadcast %lt3A_5676 : i1 to vector<512x128xi1>
    %ne3A_5678 = vector.broadcast %ne3A_5677 : vector<512x128xi1> to vector<512x128xi1>
    %ne3A_5679 = arith.xori %lt3A_5674, %ne3A_5678 : vector<512x128xi1>
    %and3A_5680 = arith.andi %ne3A_5679, %ne3A_5672 : vector<512x128xi1>
    %add3A_5681 = vector.broadcast %select_n3A_5668 : i32 to vector<512x128xi32>
    %add3A_5682 = arith.addi %rem3A_5669, %add3A_5681 : vector<512x128xi32>
    %select_n3A_5683 = arith.select %and3A_5680, %add3A_5682, %rem3A_5669 : vector<512x128xi1>, vector<512x128xi32>
    %broadcast_in_dim3A = arith.constant false
    %broadcast_in_dim3A_5684 = vector.broadcast %broadcast_in_dim3A : i1 to vector<512x128xi1>
    %roll3A_5685 = arith.constant 511 : i32
    %roll3A_5686 = tpu.dynamic_rotate %and3A_5664 by %roll3A_5685 dim 0 : vector<512x128xi32>, i32 -> vector<512x128xi32>
    %eq3A_5687 = arith.cmpi eq, %and3A_5664, %roll3A_5686 : vector<512x128xi32>
    %lt3A_5688 = arith.constant 15 : i32
    %lt3A_5689 = vector.broadcast %lt3A_5688 : i32 to vector<512x128xi32>
    %lt3A_5690 = arith.cmpi slt, %select_n3A_5683, %lt3A_5689 : vector<512x128xi32>
    %and3A_5691 = arith.andi %eq3A_5687, %lt3A_5690 : vector<512x128xi1>
    %or3A_5692 = arith.ori %broadcast_in_dim3A_5684, %and3A_5691 : vector<512x128xi1>
    %roll3A_5693 = arith.constant 510 : i32
    %roll3A_5694 = tpu.dynamic_rotate %and3A_5664 by %roll3A_5693 dim 0 : vector<512x128xi32>, i32 -> vector<512x128xi32>
    %eq3A_5695 = arith.cmpi eq, %and3A_5664, %roll3A_5694 : vector<512x128xi32>
    %lt3A_5696 = arith.constant 14 : i32
    %lt3A_5697 = vector.broadcast %lt3A_5696 : i32 to vector<512x128xi32>
    %lt3A_5698 = arith.cmpi slt, %select_n3A_5683, %lt3A_5697 : vector<512x128xi32>
    %and3A_5699 = arith.andi %eq3A_5695, %lt3A_5698 : vector<512x128xi1>
    %or3A_5700 = arith.ori %or3A_5692, %and3A_5699 : vector<512x128xi1>
    %roll3A_5701 = arith.constant 509 : i32
    %roll3A_5702 = tpu.dynamic_rotate %and3A_5664 by %roll3A_5701 dim 0 : vector<512x128xi32>, i32 -> vector<512x128xi32>
    %eq3A_5703 = arith.cmpi eq, %and3A_5664, %roll3A_5702 : vector<512x128xi32>
    %lt3A_5704 = arith.constant 13 : i32
    %lt3A_5705 = vector.broadcast %lt3A_5704 : i32 to vector<512x128xi32>
    %lt3A_5706 = arith.cmpi slt, %select_n3A_5683, %lt3A_5705 : vector<512x128xi32>
    %and3A_5707 = arith.andi %eq3A_5703, %lt3A_5706 : vector<512x128xi1>
    %or3A_5708 = arith.ori %or3A_5700, %and3A_5707 : vector<512x128xi1>
    %roll3A_5709 = arith.constant 508 : i32
    %roll3A_5710 = tpu.dynamic_rotate %and3A_5664 by %roll3A_5709 dim 0 : vector<512x128xi32>, i32 -> vector<512x128xi32>
    %eq3A_5711 = arith.cmpi eq, %and3A_5664, %roll3A_5710 : vector<512x128xi32>
    %lt3A_5712 = arith.constant 12 : i32
    %lt3A_5713 = vector.broadcast %lt3A_5712 : i32 to vector<512x128xi32>
    %lt3A_5714 = arith.cmpi slt, %select_n3A_5683, %lt3A_5713 : vector<512x128xi32>
    %and3A_5715 = arith.andi %eq3A_5711, %lt3A_5714 : vector<512x128xi1>
    %or3A_5716 = arith.ori %or3A_5708, %and3A_5715 : vector<512x128xi1>
    %roll3A_5717 = arith.constant 507 : i32
    %roll3A_5718 = tpu.dynamic_rotate %and3A_5664 by %roll3A_5717 dim 0 : vector<512x128xi32>, i32 -> vector<512x128xi32>
    %eq3A_5719 = arith.cmpi eq, %and3A_5664, %roll3A_5718 : vector<512x128xi32>
    %lt3A_5720 = arith.constant 11 : i32
    %lt3A_5721 = vector.broadcast %lt3A_5720 : i32 to vector<512x128xi32>
    %lt3A_5722 = arith.cmpi slt, %select_n3A_5683, %lt3A_5721 : vector<512x128xi32>
    %and3A_5723 = arith.andi %eq3A_5719, %lt3A_5722 : vector<512x128xi1>
    %or3A_5724 = arith.ori %or3A_5716, %and3A_5723 : vector<512x128xi1>
    %roll3A_5725 = arith.constant 506 : i32
    %roll3A_5726 = tpu.dynamic_rotate %and3A_5664 by %roll3A_5725 dim 0 : vector<512x128xi32>, i32 -> vector<512x128xi32>
    %eq3A_5727 = arith.cmpi eq, %and3A_5664, %roll3A_5726 : vector<512x128xi32>
    %lt3A_5728 = arith.constant 10 : i32
    %lt3A_5729 = vector.broadcast %lt3A_5728 : i32 to vector<512x128xi32>
    %lt3A_5730 = arith.cmpi slt, %select_n3A_5683, %lt3A_5729 : vector<512x128xi32>
    %and3A_5731 = arith.andi %eq3A_5727, %lt3A_5730 : vector<512x128xi1>
    %or3A_5732 = arith.ori %or3A_5724, %and3A_5731 : vector<512x128xi1>
    %roll3A_5733 = arith.constant 505 : i32
    %roll3A_5734 = tpu.dynamic_rotate %and3A_5664 by %roll3A_5733 dim 0 : vector<512x128xi32>, i32 -> vector<512x128xi32>
    %eq3A_5735 = arith.cmpi eq, %and3A_5664, %roll3A_5734 : vector<512x128xi32>
    %lt3A_5736 = arith.constant 9 : i32
    %lt3A_5737 = vector.broadcast %lt3A_5736 : i32 to vector<512x128xi32>
    %lt3A_5738 = arith.cmpi slt, %select_n3A_5683, %lt3A_5737 : vector<512x128xi32>
    %and3A_5739 = arith.andi %eq3A_5735, %lt3A_5738 : vector<512x128xi1>
    %or3A_5740 = arith.ori %or3A_5732, %and3A_5739 : vector<512x128xi1>
    %roll3A_5741 = arith.constant 504 : i32
    %roll3A_5742 = tpu.dynamic_rotate %and3A_5664 by %roll3A_5741 dim 0 : vector<512x128xi32>, i32 -> vector<512x128xi32>
    %eq3A_5743 = arith.cmpi eq, %and3A_5664, %roll3A_5742 : vector<512x128xi32>
    %lt3A_5744 = arith.constant 8 : i32
    %lt3A_5745 = vector.broadcast %lt3A_5744 : i32 to vector<512x128xi32>
    %lt3A_5746 = arith.cmpi slt, %select_n3A_5683, %lt3A_5745 : vector<512x128xi32>
    %and3A_5747 = arith.andi %eq3A_5743, %lt3A_5746 : vector<512x128xi1>
    %or3A_5748 = arith.ori %or3A_5740, %and3A_5747 : vector<512x128xi1>
    %roll3A_5749 = arith.constant 503 : i32
    %roll3A_5750 = tpu.dynamic_rotate %and3A_5664 by %roll3A_5749 dim 0 : vector<512x128xi32>, i32 -> vector<512x128xi32>
    %eq3A_5751 = arith.cmpi eq, %and3A_5664, %roll3A_5750 : vector<512x128xi32>
    %lt3A_5752 = arith.constant 7 : i32
    %lt3A_5753 = vector.broadcast %lt3A_5752 : i32 to vector<512x128xi32>
    %lt3A_5754 = arith.cmpi slt, %select_n3A_5683, %lt3A_5753 : vector<512x128xi32>
    %and3A_5755 = arith.andi %eq3A_5751, %lt3A_5754 : vector<512x128xi1>
    %or3A_5756 = arith.ori %or3A_5748, %and3A_5755 : vector<512x128xi1>
    %roll3A_5757 = arith.constant 502 : i32
    %roll3A_5758 = tpu.dynamic_rotate %and3A_5664 by %roll3A_5757 dim 0 : vector<512x128xi32>, i32 -> vector<512x128xi32>
    %eq3A_5759 = arith.cmpi eq, %and3A_5664, %roll3A_5758 : vector<512x128xi32>
    %lt3A_5760 = arith.constant 6 : i32
    %lt3A_5761 = vector.broadcast %lt3A_5760 : i32 to vector<512x128xi32>
    %lt3A_5762 = arith.cmpi slt, %select_n3A_5683, %lt3A_5761 : vector<512x128xi32>
    %and3A_5763 = arith.andi %eq3A_5759, %lt3A_5762 : vector<512x128xi1>
    %or3A_5764 = arith.ori %or3A_5756, %and3A_5763 : vector<512x128xi1>
    %roll3A_5765 = arith.constant 501 : i32
    %roll3A_5766 = tpu.dynamic_rotate %and3A_5664 by %roll3A_5765 dim 0 : vector<512x128xi32>, i32 -> vector<512x128xi32>
    %eq3A_5767 = arith.cmpi eq, %and3A_5664, %roll3A_5766 : vector<512x128xi32>
    %lt3A_5768 = arith.constant 5 : i32
    %lt3A_5769 = vector.broadcast %lt3A_5768 : i32 to vector<512x128xi32>
    %lt3A_5770 = arith.cmpi slt, %select_n3A_5683, %lt3A_5769 : vector<512x128xi32>
    %and3A_5771 = arith.andi %eq3A_5767, %lt3A_5770 : vector<512x128xi1>
    %or3A_5772 = arith.ori %or3A_5764, %and3A_5771 : vector<512x128xi1>
    %roll3A_5773 = arith.constant 500 : i32
    %roll3A_5774 = tpu.dynamic_rotate %and3A_5664 by %roll3A_5773 dim 0 : vector<512x128xi32>, i32 -> vector<512x128xi32>
    %eq3A_5775 = arith.cmpi eq, %and3A_5664, %roll3A_5774 : vector<512x128xi32>
    %lt3A_5776 = arith.constant 4 : i32
    %lt3A_5777 = vector.broadcast %lt3A_5776 : i32 to vector<512x128xi32>
    %lt3A_5778 = arith.cmpi slt, %select_n3A_5683, %lt3A_5777 : vector<512x128xi32>
    %and3A_5779 = arith.andi %eq3A_5775, %lt3A_5778 : vector<512x128xi1>
    %or3A_5780 = arith.ori %or3A_5772, %and3A_5779 : vector<512x128xi1>
    %roll3A_5781 = arith.constant 499 : i32
    %roll3A_5782 = tpu.dynamic_rotate %and3A_5664 by %roll3A_5781 dim 0 : vector<512x128xi32>, i32 -> vector<512x128xi32>
    %eq3A_5783 = arith.cmpi eq, %and3A_5664, %roll3A_5782 : vector<512x128xi32>
    %lt3A_5784 = arith.constant 3 : i32
    %lt3A_5785 = vector.broadcast %lt3A_5784 : i32 to vector<512x128xi32>
    %lt3A_5786 = arith.cmpi slt, %select_n3A_5683, %lt3A_5785 : vector<512x128xi32>
    %and3A_5787 = arith.andi %eq3A_5783, %lt3A_5786 : vector<512x128xi1>
    %or3A_5788 = arith.ori %or3A_5780, %and3A_5787 : vector<512x128xi1>
    %roll3A_5789 = arith.constant 498 : i32
    %roll3A_5790 = tpu.dynamic_rotate %and3A_5664 by %roll3A_5789 dim 0 : vector<512x128xi32>, i32 -> vector<512x128xi32>
    %eq3A_5791 = arith.cmpi eq, %and3A_5664, %roll3A_5790 : vector<512x128xi32>
    %lt3A_5792 = arith.constant 2 : i32
    %lt3A_5793 = vector.broadcast %lt3A_5792 : i32 to vector<512x128xi32>
    %lt3A_5794 = arith.cmpi slt, %select_n3A_5683, %lt3A_5793 : vector<512x128xi32>
    %and3A_5795 = arith.andi %eq3A_5791, %lt3A_5794 : vector<512x128xi1>
    %or3A_5796 = arith.ori %or3A_5788, %and3A_5795 : vector<512x128xi1>
    %roll3A_5797 = arith.constant 497 : i32
    %roll3A_5798 = tpu.dynamic_rotate %and3A_5664 by %roll3A_5797 dim 0 : vector<512x128xi32>, i32 -> vector<512x128xi32>
    %eq3A_5799 = arith.cmpi eq, %and3A_5664, %roll3A_5798 : vector<512x128xi32>
    %lt3A_5800 = arith.constant 1 : i32
    %lt3A_5801 = vector.broadcast %lt3A_5800 : i32 to vector<512x128xi32>
    %lt3A_5802 = arith.cmpi slt, %select_n3A_5683, %lt3A_5801 : vector<512x128xi32>
    %and3A_5803 = arith.andi %eq3A_5799, %lt3A_5802 : vector<512x128xi1>
    %or3A_5804 = arith.ori %or3A_5796, %and3A_5803 : vector<512x128xi1>
    %not3A = arith.constant dense<true> : vector<512x128xi1>
    %not3A_5805 = arith.xori %or3A_5804, %not3A : vector<512x128xi1>
    %convert_element_type3A = arith.extui %not3A_5805 : vector<512x128xi1> to vector<512x128xi32>
    %get3A_5806 = arith.constant 0 : index
    %get3A_5807 = arith.constant 0 : index
    %get3A_5808 = arith.constant 0 : index
    %get3A_5809 = vector.load %arg3[%get3A_5806, %get3A_5807, %get3A_5808] : memref<1x128x512xi32, #tpu.memory_space<vmem>>, vector<1x128x512xi32>
    %get3A_5810 = vector.shape_cast %get3A_5809 : vector<1x128x512xi32> to vector<128x512xi32>
    %transpose3A = tpu.transpose %get3A_5810, [1, 0] : vector<128x512xi32> -> vector<512x128xi32>
    %and3A_5811 = arith.constant 65535 : i32
    %and3A_5812 = vector.broadcast %and3A_5811 : i32 to vector<512x128xi32>
    %and3A_5813 = arith.andi %select_n3A_5659, %and3A_5812 : vector<512x128xi32>
    %shift_left3A_5814 = arith.constant 1 : i32
    %shift_left3A_5815 = vector.broadcast %shift_left3A_5814 : i32 to vector<512x128xi32>
    %shift_left3A_5816 = arith.shli %and3A_5813, %shift_left3A_5815 : vector<512x128xi32>
    %or3A_5817 = arith.ori %shift_left3A_5816, %transpose3A : vector<512x128xi32>
    %shift_left3A_5818 = arith.constant 17 : i32
    %shift_left3A_5819 = vector.broadcast %shift_left3A_5818 : i32 to vector<512x128xi32>
    %shift_left3A_5820 = arith.shli %convert_element_type3A, %shift_left3A_5819 : vector<512x128xi32>
    %or3A_5821 = arith.ori %or3A_5817, %shift_left3A_5820 : vector<512x128xi32>
    %transpose3A_5822 = tpu.transpose %and3A_5664, [1, 0] : vector<512x128xi32> -> vector<128x512xi32>
    %swap3A = arith.constant 0 : index
    %swap3A_5823 = arith.constant 0 : index
    %swap3A_5824 = arith.constant 0 : index
    %swap3A_5825 = vector.load %arg4[%swap3A, %swap3A_5823, %swap3A_5824] : memref<1x128x512xi32, #tpu.memory_space<vmem>>, vector<1x128x512xi32>
    %swap3A_5826 = vector.shape_cast %swap3A_5825 : vector<1x128x512xi32> to vector<128x512xi32>
    %swap3A_5827 = vector.shape_cast %transpose3A_5822 : vector<128x512xi32> to vector<1x128x512xi32>
    tpu.vector_store %arg4[%swap3A, %swap3A_5823, %swap3A_5824], %swap3A_5827 {strides = array<i32>} : memref<1x128x512xi32, #tpu.memory_space<vmem>>, vector<1x128x512xi32>,
    %transpose3A_5828 = tpu.transpose %or3A_5821, [1, 0] : vector<512x128xi32> -> vector<128x512xi32>
    %swap3A_5829 = arith.constant 0 : index
    %swap3A_5830 = arith.constant 0 : index
    %swap3A_5831 = arith.constant 0 : index
    %swap3A_5832 = vector.load %arg5[%swap3A_5829, %swap3A_5830, %swap3A_5831] : memref<1x128x512xi32, #tpu.memory_space<vmem>>, vector<1x128x512xi32>
    %swap3A_5833 = vector.shape_cast %swap3A_5832 : vector<1x128x512xi32> to vector<128x512xi32>
    %swap3A_5834 = vector.shape_cast %transpose3A_5828 : vector<128x512xi32> to vector<1x128x512xi32>
    tpu.vector_store %arg5[%swap3A_5829, %swap3A_5830, %swap3A_5831], %swap3A_5834 {strides = array<i32>} : memref<1x128x512xi32, #tpu.memory_space<vmem>>, vector<1x128x512xi32>,
    return
  }
  func.func @transform_0(%arg0: i32) -> (i32, i32, i32) {
    %c0_i32 = arith.constant 0 : i32
    %c0_i32_0 = arith.constant 0 : i32
    %c0_i32_1 = arith.constant 0 : i32
    return %arg0, %c0_i32, %c0_i32_0 : i32, i32, i32
  }
  func.func @transform_1(%arg0: i32) -> (i32, i32, i32) {
    %c0_i32 = arith.constant 0 : i32
    %c0_i32_0 = arith.constant 0 : i32
    %c0_i32_1 = arith.constant 0 : i32
    return %arg0, %c0_i32, %c0_i32_0 : i32, i32, i32
  }
  func.func @transform_2(%arg0: i32) -> (i32, i32, i32) {
    %c0_i32 = arith.constant 0 : i32
    %c0_i32_0 = arith.constant 0 : i32
    %c0_i32_1 = arith.constant 0 : i32
    return %arg0, %c0_i32, %c0_i32_0 : i32, i32, i32
  }
  func.func @transform_3(%arg0: i32) -> (i32, i32, i32) {
    %c0_i32 = arith.constant 0 : i32
    %c0_i32_0 = arith.constant 0 : i32
    %c0_i32_1 = arith.constant 0 : i32
    return %arg0, %c0_i32, %c0_i32_0 : i32, i32, i32
  }
  func.func @transform_4(%arg0: i32) -> (i32, i32, i32) {
    %c0_i32 = arith.constant 0 : i32
    %c0_i32_0 = arith.constant 0 : i32
    %c0_i32_1 = arith.constant 0 : i32
    return %arg0, %c0_i32, %c0_i32_0 : i32, i32, i32
  }
}

</mosaic_0001>

<sc_bundles>
// kernel: kernel.5.cloned.1.call-start
scs
__scs_entry_jumppad:
0x0: {  	(pc) =	sbr.rel $0x88, $3  }
0x1: {  	(tag) =	ssettag $0x0;
	lr =	simm.s32 $0x1  }
0x2: {  	[smem:$0x3F9C] =	sst lr;
	_ =	strace $0xD0000000  }
0x3: {  	_ = 	snop  }
0x4: {  	_ = 	snop  }
0x5: {  	_ = 	snop  }
0x6: {  	_ = 	snop  }
0x7: {  	_ = 	snop  }
__scs_overlays_trampoline_lowered:
0x8: {  	[smem:$0x3FAB] =	sst s0  }
0x9: {  	[smem:$0x3FAC] =	sst s1  }
0xa: {  	[smem:$0x3FAD] =	sst s2  }
0xb: {  	[smem:$0x3FAE] =	sst s3  }
0xc: {  	[smem:$0x3FAF] =	sst s4  }
0xd: {  	[smem:$0x3FB0] =	sst s5  }
0xe: {  	[smem:$0x3FB1] =	sst s6  }
0xf: {  	[smem:$0x3FB2] =	sst s7  }
0x10: {  	[smem:$0x3FB3] =	sst s8  }
0x11: {  	[smem:$0x3FB4] =	sst s9;
	s0 =	simm.s32 @!p0 $0x0  }
0x12: {  	s1 =	sld [smem:$0x3F9A];
	s0 =	simm.s32 @p0 $0x1  }
0x13: {  	[smem:$0x3FB5] =	sst s0;
	s0 =	simm.s32 @!p1 $0x0  }
0x14: {  	s2 =	sld [smem:$0x3F99];
	s0 =	simm.s32 @p1 $0x1  }
0x15: {  	[smem:$0x3FB6] =	sst s0;
	s0 =	simm.s32 @!p2 $0x0  }
0x16: {  	s3 =	sld [smem:$0x3FDB];
	s0 =	simm.s32 @p2 $0x1  }
0x17: {  	s4 =	simm.s32 $0x1BF5;
	[smem:$0x3FB8] =	sst s0  }
0x18: {  	s0 =	sld [smem:$0x3F9B];
	_ =	swait.ge [sflag:s4], $0x0  }
0x19: {  	s7 =	sld [smem:$0x3F9C]  }
0x1a: {  	s8 =	sadd.s32 $0xFFFFE003, lr  }
0x1b: {  	s9 =	sadd.s32 $0xFFFFFEF7, lr;
	s5 =	simm.s32 $0xFFFFFFFF;
	p2 =	slt.u32 s8, $0xFFFFF086  }
0x1c: {  	p1 =	slt.u32 s9, $0xF7A;
	s5 =	simm.s32 @!p2 $0x0  }
0x1d: {  	s5 =	simm.s32 @p1 $0x1;
	p0 =	seq.s32 s7, s2  }
0x1e: {  	s7 =	smul.u32 @!p0 $0xF7A, s2;
	p2 =	seq.s32 @!p0 s5, $0x0  }
0x1f: {  	s9 =	smul.u32 $0xF7A, s1;
	s8 =	simm.s32 @!p0 $0x1BF5;
	p2 =	por !p2, p0  }
0x20: {  	[sflag:s8] =	ssyncset.s32 @!p0 $0xFFFFF086;
	s6 =	sadd.s32 @!p0 s3, s7;
	s7 =	simm.s32 @!p0 $0x108  }
0x21: {  	s3 =	sadd.s32 s3, s9;
	s6 =	sadd.s32 @!p0 $0x88, s6;
	s7 =	simm.s32 @p2 $0x1082  }
0x22: {  	[simem:s7], [sflag:s8] =	dma.local @!p0 [hbm:s6], $0xF7A  }
0x23: {  	s9 =	sor.u32 $0xD0000000, s2;
	s6 =	simm.s32 $0x108;
	_ =	swait.ge @!p0 [sflag:s8], $0x0  }
0x24: {  	s3 =	sadd.s32 $0x88, s3;
	s6 =	simm.s32 @!p1 $0x1082;
	[sflag:s4] =	ssyncset.s32 $0xFFFFF086  }
0x25: {  	[simem:s6], [sflag:s4] =	dma.local [hbm:s3], $0xF7A  }
0x26: {  	[smem:$0x3F9C] =	sst s1;
	(tag) =	ssettag s2;
	_ =	strace s9  }
0x27: {  	s1 =	sld [smem:$0x3FAC]  }
0x28: {  	s2 =	sld [smem:$0x3FAD]  }
0x29: {  	s4 =	sld [smem:$0x3FAF]  }
0x2a: {  	p0 =	seq.s32 s5, $0x0;
	s5 =	sld [smem:$0x3FB0]  }
0x2b: {  	s6 =	sld [smem:$0x3FB1]  }
0x2c: {  	s7 =	sld [smem:$0x3FB2]  }
0x2d: {  	s3 =	simm.s32 $0x108;
	s8 =	sld [smem:$0x3FB3]  }
0x2e: {  	s3 =	simm.s32 @!p0 $0x1082;
	s9 =	sld [smem:$0x3FB4]  }
0x2f: {  	lr =	sadd.s32 s0, s3;
	s0 =	sld [smem:$0x3FAB]  }
0x30: {  	s3 =	sld [smem:$0x3FAE]  }
0x31: {  	[smem:$0x3FB7] =	sst s10  }
0x32: {  	s10 =	sld [smem:$0x3FB5];
	_ =	sdelay $0x3  }
0x33: {  	p0 =	seq.s32 s10, $0x1;
	s10 =	sld [smem:$0x3FB7];
	_ =	sdelay $0x3  }
0x34: {  	[smem:$0x3FB7] =	sst s10  }
0x35: {  	s10 =	sld [smem:$0x3FB6];
	_ =	sdelay $0x3  }
0x36: {  	p1 =	seq.s32 s10, $0x1;
	s10 =	sld [smem:$0x3FB7];
	_ =	sdelay $0x3  }
0x37: {  	[smem:$0x3FB7] =	sst s10  }
0x38: {  	s10 =	sld [smem:$0x3FB8]  }
0x39: {  	_ = 	snop;
	(pc) =	sbr.ind lr, $3  }
0x3a: {  	_ = 	snop  }
0x3b: {  	_ = 	snop  }
0x3c: {  	p2 =	seq.s32 s10, $0x1;
	s10 =	sld [smem:$0x3FB7]  }
0x3d: {  	_ =	shalt  }
0x3e: {  	_ =	shalt  }
0x3f: {  	_ =	shalt  }
0x40: {  	_ =	shalt  }
0x41: {  	_ =	shalt  }
0x42: {  	_ =	shalt  }
0x43: {  	_ =	shalt  }
0x44: {  	_ =	shalt  }
0x45: {  	_ =	shalt  }
0x46: {  	_ =	shalt  }
0x47: {  	_ =	shalt  }
0x48: {  	_ =	shalt  }
0x49: {  	_ =	shalt  }
0x4a: {  	_ =	shalt  }
0x4b: {  	_ =	shalt  }
0x4c: {  	_ =	shalt  }
0x4d: {  	_ =	shalt  }
0x4e: {  	_ =	shalt  }
0x4f: {  	_ =	shalt  }
0x50: {  	_ =	shalt  }
0x51: {  	_ =	shalt  }
0x52: {  	_ =	shalt  }
0x53: {  	_ =	shalt  }
0x54: {  	_ =	shalt  }
0x55: {  	_ =	shalt  }
0x56: {  	_ =	shalt  }
0x57: {  	_ =	shalt  }
0x58: {  	_ =	shalt  }
0x59: {  	_ =	shalt  }
0x5a: {  	_ =	shalt  }
0x5b: {  	_ =	shalt  }
0x5c: {  	_ =	shalt  }
0x5d: {  	_ =	shalt  }
0x5e: {  	_ =	shalt  }
0x5f: {  	_ =	shalt  }
0x60: {  	_ =	shalt  }
0x61: {  	_ =	shalt  }
0x62: {  	_ =	shalt  }
0x63: {  	_ =	shalt  }
0x64: {  	_ =	shalt  }
0x65: {  	_ =	shalt  }
0x66: {  	_ =	shalt  }
0x67: {  	_ =	shalt  }
0x68: {  	_ =	shalt  }
0x69: {  	_ =	shalt  }
0x6a: {  	_ =	shalt  }
0x6b: {  	_ =	shalt  }
0x6c: {  	_ =	shalt  }
0x6d: {  	_ =	shalt  }
0x6e: {  	_ =	shalt  }
0x6f: {  	_ =	shalt  }
0x70: {  	_ =	shalt  }
0x71: {  	_ =	shalt  }
0x72: {  	_ =	shalt  }
0x73: {  	_ =	shalt  }
0x74: {  	_ =	shalt  }
0x75: {  	_ =	shalt  }
0x76: {  	_ =	shalt  }
0x77: {  	_ =	shalt  }
0x78: {  	_ =	shalt  }
0x79: {  	_ =	shalt  }
0x7a: {  	_ =	shalt  }
0x7b: {  	_ =	shalt  }
0x7c: {  	_ =	shalt  }
0x7d: {  	_ =	shalt  }
0x7e: {  	_ =	shalt  }
0x7f: {  	_ =	shalt  }
0x80: {  	_ =	shalt  }
0x81: {  	_ =	shalt  }
0x82: {  	_ =	shalt  }
0x83: {  	_ =	shalt  }
0x84: {  	_ =	shalt  }
0x85: {  	_ =	shalt  }
0x86: {  	_ =	shalt  }
0x87: {  	_ =	shalt  }
.Lfunc_end0:
.L_simem_size_0:
called_computation_lowered:
.L_overlay_start_0:
0x88: {  	s2 =	sld [smem:$0x3FD9]  }
0x89: {  	s3 =	sld [smem:$0x3FFE];
	_ =	sdelay $0x1  }
0x8a: {  	s1 =	srdreg.scid  }
0x8b: {  	s0 =	sand.u32 $0x1, s1  }
0x8c: {  	s14 =	sshll.u32 s0, $0xA;
	s2 =	sadd.s32 s3, s2  }
0x8d: {  	s2 =	sadd.s32 s2, s14  }
0x8e: {  	[smem:$0x3FC3] =	sst s2  }
0x8f: {  	_ = 	snop  }
0x90: {  	s2 =	sld [smem:$0x3FD0];
	_ =	sdelay $0x2  }
0x91: {  	s15 =	simm.s32 $0xA;
	s4 =	simm.s32 $0x10  }
0x92: {  	[smem:s4], [sflag:s15] =	dma.local [hbm:s2], $0x1  }
0x93: {  	_ =	swait.eq [sflag:s15], $0x1  }
0x94: {  	[sflag:s15] =	ssyncset.done $0x0  }
0x95: {  	[sflag:s15] =	ssyncadd.s32 $0xFFFFFFFF  }
0x96: {  	s16 =	sld [smem:$0x10];
	(tm) =	ssettm $0x1  }
0x97: {  	s17 =	sld [smem:$0x3FFB];
	_ =	sdelay $0x3  }
0x98: {  	_ =	strace s17  }
0x99: {  	s3 =	sld [smem:$0x3FFC];
	_ =	sdelay $0x3  }
0x9a: {  	_ =	strace s3  }
0x9b: {  	s3 =	sld [smem:$0x3FFD];
	_ =	sdelay $0x3  }
0x9c: {  	_ =	strace s3  }
0x9d: {  	_ =	strace $0x8FFFFFFF  }
0x9e: {  	s18 =	sld [smem:$0x3FDB];
	_ =	sdelay $0x1  }
0x9f: {  	s19 =	simm.s32 $_scs_section_size  }
0xa0: {  	s5 =	simm.s32 $_size__tile_overlayer_lowered;
	s6 =	simm.s32 $_tile_overlayer_lowered  }
0xa1: {  	s22 =	simm.s32 $0x1BFF;
	s21 =	sshll.u32 s6, $0x1;
	s3 =	sadd.s32 s19, s18  }
0xa2: {  	s7 =	simm.s32 $0x0;
	s20 =	sshll.u32 s5, $0x1;
	s5 =	sadd.s32 s21, s3  }
0xa3: {  	[timem:s7], [sflag:s22] =	dma.local [hbm:s5], s20  }
0xa4: {  	_ =	swait.ge [sflag:s22], s20  }
0xa5: {  	s4 =	ssub.s32 $0x0, s20;
	[sflag:s22] =	ssyncset.done $0x0  }
0xa6: {  	[sflag:s22] =	ssyncadd.s32 s4;
	_ =	sdelay $0x1  }
0xa7: {  	s23 =	simm.s32 $0x1B8B  }
0xa8: {  	_ =	swait.ge [sflag:s23], $0x1  }
0xa9: {  	[sflag:s23] =	ssyncset.done $0x0  }
0xaa: {  	s25 =	simm.s32 $0x1B8E;
	s24 =	sld [smem:$0x3FFE];
	[sflag:s23] =	ssyncadd.s32 $0xFFFFFFFF  }
0xab: {  	s26 =	simm.s32 $execute0_lowered;
	[smem:$0x3FD2] =	sst s25  }
0xac: {  	s5 =	sshll.u32 s26, $0x1;
	_ =	strace $0x80000046;
	[dreg:$0x1] =	wrdreg $0xFFFFFFFF  }
0xad: {  	s28 =	simm.s32 $_size_execute0_lowered;
	s3 =	sadd.s32 s3, s5;
	[dreg:$0x0] =	wrdreg $0x0  }
0xae: {  	s5 =	sshll.u32 s28, $0x1;
	[dreg:$0x2] =	wrdreg s3  }
0xaf: {  	[dreg:$0x3] =	wrdreg s5  }
0xb0: {  	[dreg:$0x4] =	wrdreg $0xC0  }
0xb1: {  	_ =	task [dreg:s7], $0x5FFFF  }
0xb2: {  	[dreg:$0x1] =	wrdreg $0xFFFFFFFF  }
0xb3: {  	[dreg:$0x0] =	wrdreg $0x60  }
0xb4: {  	[dreg:$0x2] =	wrdreg s16  }
0xb5: {  	[dreg:$0x3] =	wrdreg s24  }
0xb6: {  	[dreg:$0x4] =	wrdreg $0x9  }
0xb7: {  	_ =	task.clear_ibuf [dreg:s7], $0x5FFFF;
	_ =	strace $0x90000046  }
0xb8: {  	s29 =	simm.s32 $0x9;
	_ =	strace $0x80000048  }
0xb9: {  	_ =	swait.ge [sflag:s29], $0x1  }
0xba: {  	[sflag:s29] =	ssyncadd.s32 $0xFFFFFFFF  }
0xbb: {  	_ =	strace $0x90000048  }
0xbc: {  	_ =	sfence  }
0xbd: {  	s30 =	sld [smem:$0x0];
	_ =	sdelay $0x2  }
0xbe: {  	s31 =	sshll.u32 s1, $0xD;
	s1 =	sshrl.u32 s1, $0x2  }
0xbf: {  	s3 =	sand.u32 $0x4000, s31;
	s1 =	sadd.s32 s1, s30  }
0xc0: {  	s0 =	sor.u32 s3, s0;
	s1 =	sshll.u32 s1, $0x11  }
0xc1: {  	s0 =	sor.u32 s1, s0  }
0xc2: {  	s0 =	sadd.s32 $0x8F2B, s0  }
0xc3: {  	[sflag:s0] =	ssyncadd.remote.s32 $0x1  }
0xc4: {  	_ =	sfence.sel $0xFFFF  }
0xc5: {  	[dreg:$0x0] =	wrdreg $0xFFFFFFFF;
	(pc) =	sbr.abs _section_cstart, $3  }
0xc6: {  	[dreg:$0x1] =	wrdreg $0xFFFFFFFF  }
0xc7: {  	_ =	task.clear_ibuf [dreg:s7], $0x2FFFF;
	_ =	strace $0x9FFFFFFF  }
0xc8: {  	(tm) =	ssettm $0x7FFFFFFF  }
0xc9: {  	_ =	shalt  }
tec
execute0_lowered:
.L_overlay_start_1:
0x0: {  	(tag) =	ssettag $0x1  }
0x1: {  	s1 =	rddreg [dreg:$0x0]  }
0x2: {  	s5 =	rddreg [dreg:$0x1]  }
0x3: {  	s0 =	rddreg [dreg:$0x2]  }
0x4: {  	s3 =	simm.s32 $0x0;
	s4 =	srdreg.scid;
	s2 =	stileid.u32  }
0x5: {  	s11 =	simm.s32 $0x1;
	s12 =	simm.s32 $0x10800;
	s13 =	simm.s32 $0x0  }
0x6: {  	[smem:$0x7FF] =	sst s3;
	s6 =	sand.u32 $0x1, s4;
	s7 =	sshll.u32 s2, $0x1  }
0x7: {  	s4 =	sadd.s32 $0x3E00, s5;
	s8 =	sadd.s32 $0x83E00, s5;
	s7 =	sor.u32 s6, s7  }
0x8: {  	_ =	strace $0x80000047;
	s9 =	ssub.s32 $0x2, s6;
	s30 =	sshll.u32 s7, $0x11  }
0x9: {  	s10 =	sshrl.u32 s9, $0x1;
	s5 =	sshll.u32 s7, $0xE;
	s6 =	sor.u32 $0x10000, s30  }
0xa: {  	s9 =	ssub.s32 s9, s10;
	s7 =	sadd.s32 s8, s5;
	s31 =	sshrl.u32 s6, $0x3  }
0xb: {  	v0 =	vimm.s32 $0xFFFFFFFF;
	s10 =	simm.s32 $0x10000;
	s9 =	smax.u32 s9, $0x1;
	s8 =	sadd.s32 s8, s31  }
.LBB2_1:
0xc: {  	s14 =	simm.s32 $0x40;
	s15 =	simm.s32 $0x0  }
.LBB2_2:
0xd: {  	p0 =	sne.s32 s14, $0x3FFC0;
	[tilespmem:s15+$0x0] =	vst v0;
	s15 =	smov.u32 s14;
	s14 =	sadd.s32 $0x40, s14  }
.Ltmp0:
0xe: {  	(pc) =	sbr.rel @p0 .LBB2_2-.Ltmp0, $2  }
0xf: {  	_ =	sdelay $0x2  }
0x10: {  	s15 =	sshra.s32 s15, $0x2  }
0x11: {  	[tilespmem:s15+$0x0] =	vst v0;
	s14 =	simm.s32 $0x0;
	s15 =	simm.s32 $0x0  }
.LBB2_4:
0x12: {  	s16 =	sshll.u32 s15, $0x8  }
0x13: {  	s16 =	sadd.s32 s5, s16  }
0x14: {  	s17 =	sadd.s32 s1, s16  }
0x15: {  	[tilespmem:s10], [sflag:$0x1] =	stream.linear.gather [hbm4b:s17+s14], $0x800, $0x38;
	[tilespmem:$0x11000] =	vst v63  }
0x16: {  	_ =	swait.ge [sflag:s11], $0x800  }
0x17: {  	[sflag:s11] =	ssyncset.done $0x0  }
0x18: {  	s16 =	sadd.s32 s4, s16;
	[sflag:s11] =	ssyncadd.s32 $0xFFFFF800  }
0x19: {  	[tilespmem:s12], [sflag:$0x1] =	stream.linear.gather [hbm4b:s16+s14], $0x800, $0x38;
	[tilespmem:$0x11000] =	vst v63  }
0x1a: {  	_ =	swait.ge [sflag:s11], $0x800  }
0x1b: {  	[sflag:s11] =	ssyncset.done $0x0  }
0x1c: {  	s17 =	simm.s32 $0x0;
	s16 =	simm.s32 $0x40;
	[sflag:s11] =	ssyncadd.s32 $0xFFFFF800  }
.LBB2_5:
0x1d: {  	p0 =	sne.s32 s16, $0x1FC0;
	v1 =	vld [tilespmem:s17+$0x10800];
	_ =	sdelay $0x3  }
0x1e: {  	v2 =	vld [tilespmem:s17+$0x10000]  }
0x1f: {  	v3 =	vand.u32 $0x20000, v1  }
0x20: {  	vm0 =	vne.s32 v3, $0x0;
	_ =	sdelay $0x1  }
.Ltmp1:
0x21: {  	(pc) =	sbr.rel @p0 .LBB2_5-.Ltmp1, $2  }
0x22: {  	_ =	sdelay $0x2  }
0x23: {  	s17 =	sshra.s32 s16, $0x2;
	s16 =	sadd.s32 $0x40, s16;
	[tilespmem:v2+s3+$0x0] =	vst.idx.msk vm0, v1  }
0x24: {  	v1 =	vld [tilespmem:s17+$0x10800];
	_ =	sdelay $0x3  }
0x25: {  	v2 =	vld [tilespmem:s17+$0x10000]  }
0x26: {  	v3 =	vand.u32 $0x20000, v1  }
0x27: {  	s15 =	sadd.s32 $0x1, s15;
	vm0 =	vne.s32 v3, $0x0  }
0x28: {  	p0 =	sne.s32 s15, $0x20  }
.Ltmp2:
0x29: {  	_ = 	snop;
	(pc) =	sbr.rel @p0 .LBB2_4-.Ltmp2, $2  }
0x2a: {  	_ =	sdelay $0x2  }
0x2b: {  	[tilespmem:v2+s3+$0x0] =	vst.idx.msk vm0, v1  }
0x2c: {  	s14 =	simm.s32 $0x0  }
0x2d: {  	[hbm4b:s7+s14] =	stream.linear.scatter [tilespmem:s14], [sflag:$0x1], $0x10000, $0x38;
	[tilespmem:$0x11000] =	vst v63  }
0x2e: {  	_ =	swait.ge [sflag:s11], $0x10000  }
0x2f: {  	[sflag:s11] =	ssyncset.done $0x0  }
0x30: {  	s15 =	simm.s32 $0x40;
	s16 =	simm.s32 $0x0;
	[sflag:s11] =	ssyncadd.s32 $0xFFFF0000  }
.LBB2_8:
0x31: {  	p0 =	sne.s32 s15, $0x3FFC0;
	[tilespmem:s16+$0x0] =	vst v0;
	s16 =	smov.u32 s15;
	s15 =	sadd.s32 $0x40, s15  }
.Ltmp3:
0x32: {  	(pc) =	sbr.rel @p0 .LBB2_8-.Ltmp3, $2  }
0x33: {  	_ =	sdelay $0x2  }
0x34: {  	s16 =	sshra.s32 s16, $0x2  }
0x35: {  	[tilespmem:s16+$0x0] =	vst v0  }
.LBB2_10:
0x36: {  	s15 =	sshll.u32 s14, $0xB  }
0x37: {  	s15 =	sadd.s32 s6, s15  }
0x38: {  	s15 =	sshrl.u32 s15, $0x3  }
0x39: {  	s17 =	simm.s32 $0x0;
	s16 =	sadd.s32 s1, s15  }
0x3a: {  	[tilespmem:s10], [sflag:$0x1] =	stream.linear.gather [hbm4b:s16+s17], $0x800, $0x38;
	[tilespmem:$0x11000] =	vst v63  }
0x3b: {  	_ =	swait.ge [sflag:s11], $0x800  }
0x3c: {  	[sflag:s11] =	ssyncset.done $0x0  }
0x3d: {  	s15 =	sadd.s32 s4, s15;
	[sflag:s11] =	ssyncadd.s32 $0xFFFFF800  }
0x3e: {  	[tilespmem:s12], [sflag:$0x1] =	stream.linear.gather [hbm4b:s15+s17], $0x800, $0x38;
	[tilespmem:$0x11000] =	vst v63  }
0x3f: {  	_ =	swait.ge [sflag:s11], $0x800  }
0x40: {  	[sflag:s11] =	ssyncset.done $0x0  }
0x41: {  	s16 =	simm.s32 $0x0;
	s15 =	simm.s32 $0x40;
	[sflag:s11] =	ssyncadd.s32 $0xFFFFF800  }
.LBB2_11:
0x42: {  	p0 =	sne.s32 s15, $0x1FC0;
	v1 =	vld [tilespmem:s16+$0x10800];
	_ =	sdelay $0x3  }
0x43: {  	v2 =	vld [tilespmem:s16+$0x10000]  }
0x44: {  	v3 =	vand.u32 $0x20000, v1  }
0x45: {  	vm0 =	vne.s32 v3, $0x0;
	_ =	sdelay $0x1  }
.Ltmp4:
0x46: {  	(pc) =	sbr.rel @p0 .LBB2_11-.Ltmp4, $2  }
0x47: {  	_ =	sdelay $0x2  }
0x48: {  	s16 =	sshra.s32 s15, $0x2;
	s15 =	sadd.s32 $0x40, s15;
	[tilespmem:v2+s3+$0x0] =	vst.idx.msk vm0, v1  }
0x49: {  	v1 =	vld [tilespmem:s16+$0x10800];
	_ =	sdelay $0x3  }
0x4a: {  	v2 =	vld [tilespmem:s16+$0x10000]  }
0x4b: {  	v3 =	vand.u32 $0x20000, v1  }
0x4c: {  	s14 =	sadd.s32 $0x1, s14;
	vm0 =	vne.s32 v3, $0x0  }
0x4d: {  	p0 =	sne.s32 s14, $0x20  }
.Ltmp5:
0x4e: {  	_ = 	snop;
	(pc) =	sbr.rel @p0 .LBB2_10-.Ltmp5, $2  }
0x4f: {  	_ =	sdelay $0x2  }
0x50: {  	[tilespmem:v2+s3+$0x0] =	vst.idx.msk vm0, v1  }
0x51: {  	s13 =	sadd.s32 $0x1, s13  }
0x52: {  	p0 =	sne.s32 s13, s9  }
.Ltmp6:
0x53: {  	_ = 	snop;
	(pc) =	sbr.rel @p0 .LBB2_1-.Ltmp6, $4  }
0x54: {  	[hbm4b:s8+s3] =	stream.linear.scatter [tilespmem:s3], [sflag:$0x1], $0x10000, $0x38;
	[tilespmem:$0x11000] =	vst v63  }
0x55: {  	_ =	swait.ge [sflag:s11], $0x10000  }
0x56: {  	[sflag:s11] =	ssyncset.done $0x0  }
0x57: {  	[sflag:s11] =	ssyncadd.s32 $0xFFFF0000  }
0x58: {  	_ =	sfence.sel $0x180000  }
0x59: {  	[bflag:$0x0] =	sbarrier.arrive $0xFFFF  }
0x5a: {  	p0 =	sne.s32 s2, $0x0;
	_ =	strace $0x90000047  }
0x5b: {  	s0 =	sadd.s32 @!p0 $0x100000, s0;
	[bflag:$0x2] =	sbarrier.arrive $0xFFFF  }
0x5c: {  	[sflag:s0] =	ssyncadd.tile.s32 @!p0 $0x1;
	_ =	shalt  }
.Lfunc_end2:
_tile_overlayer_lowered:
.L_overlay_start_2:
0x5d: {  	(tag) =	ssettag $0x2  }
0x5e: {  	s0 =	rddreg [dreg:$0x0];
	s2 =	stileid.u32  }
0x5f: {  	s1 =	rddreg [dreg:$0x1];
	p0 =	sne.s32 s2, $0x0  }
0x60: {  	s3 =	rddreg [dreg:$0x2];
	[bflag:$0x3] =	sbarrier.arrive $0xFFFF;
	s2 =	simm.s32 @!p0 $0x1C01  }
0x61: {  	[timem:s3], [sflag:s2] =	dma.local @!p0 [hbm:s0], s1  }
0x62: {  	s0 =	simm.s32 @!p0 $0x1  }
0x63: {  	_ =	swait.ge @!p0 [sflag:s0], s1  }
0x64: {  	s1 =	ssub.s32 @!p0 $0x0, s1;
	[sflag:s0] =	ssyncset.done @!p0 $0x0  }
0x65: {  	[sflag:s0] =	ssyncadd.s32 @!p0 s1  }
0x66: {  	[bflag:$0x3] =	sbarrier.arrive $0xFFFF  }
0x67: {  	_ =	shalt  }

</sc_bundles>
